<compile_context>
chip_gen: v7x
topology: tpu7x:2x2x1
jax: 0.10.2.dev20260603
libtpu: 0.0.44.dev20260713+nightly
codegen_flags: <defaults>
</compile_context>

<pallas_src>
import functools

import jax
import jax.numpy as jnp
from jax import lax
from jax.experimental import pallas as pl
from jax.experimental.pallas import tpu as pltpu
from jax.experimental.pallas import tpu_sc as plsc

N = 10000
NPAD = 10240
E = 320000
IN_CH = 128
HID = 64
OUT = 16
NREL = 2

NC = 2
NS = 16
NW = NC * NS
EPW = E // NW
CH = 80
NCHUNK = EPW // CH
G = CH // 16
TBL = NREL * NPAD
RPT = TBL // NS
CROWS = TBL // 16

BN = 512
GRID = NPAD // BN

_mesh = plsc.VectorSubcoreMesh(
    core_axis_name="c", subcore_axis_name="s", num_cores=NC, num_subcores=NS)


NBUF = 5
NOUT = NCHUNK // NBUF

_prep_scratch = (
    [pltpu.VMEM((CH,), jnp.int32) for _ in range(NBUF)]
    + [pltpu.VMEM((CH,), jnp.int32) for _ in range(NBUF)]
    + [pltpu.VMEM((CH,), jnp.int32) for _ in range(NBUF)]
    + [pltpu.VMEM((CH,), jnp.int32) for _ in range(NBUF)]
    + [pltpu.VMEM((CH,), jnp.int32) for _ in range(NBUF)]
    + [pltpu.VMEM((CROWS, 16), jnp.float32)]
    + [pltpu.SemaphoreType.DMA for _ in range(NBUF + 1)]
)


@functools.partial(
    pl.kernel,
    out_type=(
        jax.ShapeDtypeStruct((NW, CROWS, 16), jnp.float32),
        jax.ShapeDtypeStruct((E,), jnp.int32),
        jax.ShapeDtypeStruct((E,), jnp.int32),
    ),
    mesh=_mesh,
    scratch_types=_prep_scratch,
    compiler_params=pltpu.CompilerParams(needs_layout_passes=False,
                                         use_tc_tiling_on_sc=False),
)
def _sc_prep(ei_h, et_h, z16_h, cntp_h, gidx_h, sidx_h, *scr):
  srcv = scr[0:NBUF]
  dstv = scr[NBUF:2 * NBUF]
  etv = scr[2 * NBUF:3 * NBUF]
  gidxv = scr[3 * NBUF:4 * NBUF]
  sidxv = scr[4 * NBUF:5 * NBUF]
  cntv = scr[5 * NBUF]
  lsem = scr[5 * NBUF + 1:5 * NBUF + 1 + NBUF]
  wsem = scr[5 * NBUF + 1 + NBUF]

  cid = lax.axis_index("c")
  sid = lax.axis_index("s")
  wid = cid * NS + sid
  ones16 = jnp.ones((16,), jnp.float32)

  pltpu.async_copy(z16_h, cntv, lsem[0]).wait()
  base = wid * EPW

  def outer(ko, _):
    eo0 = pl.multiple_of(base + ko * (NBUF * CH), CH)
    lds = []
    for b in range(NBUF):
      eo = eo0 + b * CH
      lds.append((
          pltpu.async_copy(ei_h.at[0, pl.ds(eo, CH)], srcv[b], lsem[b]),
          pltpu.async_copy(ei_h.at[1, pl.ds(eo, CH)], dstv[b], lsem[b]),
          pltpu.async_copy(et_h.at[pl.ds(eo, CH)], etv[b], lsem[b]),
      ))
    for b in range(NBUF):
      for d in lds[b]:
        d.wait()
      eo = eo0 + b * CH

      @pl.when(ko > 0)
      def _(b=b, eo=eo):
        pltpu.make_async_copy(gidxv[b], gidx_h.at[pl.ds(eo, CH)], wsem).wait()
        pltpu.make_async_copy(sidxv[b], sidx_h.at[pl.ds(eo, CH)], wsem).wait()

      for j in range(G):
        s = srcv[b][pl.ds(j * 16, 16)]
        d_ = dstv[b][pl.ds(j * 16, 16)]
        t = etv[b][pl.ds(j * 16, 16)]
        gi = t * NPAD + s
        si = t * NPAD + d_
        gidxv[b][pl.ds(j * 16, 16)] = gi
        sidxv[b][pl.ds(j * 16, 16)] = si
        row = lax.shift_right_logical(si, 4)
        col = lax.bitwise_and(si, 15)
        plsc.addupdate_scatter(cntv, [row, col], ones16)
      pltpu.async_copy(gidxv[b], gidx_h.at[pl.ds(eo, CH)], wsem)
      pltpu.async_copy(sidxv[b], sidx_h.at[pl.ds(eo, CH)], wsem)
    return 0
  lax.fori_loop(0, NOUT, outer, 0)
  for b in range(NBUF):
    pltpu.make_async_copy(gidxv[b], gidx_h.at[pl.ds(0, CH)], wsem).wait()
    pltpu.make_async_copy(sidxv[b], sidx_h.at[pl.ds(0, CH)], wsem).wait()
  pltpu.sync_copy(cntv, cntp_h.at[wid])


def _make_sc_gather(width):
  scratch = (
      [pltpu.VMEM((CH,), jnp.int32) for _ in range(NBUF)]
      + [pltpu.VMEM((CH,), jnp.int32) for _ in range(NBUF)]
      + [pltpu.VMEM((CH, width), jnp.float32) for _ in range(NBUF)]
      + [pltpu.VMEM_SHARED((TBL, width), jnp.float32)]
      + [pltpu.SemaphoreType.DMA for _ in range(3 * NBUF)]
  )

  @functools.partial(
      pl.kernel,
      out_type=jax.ShapeDtypeStruct((NC, TBL, width), jnp.float32),
      mesh=_mesh,
      scratch_types=scratch,
      compiler_params=pltpu.CompilerParams(needs_layout_passes=False,
                                           use_tc_tiling_on_sc=False),
  )
  def gather_kernel(gidx_h, sidx_h, tbl_h, z_h, accp_h, *scr):
    gidxv = scr[0:NBUF]
    sidxv = scr[NBUF:2 * NBUF]
    rowsv = scr[2 * NBUF:3 * NBUF]
    acc_sh = scr[3 * NBUF]
    lsem = scr[3 * NBUF + 1:3 * NBUF + 1 + NBUF]
    gsem = scr[3 * NBUF + 1 + NBUF:3 * NBUF + 1 + 2 * NBUF]
    ssem = scr[3 * NBUF + 1 + 2 * NBUF:3 * NBUF + 1 + 3 * NBUF]

    cid = lax.axis_index("c")
    sid = lax.axis_index("s")
    wid = cid * NS + sid

    pltpu.async_copy(z_h, rowsv[0], lsem[0]).wait()
    off0 = sid * RPT
    zws = []
    for k in range(RPT // CH):
      zws.append(pltpu.async_copy(rowsv[0],
                                  acc_sh.at[pl.ds(off0 + k * CH, CH)],
                                  ssem[0]))
    for d in zws:
      d.wait()
    plsc.subcore_barrier()

    base = wid * EPW

    def outer(ko, _):
      eo0 = pl.multiple_of(base + ko * (NBUF * CH), CH)
      lds = []
      for b in range(NBUF):
        eo = eo0 + b * CH

        @pl.when(ko > 0)
        def _(b=b):
          pltpu.make_async_copy(rowsv[b], acc_sh.at[sidxv[b]], ssem[b]).wait()

        lds.append((
            pltpu.async_copy(gidx_h.at[pl.ds(eo, CH)], gidxv[b], lsem[b]),
            pltpu.async_copy(sidx_h.at[pl.ds(eo, CH)], sidxv[b], lsem[b]),
        ))
      gds = []
      for b in range(NBUF):
        for d in lds[b]:
          d.wait()
        gds.append(pltpu.async_copy(tbl_h.at[gidxv[b]], rowsv[b], gsem[b]))
      for b in range(NBUF):
        gds[b].wait()
        pltpu.async_copy(rowsv[b], acc_sh.at[sidxv[b]], ssem[b], add=True)
      return 0
    lax.fori_loop(0, NOUT, outer, 0)
    for b in range(NBUF):
      pltpu.make_async_copy(rowsv[b], acc_sh.at[sidxv[b]], ssem[b]).wait()

    plsc.subcore_barrier()
    dwr = [None] * NBUF
    for k in range(RPT // CH):
      b = k % NBUF
      if dwr[b] is not None:
        dwr[b].wait()
      pltpu.async_copy(acc_sh.at[pl.ds(off0 + k * CH, CH)], rowsv[b],
                       gsem[b]).wait()
      dwr[b] = pltpu.async_copy(rowsv[b],
                                accp_h.at[cid, pl.ds(off0 + k * CH, CH)],
                                ssem[b])
    for b in range(NBUF):
      if dwr[b] is not None:
        dwr[b].wait()

  return gather_kernel


_sc_gather1 = _make_sc_gather(HID)
_sc_gather2 = _make_sc_gather(OUT)


def _tc_dense1_body(x_ref, root_ref, rel_ref, b_ref, r1_ref, h_ref):
  xb = x_ref[...]
  r1_ref[...] = jnp.dot(xb, root_ref[...],
                        preferred_element_type=jnp.float32) + b_ref[...]
  h0 = jnp.dot(xb, rel_ref[0], preferred_element_type=jnp.float32)
  h1 = jnp.dot(xb, rel_ref[1], preferred_element_type=jnp.float32)
  h_ref[...] = jnp.stack([h0, h1])


def _tc_dense1(xp, root1, rel1, b1):
  return pl.pallas_call(
      _tc_dense1_body,
      grid=(GRID,),
      in_specs=[
          pl.BlockSpec((BN, IN_CH), lambda i: (i, 0)),
          pl.BlockSpec((IN_CH, HID), lambda i: (0, 0)),
          pl.BlockSpec((NREL, IN_CH, HID), lambda i: (0, 0, 0)),
          pl.BlockSpec((1, HID), lambda i: (0, 0)),
      ],
      out_specs=[
          pl.BlockSpec((BN, HID), lambda i: (i, 0)),
          pl.BlockSpec((NREL, BN, HID), lambda i: (0, i, 0)),
      ],
      out_shape=[
          jax.ShapeDtypeStruct((NPAD, HID), jnp.float32),
          jax.ShapeDtypeStruct((NREL, NPAD, HID), jnp.float32),
      ],
  )(xp, root1, rel1, b1)


CPR = TBL // 128


def _tc_inv_body(cnt_ref, inv_ref):
  s = jnp.sum(cnt_ref[...], axis=0)
  inv_ref[...] = 1.0 / jnp.maximum(s, 1.0)


def _tc_inv(cntpx):
  return pl.pallas_call(
      _tc_inv_body,
      grid=(1,),
      in_specs=[pl.BlockSpec((NW, CPR, 128), lambda i: (0, 0, 0))],
      out_specs=pl.BlockSpec((CPR, 128), lambda i: (0, 0)),
      out_shape=jax.ShapeDtypeStruct((CPR, 128), jnp.float32),
  )(cntpx)


def _tc_combine1_body(r1_ref, acc0_ref, acc1_ref, inv_ref,
                      root2_ref, rel2_ref, b2_ref,
                      r2_ref, h2_ref):
  inv = inv_ref[...]
  a0b = acc0_ref[...]
  a1b = acc1_ref[...]
  a0 = a0b[0] + a0b[1]
  a1 = a1b[0] + a1b[1]
  out1 = r1_ref[...] + a0 * inv[0][:, None] + a1 * inv[1][:, None]
  out1 = jnp.maximum(out1, 0.0)
  r2_ref[...] = jnp.dot(out1, root2_ref[...],
                        preferred_element_type=jnp.float32) + b2_ref[...]
  h0 = jnp.dot(out1, rel2_ref[0], preferred_element_type=jnp.float32)
  h1 = jnp.dot(out1, rel2_ref[1], preferred_element_type=jnp.float32)
  h2_ref[...] = jnp.stack([h0, h1])


def _tc_combine1(r1, accp, inv, root2, rel2, b2):
  return pl.pallas_call(
      _tc_combine1_body,
      grid=(GRID,),
      in_specs=[
          pl.BlockSpec((BN, HID), lambda i: (i, 0)),
          pl.BlockSpec((NC, BN, HID), lambda i: (0, i, 0)),
          pl.BlockSpec((NC, BN, HID), lambda i: (0, GRID + i, 0)),
          pl.BlockSpec((NREL, BN), lambda i: (0, i)),
          pl.BlockSpec((HID, OUT), lambda i: (0, 0)),
          pl.BlockSpec((NREL, HID, OUT), lambda i: (0, 0, 0)),
          pl.BlockSpec((1, OUT), lambda i: (0, 0)),
      ],
      out_specs=[
          pl.BlockSpec((BN, OUT), lambda i: (i, 0)),
          pl.BlockSpec((NREL, BN, OUT), lambda i: (0, i, 0)),
      ],
      out_shape=[
          jax.ShapeDtypeStruct((NPAD, OUT), jnp.float32),
          jax.ShapeDtypeStruct((NREL, NPAD, OUT), jnp.float32),
      ],
  )(r1, accp, accp, inv, root2, rel2, b2)


PR = NPAD * OUT // 128
BNE = 128
GRIDE = PR // BNE


def _tc_final_body(r2_ref, acc0_ref, acc1_ref, inv0_ref, inv1_ref, out_ref):
  a0b = acc0_ref[...]
  a1b = acc1_ref[...]
  a0 = a0b[0] + a0b[1]
  a1 = a1b[0] + a1b[1]
  out_ref[...] = r2_ref[...] + a0 * inv0_ref[...] + a1 * inv1_ref[...]


def _tc_final(r2x, accp2x, inv0x, inv1x):
  return pl.pallas_call(
      _tc_final_body,
      grid=(GRIDE,),
      in_specs=[
          pl.BlockSpec((BNE, 128), lambda i: (i, 0)),
          pl.BlockSpec((NC, BNE, 128), lambda i: (0, i, 0)),
          pl.BlockSpec((NC, BNE, 128), lambda i: (0, GRIDE + i, 0)),
          pl.BlockSpec((BNE, 128), lambda i: (i, 0)),
          pl.BlockSpec((BNE, 128), lambda i: (i, 0)),
      ],
      out_specs=pl.BlockSpec((BNE, 128), lambda i: (i, 0)),
      out_shape=jax.ShapeDtypeStruct((PR, 128), jnp.float32),
  )(r2x, accp2x, accp2x, inv0x, inv1x)


@jax.jit
def kernel(x, edge_index, edge_type, root1, rel1, b1, root2, rel2, b2):
  z64 = jnp.zeros((CH, HID), jnp.float32)
  z16 = jnp.zeros((CROWS, 16), jnp.float32)
  zout = jnp.zeros((CH, OUT), jnp.float32)

  cntp, gidx, sidx = _sc_prep(edge_index, edge_type, z16)
  r1, h1 = _tc_dense1(x, root1, rel1, b1.reshape(1, HID))
  accp = _sc_gather1(gidx, sidx, h1.reshape(TBL, HID), z64)
  inv = _tc_inv(cntp.reshape(NW, CPR, 128)).reshape(NREL, NPAD)
  r2, h2 = _tc_combine1(r1, accp, inv, root2, rel2, b2.reshape(1, OUT))
  accp2 = _sc_gather2(gidx, sidx, h2.reshape(TBL, OUT), zout)
  invx = jnp.broadcast_to(inv[:, :, None], (NREL, NPAD, OUT))
  out = _tc_final(
      r2.reshape(PR, 128),
      accp2.reshape(NC, 2 * PR, 128),
      invx[0].reshape(PR, 128),
      invx[1].reshape(PR, 128))
  return out.reshape(NPAD, OUT)[:N]

# --- scband reference (transcript-rebuilt; emitter-appended) ---
"""Pipeline reference for scband-rgcn-60026462929254 (READ-ONLY COPY).

The authoritative reference and input builder live on the scoring server;
editing this copy changes nothing except your own understanding.
"""

import jax, jax.numpy as jnp
import numpy as np

N_NODES = 10000
N_EDGES = 320000
IN_CH = 128
HID_CH = 64
OUT_CH = 16
NUM_REL = 2


def setup_inputs(seed: int = 0) -> dict:
    key = jax.random.key(seed)
    ks = jax.random.split(key, 10)
    x = jax.random.normal(ks[0], (N_NODES, IN_CH), dtype=jnp.float32)
    edge_index = jax.random.randint(ks[1], (2, N_EDGES), 0, N_NODES, dtype=jnp.int64 if jax.config.jax_enable_x64 else jnp.int32).astype(jnp.int32)
    edge_type = jax.random.randint(ks[2], (N_EDGES,), 0, NUM_REL).astype(jnp.int32)
    # layer 1 params: in -> hidden
    root1 = jax.random.normal(ks[3], (IN_CH, HID_CH), dtype=jnp.float32) / np.sqrt(IN_CH)
    rel1 = jax.random.normal(ks[4], (NUM_REL, IN_CH, HID_CH), dtype=jnp.float32) / np.sqrt(IN_CH)
    b1 = jnp.zeros((HID_CH,), dtype=jnp.float32)
    # layer 2 params: hidden -> out
    root2 = jax.random.normal(ks[5], (HID_CH, OUT_CH), dtype=jnp.float32) / np.sqrt(HID_CH)
    rel2 = jax.random.normal(ks[6], (NUM_REL, HID_CH, OUT_CH), dtype=jnp.float32) / np.sqrt(HID_CH)
    b2 = jnp.zeros((OUT_CH,), dtype=jnp.float32)
    return {"x": x, "edge_index": edge_index, "edge_type": edge_type,
            "root1": root1, "rel1": rel1, "b1": b1,
            "root2": root2, "rel2": rel2, "b2": b2}


def _rgcn_conv(x, edge_index, edge_type, root, rel, bias):
    # PyG RGCNConv: out_i = x_i @ root + bias + sum_r mean_{j in N_r(i)} x_j @ rel_r
    src = edge_index[0]
    dst = edge_index[1]
    out = x @ root + bias
    n = x.shape[0]
    for r in range(NUM_REL):
        w = (edge_type == r).astype(x.dtype)
        h = x @ rel[r]                      # transform-then-gather
        msg = jnp.take(h, src, axis=0) * w[:, None]
        agg = jax.ops.segment_sum(msg, dst, num_segments=n)
        cnt = jax.ops.segment_sum(w, dst, num_segments=n)
        out = out + agg / jnp.clip(cnt, 1.0, None)[:, None]
    return out


def reference(x, edge_index, edge_type, root1, rel1, b1, root2, rel2, b2):
    h = _rgcn_conv(x, edge_index, edge_type, root1, rel1, b1)
    h = jax.nn.relu(h)
    out = _rgcn_conv(h, edge_index, edge_type, root2, rel2, b2)
    return out

if __name__ == "__main__":
    import jax
    _d = setup_inputs()
    print(jax.jit(kernel)(*tuple(_d.values())))

</pallas_src>

<mosaic_0001>
#map = affine_map<(d0, d1) -> (0, 0)>
#map1 = affine_map<(d0, d1) -> (0)>
#map2 = affine_map<(d0, d1) -> (0, 0, 0)>
module attributes {stable_mosaic.version = 14 : i64} {
  func.func @_sc_prep(%arg0: i32, %arg1: i32, %arg2: memref<2x320000xi32, #tpu.memory_space<hbm>>, %arg3: memref<320000xi32, #tpu.memory_space<hbm>>, %arg4: memref<1280x16xf32, #tpu.memory_space<hbm>>, %arg5: memref<32x1280x16xf32, #tpu.memory_space<hbm>>, %arg6: memref<320000xi32, #tpu.memory_space<hbm>>, %arg7: memref<320000xi32, #tpu.memory_space<hbm>>, %arg8: memref<80xi32, #tpu.memory_space<vmem>>, %arg9: memref<80xi32, #tpu.memory_space<vmem>>, %arg10: memref<80xi32, #tpu.memory_space<vmem>>, %arg11: memref<80xi32, #tpu.memory_space<vmem>>, %arg12: memref<80xi32, #tpu.memory_space<vmem>>, %arg13: memref<80xi32, #tpu.memory_space<vmem>>, %arg14: memref<80xi32, #tpu.memory_space<vmem>>, %arg15: memref<80xi32, #tpu.memory_space<vmem>>, %arg16: memref<80xi32, #tpu.memory_space<vmem>>, %arg17: memref<80xi32, #tpu.memory_space<vmem>>, %arg18: memref<80xi32, #tpu.memory_space<vmem>>, %arg19: memref<80xi32, #tpu.memory_space<vmem>>, %arg20: memref<80xi32, #tpu.memory_space<vmem>>, %arg21: memref<80xi32, #tpu.memory_space<vmem>>, %arg22: memref<80xi32, #tpu.memory_space<vmem>>, %arg23: memref<80xi32, #tpu.memory_space<vmem>>, %arg24: memref<80xi32, #tpu.memory_space<vmem>>, %arg25: memref<80xi32, #tpu.memory_space<vmem>>, %arg26: memref<80xi32, #tpu.memory_space<vmem>>, %arg27: memref<80xi32, #tpu.memory_space<vmem>>, %arg28: memref<80xi32, #tpu.memory_space<vmem>>, %arg29: memref<80xi32, #tpu.memory_space<vmem>>, %arg30: memref<80xi32, #tpu.memory_space<vmem>>, %arg31: memref<80xi32, #tpu.memory_space<vmem>>, %arg32: memref<80xi32, #tpu.memory_space<vmem>>, %arg33: memref<1280x16xf32, #tpu.memory_space<vmem>>, %arg34: memref<!tpu.dma_semaphore, #tpu.memory_space<semaphore_mem>>, %arg35: memref<!tpu.dma_semaphore, #tpu.memory_space<semaphore_mem>>, %arg36: memref<!tpu.dma_semaphore, #tpu.memory_space<semaphore_mem>>, %arg37: memref<!tpu.dma_semaphore, #tpu.memory_space<semaphore_mem>>, %arg38: memref<!tpu.dma_semaphore, #tpu.memory_space<semaphore_mem>>, %arg39: memref<!tpu.dma_semaphore, #tpu.memory_space<semaphore_mem>>) attributes {dimension_semantics = [#tpu.dimension_semantics<core_parallel>, #tpu.dimension_semantics<subcore_parallel>], iteration_bounds = array<i64: 2, 16>, scalar_prefetch = 0 : i64, scratch_operands = 32 : i64, tpu.core_type = #tpu.core_type<sc_vector_subcore>, window_params = [{transform_indices = #map}, {transform_indices = #map1}, {transform_indices = #map}, {transform_indices = #map2}, {transform_indices = #map1}, {transform_indices = #map1}]} {
    %mul3A = arith.constant 16 : i32
    %mul3A_0 = arith.muli %arg0, %mul3A : i32
    %add3A = arith.addi %mul3A_0, %arg1 : i32
    %broadcast_in_dim3A = arith.constant 1.000000e+00 : f32
    %broadcast_in_dim3A_1 = vector.broadcast %broadcast_in_dim3A : f32 to vector<16xf32>
    tpu.enqueue_dma source(%arg4 : memref<1280x16xf32, #tpu.memory_space<hbm>>) target(%arg33 : memref<1280x16xf32, #tpu.memory_space<vmem>>) target_semaphore(%arg34 : memref<!tpu.dma_semaphore, #tpu.memory_space<semaphore_mem>>)
    tpu.wait_dma2 semaphore(%arg34 : memref<!tpu.dma_semaphore, #tpu.memory_space<semaphore_mem>>) src(%arg4 : memref<1280x16xf32, #tpu.memory_space<hbm>>) dst(%arg33 : memref<1280x16xf32, #tpu.memory_space<vmem>>)
    %mul3A_2 = arith.constant 10000 : i32
    %mul3A_3 = arith.muli %add3A, %mul3A_2 : i32
    %scan3A = arith.constant 0 : i32
    %scan3A_4 = arith.constant 0 : i32
    %scan3A_5 = arith.constant 25 : i32
    %scan3A_6 = arith.addi %scan3A_4, %scan3A_5 : i32
    %scan3A_7 = arith.constant 1 : i32
    %scan3A_8 = scf.for %scan3A_49 = %scan3A_4 to %scan3A_6 step %scan3A_7 iter_args(%scan3A_50 = %scan3A) -> (i32)  : i32 {
      %mul3A_51 = arith.constant 400 : i32
      %mul3A_52 = arith.muli %scan3A_49, %mul3A_51 : i32
      %add3A_53 = arith.addi %mul3A_3, %mul3A_52 : i32
      %multiple_of3A = tpu.assume_multiple %add3A_53, 80 : i32
      %add3A_54 = arith.constant 0 : i32
      %add3A_55 = arith.addi %multiple_of3A, %add3A_54 : i32
      %dma_start3A = arith.constant 0 : i32
      %dma_start3A_56 = tpu.memref_slice %arg2[%dma_start3A, %add3A_55] : memref<2x320000xi32, #tpu.memory_space<hbm>> -> memref<1x80xi32, #tpu.memory_space<hbm>>
      %dma_start3A_57 = tpu.memref_squeeze %dma_start3A_56 : memref<1x80xi32, #tpu.memory_space<hbm>> -> memref<80xi32, #tpu.memory_space<hbm>>
      %dma_start3A_58 = tpu.memref_slice %arg2[%dma_start3A, %add3A_55] : memref<2x320000xi32, #tpu.memory_space<hbm>> -> memref<1x80xi32, #tpu.memory_space<hbm>>
      %dma_start3A_59 = tpu.memref_squeeze %dma_start3A_58 : memref<1x80xi32, #tpu.memory_space<hbm>> -> memref<80xi32, #tpu.memory_space<hbm>>
      tpu.enqueue_dma source(%dma_start3A_59 : memref<80xi32, #tpu.memory_space<hbm>>) target(%arg8 : memref<80xi32, #tpu.memory_space<vmem>>) target_semaphore(%arg34 : memref<!tpu.dma_semaphore, #tpu.memory_space<semaphore_mem>>)
      %dma_start3A_60 = arith.constant 1 : i32
      %dma_start3A_61 = tpu.memref_slice %arg2[%dma_start3A_60, %add3A_55] : memref<2x320000xi32, #tpu.memory_space<hbm>> -> memref<1x80xi32, #tpu.memory_space<hbm>>
      %dma_start3A_62 = tpu.memref_squeeze %dma_start3A_61 : memref<1x80xi32, #tpu.memory_space<hbm>> -> memref<80xi32, #tpu.memory_space<hbm>>
      %dma_start3A_63 = tpu.memref_slice %arg2[%dma_start3A_60, %add3A_55] : memref<2x320000xi32, #tpu.memory_space<hbm>> -> memref<1x80xi32, #tpu.memory_space<hbm>>
      %dma_start3A_64 = tpu.memref_squeeze %dma_start3A_63 : memref<1x80xi32, #tpu.memory_space<hbm>> -> memref<80xi32, #tpu.memory_space<hbm>>
      tpu.enqueue_dma source(%dma_start3A_64 : memref<80xi32, #tpu.memory_space<hbm>>) target(%arg13 : memref<80xi32, #tpu.memory_space<vmem>>) target_semaphore(%arg34 : memref<!tpu.dma_semaphore, #tpu.memory_space<semaphore_mem>>)
      %dma_start3A_65 = tpu.memref_slice %arg3[%add3A_55] : memref<320000xi32, #tpu.memory_space<hbm>> -> memref<80xi32, #tpu.memory_space<hbm>>
      %dma_start3A_66 = tpu.memref_slice %arg3[%add3A_55] : memref<320000xi32, #tpu.memory_space<hbm>> -> memref<80xi32, #tpu.memory_space<hbm>>
      tpu.enqueue_dma source(%dma_start3A_66 : memref<80xi32, #tpu.memory_space<hbm>>) target(%arg18 : memref<80xi32, #tpu.memory_space<vmem>>) target_semaphore(%arg34 : memref<!tpu.dma_semaphore, #tpu.memory_space<semaphore_mem>>)
      %add3A_67 = arith.constant 80 : i32
      %add3A_68 = arith.addi %multiple_of3A, %add3A_67 : i32
      %dma_start3A_69 = arith.constant 0 : i32
      %dma_start3A_70 = tpu.memref_slice %arg2[%dma_start3A_69, %add3A_68] : memref<2x320000xi32, #tpu.memory_space<hbm>> -> memref<1x80xi32, #tpu.memory_space<hbm>>
      %dma_start3A_71 = tpu.memref_squeeze %dma_start3A_70 : memref<1x80xi32, #tpu.memory_space<hbm>> -> memref<80xi32, #tpu.memory_space<hbm>>
      %dma_start3A_72 = tpu.memref_slice %arg2[%dma_start3A_69, %add3A_68] : memref<2x320000xi32, #tpu.memory_space<hbm>> -> memref<1x80xi32, #tpu.memory_space<hbm>>
      %dma_start3A_73 = tpu.memref_squeeze %dma_start3A_72 : memref<1x80xi32, #tpu.memory_space<hbm>> -> memref<80xi32, #tpu.memory_space<hbm>>
      tpu.enqueue_dma source(%dma_start3A_73 : memref<80xi32, #tpu.memory_space<hbm>>) target(%arg9 : memref<80xi32, #tpu.memory_space<vmem>>) target_semaphore(%arg35 : memref<!tpu.dma_semaphore, #tpu.memory_space<semaphore_mem>>)
      %dma_start3A_74 = arith.constant 1 : i32
      %dma_start3A_75 = tpu.memref_slice %arg2[%dma_start3A_74, %add3A_68] : memref<2x320000xi32, #tpu.memory_space<hbm>> -> memref<1x80xi32, #tpu.memory_space<hbm>>
      %dma_start3A_76 = tpu.memref_squeeze %dma_start3A_75 : memref<1x80xi32, #tpu.memory_space<hbm>> -> memref<80xi32, #tpu.memory_space<hbm>>
      %dma_start3A_77 = tpu.memref_slice %arg2[%dma_start3A_74, %add3A_68] : memref<2x320000xi32, #tpu.memory_space<hbm>> -> memref<1x80xi32, #tpu.memory_space<hbm>>
      %dma_start3A_78 = tpu.memref_squeeze %dma_start3A_77 : memref<1x80xi32, #tpu.memory_space<hbm>> -> memref<80xi32, #tpu.memory_space<hbm>>
      tpu.enqueue_dma source(%dma_start3A_78 : memref<80xi32, #tpu.memory_space<hbm>>) target(%arg14 : memref<80xi32, #tpu.memory_space<vmem>>) target_semaphore(%arg35 : memref<!tpu.dma_semaphore, #tpu.memory_space<semaphore_mem>>)
      %dma_start3A_79 = tpu.memref_slice %arg3[%add3A_68] : memref<320000xi32, #tpu.memory_space<hbm>> -> memref<80xi32, #tpu.memory_space<hbm>>
      %dma_start3A_80 = tpu.memref_slice %arg3[%add3A_68] : memref<320000xi32, #tpu.memory_space<hbm>> -> memref<80xi32, #tpu.memory_space<hbm>>
      tpu.enqueue_dma source(%dma_start3A_80 : memref<80xi32, #tpu.memory_space<hbm>>) target(%arg19 : memref<80xi32, #tpu.memory_space<vmem>>) target_semaphore(%arg35 : memref<!tpu.dma_semaphore, #tpu.memory_space<semaphore_mem>>)
      %add3A_81 = arith.constant 160 : i32
      %add3A_82 = arith.addi %multiple_of3A, %add3A_81 : i32
      %dma_start3A_83 = arith.constant 0 : i32
      %dma_start3A_84 = tpu.memref_slice %arg2[%dma_start3A_83, %add3A_82] : memref<2x320000xi32, #tpu.memory_space<hbm>> -> memref<1x80xi32, #tpu.memory_space<hbm>>
      %dma_start3A_85 = tpu.memref_squeeze %dma_start3A_84 : memref<1x80xi32, #tpu.memory_space<hbm>> -> memref<80xi32, #tpu.memory_space<hbm>>
      %dma_start3A_86 = tpu.memref_slice %arg2[%dma_start3A_83, %add3A_82] : memref<2x320000xi32, #tpu.memory_space<hbm>> -> memref<1x80xi32, #tpu.memory_space<hbm>>
      %dma_start3A_87 = tpu.memref_squeeze %dma_start3A_86 : memref<1x80xi32, #tpu.memory_space<hbm>> -> memref<80xi32, #tpu.memory_space<hbm>>
      tpu.enqueue_dma source(%dma_start3A_87 : memref<80xi32, #tpu.memory_space<hbm>>) target(%arg10 : memref<80xi32, #tpu.memory_space<vmem>>) target_semaphore(%arg36 : memref<!tpu.dma_semaphore, #tpu.memory_space<semaphore_mem>>)
      %dma_start3A_88 = arith.constant 1 : i32
      %dma_start3A_89 = tpu.memref_slice %arg2[%dma_start3A_88, %add3A_82] : memref<2x320000xi32, #tpu.memory_space<hbm>> -> memref<1x80xi32, #tpu.memory_space<hbm>>
      %dma_start3A_90 = tpu.memref_squeeze %dma_start3A_89 : memref<1x80xi32, #tpu.memory_space<hbm>> -> memref<80xi32, #tpu.memory_space<hbm>>
      %dma_start3A_91 = tpu.memref_slice %arg2[%dma_start3A_88, %add3A_82] : memref<2x320000xi32, #tpu.memory_space<hbm>> -> memref<1x80xi32, #tpu.memory_space<hbm>>
      %dma_start3A_92 = tpu.memref_squeeze %dma_start3A_91 : memref<1x80xi32, #tpu.memory_space<hbm>> -> memref<80xi32, #tpu.memory_space<hbm>>
      tpu.enqueue_dma source(%dma_start3A_92 : memref<80xi32, #tpu.memory_space<hbm>>) target(%arg15 : memref<80xi32, #tpu.memory_space<vmem>>) target_semaphore(%arg36 : memref<!tpu.dma_semaphore, #tpu.memory_space<semaphore_mem>>)
      %dma_start3A_93 = tpu.memref_slice %arg3[%add3A_82] : memref<320000xi32, #tpu.memory_space<hbm>> -> memref<80xi32, #tpu.memory_space<hbm>>
      %dma_start3A_94 = tpu.memref_slice %arg3[%add3A_82] : memref<320000xi32, #tpu.memory_space<hbm>> -> memref<80xi32, #tpu.memory_space<hbm>>
      tpu.enqueue_dma source(%dma_start3A_94 : memref<80xi32, #tpu.memory_space<hbm>>) target(%arg20 : memref<80xi32, #tpu.memory_space<vmem>>) target_semaphore(%arg36 : memref<!tpu.dma_semaphore, #tpu.memory_space<semaphore_mem>>)
      %add3A_95 = arith.constant 240 : i32
      %add3A_96 = arith.addi %multiple_of3A, %add3A_95 : i32
      %dma_start3A_97 = arith.constant 0 : i32
      %dma_start3A_98 = tpu.memref_slice %arg2[%dma_start3A_97, %add3A_96] : memref<2x320000xi32, #tpu.memory_space<hbm>> -> memref<1x80xi32, #tpu.memory_space<hbm>>
      %dma_start3A_99 = tpu.memref_squeeze %dma_start3A_98 : memref<1x80xi32, #tpu.memory_space<hbm>> -> memref<80xi32, #tpu.memory_space<hbm>>
      %dma_start3A_100 = tpu.memref_slice %arg2[%dma_start3A_97, %add3A_96] : memref<2x320000xi32, #tpu.memory_space<hbm>> -> memref<1x80xi32, #tpu.memory_space<hbm>>
      %dma_start3A_101 = tpu.memref_squeeze %dma_start3A_100 : memref<1x80xi32, #tpu.memory_space<hbm>> -> memref<80xi32, #tpu.memory_space<hbm>>
      tpu.enqueue_dma source(%dma_start3A_101 : memref<80xi32, #tpu.memory_space<hbm>>) target(%arg11 : memref<80xi32, #tpu.memory_space<vmem>>) target_semaphore(%arg37 : memref<!tpu.dma_semaphore, #tpu.memory_space<semaphore_mem>>)
      %dma_start3A_102 = arith.constant 1 : i32
      %dma_start3A_103 = tpu.memref_slice %arg2[%dma_start3A_102, %add3A_96] : memref<2x320000xi32, #tpu.memory_space<hbm>> -> memref<1x80xi32, #tpu.memory_space<hbm>>
      %dma_start3A_104 = tpu.memref_squeeze %dma_start3A_103 : memref<1x80xi32, #tpu.memory_space<hbm>> -> memref<80xi32, #tpu.memory_space<hbm>>
      %dma_start3A_105 = tpu.memref_slice %arg2[%dma_start3A_102, %add3A_96] : memref<2x320000xi32, #tpu.memory_space<hbm>> -> memref<1x80xi32, #tpu.memory_space<hbm>>
      %dma_start3A_106 = tpu.memref_squeeze %dma_start3A_105 : memref<1x80xi32, #tpu.memory_space<hbm>> -> memref<80xi32, #tpu.memory_space<hbm>>
      tpu.enqueue_dma source(%dma_start3A_106 : memref<80xi32, #tpu.memory_space<hbm>>) target(%arg16 : memref<80xi32, #tpu.memory_space<vmem>>) target_semaphore(%arg37 : memref<!tpu.dma_semaphore, #tpu.memory_space<semaphore_mem>>)
      %dma_start3A_107 = tpu.memref_slice %arg3[%add3A_96] : memref<320000xi32, #tpu.memory_space<hbm>> -> memref<80xi32, #tpu.memory_space<hbm>>
      %dma_start3A_108 = tpu.memref_slice %arg3[%add3A_96] : memref<320000xi32, #tpu.memory_space<hbm>> -> memref<80xi32, #tpu.memory_space<hbm>>
      tpu.enqueue_dma source(%dma_start3A_108 : memref<80xi32, #tpu.memory_space<hbm>>) target(%arg21 : memref<80xi32, #tpu.memory_space<vmem>>) target_semaphore(%arg37 : memref<!tpu.dma_semaphore, #tpu.memory_space<semaphore_mem>>)
      %add3A_109 = arith.constant 320 : i32
      %add3A_110 = arith.addi %multiple_of3A, %add3A_109 : i32
      %dma_start3A_111 = arith.constant 0 : i32
      %dma_start3A_112 = tpu.memref_slice %arg2[%dma_start3A_111, %add3A_110] : memref<2x320000xi32, #tpu.memory_space<hbm>> -> memref<1x80xi32, #tpu.memory_space<hbm>>
      %dma_start3A_113 = tpu.memref_squeeze %dma_start3A_112 : memref<1x80xi32, #tpu.memory_space<hbm>> -> memref<80xi32, #tpu.memory_space<hbm>>
      %dma_start3A_114 = tpu.memref_slice %arg2[%dma_start3A_111, %add3A_110] : memref<2x320000xi32, #tpu.memory_space<hbm>> -> memref<1x80xi32, #tpu.memory_space<hbm>>
      %dma_start3A_115 = tpu.memref_squeeze %dma_start3A_114 : memref<1x80xi32, #tpu.memory_space<hbm>> -> memref<80xi32, #tpu.memory_space<hbm>>
      tpu.enqueue_dma source(%dma_start3A_115 : memref<80xi32, #tpu.memory_space<hbm>>) target(%arg12 : memref<80xi32, #tpu.memory_space<vmem>>) target_semaphore(%arg38 : memref<!tpu.dma_semaphore, #tpu.memory_space<semaphore_mem>>)
      %dma_start3A_116 = arith.constant 1 : i32
      %dma_start3A_117 = tpu.memref_slice %arg2[%dma_start3A_116, %add3A_110] : memref<2x320000xi32, #tpu.memory_space<hbm>> -> memref<1x80xi32, #tpu.memory_space<hbm>>
      %dma_start3A_118 = tpu.memref_squeeze %dma_start3A_117 : memref<1x80xi32, #tpu.memory_space<hbm>> -> memref<80xi32, #tpu.memory_space<hbm>>
      %dma_start3A_119 = tpu.memref_slice %arg2[%dma_start3A_116, %add3A_110] : memref<2x320000xi32, #tpu.memory_space<hbm>> -> memref<1x80xi32, #tpu.memory_space<hbm>>
      %dma_start3A_120 = tpu.memref_squeeze %dma_start3A_119 : memref<1x80xi32, #tpu.memory_space<hbm>> -> memref<80xi32, #tpu.memory_space<hbm>>
      tpu.enqueue_dma source(%dma_start3A_120 : memref<80xi32, #tpu.memory_space<hbm>>) target(%arg17 : memref<80xi32, #tpu.memory_space<vmem>>) target_semaphore(%arg38 : memref<!tpu.dma_semaphore, #tpu.memory_space<semaphore_mem>>)
      %dma_start3A_121 = tpu.memref_slice %arg3[%add3A_110] : memref<320000xi32, #tpu.memory_space<hbm>> -> memref<80xi32, #tpu.memory_space<hbm>>
      %dma_start3A_122 = tpu.memref_slice %arg3[%add3A_110] : memref<320000xi32, #tpu.memory_space<hbm>> -> memref<80xi32, #tpu.memory_space<hbm>>
      tpu.enqueue_dma source(%dma_start3A_122 : memref<80xi32, #tpu.memory_space<hbm>>) target(%arg22 : memref<80xi32, #tpu.memory_space<vmem>>) target_semaphore(%arg38 : memref<!tpu.dma_semaphore, #tpu.memory_space<semaphore_mem>>)
      %dma_wait3A_123 = arith.constant 0 : i32
      %dma_wait3A_124 = tpu.memref_slice %arg2[%dma_wait3A_123, %add3A_55] : memref<2x320000xi32, #tpu.memory_space<hbm>> -> memref<1x80xi32, #tpu.memory_space<hbm>>
      %dma_wait3A_125 = tpu.memref_squeeze %dma_wait3A_124 : memref<1x80xi32, #tpu.memory_space<hbm>> -> memref<80xi32, #tpu.memory_space<hbm>>
      %dma_wait3A_126 = tpu.memref_slice %arg2[%dma_wait3A_123, %add3A_55] : memref<2x320000xi32, #tpu.memory_space<hbm>> -> memref<1x80xi32, #tpu.memory_space<hbm>>
      %dma_wait3A_127 = tpu.memref_squeeze %dma_wait3A_126 : memref<1x80xi32, #tpu.memory_space<hbm>> -> memref<80xi32, #tpu.memory_space<hbm>>
      tpu.wait_dma2 semaphore(%arg34 : memref<!tpu.dma_semaphore, #tpu.memory_space<semaphore_mem>>) src(%dma_wait3A_127 : memref<80xi32, #tpu.memory_space<hbm>>) dst(%arg8 : memref<80xi32, #tpu.memory_space<vmem>>)
      %dma_wait3A_128 = arith.constant 1 : i32
      %dma_wait3A_129 = tpu.memref_slice %arg2[%dma_wait3A_128, %add3A_55] : memref<2x320000xi32, #tpu.memory_space<hbm>> -> memref<1x80xi32, #tpu.memory_space<hbm>>
      %dma_wait3A_130 = tpu.memref_squeeze %dma_wait3A_129 : memref<1x80xi32, #tpu.memory_space<hbm>> -> memref<80xi32, #tpu.memory_space<hbm>>
      %dma_wait3A_131 = tpu.memref_slice %arg2[%dma_wait3A_128, %add3A_55] : memref<2x320000xi32, #tpu.memory_space<hbm>> -> memref<1x80xi32, #tpu.memory_space<hbm>>
      %dma_wait3A_132 = tpu.memref_squeeze %dma_wait3A_131 : memref<1x80xi32, #tpu.memory_space<hbm>> -> memref<80xi32, #tpu.memory_space<hbm>>
      tpu.wait_dma2 semaphore(%arg34 : memref<!tpu.dma_semaphore, #tpu.memory_space<semaphore_mem>>) src(%dma_wait3A_132 : memref<80xi32, #tpu.memory_space<hbm>>) dst(%arg13 : memref<80xi32, #tpu.memory_space<vmem>>)
      %dma_wait3A_133 = tpu.memref_slice %arg3[%add3A_55] : memref<320000xi32, #tpu.memory_space<hbm>> -> memref<80xi32, #tpu.memory_space<hbm>>
      %dma_wait3A_134 = tpu.memref_slice %arg3[%add3A_55] : memref<320000xi32, #tpu.memory_space<hbm>> -> memref<80xi32, #tpu.memory_space<hbm>>
      tpu.wait_dma2 semaphore(%arg34 : memref<!tpu.dma_semaphore, #tpu.memory_space<semaphore_mem>>) src(%dma_wait3A_134 : memref<80xi32, #tpu.memory_space<hbm>>) dst(%arg18 : memref<80xi32, #tpu.memory_space<vmem>>)
      %add3A_135 = arith.constant 0 : i32
      %add3A_136 = arith.addi %multiple_of3A, %add3A_135 : i32
      %gt3A = arith.constant 0 : i32
      %gt3A_137 = arith.cmpi sgt, %scan3A_49, %gt3A : i32
      %convert_element_type3A = arith.extui %gt3A_137 : i1 to i32
      %cond3A = arith.constant 0 : i32
      %cond3A_138 = arith.cmpi ne, %convert_element_type3A, %cond3A : i32
      scf.if %cond3A_138 {
        %dma_wait3A_832 = tpu.memref_slice %arg6[%add3A_136] : memref<320000xi32, #tpu.memory_space<hbm>> -> memref<80xi32, #tpu.memory_space<hbm>>
        %dma_wait3A_833 = tpu.memref_slice %arg6[%add3A_136] : memref<320000xi32, #tpu.memory_space<hbm>> -> memref<80xi32, #tpu.memory_space<hbm>>
        tpu.wait_dma2 semaphore(%arg39 : memref<!tpu.dma_semaphore, #tpu.memory_space<semaphore_mem>>) src(%arg23 : memref<80xi32, #tpu.memory_space<vmem>>) dst(%dma_wait3A_833 : memref<80xi32, #tpu.memory_space<hbm>>)
        %dma_wait3A_834 = tpu.memref_slice %arg7[%add3A_136] : memref<320000xi32, #tpu.memory_space<hbm>> -> memref<80xi32, #tpu.memory_space<hbm>>
        %dma_wait3A_835 = tpu.memref_slice %arg7[%add3A_136] : memref<320000xi32, #tpu.memory_space<hbm>> -> memref<80xi32, #tpu.memory_space<hbm>>
        tpu.wait_dma2 semaphore(%arg39 : memref<!tpu.dma_semaphore, #tpu.memory_space<semaphore_mem>>) src(%arg28 : memref<80xi32, #tpu.memory_space<vmem>>) dst(%dma_wait3A_835 : memref<80xi32, #tpu.memory_space<hbm>>)
      } else {
      }
      %get3A = arith.constant 0 : index
      %get3A_139 = tpu.vector_load %arg8[%get3A] {strides = array<i32>} : memref<80xi32, #tpu.memory_space<vmem>>, vector<16xi32>,
      %get3A_140 = arith.constant 0 : index
      %get3A_141 = tpu.vector_load %arg13[%get3A_140] {strides = array<i32>} : memref<80xi32, #tpu.memory_space<vmem>>, vector<16xi32>,
      %get3A_142 = arith.constant 0 : index
      %get3A_143 = tpu.vector_load %arg18[%get3A_142] {strides = array<i32>} : memref<80xi32, #tpu.memory_space<vmem>>, vector<16xi32>,
      %mul3A_144 = arith.constant 10240 : i32
      %mul3A_145 = vector.broadcast %mul3A_144 : i32 to vector<16xi32>
      %mul3A_146 = arith.muli %get3A_143, %mul3A_145 : vector<16xi32>
      %add3A_147 = arith.addi %mul3A_146, %get3A_139 : vector<16xi32>
      %mul3A_148 = arith.constant 10240 : i32
      %mul3A_149 = vector.broadcast %mul3A_148 : i32 to vector<16xi32>
      %mul3A_150 = arith.muli %get3A_143, %mul3A_149 : vector<16xi32>
      %add3A_151 = arith.addi %mul3A_150, %get3A_141 : vector<16xi32>
      %swap3A = arith.constant 0 : index
      %swap3A_152 = tpu.vector_load %arg23[%swap3A] {strides = array<i32>} : memref<80xi32, #tpu.memory_space<vmem>>, vector<16xi32>,
      tpu.vector_store %arg23[%swap3A], %add3A_147 {strides = array<i32>} : memref<80xi32, #tpu.memory_space<vmem>>, vector<16xi32>,
      %swap3A_153 = arith.constant 0 : index
      %swap3A_154 = tpu.vector_load %arg28[%swap3A_153] {strides = array<i32>} : memref<80xi32, #tpu.memory_space<vmem>>, vector<16xi32>,
      tpu.vector_store %arg28[%swap3A_153], %add3A_151 {strides = array<i32>} : memref<80xi32, #tpu.memory_space<vmem>>, vector<16xi32>,
      %shift_right_logical3A = arith.constant 4 : i32
      %shift_right_logical3A_155 = vector.broadcast %shift_right_logical3A : i32 to vector<16xi32>
      %shift_right_logical3A_156 = arith.shrui %add3A_151, %shift_right_logical3A_155 : vector<16xi32>
      %and3A = arith.constant 15 : i32
      %and3A_157 = vector.broadcast %and3A : i32 to vector<16xi32>
      %and3A_158 = arith.andi %add3A_151, %and3A_157 : vector<16xi32>
      tpu.vector_store_idx %arg33[%shift_right_logical3A_156, %and3A_158], %broadcast_in_dim3A_1 {add = true} : memref<1280x16xf32, #tpu.memory_space<vmem>>[vector<16xi32>, vector<16xi32>], vector<16xf32>,
      %get3A_159 = arith.constant 16 : index
      %get3A_160 = tpu.vector_load %arg8[%get3A_159] {strides = array<i32>} : memref<80xi32, #tpu.memory_space<vmem>>, vector<16xi32>,
      %get3A_161 = arith.constant 16 : index
      %get3A_162 = tpu.vector_load %arg13[%get3A_161] {strides = array<i32>} : memref<80xi32, #tpu.memory_space<vmem>>, vector<16xi32>,
      %get3A_163 = arith.constant 16 : index
      %get3A_164 = tpu.vector_load %arg18[%get3A_163] {strides = array<i32>} : memref<80xi32, #tpu.memory_space<vmem>>, vector<16xi32>,
      %mul3A_165 = arith.constant 10240 : i32
      %mul3A_166 = vector.broadcast %mul3A_165 : i32 to vector<16xi32>
      %mul3A_167 = arith.muli %get3A_164, %mul3A_166 : vector<16xi32>
      %add3A_168 = arith.addi %mul3A_167, %get3A_160 : vector<16xi32>
      %mul3A_169 = arith.constant 10240 : i32
      %mul3A_170 = vector.broadcast %mul3A_169 : i32 to vector<16xi32>
      %mul3A_171 = arith.muli %get3A_164, %mul3A_170 : vector<16xi32>
      %add3A_172 = arith.addi %mul3A_171, %get3A_162 : vector<16xi32>
      %swap3A_173 = arith.constant 16 : index
      %swap3A_174 = tpu.vector_load %arg23[%swap3A_173] {strides = array<i32>} : memref<80xi32, #tpu.memory_space<vmem>>, vector<16xi32>,
      tpu.vector_store %arg23[%swap3A_173], %add3A_168 {strides = array<i32>} : memref<80xi32, #tpu.memory_space<vmem>>, vector<16xi32>,
      %swap3A_175 = arith.constant 16 : index
      %swap3A_176 = tpu.vector_load %arg28[%swap3A_175] {strides = array<i32>} : memref<80xi32, #tpu.memory_space<vmem>>, vector<16xi32>,
      tpu.vector_store %arg28[%swap3A_175], %add3A_172 {strides = array<i32>} : memref<80xi32, #tpu.memory_space<vmem>>, vector<16xi32>,
      %shift_right_logical3A_177 = arith.constant 4 : i32
      %shift_right_logical3A_178 = vector.broadcast %shift_right_logical3A_177 : i32 to vector<16xi32>
      %shift_right_logical3A_179 = arith.shrui %add3A_172, %shift_right_logical3A_178 : vector<16xi32>
      %and3A_180 = arith.constant 15 : i32
      %and3A_181 = vector.broadcast %and3A_180 : i32 to vector<16xi32>
      %and3A_182 = arith.andi %add3A_172, %and3A_181 : vector<16xi32>
      tpu.vector_store_idx %arg33[%shift_right_logical3A_179, %and3A_182], %broadcast_in_dim3A_1 {add = true} : memref<1280x16xf32, #tpu.memory_space<vmem>>[vector<16xi32>, vector<16xi32>], vector<16xf32>,
      %get3A_183 = arith.constant 32 : index
      %get3A_184 = tpu.vector_load %arg8[%get3A_183] {strides = array<i32>} : memref<80xi32, #tpu.memory_space<vmem>>, vector<16xi32>,
      %get3A_185 = arith.constant 32 : index
      %get3A_186 = tpu.vector_load %arg13[%get3A_185] {strides = array<i32>} : memref<80xi32, #tpu.memory_space<vmem>>, vector<16xi32>,
      %get3A_187 = arith.constant 32 : index
      %get3A_188 = tpu.vector_load %arg18[%get3A_187] {strides = array<i32>} : memref<80xi32, #tpu.memory_space<vmem>>, vector<16xi32>,
      %mul3A_189 = arith.constant 10240 : i32
      %mul3A_190 = vector.broadcast %mul3A_189 : i32 to vector<16xi32>
      %mul3A_191 = arith.muli %get3A_188, %mul3A_190 : vector<16xi32>
      %add3A_192 = arith.addi %mul3A_191, %get3A_184 : vector<16xi32>
      %mul3A_193 = arith.constant 10240 : i32
      %mul3A_194 = vector.broadcast %mul3A_193 : i32 to vector<16xi32>
      %mul3A_195 = arith.muli %get3A_188, %mul3A_194 : vector<16xi32>
      %add3A_196 = arith.addi %mul3A_195, %get3A_186 : vector<16xi32>
      %swap3A_197 = arith.constant 32 : index
      %swap3A_198 = tpu.vector_load %arg23[%swap3A_197] {strides = array<i32>} : memref<80xi32, #tpu.memory_space<vmem>>, vector<16xi32>,
      tpu.vector_store %arg23[%swap3A_197], %add3A_192 {strides = array<i32>} : memref<80xi32, #tpu.memory_space<vmem>>, vector<16xi32>,
      %swap3A_199 = arith.constant 32 : index
      %swap3A_200 = tpu.vector_load %arg28[%swap3A_199] {strides = array<i32>} : memref<80xi32, #tpu.memory_space<vmem>>, vector<16xi32>,
      tpu.vector_store %arg28[%swap3A_199], %add3A_196 {strides = array<i32>} : memref<80xi32, #tpu.memory_space<vmem>>, vector<16xi32>,
      %shift_right_logical3A_201 = arith.constant 4 : i32
      %shift_right_logical3A_202 = vector.broadcast %shift_right_logical3A_201 : i32 to vector<16xi32>
      %shift_right_logical3A_203 = arith.shrui %add3A_196, %shift_right_logical3A_202 : vector<16xi32>
      %and3A_204 = arith.constant 15 : i32
      %and3A_205 = vector.broadcast %and3A_204 : i32 to vector<16xi32>
      %and3A_206 = arith.andi %add3A_196, %and3A_205 : vector<16xi32>
      tpu.vector_store_idx %arg33[%shift_right_logical3A_203, %and3A_206], %broadcast_in_dim3A_1 {add = true} : memref<1280x16xf32, #tpu.memory_space<vmem>>[vector<16xi32>, vector<16xi32>], vector<16xf32>,
      %get3A_207 = arith.constant 48 : index
      %get3A_208 = tpu.vector_load %arg8[%get3A_207] {strides = array<i32>} : memref<80xi32, #tpu.memory_space<vmem>>, vector<16xi32>,
      %get3A_209 = arith.constant 48 : index
      %get3A_210 = tpu.vector_load %arg13[%get3A_209] {strides = array<i32>} : memref<80xi32, #tpu.memory_space<vmem>>, vector<16xi32>,
      %get3A_211 = arith.constant 48 : index
      %get3A_212 = tpu.vector_load %arg18[%get3A_211] {strides = array<i32>} : memref<80xi32, #tpu.memory_space<vmem>>, vector<16xi32>,
      %mul3A_213 = arith.constant 10240 : i32
      %mul3A_214 = vector.broadcast %mul3A_213 : i32 to vector<16xi32>
      %mul3A_215 = arith.muli %get3A_212, %mul3A_214 : vector<16xi32>
      %add3A_216 = arith.addi %mul3A_215, %get3A_208 : vector<16xi32>
      %mul3A_217 = arith.constant 10240 : i32
      %mul3A_218 = vector.broadcast %mul3A_217 : i32 to vector<16xi32>
      %mul3A_219 = arith.muli %get3A_212, %mul3A_218 : vector<16xi32>
      %add3A_220 = arith.addi %mul3A_219, %get3A_210 : vector<16xi32>
      %swap3A_221 = arith.constant 48 : index
      %swap3A_222 = tpu.vector_load %arg23[%swap3A_221] {strides = array<i32>} : memref<80xi32, #tpu.memory_space<vmem>>, vector<16xi32>,
      tpu.vector_store %arg23[%swap3A_221], %add3A_216 {strides = array<i32>} : memref<80xi32, #tpu.memory_space<vmem>>, vector<16xi32>,
      %swap3A_223 = arith.constant 48 : index
      %swap3A_224 = tpu.vector_load %arg28[%swap3A_223] {strides = array<i32>} : memref<80xi32, #tpu.memory_space<vmem>>, vector<16xi32>,
      tpu.vector_store %arg28[%swap3A_223], %add3A_220 {strides = array<i32>} : memref<80xi32, #tpu.memory_space<vmem>>, vector<16xi32>,
      %shift_right_logical3A_225 = arith.constant 4 : i32
      %shift_right_logical3A_226 = vector.broadcast %shift_right_logical3A_225 : i32 to vector<16xi32>
      %shift_right_logical3A_227 = arith.shrui %add3A_220, %shift_right_logical3A_226 : vector<16xi32>
      %and3A_228 = arith.constant 15 : i32
      %and3A_229 = vector.broadcast %and3A_228 : i32 to vector<16xi32>
      %and3A_230 = arith.andi %add3A_220, %and3A_229 : vector<16xi32>
      tpu.vector_store_idx %arg33[%shift_right_logical3A_227, %and3A_230], %broadcast_in_dim3A_1 {add = true} : memref<1280x16xf32, #tpu.memory_space<vmem>>[vector<16xi32>, vector<16xi32>], vector<16xf32>,
      %get3A_231 = arith.constant 64 : index
      %get3A_232 = tpu.vector_load %arg8[%get3A_231] {strides = array<i32>} : memref<80xi32, #tpu.memory_space<vmem>>, vector<16xi32>,
      %get3A_233 = arith.constant 64 : index
      %get3A_234 = tpu.vector_load %arg13[%get3A_233] {strides = array<i32>} : memref<80xi32, #tpu.memory_space<vmem>>, vector<16xi32>,
      %get3A_235 = arith.constant 64 : index
      %get3A_236 = tpu.vector_load %arg18[%get3A_235] {strides = array<i32>} : memref<80xi32, #tpu.memory_space<vmem>>, vector<16xi32>,
      %mul3A_237 = arith.constant 10240 : i32
      %mul3A_238 = vector.broadcast %mul3A_237 : i32 to vector<16xi32>
      %mul3A_239 = arith.muli %get3A_236, %mul3A_238 : vector<16xi32>
      %add3A_240 = arith.addi %mul3A_239, %get3A_232 : vector<16xi32>
      %mul3A_241 = arith.constant 10240 : i32
      %mul3A_242 = vector.broadcast %mul3A_241 : i32 to vector<16xi32>
      %mul3A_243 = arith.muli %get3A_236, %mul3A_242 : vector<16xi32>
      %add3A_244 = arith.addi %mul3A_243, %get3A_234 : vector<16xi32>
      %swap3A_245 = arith.constant 64 : index
      %swap3A_246 = tpu.vector_load %arg23[%swap3A_245] {strides = array<i32>} : memref<80xi32, #tpu.memory_space<vmem>>, vector<16xi32>,
      tpu.vector_store %arg23[%swap3A_245], %add3A_240 {strides = array<i32>} : memref<80xi32, #tpu.memory_space<vmem>>, vector<16xi32>,
      %swap3A_247 = arith.constant 64 : index
      %swap3A_248 = tpu.vector_load %arg28[%swap3A_247] {strides = array<i32>} : memref<80xi32, #tpu.memory_space<vmem>>, vector<16xi32>,
      tpu.vector_store %arg28[%swap3A_247], %add3A_244 {strides = array<i32>} : memref<80xi32, #tpu.memory_space<vmem>>, vector<16xi32>,
      %shift_right_logical3A_249 = arith.constant 4 : i32
      %shift_right_logical3A_250 = vector.broadcast %shift_right_logical3A_249 : i32 to vector<16xi32>
      %shift_right_logical3A_251 = arith.shrui %add3A_244, %shift_right_logical3A_250 : vector<16xi32>
      %and3A_252 = arith.constant 15 : i32
      %and3A_253 = vector.broadcast %and3A_252 : i32 to vector<16xi32>
      %and3A_254 = arith.andi %add3A_244, %and3A_253 : vector<16xi32>
      tpu.vector_store_idx %arg33[%shift_right_logical3A_251, %and3A_254], %broadcast_in_dim3A_1 {add = true} : memref<1280x16xf32, #tpu.memory_space<vmem>>[vector<16xi32>, vector<16xi32>], vector<16xf32>,
      %dma_start3A_255 = tpu.memref_slice %arg6[%add3A_136] : memref<320000xi32, #tpu.memory_space<hbm>> -> memref<80xi32, #tpu.memory_space<hbm>>
      %dma_start3A_256 = tpu.memref_slice %arg6[%add3A_136] : memref<320000xi32, #tpu.memory_space<hbm>> -> memref<80xi32, #tpu.memory_space<hbm>>
      tpu.enqueue_dma source(%arg23 : memref<80xi32, #tpu.memory_space<vmem>>) target(%dma_start3A_256 : memref<80xi32, #tpu.memory_space<hbm>>) target_semaphore(%arg39 : memref<!tpu.dma_semaphore, #tpu.memory_space<semaphore_mem>>)
      %dma_start3A_257 = tpu.memref_slice %arg7[%add3A_136] : memref<320000xi32, #tpu.memory_space<hbm>> -> memref<80xi32, #tpu.memory_space<hbm>>
      %dma_start3A_258 = tpu.memref_slice %arg7[%add3A_136] : memref<320000xi32, #tpu.memory_space<hbm>> -> memref<80xi32, #tpu.memory_space<hbm>>
      tpu.enqueue_dma source(%arg28 : memref<80xi32, #tpu.memory_space<vmem>>) target(%dma_start3A_258 : memref<80xi32, #tpu.memory_space<hbm>>) target_semaphore(%arg39 : memref<!tpu.dma_semaphore, #tpu.memory_space<semaphore_mem>>)
      %dma_wait3A_259 = arith.constant 0 : i32
      %dma_wait3A_260 = tpu.memref_slice %arg2[%dma_wait3A_259, %add3A_68] : memref<2x320000xi32, #tpu.memory_space<hbm>> -> memref<1x80xi32, #tpu.memory_space<hbm>>
      %dma_wait3A_261 = tpu.memref_squeeze %dma_wait3A_260 : memref<1x80xi32, #tpu.memory_space<hbm>> -> memref<80xi32, #tpu.memory_space<hbm>>
      %dma_wait3A_262 = tpu.memref_slice %arg2[%dma_wait3A_259, %add3A_68] : memref<2x320000xi32, #tpu.memory_space<hbm>> -> memref<1x80xi32, #tpu.memory_space<hbm>>
      %dma_wait3A_263 = tpu.memref_squeeze %dma_wait3A_262 : memref<1x80xi32, #tpu.memory_space<hbm>> -> memref<80xi32, #tpu.memory_space<hbm>>
      tpu.wait_dma2 semaphore(%arg35 : memref<!tpu.dma_semaphore, #tpu.memory_space<semaphore_mem>>) src(%dma_wait3A_263 : memref<80xi32, #tpu.memory_space<hbm>>) dst(%arg9 : memref<80xi32, #tpu.memory_space<vmem>>)
      %dma_wait3A_264 = arith.constant 1 : i32
      %dma_wait3A_265 = tpu.memref_slice %arg2[%dma_wait3A_264, %add3A_68] : memref<2x320000xi32, #tpu.memory_space<hbm>> -> memref<1x80xi32, #tpu.memory_space<hbm>>
      %dma_wait3A_266 = tpu.memref_squeeze %dma_wait3A_265 : memref<1x80xi32, #tpu.memory_space<hbm>> -> memref<80xi32, #tpu.memory_space<hbm>>
      %dma_wait3A_267 = tpu.memref_slice %arg2[%dma_wait3A_264, %add3A_68] : memref<2x320000xi32, #tpu.memory_space<hbm>> -> memref<1x80xi32, #tpu.memory_space<hbm>>
      %dma_wait3A_268 = tpu.memref_squeeze %dma_wait3A_267 : memref<1x80xi32, #tpu.memory_space<hbm>> -> memref<80xi32, #tpu.memory_space<hbm>>
      tpu.wait_dma2 semaphore(%arg35 : memref<!tpu.dma_semaphore, #tpu.memory_space<semaphore_mem>>) src(%dma_wait3A_268 : memref<80xi32, #tpu.memory_space<hbm>>) dst(%arg14 : memref<80xi32, #tpu.memory_space<vmem>>)
      %dma_wait3A_269 = tpu.memref_slice %arg3[%add3A_68] : memref<320000xi32, #tpu.memory_space<hbm>> -> memref<80xi32, #tpu.memory_space<hbm>>
      %dma_wait3A_270 = tpu.memref_slice %arg3[%add3A_68] : memref<320000xi32, #tpu.memory_space<hbm>> -> memref<80xi32, #tpu.memory_space<hbm>>
      tpu.wait_dma2 semaphore(%arg35 : memref<!tpu.dma_semaphore, #tpu.memory_space<semaphore_mem>>) src(%dma_wait3A_270 : memref<80xi32, #tpu.memory_space<hbm>>) dst(%arg19 : memref<80xi32, #tpu.memory_space<vmem>>)
      %add3A_271 = arith.constant 80 : i32
      %add3A_272 = arith.addi %multiple_of3A, %add3A_271 : i32
      %gt3A_273 = arith.constant 0 : i32
      %gt3A_274 = arith.cmpi sgt, %scan3A_49, %gt3A_273 : i32
      %convert_element_type3A_275 = arith.extui %gt3A_274 : i1 to i32
      %cond3A_276 = arith.constant 0 : i32
      %cond3A_277 = arith.cmpi ne, %convert_element_type3A_275, %cond3A_276 : i32
      scf.if %cond3A_277 {
        %dma_wait3A_832 = tpu.memref_slice %arg6[%add3A_272] : memref<320000xi32, #tpu.memory_space<hbm>> -> memref<80xi32, #tpu.memory_space<hbm>>
        %dma_wait3A_833 = tpu.memref_slice %arg6[%add3A_272] : memref<320000xi32, #tpu.memory_space<hbm>> -> memref<80xi32, #tpu.memory_space<hbm>>
        tpu.wait_dma2 semaphore(%arg39 : memref<!tpu.dma_semaphore, #tpu.memory_space<semaphore_mem>>) src(%arg24 : memref<80xi32, #tpu.memory_space<vmem>>) dst(%dma_wait3A_833 : memref<80xi32, #tpu.memory_space<hbm>>)
        %dma_wait3A_834 = tpu.memref_slice %arg7[%add3A_272] : memref<320000xi32, #tpu.memory_space<hbm>> -> memref<80xi32, #tpu.memory_space<hbm>>
        %dma_wait3A_835 = tpu.memref_slice %arg7[%add3A_272] : memref<320000xi32, #tpu.memory_space<hbm>> -> memref<80xi32, #tpu.memory_space<hbm>>
        tpu.wait_dma2 semaphore(%arg39 : memref<!tpu.dma_semaphore, #tpu.memory_space<semaphore_mem>>) src(%arg29 : memref<80xi32, #tpu.memory_space<vmem>>) dst(%dma_wait3A_835 : memref<80xi32, #tpu.memory_space<hbm>>)
      } else {
      }
      %get3A_278 = arith.constant 0 : index
      %get3A_279 = tpu.vector_load %arg9[%get3A_278] {strides = array<i32>} : memref<80xi32, #tpu.memory_space<vmem>>, vector<16xi32>,
      %get3A_280 = arith.constant 0 : index
      %get3A_281 = tpu.vector_load %arg14[%get3A_280] {strides = array<i32>} : memref<80xi32, #tpu.memory_space<vmem>>, vector<16xi32>,
      %get3A_282 = arith.constant 0 : index
      %get3A_283 = tpu.vector_load %arg19[%get3A_282] {strides = array<i32>} : memref<80xi32, #tpu.memory_space<vmem>>, vector<16xi32>,
      %mul3A_284 = arith.constant 10240 : i32
      %mul3A_285 = vector.broadcast %mul3A_284 : i32 to vector<16xi32>
      %mul3A_286 = arith.muli %get3A_283, %mul3A_285 : vector<16xi32>
      %add3A_287 = arith.addi %mul3A_286, %get3A_279 : vector<16xi32>
      %mul3A_288 = arith.constant 10240 : i32
      %mul3A_289 = vector.broadcast %mul3A_288 : i32 to vector<16xi32>
      %mul3A_290 = arith.muli %get3A_283, %mul3A_289 : vector<16xi32>
      %add3A_291 = arith.addi %mul3A_290, %get3A_281 : vector<16xi32>
      %swap3A_292 = arith.constant 0 : index
      %swap3A_293 = tpu.vector_load %arg24[%swap3A_292] {strides = array<i32>} : memref<80xi32, #tpu.memory_space<vmem>>, vector<16xi32>,
      tpu.vector_store %arg24[%swap3A_292], %add3A_287 {strides = array<i32>} : memref<80xi32, #tpu.memory_space<vmem>>, vector<16xi32>,
      %swap3A_294 = arith.constant 0 : index
      %swap3A_295 = tpu.vector_load %arg29[%swap3A_294] {strides = array<i32>} : memref<80xi32, #tpu.memory_space<vmem>>, vector<16xi32>,
      tpu.vector_store %arg29[%swap3A_294], %add3A_291 {strides = array<i32>} : memref<80xi32, #tpu.memory_space<vmem>>, vector<16xi32>,
      %shift_right_logical3A_296 = arith.constant 4 : i32
      %shift_right_logical3A_297 = vector.broadcast %shift_right_logical3A_296 : i32 to vector<16xi32>
      %shift_right_logical3A_298 = arith.shrui %add3A_291, %shift_right_logical3A_297 : vector<16xi32>
      %and3A_299 = arith.constant 15 : i32
      %and3A_300 = vector.broadcast %and3A_299 : i32 to vector<16xi32>
      %and3A_301 = arith.andi %add3A_291, %and3A_300 : vector<16xi32>
      tpu.vector_store_idx %arg33[%shift_right_logical3A_298, %and3A_301], %broadcast_in_dim3A_1 {add = true} : memref<1280x16xf32, #tpu.memory_space<vmem>>[vector<16xi32>, vector<16xi32>], vector<16xf32>,
      %get3A_302 = arith.constant 16 : index
      %get3A_303 = tpu.vector_load %arg9[%get3A_302] {strides = array<i32>} : memref<80xi32, #tpu.memory_space<vmem>>, vector<16xi32>,
      %get3A_304 = arith.constant 16 : index
      %get3A_305 = tpu.vector_load %arg14[%get3A_304] {strides = array<i32>} : memref<80xi32, #tpu.memory_space<vmem>>, vector<16xi32>,
      %get3A_306 = arith.constant 16 : index
      %get3A_307 = tpu.vector_load %arg19[%get3A_306] {strides = array<i32>} : memref<80xi32, #tpu.memory_space<vmem>>, vector<16xi32>,
      %mul3A_308 = arith.constant 10240 : i32
      %mul3A_309 = vector.broadcast %mul3A_308 : i32 to vector<16xi32>
      %mul3A_310 = arith.muli %get3A_307, %mul3A_309 : vector<16xi32>
      %add3A_311 = arith.addi %mul3A_310, %get3A_303 : vector<16xi32>
      %mul3A_312 = arith.constant 10240 : i32
      %mul3A_313 = vector.broadcast %mul3A_312 : i32 to vector<16xi32>
      %mul3A_314 = arith.muli %get3A_307, %mul3A_313 : vector<16xi32>
      %add3A_315 = arith.addi %mul3A_314, %get3A_305 : vector<16xi32>
      %swap3A_316 = arith.constant 16 : index
      %swap3A_317 = tpu.vector_load %arg24[%swap3A_316] {strides = array<i32>} : memref<80xi32, #tpu.memory_space<vmem>>, vector<16xi32>,
      tpu.vector_store %arg24[%swap3A_316], %add3A_311 {strides = array<i32>} : memref<80xi32, #tpu.memory_space<vmem>>, vector<16xi32>,
      %swap3A_318 = arith.constant 16 : index
      %swap3A_319 = tpu.vector_load %arg29[%swap3A_318] {strides = array<i32>} : memref<80xi32, #tpu.memory_space<vmem>>, vector<16xi32>,
      tpu.vector_store %arg29[%swap3A_318], %add3A_315 {strides = array<i32>} : memref<80xi32, #tpu.memory_space<vmem>>, vector<16xi32>,
      %shift_right_logical3A_320 = arith.constant 4 : i32
      %shift_right_logical3A_321 = vector.broadcast %shift_right_logical3A_320 : i32 to vector<16xi32>
      %shift_right_logical3A_322 = arith.shrui %add3A_315, %shift_right_logical3A_321 : vector<16xi32>
      %and3A_323 = arith.constant 15 : i32
      %and3A_324 = vector.broadcast %and3A_323 : i32 to vector<16xi32>
      %and3A_325 = arith.andi %add3A_315, %and3A_324 : vector<16xi32>
      tpu.vector_store_idx %arg33[%shift_right_logical3A_322, %and3A_325], %broadcast_in_dim3A_1 {add = true} : memref<1280x16xf32, #tpu.memory_space<vmem>>[vector<16xi32>, vector<16xi32>], vector<16xf32>,
      %get3A_326 = arith.constant 32 : index
      %get3A_327 = tpu.vector_load %arg9[%get3A_326] {strides = array<i32>} : memref<80xi32, #tpu.memory_space<vmem>>, vector<16xi32>,
      %get3A_328 = arith.constant 32 : index
      %get3A_329 = tpu.vector_load %arg14[%get3A_328] {strides = array<i32>} : memref<80xi32, #tpu.memory_space<vmem>>, vector<16xi32>,
      %get3A_330 = arith.constant 32 : index
      %get3A_331 = tpu.vector_load %arg19[%get3A_330] {strides = array<i32>} : memref<80xi32, #tpu.memory_space<vmem>>, vector<16xi32>,
      %mul3A_332 = arith.constant 10240 : i32
      %mul3A_333 = vector.broadcast %mul3A_332 : i32 to vector<16xi32>
      %mul3A_334 = arith.muli %get3A_331, %mul3A_333 : vector<16xi32>
      %add3A_335 = arith.addi %mul3A_334, %get3A_327 : vector<16xi32>
      %mul3A_336 = arith.constant 10240 : i32
      %mul3A_337 = vector.broadcast %mul3A_336 : i32 to vector<16xi32>
      %mul3A_338 = arith.muli %get3A_331, %mul3A_337 : vector<16xi32>
      %add3A_339 = arith.addi %mul3A_338, %get3A_329 : vector<16xi32>
      %swap3A_340 = arith.constant 32 : index
      %swap3A_341 = tpu.vector_load %arg24[%swap3A_340] {strides = array<i32>} : memref<80xi32, #tpu.memory_space<vmem>>, vector<16xi32>,
      tpu.vector_store %arg24[%swap3A_340], %add3A_335 {strides = array<i32>} : memref<80xi32, #tpu.memory_space<vmem>>, vector<16xi32>,
      %swap3A_342 = arith.constant 32 : index
      %swap3A_343 = tpu.vector_load %arg29[%swap3A_342] {strides = array<i32>} : memref<80xi32, #tpu.memory_space<vmem>>, vector<16xi32>,
      tpu.vector_store %arg29[%swap3A_342], %add3A_339 {strides = array<i32>} : memref<80xi32, #tpu.memory_space<vmem>>, vector<16xi32>,
      %shift_right_logical3A_344 = arith.constant 4 : i32
      %shift_right_logical3A_345 = vector.broadcast %shift_right_logical3A_344 : i32 to vector<16xi32>
      %shift_right_logical3A_346 = arith.shrui %add3A_339, %shift_right_logical3A_345 : vector<16xi32>
      %and3A_347 = arith.constant 15 : i32
      %and3A_348 = vector.broadcast %and3A_347 : i32 to vector<16xi32>
      %and3A_349 = arith.andi %add3A_339, %and3A_348 : vector<16xi32>
      tpu.vector_store_idx %arg33[%shift_right_logical3A_346, %and3A_349], %broadcast_in_dim3A_1 {add = true} : memref<1280x16xf32, #tpu.memory_space<vmem>>[vector<16xi32>, vector<16xi32>], vector<16xf32>,
      %get3A_350 = arith.constant 48 : index
      %get3A_351 = tpu.vector_load %arg9[%get3A_350] {strides = array<i32>} : memref<80xi32, #tpu.memory_space<vmem>>, vector<16xi32>,
      %get3A_352 = arith.constant 48 : index
      %get3A_353 = tpu.vector_load %arg14[%get3A_352] {strides = array<i32>} : memref<80xi32, #tpu.memory_space<vmem>>, vector<16xi32>,
      %get3A_354 = arith.constant 48 : index
      %get3A_355 = tpu.vector_load %arg19[%get3A_354] {strides = array<i32>} : memref<80xi32, #tpu.memory_space<vmem>>, vector<16xi32>,
      %mul3A_356 = arith.constant 10240 : i32
      %mul3A_357 = vector.broadcast %mul3A_356 : i32 to vector<16xi32>
      %mul3A_358 = arith.muli %get3A_355, %mul3A_357 : vector<16xi32>
      %add3A_359 = arith.addi %mul3A_358, %get3A_351 : vector<16xi32>
      %mul3A_360 = arith.constant 10240 : i32
      %mul3A_361 = vector.broadcast %mul3A_360 : i32 to vector<16xi32>
      %mul3A_362 = arith.muli %get3A_355, %mul3A_361 : vector<16xi32>
      %add3A_363 = arith.addi %mul3A_362, %get3A_353 : vector<16xi32>
      %swap3A_364 = arith.constant 48 : index
      %swap3A_365 = tpu.vector_load %arg24[%swap3A_364] {strides = array<i32>} : memref<80xi32, #tpu.memory_space<vmem>>, vector<16xi32>,
      tpu.vector_store %arg24[%swap3A_364], %add3A_359 {strides = array<i32>} : memref<80xi32, #tpu.memory_space<vmem>>, vector<16xi32>,
      %swap3A_366 = arith.constant 48 : index
      %swap3A_367 = tpu.vector_load %arg29[%swap3A_366] {strides = array<i32>} : memref<80xi32, #tpu.memory_space<vmem>>, vector<16xi32>,
      tpu.vector_store %arg29[%swap3A_366], %add3A_363 {strides = array<i32>} : memref<80xi32, #tpu.memory_space<vmem>>, vector<16xi32>,
      %shift_right_logical3A_368 = arith.constant 4 : i32
      %shift_right_logical3A_369 = vector.broadcast %shift_right_logical3A_368 : i32 to vector<16xi32>
      %shift_right_logical3A_370 = arith.shrui %add3A_363, %shift_right_logical3A_369 : vector<16xi32>
      %and3A_371 = arith.constant 15 : i32
      %and3A_372 = vector.broadcast %and3A_371 : i32 to vector<16xi32>
      %and3A_373 = arith.andi %add3A_363, %and3A_372 : vector<16xi32>
      tpu.vector_store_idx %arg33[%shift_right_logical3A_370, %and3A_373], %broadcast_in_dim3A_1 {add = true} : memref<1280x16xf32, #tpu.memory_space<vmem>>[vector<16xi32>, vector<16xi32>], vector<16xf32>,
      %get3A_374 = arith.constant 64 : index
      %get3A_375 = tpu.vector_load %arg9[%get3A_374] {strides = array<i32>} : memref<80xi32, #tpu.memory_space<vmem>>, vector<16xi32>,
      %get3A_376 = arith.constant 64 : index
      %get3A_377 = tpu.vector_load %arg14[%get3A_376] {strides = array<i32>} : memref<80xi32, #tpu.memory_space<vmem>>, vector<16xi32>,
      %get3A_378 = arith.constant 64 : index
      %get3A_379 = tpu.vector_load %arg19[%get3A_378] {strides = array<i32>} : memref<80xi32, #tpu.memory_space<vmem>>, vector<16xi32>,
      %mul3A_380 = arith.constant 10240 : i32
      %mul3A_381 = vector.broadcast %mul3A_380 : i32 to vector<16xi32>
      %mul3A_382 = arith.muli %get3A_379, %mul3A_381 : vector<16xi32>
      %add3A_383 = arith.addi %mul3A_382, %get3A_375 : vector<16xi32>
      %mul3A_384 = arith.constant 10240 : i32
      %mul3A_385 = vector.broadcast %mul3A_384 : i32 to vector<16xi32>
      %mul3A_386 = arith.muli %get3A_379, %mul3A_385 : vector<16xi32>
      %add3A_387 = arith.addi %mul3A_386, %get3A_377 : vector<16xi32>
      %swap3A_388 = arith.constant 64 : index
      %swap3A_389 = tpu.vector_load %arg24[%swap3A_388] {strides = array<i32>} : memref<80xi32, #tpu.memory_space<vmem>>, vector<16xi32>,
      tpu.vector_store %arg24[%swap3A_388], %add3A_383 {strides = array<i32>} : memref<80xi32, #tpu.memory_space<vmem>>, vector<16xi32>,
      %swap3A_390 = arith.constant 64 : index
      %swap3A_391 = tpu.vector_load %arg29[%swap3A_390] {strides = array<i32>} : memref<80xi32, #tpu.memory_space<vmem>>, vector<16xi32>,
      tpu.vector_store %arg29[%swap3A_390], %add3A_387 {strides = array<i32>} : memref<80xi32, #tpu.memory_space<vmem>>, vector<16xi32>,
      %shift_right_logical3A_392 = arith.constant 4 : i32
      %shift_right_logical3A_393 = vector.broadcast %shift_right_logical3A_392 : i32 to vector<16xi32>
      %shift_right_logical3A_394 = arith.shrui %add3A_387, %shift_right_logical3A_393 : vector<16xi32>
      %and3A_395 = arith.constant 15 : i32
      %and3A_396 = vector.broadcast %and3A_395 : i32 to vector<16xi32>
      %and3A_397 = arith.andi %add3A_387, %and3A_396 : vector<16xi32>
      tpu.vector_store_idx %arg33[%shift_right_logical3A_394, %and3A_397], %broadcast_in_dim3A_1 {add = true} : memref<1280x16xf32, #tpu.memory_space<vmem>>[vector<16xi32>, vector<16xi32>], vector<16xf32>,
      %dma_start3A_398 = tpu.memref_slice %arg6[%add3A_272] : memref<320000xi32, #tpu.memory_space<hbm>> -> memref<80xi32, #tpu.memory_space<hbm>>
      %dma_start3A_399 = tpu.memref_slice %arg6[%add3A_272] : memref<320000xi32, #tpu.memory_space<hbm>> -> memref<80xi32, #tpu.memory_space<hbm>>
      tpu.enqueue_dma source(%arg24 : memref<80xi32, #tpu.memory_space<vmem>>) target(%dma_start3A_399 : memref<80xi32, #tpu.memory_space<hbm>>) target_semaphore(%arg39 : memref<!tpu.dma_semaphore, #tpu.memory_space<semaphore_mem>>)
      %dma_start3A_400 = tpu.memref_slice %arg7[%add3A_272] : memref<320000xi32, #tpu.memory_space<hbm>> -> memref<80xi32, #tpu.memory_space<hbm>>
      %dma_start3A_401 = tpu.memref_slice %arg7[%add3A_272] : memref<320000xi32, #tpu.memory_space<hbm>> -> memref<80xi32, #tpu.memory_space<hbm>>
      tpu.enqueue_dma source(%arg29 : memref<80xi32, #tpu.memory_space<vmem>>) target(%dma_start3A_401 : memref<80xi32, #tpu.memory_space<hbm>>) target_semaphore(%arg39 : memref<!tpu.dma_semaphore, #tpu.memory_space<semaphore_mem>>)
      %dma_wait3A_402 = arith.constant 0 : i32
      %dma_wait3A_403 = tpu.memref_slice %arg2[%dma_wait3A_402, %add3A_82] : memref<2x320000xi32, #tpu.memory_space<hbm>> -> memref<1x80xi32, #tpu.memory_space<hbm>>
      %dma_wait3A_404 = tpu.memref_squeeze %dma_wait3A_403 : memref<1x80xi32, #tpu.memory_space<hbm>> -> memref<80xi32, #tpu.memory_space<hbm>>
      %dma_wait3A_405 = tpu.memref_slice %arg2[%dma_wait3A_402, %add3A_82] : memref<2x320000xi32, #tpu.memory_space<hbm>> -> memref<1x80xi32, #tpu.memory_space<hbm>>
      %dma_wait3A_406 = tpu.memref_squeeze %dma_wait3A_405 : memref<1x80xi32, #tpu.memory_space<hbm>> -> memref<80xi32, #tpu.memory_space<hbm>>
      tpu.wait_dma2 semaphore(%arg36 : memref<!tpu.dma_semaphore, #tpu.memory_space<semaphore_mem>>) src(%dma_wait3A_406 : memref<80xi32, #tpu.memory_space<hbm>>) dst(%arg10 : memref<80xi32, #tpu.memory_space<vmem>>)
      %dma_wait3A_407 = arith.constant 1 : i32
      %dma_wait3A_408 = tpu.memref_slice %arg2[%dma_wait3A_407, %add3A_82] : memref<2x320000xi32, #tpu.memory_space<hbm>> -> memref<1x80xi32, #tpu.memory_space<hbm>>
      %dma_wait3A_409 = tpu.memref_squeeze %dma_wait3A_408 : memref<1x80xi32, #tpu.memory_space<hbm>> -> memref<80xi32, #tpu.memory_space<hbm>>
      %dma_wait3A_410 = tpu.memref_slice %arg2[%dma_wait3A_407, %add3A_82] : memref<2x320000xi32, #tpu.memory_space<hbm>> -> memref<1x80xi32, #tpu.memory_space<hbm>>
      %dma_wait3A_411 = tpu.memref_squeeze %dma_wait3A_410 : memref<1x80xi32, #tpu.memory_space<hbm>> -> memref<80xi32, #tpu.memory_space<hbm>>
      tpu.wait_dma2 semaphore(%arg36 : memref<!tpu.dma_semaphore, #tpu.memory_space<semaphore_mem>>) src(%dma_wait3A_411 : memref<80xi32, #tpu.memory_space<hbm>>) dst(%arg15 : memref<80xi32, #tpu.memory_space<vmem>>)
      %dma_wait3A_412 = tpu.memref_slice %arg3[%add3A_82] : memref<320000xi32, #tpu.memory_space<hbm>> -> memref<80xi32, #tpu.memory_space<hbm>>
      %dma_wait3A_413 = tpu.memref_slice %arg3[%add3A_82] : memref<320000xi32, #tpu.memory_space<hbm>> -> memref<80xi32, #tpu.memory_space<hbm>>
      tpu.wait_dma2 semaphore(%arg36 : memref<!tpu.dma_semaphore, #tpu.memory_space<semaphore_mem>>) src(%dma_wait3A_413 : memref<80xi32, #tpu.memory_space<hbm>>) dst(%arg20 : memref<80xi32, #tpu.memory_space<vmem>>)
      %add3A_414 = arith.constant 160 : i32
      %add3A_415 = arith.addi %multiple_of3A, %add3A_414 : i32
      %gt3A_416 = arith.constant 0 : i32
      %gt3A_417 = arith.cmpi sgt, %scan3A_49, %gt3A_416 : i32
      %convert_element_type3A_418 = arith.extui %gt3A_417 : i1 to i32
      %cond3A_419 = arith.constant 0 : i32
      %cond3A_420 = arith.cmpi ne, %convert_element_type3A_418, %cond3A_419 : i32
      scf.if %cond3A_420 {
        %dma_wait3A_832 = tpu.memref_slice %arg6[%add3A_415] : memref<320000xi32, #tpu.memory_space<hbm>> -> memref<80xi32, #tpu.memory_space<hbm>>
        %dma_wait3A_833 = tpu.memref_slice %arg6[%add3A_415] : memref<320000xi32, #tpu.memory_space<hbm>> -> memref<80xi32, #tpu.memory_space<hbm>>
        tpu.wait_dma2 semaphore(%arg39 : memref<!tpu.dma_semaphore, #tpu.memory_space<semaphore_mem>>) src(%arg25 : memref<80xi32, #tpu.memory_space<vmem>>) dst(%dma_wait3A_833 : memref<80xi32, #tpu.memory_space<hbm>>)
        %dma_wait3A_834 = tpu.memref_slice %arg7[%add3A_415] : memref<320000xi32, #tpu.memory_space<hbm>> -> memref<80xi32, #tpu.memory_space<hbm>>
        %dma_wait3A_835 = tpu.memref_slice %arg7[%add3A_415] : memref<320000xi32, #tpu.memory_space<hbm>> -> memref<80xi32, #tpu.memory_space<hbm>>
        tpu.wait_dma2 semaphore(%arg39 : memref<!tpu.dma_semaphore, #tpu.memory_space<semaphore_mem>>) src(%arg30 : memref<80xi32, #tpu.memory_space<vmem>>) dst(%dma_wait3A_835 : memref<80xi32, #tpu.memory_space<hbm>>)
      } else {
      }
      %get3A_421 = arith.constant 0 : index
      %get3A_422 = tpu.vector_load %arg10[%get3A_421] {strides = array<i32>} : memref<80xi32, #tpu.memory_space<vmem>>, vector<16xi32>,
      %get3A_423 = arith.constant 0 : index
      %get3A_424 = tpu.vector_load %arg15[%get3A_423] {strides = array<i32>} : memref<80xi32, #tpu.memory_space<vmem>>, vector<16xi32>,
      %get3A_425 = arith.constant 0 : index
      %get3A_426 = tpu.vector_load %arg20[%get3A_425] {strides = array<i32>} : memref<80xi32, #tpu.memory_space<vmem>>, vector<16xi32>,
      %mul3A_427 = arith.constant 10240 : i32
      %mul3A_428 = vector.broadcast %mul3A_427 : i32 to vector<16xi32>
      %mul3A_429 = arith.muli %get3A_426, %mul3A_428 : vector<16xi32>
      %add3A_430 = arith.addi %mul3A_429, %get3A_422 : vector<16xi32>
      %mul3A_431 = arith.constant 10240 : i32
      %mul3A_432 = vector.broadcast %mul3A_431 : i32 to vector<16xi32>
      %mul3A_433 = arith.muli %get3A_426, %mul3A_432 : vector<16xi32>
      %add3A_434 = arith.addi %mul3A_433, %get3A_424 : vector<16xi32>
      %swap3A_435 = arith.constant 0 : index
      %swap3A_436 = tpu.vector_load %arg25[%swap3A_435] {strides = array<i32>} : memref<80xi32, #tpu.memory_space<vmem>>, vector<16xi32>,
      tpu.vector_store %arg25[%swap3A_435], %add3A_430 {strides = array<i32>} : memref<80xi32, #tpu.memory_space<vmem>>, vector<16xi32>,
      %swap3A_437 = arith.constant 0 : index
      %swap3A_438 = tpu.vector_load %arg30[%swap3A_437] {strides = array<i32>} : memref<80xi32, #tpu.memory_space<vmem>>, vector<16xi32>,
      tpu.vector_store %arg30[%swap3A_437], %add3A_434 {strides = array<i32>} : memref<80xi32, #tpu.memory_space<vmem>>, vector<16xi32>,
      %shift_right_logical3A_439 = arith.constant 4 : i32
      %shift_right_logical3A_440 = vector.broadcast %shift_right_logical3A_439 : i32 to vector<16xi32>
      %shift_right_logical3A_441 = arith.shrui %add3A_434, %shift_right_logical3A_440 : vector<16xi32>
      %and3A_442 = arith.constant 15 : i32
      %and3A_443 = vector.broadcast %and3A_442 : i32 to vector<16xi32>
      %and3A_444 = arith.andi %add3A_434, %and3A_443 : vector<16xi32>
      tpu.vector_store_idx %arg33[%shift_right_logical3A_441, %and3A_444], %broadcast_in_dim3A_1 {add = true} : memref<1280x16xf32, #tpu.memory_space<vmem>>[vector<16xi32>, vector<16xi32>], vector<16xf32>,
      %get3A_445 = arith.constant 16 : index
      %get3A_446 = tpu.vector_load %arg10[%get3A_445] {strides = array<i32>} : memref<80xi32, #tpu.memory_space<vmem>>, vector<16xi32>,
      %get3A_447 = arith.constant 16 : index
      %get3A_448 = tpu.vector_load %arg15[%get3A_447] {strides = array<i32>} : memref<80xi32, #tpu.memory_space<vmem>>, vector<16xi32>,
      %get3A_449 = arith.constant 16 : index
      %get3A_450 = tpu.vector_load %arg20[%get3A_449] {strides = array<i32>} : memref<80xi32, #tpu.memory_space<vmem>>, vector<16xi32>,
      %mul3A_451 = arith.constant 10240 : i32
      %mul3A_452 = vector.broadcast %mul3A_451 : i32 to vector<16xi32>
      %mul3A_453 = arith.muli %get3A_450, %mul3A_452 : vector<16xi32>
      %add3A_454 = arith.addi %mul3A_453, %get3A_446 : vector<16xi32>
      %mul3A_455 = arith.constant 10240 : i32
      %mul3A_456 = vector.broadcast %mul3A_455 : i32 to vector<16xi32>
      %mul3A_457 = arith.muli %get3A_450, %mul3A_456 : vector<16xi32>
      %add3A_458 = arith.addi %mul3A_457, %get3A_448 : vector<16xi32>
      %swap3A_459 = arith.constant 16 : index
      %swap3A_460 = tpu.vector_load %arg25[%swap3A_459] {strides = array<i32>} : memref<80xi32, #tpu.memory_space<vmem>>, vector<16xi32>,
      tpu.vector_store %arg25[%swap3A_459], %add3A_454 {strides = array<i32>} : memref<80xi32, #tpu.memory_space<vmem>>, vector<16xi32>,
      %swap3A_461 = arith.constant 16 : index
      %swap3A_462 = tpu.vector_load %arg30[%swap3A_461] {strides = array<i32>} : memref<80xi32, #tpu.memory_space<vmem>>, vector<16xi32>,
      tpu.vector_store %arg30[%swap3A_461], %add3A_458 {strides = array<i32>} : memref<80xi32, #tpu.memory_space<vmem>>, vector<16xi32>,
      %shift_right_logical3A_463 = arith.constant 4 : i32
      %shift_right_logical3A_464 = vector.broadcast %shift_right_logical3A_463 : i32 to vector<16xi32>
      %shift_right_logical3A_465 = arith.shrui %add3A_458, %shift_right_logical3A_464 : vector<16xi32>
      %and3A_466 = arith.constant 15 : i32
      %and3A_467 = vector.broadcast %and3A_466 : i32 to vector<16xi32>
      %and3A_468 = arith.andi %add3A_458, %and3A_467 : vector<16xi32>
      tpu.vector_store_idx %arg33[%shift_right_logical3A_465, %and3A_468], %broadcast_in_dim3A_1 {add = true} : memref<1280x16xf32, #tpu.memory_space<vmem>>[vector<16xi32>, vector<16xi32>], vector<16xf32>,
      %get3A_469 = arith.constant 32 : index
      %get3A_470 = tpu.vector_load %arg10[%get3A_469] {strides = array<i32>} : memref<80xi32, #tpu.memory_space<vmem>>, vector<16xi32>,
      %get3A_471 = arith.constant 32 : index
      %get3A_472 = tpu.vector_load %arg15[%get3A_471] {strides = array<i32>} : memref<80xi32, #tpu.memory_space<vmem>>, vector<16xi32>,
      %get3A_473 = arith.constant 32 : index
      %get3A_474 = tpu.vector_load %arg20[%get3A_473] {strides = array<i32>} : memref<80xi32, #tpu.memory_space<vmem>>, vector<16xi32>,
      %mul3A_475 = arith.constant 10240 : i32
      %mul3A_476 = vector.broadcast %mul3A_475 : i32 to vector<16xi32>
      %mul3A_477 = arith.muli %get3A_474, %mul3A_476 : vector<16xi32>
      %add3A_478 = arith.addi %mul3A_477, %get3A_470 : vector<16xi32>
      %mul3A_479 = arith.constant 10240 : i32
      %mul3A_480 = vector.broadcast %mul3A_479 : i32 to vector<16xi32>
      %mul3A_481 = arith.muli %get3A_474, %mul3A_480 : vector<16xi32>
      %add3A_482 = arith.addi %mul3A_481, %get3A_472 : vector<16xi32>
      %swap3A_483 = arith.constant 32 : index
      %swap3A_484 = tpu.vector_load %arg25[%swap3A_483] {strides = array<i32>} : memref<80xi32, #tpu.memory_space<vmem>>, vector<16xi32>,
      tpu.vector_store %arg25[%swap3A_483], %add3A_478 {strides = array<i32>} : memref<80xi32, #tpu.memory_space<vmem>>, vector<16xi32>,
      %swap3A_485 = arith.constant 32 : index
      %swap3A_486 = tpu.vector_load %arg30[%swap3A_485] {strides = array<i32>} : memref<80xi32, #tpu.memory_space<vmem>>, vector<16xi32>,
      tpu.vector_store %arg30[%swap3A_485], %add3A_482 {strides = array<i32>} : memref<80xi32, #tpu.memory_space<vmem>>, vector<16xi32>,
      %shift_right_logical3A_487 = arith.constant 4 : i32
      %shift_right_logical3A_488 = vector.broadcast %shift_right_logical3A_487 : i32 to vector<16xi32>
      %shift_right_logical3A_489 = arith.shrui %add3A_482, %shift_right_logical3A_488 : vector<16xi32>
      %and3A_490 = arith.constant 15 : i32
      %and3A_491 = vector.broadcast %and3A_490 : i32 to vector<16xi32>
      %and3A_492 = arith.andi %add3A_482, %and3A_491 : vector<16xi32>
      tpu.vector_store_idx %arg33[%shift_right_logical3A_489, %and3A_492], %broadcast_in_dim3A_1 {add = true} : memref<1280x16xf32, #tpu.memory_space<vmem>>[vector<16xi32>, vector<16xi32>], vector<16xf32>,
      %get3A_493 = arith.constant 48 : index
      %get3A_494 = tpu.vector_load %arg10[%get3A_493] {strides = array<i32>} : memref<80xi32, #tpu.memory_space<vmem>>, vector<16xi32>,
      %get3A_495 = arith.constant 48 : index
      %get3A_496 = tpu.vector_load %arg15[%get3A_495] {strides = array<i32>} : memref<80xi32, #tpu.memory_space<vmem>>, vector<16xi32>,
      %get3A_497 = arith.constant 48 : index
      %get3A_498 = tpu.vector_load %arg20[%get3A_497] {strides = array<i32>} : memref<80xi32, #tpu.memory_space<vmem>>, vector<16xi32>,
      %mul3A_499 = arith.constant 10240 : i32
      %mul3A_500 = vector.broadcast %mul3A_499 : i32 to vector<16xi32>
      %mul3A_501 = arith.muli %get3A_498, %mul3A_500 : vector<16xi32>
      %add3A_502 = arith.addi %mul3A_501, %get3A_494 : vector<16xi32>
      %mul3A_503 = arith.constant 10240 : i32
      %mul3A_504 = vector.broadcast %mul3A_503 : i32 to vector<16xi32>
      %mul3A_505 = arith.muli %get3A_498, %mul3A_504 : vector<16xi32>
      %add3A_506 = arith.addi %mul3A_505, %get3A_496 : vector<16xi32>
      %swap3A_507 = arith.constant 48 : index
      %swap3A_508 = tpu.vector_load %arg25[%swap3A_507] {strides = array<i32>} : memref<80xi32, #tpu.memory_space<vmem>>, vector<16xi32>,
      tpu.vector_store %arg25[%swap3A_507], %add3A_502 {strides = array<i32>} : memref<80xi32, #tpu.memory_space<vmem>>, vector<16xi32>,
      %swap3A_509 = arith.constant 48 : index
      %swap3A_510 = tpu.vector_load %arg30[%swap3A_509] {strides = array<i32>} : memref<80xi32, #tpu.memory_space<vmem>>, vector<16xi32>,
      tpu.vector_store %arg30[%swap3A_509], %add3A_506 {strides = array<i32>} : memref<80xi32, #tpu.memory_space<vmem>>, vector<16xi32>,
      %shift_right_logical3A_511 = arith.constant 4 : i32
      %shift_right_logical3A_512 = vector.broadcast %shift_right_logical3A_511 : i32 to vector<16xi32>
      %shift_right_logical3A_513 = arith.shrui %add3A_506, %shift_right_logical3A_512 : vector<16xi32>
      %and3A_514 = arith.constant 15 : i32
      %and3A_515 = vector.broadcast %and3A_514 : i32 to vector<16xi32>
      %and3A_516 = arith.andi %add3A_506, %and3A_515 : vector<16xi32>
      tpu.vector_store_idx %arg33[%shift_right_logical3A_513, %and3A_516], %broadcast_in_dim3A_1 {add = true} : memref<1280x16xf32, #tpu.memory_space<vmem>>[vector<16xi32>, vector<16xi32>], vector<16xf32>,
      %get3A_517 = arith.constant 64 : index
      %get3A_518 = tpu.vector_load %arg10[%get3A_517] {strides = array<i32>} : memref<80xi32, #tpu.memory_space<vmem>>, vector<16xi32>,
      %get3A_519 = arith.constant 64 : index
      %get3A_520 = tpu.vector_load %arg15[%get3A_519] {strides = array<i32>} : memref<80xi32, #tpu.memory_space<vmem>>, vector<16xi32>,
      %get3A_521 = arith.constant 64 : index
      %get3A_522 = tpu.vector_load %arg20[%get3A_521] {strides = array<i32>} : memref<80xi32, #tpu.memory_space<vmem>>, vector<16xi32>,
      %mul3A_523 = arith.constant 10240 : i32
      %mul3A_524 = vector.broadcast %mul3A_523 : i32 to vector<16xi32>
      %mul3A_525 = arith.muli %get3A_522, %mul3A_524 : vector<16xi32>
      %add3A_526 = arith.addi %mul3A_525, %get3A_518 : vector<16xi32>
      %mul3A_527 = arith.constant 10240 : i32
      %mul3A_528 = vector.broadcast %mul3A_527 : i32 to vector<16xi32>
      %mul3A_529 = arith.muli %get3A_522, %mul3A_528 : vector<16xi32>
      %add3A_530 = arith.addi %mul3A_529, %get3A_520 : vector<16xi32>
      %swap3A_531 = arith.constant 64 : index
      %swap3A_532 = tpu.vector_load %arg25[%swap3A_531] {strides = array<i32>} : memref<80xi32, #tpu.memory_space<vmem>>, vector<16xi32>,
      tpu.vector_store %arg25[%swap3A_531], %add3A_526 {strides = array<i32>} : memref<80xi32, #tpu.memory_space<vmem>>, vector<16xi32>,
      %swap3A_533 = arith.constant 64 : index
      %swap3A_534 = tpu.vector_load %arg30[%swap3A_533] {strides = array<i32>} : memref<80xi32, #tpu.memory_space<vmem>>, vector<16xi32>,
      tpu.vector_store %arg30[%swap3A_533], %add3A_530 {strides = array<i32>} : memref<80xi32, #tpu.memory_space<vmem>>, vector<16xi32>,
      %shift_right_logical3A_535 = arith.constant 4 : i32
      %shift_right_logical3A_536 = vector.broadcast %shift_right_logical3A_535 : i32 to vector<16xi32>
      %shift_right_logical3A_537 = arith.shrui %add3A_530, %shift_right_logical3A_536 : vector<16xi32>
      %and3A_538 = arith.constant 15 : i32
      %and3A_539 = vector.broadcast %and3A_538 : i32 to vector<16xi32>
      %and3A_540 = arith.andi %add3A_530, %and3A_539 : vector<16xi32>
      tpu.vector_store_idx %arg33[%shift_right_logical3A_537, %and3A_540], %broadcast_in_dim3A_1 {add = true} : memref<1280x16xf32, #tpu.memory_space<vmem>>[vector<16xi32>, vector<16xi32>], vector<16xf32>,
      %dma_start3A_541 = tpu.memref_slice %arg6[%add3A_415] : memref<320000xi32, #tpu.memory_space<hbm>> -> memref<80xi32, #tpu.memory_space<hbm>>
      %dma_start3A_542 = tpu.memref_slice %arg6[%add3A_415] : memref<320000xi32, #tpu.memory_space<hbm>> -> memref<80xi32, #tpu.memory_space<hbm>>
      tpu.enqueue_dma source(%arg25 : memref<80xi32, #tpu.memory_space<vmem>>) target(%dma_start3A_542 : memref<80xi32, #tpu.memory_space<hbm>>) target_semaphore(%arg39 : memref<!tpu.dma_semaphore, #tpu.memory_space<semaphore_mem>>)
      %dma_start3A_543 = tpu.memref_slice %arg7[%add3A_415] : memref<320000xi32, #tpu.memory_space<hbm>> -> memref<80xi32, #tpu.memory_space<hbm>>
      %dma_start3A_544 = tpu.memref_slice %arg7[%add3A_415] : memref<320000xi32, #tpu.memory_space<hbm>> -> memref<80xi32, #tpu.memory_space<hbm>>
      tpu.enqueue_dma source(%arg30 : memref<80xi32, #tpu.memory_space<vmem>>) target(%dma_start3A_544 : memref<80xi32, #tpu.memory_space<hbm>>) target_semaphore(%arg39 : memref<!tpu.dma_semaphore, #tpu.memory_space<semaphore_mem>>)
      %dma_wait3A_545 = arith.constant 0 : i32
      %dma_wait3A_546 = tpu.memref_slice %arg2[%dma_wait3A_545, %add3A_96] : memref<2x320000xi32, #tpu.memory_space<hbm>> -> memref<1x80xi32, #tpu.memory_space<hbm>>
      %dma_wait3A_547 = tpu.memref_squeeze %dma_wait3A_546 : memref<1x80xi32, #tpu.memory_space<hbm>> -> memref<80xi32, #tpu.memory_space<hbm>>
      %dma_wait3A_548 = tpu.memref_slice %arg2[%dma_wait3A_545, %add3A_96] : memref<2x320000xi32, #tpu.memory_space<hbm>> -> memref<1x80xi32, #tpu.memory_space<hbm>>
      %dma_wait3A_549 = tpu.memref_squeeze %dma_wait3A_548 : memref<1x80xi32, #tpu.memory_space<hbm>> -> memref<80xi32, #tpu.memory_space<hbm>>
      tpu.wait_dma2 semaphore(%arg37 : memref<!tpu.dma_semaphore, #tpu.memory_space<semaphore_mem>>) src(%dma_wait3A_549 : memref<80xi32, #tpu.memory_space<hbm>>) dst(%arg11 : memref<80xi32, #tpu.memory_space<vmem>>)
      %dma_wait3A_550 = arith.constant 1 : i32
      %dma_wait3A_551 = tpu.memref_slice %arg2[%dma_wait3A_550, %add3A_96] : memref<2x320000xi32, #tpu.memory_space<hbm>> -> memref<1x80xi32, #tpu.memory_space<hbm>>
      %dma_wait3A_552 = tpu.memref_squeeze %dma_wait3A_551 : memref<1x80xi32, #tpu.memory_space<hbm>> -> memref<80xi32, #tpu.memory_space<hbm>>
      %dma_wait3A_553 = tpu.memref_slice %arg2[%dma_wait3A_550, %add3A_96] : memref<2x320000xi32, #tpu.memory_space<hbm>> -> memref<1x80xi32, #tpu.memory_space<hbm>>
      %dma_wait3A_554 = tpu.memref_squeeze %dma_wait3A_553 : memref<1x80xi32, #tpu.memory_space<hbm>> -> memref<80xi32, #tpu.memory_space<hbm>>
      tpu.wait_dma2 semaphore(%arg37 : memref<!tpu.dma_semaphore, #tpu.memory_space<semaphore_mem>>) src(%dma_wait3A_554 : memref<80xi32, #tpu.memory_space<hbm>>) dst(%arg16 : memref<80xi32, #tpu.memory_space<vmem>>)
      %dma_wait3A_555 = tpu.memref_slice %arg3[%add3A_96] : memref<320000xi32, #tpu.memory_space<hbm>> -> memref<80xi32, #tpu.memory_space<hbm>>
      %dma_wait3A_556 = tpu.memref_slice %arg3[%add3A_96] : memref<320000xi32, #tpu.memory_space<hbm>> -> memref<80xi32, #tpu.memory_space<hbm>>
      tpu.wait_dma2 semaphore(%arg37 : memref<!tpu.dma_semaphore, #tpu.memory_space<semaphore_mem>>) src(%dma_wait3A_556 : memref<80xi32, #tpu.memory_space<hbm>>) dst(%arg21 : memref<80xi32, #tpu.memory_space<vmem>>)
      %add3A_557 = arith.constant 240 : i32
      %add3A_558 = arith.addi %multiple_of3A, %add3A_557 : i32
      %gt3A_559 = arith.constant 0 : i32
      %gt3A_560 = arith.cmpi sgt, %scan3A_49, %gt3A_559 : i32
      %convert_element_type3A_561 = arith.extui %gt3A_560 : i1 to i32
      %cond3A_562 = arith.constant 0 : i32
      %cond3A_563 = arith.cmpi ne, %convert_element_type3A_561, %cond3A_562 : i32
      scf.if %cond3A_563 {
        %dma_wait3A_832 = tpu.memref_slice %arg6[%add3A_558] : memref<320000xi32, #tpu.memory_space<hbm>> -> memref<80xi32, #tpu.memory_space<hbm>>
        %dma_wait3A_833 = tpu.memref_slice %arg6[%add3A_558] : memref<320000xi32, #tpu.memory_space<hbm>> -> memref<80xi32, #tpu.memory_space<hbm>>
        tpu.wait_dma2 semaphore(%arg39 : memref<!tpu.dma_semaphore, #tpu.memory_space<semaphore_mem>>) src(%arg26 : memref<80xi32, #tpu.memory_space<vmem>>) dst(%dma_wait3A_833 : memref<80xi32, #tpu.memory_space<hbm>>)
        %dma_wait3A_834 = tpu.memref_slice %arg7[%add3A_558] : memref<320000xi32, #tpu.memory_space<hbm>> -> memref<80xi32, #tpu.memory_space<hbm>>
        %dma_wait3A_835 = tpu.memref_slice %arg7[%add3A_558] : memref<320000xi32, #tpu.memory_space<hbm>> -> memref<80xi32, #tpu.memory_space<hbm>>
        tpu.wait_dma2 semaphore(%arg39 : memref<!tpu.dma_semaphore, #tpu.memory_space<semaphore_mem>>) src(%arg31 : memref<80xi32, #tpu.memory_space<vmem>>) dst(%dma_wait3A_835 : memref<80xi32, #tpu.memory_space<hbm>>)
      } else {
      }
      %get3A_564 = arith.constant 0 : index
      %get3A_565 = tpu.vector_load %arg11[%get3A_564] {strides = array<i32>} : memref<80xi32, #tpu.memory_space<vmem>>, vector<16xi32>,
      %get3A_566 = arith.constant 0 : index
      %get3A_567 = tpu.vector_load %arg16[%get3A_566] {strides = array<i32>} : memref<80xi32, #tpu.memory_space<vmem>>, vector<16xi32>,
      %get3A_568 = arith.constant 0 : index
      %get3A_569 = tpu.vector_load %arg21[%get3A_568] {strides = array<i32>} : memref<80xi32, #tpu.memory_space<vmem>>, vector<16xi32>,
      %mul3A_570 = arith.constant 10240 : i32
      %mul3A_571 = vector.broadcast %mul3A_570 : i32 to vector<16xi32>
      %mul3A_572 = arith.muli %get3A_569, %mul3A_571 : vector<16xi32>
      %add3A_573 = arith.addi %mul3A_572, %get3A_565 : vector<16xi32>
      %mul3A_574 = arith.constant 10240 : i32
      %mul3A_575 = vector.broadcast %mul3A_574 : i32 to vector<16xi32>
      %mul3A_576 = arith.muli %get3A_569, %mul3A_575 : vector<16xi32>
      %add3A_577 = arith.addi %mul3A_576, %get3A_567 : vector<16xi32>
      %swap3A_578 = arith.constant 0 : index
      %swap3A_579 = tpu.vector_load %arg26[%swap3A_578] {strides = array<i32>} : memref<80xi32, #tpu.memory_space<vmem>>, vector<16xi32>,
      tpu.vector_store %arg26[%swap3A_578], %add3A_573 {strides = array<i32>} : memref<80xi32, #tpu.memory_space<vmem>>, vector<16xi32>,
      %swap3A_580 = arith.constant 0 : index
      %swap3A_581 = tpu.vector_load %arg31[%swap3A_580] {strides = array<i32>} : memref<80xi32, #tpu.memory_space<vmem>>, vector<16xi32>,
      tpu.vector_store %arg31[%swap3A_580], %add3A_577 {strides = array<i32>} : memref<80xi32, #tpu.memory_space<vmem>>, vector<16xi32>,
      %shift_right_logical3A_582 = arith.constant 4 : i32
      %shift_right_logical3A_583 = vector.broadcast %shift_right_logical3A_582 : i32 to vector<16xi32>
      %shift_right_logical3A_584 = arith.shrui %add3A_577, %shift_right_logical3A_583 : vector<16xi32>
      %and3A_585 = arith.constant 15 : i32
      %and3A_586 = vector.broadcast %and3A_585 : i32 to vector<16xi32>
      %and3A_587 = arith.andi %add3A_577, %and3A_586 : vector<16xi32>
      tpu.vector_store_idx %arg33[%shift_right_logical3A_584, %and3A_587], %broadcast_in_dim3A_1 {add = true} : memref<1280x16xf32, #tpu.memory_space<vmem>>[vector<16xi32>, vector<16xi32>], vector<16xf32>,
      %get3A_588 = arith.constant 16 : index
      %get3A_589 = tpu.vector_load %arg11[%get3A_588] {strides = array<i32>} : memref<80xi32, #tpu.memory_space<vmem>>, vector<16xi32>,
      %get3A_590 = arith.constant 16 : index
      %get3A_591 = tpu.vector_load %arg16[%get3A_590] {strides = array<i32>} : memref<80xi32, #tpu.memory_space<vmem>>, vector<16xi32>,
      %get3A_592 = arith.constant 16 : index
      %get3A_593 = tpu.vector_load %arg21[%get3A_592] {strides = array<i32>} : memref<80xi32, #tpu.memory_space<vmem>>, vector<16xi32>,
      %mul3A_594 = arith.constant 10240 : i32
      %mul3A_595 = vector.broadcast %mul3A_594 : i32 to vector<16xi32>
      %mul3A_596 = arith.muli %get3A_593, %mul3A_595 : vector<16xi32>
      %add3A_597 = arith.addi %mul3A_596, %get3A_589 : vector<16xi32>
      %mul3A_598 = arith.constant 10240 : i32
      %mul3A_599 = vector.broadcast %mul3A_598 : i32 to vector<16xi32>
      %mul3A_600 = arith.muli %get3A_593, %mul3A_599 : vector<16xi32>
      %add3A_601 = arith.addi %mul3A_600, %get3A_591 : vector<16xi32>
      %swap3A_602 = arith.constant 16 : index
      %swap3A_603 = tpu.vector_load %arg26[%swap3A_602] {strides = array<i32>} : memref<80xi32, #tpu.memory_space<vmem>>, vector<16xi32>,
      tpu.vector_store %arg26[%swap3A_602], %add3A_597 {strides = array<i32>} : memref<80xi32, #tpu.memory_space<vmem>>, vector<16xi32>,
      %swap3A_604 = arith.constant 16 : index
      %swap3A_605 = tpu.vector_load %arg31[%swap3A_604] {strides = array<i32>} : memref<80xi32, #tpu.memory_space<vmem>>, vector<16xi32>,
      tpu.vector_store %arg31[%swap3A_604], %add3A_601 {strides = array<i32>} : memref<80xi32, #tpu.memory_space<vmem>>, vector<16xi32>,
      %shift_right_logical3A_606 = arith.constant 4 : i32
      %shift_right_logical3A_607 = vector.broadcast %shift_right_logical3A_606 : i32 to vector<16xi32>
      %shift_right_logical3A_608 = arith.shrui %add3A_601, %shift_right_logical3A_607 : vector<16xi32>
      %and3A_609 = arith.constant 15 : i32
      %and3A_610 = vector.broadcast %and3A_609 : i32 to vector<16xi32>
      %and3A_611 = arith.andi %add3A_601, %and3A_610 : vector<16xi32>
      tpu.vector_store_idx %arg33[%shift_right_logical3A_608, %and3A_611], %broadcast_in_dim3A_1 {add = true} : memref<1280x16xf32, #tpu.memory_space<vmem>>[vector<16xi32>, vector<16xi32>], vector<16xf32>,
      %get3A_612 = arith.constant 32 : index
      %get3A_613 = tpu.vector_load %arg11[%get3A_612] {strides = array<i32>} : memref<80xi32, #tpu.memory_space<vmem>>, vector<16xi32>,
      %get3A_614 = arith.constant 32 : index
      %get3A_615 = tpu.vector_load %arg16[%get3A_614] {strides = array<i32>} : memref<80xi32, #tpu.memory_space<vmem>>, vector<16xi32>,
      %get3A_616 = arith.constant 32 : index
      %get3A_617 = tpu.vector_load %arg21[%get3A_616] {strides = array<i32>} : memref<80xi32, #tpu.memory_space<vmem>>, vector<16xi32>,
      %mul3A_618 = arith.constant 10240 : i32
      %mul3A_619 = vector.broadcast %mul3A_618 : i32 to vector<16xi32>
      %mul3A_620 = arith.muli %get3A_617, %mul3A_619 : vector<16xi32>
      %add3A_621 = arith.addi %mul3A_620, %get3A_613 : vector<16xi32>
      %mul3A_622 = arith.constant 10240 : i32
      %mul3A_623 = vector.broadcast %mul3A_622 : i32 to vector<16xi32>
      %mul3A_624 = arith.muli %get3A_617, %mul3A_623 : vector<16xi32>
      %add3A_625 = arith.addi %mul3A_624, %get3A_615 : vector<16xi32>
      %swap3A_626 = arith.constant 32 : index
      %swap3A_627 = tpu.vector_load %arg26[%swap3A_626] {strides = array<i32>} : memref<80xi32, #tpu.memory_space<vmem>>, vector<16xi32>,
      tpu.vector_store %arg26[%swap3A_626], %add3A_621 {strides = array<i32>} : memref<80xi32, #tpu.memory_space<vmem>>, vector<16xi32>,
      %swap3A_628 = arith.constant 32 : index
      %swap3A_629 = tpu.vector_load %arg31[%swap3A_628] {strides = array<i32>} : memref<80xi32, #tpu.memory_space<vmem>>, vector<16xi32>,
      tpu.vector_store %arg31[%swap3A_628], %add3A_625 {strides = array<i32>} : memref<80xi32, #tpu.memory_space<vmem>>, vector<16xi32>,
      %shift_right_logical3A_630 = arith.constant 4 : i32
      %shift_right_logical3A_631 = vector.broadcast %shift_right_logical3A_630 : i32 to vector<16xi32>
      %shift_right_logical3A_632 = arith.shrui %add3A_625, %shift_right_logical3A_631 : vector<16xi32>
      %and3A_633 = arith.constant 15 : i32
      %and3A_634 = vector.broadcast %and3A_633 : i32 to vector<16xi32>
      %and3A_635 = arith.andi %add3A_625, %and3A_634 : vector<16xi32>
      tpu.vector_store_idx %arg33[%shift_right_logical3A_632, %and3A_635], %broadcast_in_dim3A_1 {add = true} : memref<1280x16xf32, #tpu.memory_space<vmem>>[vector<16xi32>, vector<16xi32>], vector<16xf32>,
      %get3A_636 = arith.constant 48 : index
      %get3A_637 = tpu.vector_load %arg11[%get3A_636] {strides = array<i32>} : memref<80xi32, #tpu.memory_space<vmem>>, vector<16xi32>,
      %get3A_638 = arith.constant 48 : index
      %get3A_639 = tpu.vector_load %arg16[%get3A_638] {strides = array<i32>} : memref<80xi32, #tpu.memory_space<vmem>>, vector<16xi32>,
      %get3A_640 = arith.constant 48 : index
      %get3A_641 = tpu.vector_load %arg21[%get3A_640] {strides = array<i32>} : memref<80xi32, #tpu.memory_space<vmem>>, vector<16xi32>,
      %mul3A_642 = arith.constant 10240 : i32
      %mul3A_643 = vector.broadcast %mul3A_642 : i32 to vector<16xi32>
      %mul3A_644 = arith.muli %get3A_641, %mul3A_643 : vector<16xi32>
      %add3A_645 = arith.addi %mul3A_644, %get3A_637 : vector<16xi32>
      %mul3A_646 = arith.constant 10240 : i32
      %mul3A_647 = vector.broadcast %mul3A_646 : i32 to vector<16xi32>
      %mul3A_648 = arith.muli %get3A_641, %mul3A_647 : vector<16xi32>
      %add3A_649 = arith.addi %mul3A_648, %get3A_639 : vector<16xi32>
      %swap3A_650 = arith.constant 48 : index
      %swap3A_651 = tpu.vector_load %arg26[%swap3A_650] {strides = array<i32>} : memref<80xi32, #tpu.memory_space<vmem>>, vector<16xi32>,
      tpu.vector_store %arg26[%swap3A_650], %add3A_645 {strides = array<i32>} : memref<80xi32, #tpu.memory_space<vmem>>, vector<16xi32>,
      %swap3A_652 = arith.constant 48 : index
      %swap3A_653 = tpu.vector_load %arg31[%swap3A_652] {strides = array<i32>} : memref<80xi32, #tpu.memory_space<vmem>>, vector<16xi32>,
      tpu.vector_store %arg31[%swap3A_652], %add3A_649 {strides = array<i32>} : memref<80xi32, #tpu.memory_space<vmem>>, vector<16xi32>,
      %shift_right_logical3A_654 = arith.constant 4 : i32
      %shift_right_logical3A_655 = vector.broadcast %shift_right_logical3A_654 : i32 to vector<16xi32>
      %shift_right_logical3A_656 = arith.shrui %add3A_649, %shift_right_logical3A_655 : vector<16xi32>
      %and3A_657 = arith.constant 15 : i32
      %and3A_658 = vector.broadcast %and3A_657 : i32 to vector<16xi32>
      %and3A_659 = arith.andi %add3A_649, %and3A_658 : vector<16xi32>
      tpu.vector_store_idx %arg33[%shift_right_logical3A_656, %and3A_659], %broadcast_in_dim3A_1 {add = true} : memref<1280x16xf32, #tpu.memory_space<vmem>>[vector<16xi32>, vector<16xi32>], vector<16xf32>,
      %get3A_660 = arith.constant 64 : index
      %get3A_661 = tpu.vector_load %arg11[%get3A_660] {strides = array<i32>} : memref<80xi32, #tpu.memory_space<vmem>>, vector<16xi32>,
      %get3A_662 = arith.constant 64 : index
      %get3A_663 = tpu.vector_load %arg16[%get3A_662] {strides = array<i32>} : memref<80xi32, #tpu.memory_space<vmem>>, vector<16xi32>,
      %get3A_664 = arith.constant 64 : index
      %get3A_665 = tpu.vector_load %arg21[%get3A_664] {strides = array<i32>} : memref<80xi32, #tpu.memory_space<vmem>>, vector<16xi32>,
      %mul3A_666 = arith.constant 10240 : i32
      %mul3A_667 = vector.broadcast %mul3A_666 : i32 to vector<16xi32>
      %mul3A_668 = arith.muli %get3A_665, %mul3A_667 : vector<16xi32>
      %add3A_669 = arith.addi %mul3A_668, %get3A_661 : vector<16xi32>
      %mul3A_670 = arith.constant 10240 : i32
      %mul3A_671 = vector.broadcast %mul3A_670 : i32 to vector<16xi32>
      %mul3A_672 = arith.muli %get3A_665, %mul3A_671 : vector<16xi32>
      %add3A_673 = arith.addi %mul3A_672, %get3A_663 : vector<16xi32>
      %swap3A_674 = arith.constant 64 : index
      %swap3A_675 = tpu.vector_load %arg26[%swap3A_674] {strides = array<i32>} : memref<80xi32, #tpu.memory_space<vmem>>, vector<16xi32>,
      tpu.vector_store %arg26[%swap3A_674], %add3A_669 {strides = array<i32>} : memref<80xi32, #tpu.memory_space<vmem>>, vector<16xi32>,
      %swap3A_676 = arith.constant 64 : index
      %swap3A_677 = tpu.vector_load %arg31[%swap3A_676] {strides = array<i32>} : memref<80xi32, #tpu.memory_space<vmem>>, vector<16xi32>,
      tpu.vector_store %arg31[%swap3A_676], %add3A_673 {strides = array<i32>} : memref<80xi32, #tpu.memory_space<vmem>>, vector<16xi32>,
      %shift_right_logical3A_678 = arith.constant 4 : i32
      %shift_right_logical3A_679 = vector.broadcast %shift_right_logical3A_678 : i32 to vector<16xi32>
      %shift_right_logical3A_680 = arith.shrui %add3A_673, %shift_right_logical3A_679 : vector<16xi32>
      %and3A_681 = arith.constant 15 : i32
      %and3A_682 = vector.broadcast %and3A_681 : i32 to vector<16xi32>
      %and3A_683 = arith.andi %add3A_673, %and3A_682 : vector<16xi32>
      tpu.vector_store_idx %arg33[%shift_right_logical3A_680, %and3A_683], %broadcast_in_dim3A_1 {add = true} : memref<1280x16xf32, #tpu.memory_space<vmem>>[vector<16xi32>, vector<16xi32>], vector<16xf32>,
      %dma_start3A_684 = tpu.memref_slice %arg6[%add3A_558] : memref<320000xi32, #tpu.memory_space<hbm>> -> memref<80xi32, #tpu.memory_space<hbm>>
      %dma_start3A_685 = tpu.memref_slice %arg6[%add3A_558] : memref<320000xi32, #tpu.memory_space<hbm>> -> memref<80xi32, #tpu.memory_space<hbm>>
      tpu.enqueue_dma source(%arg26 : memref<80xi32, #tpu.memory_space<vmem>>) target(%dma_start3A_685 : memref<80xi32, #tpu.memory_space<hbm>>) target_semaphore(%arg39 : memref<!tpu.dma_semaphore, #tpu.memory_space<semaphore_mem>>)
      %dma_start3A_686 = tpu.memref_slice %arg7[%add3A_558] : memref<320000xi32, #tpu.memory_space<hbm>> -> memref<80xi32, #tpu.memory_space<hbm>>
      %dma_start3A_687 = tpu.memref_slice %arg7[%add3A_558] : memref<320000xi32, #tpu.memory_space<hbm>> -> memref<80xi32, #tpu.memory_space<hbm>>
      tpu.enqueue_dma source(%arg31 : memref<80xi32, #tpu.memory_space<vmem>>) target(%dma_start3A_687 : memref<80xi32, #tpu.memory_space<hbm>>) target_semaphore(%arg39 : memref<!tpu.dma_semaphore, #tpu.memory_space<semaphore_mem>>)
      %dma_wait3A_688 = arith.constant 0 : i32
      %dma_wait3A_689 = tpu.memref_slice %arg2[%dma_wait3A_688, %add3A_110] : memref<2x320000xi32, #tpu.memory_space<hbm>> -> memref<1x80xi32, #tpu.memory_space<hbm>>
      %dma_wait3A_690 = tpu.memref_squeeze %dma_wait3A_689 : memref<1x80xi32, #tpu.memory_space<hbm>> -> memref<80xi32, #tpu.memory_space<hbm>>
      %dma_wait3A_691 = tpu.memref_slice %arg2[%dma_wait3A_688, %add3A_110] : memref<2x320000xi32, #tpu.memory_space<hbm>> -> memref<1x80xi32, #tpu.memory_space<hbm>>
      %dma_wait3A_692 = tpu.memref_squeeze %dma_wait3A_691 : memref<1x80xi32, #tpu.memory_space<hbm>> -> memref<80xi32, #tpu.memory_space<hbm>>
      tpu.wait_dma2 semaphore(%arg38 : memref<!tpu.dma_semaphore, #tpu.memory_space<semaphore_mem>>) src(%dma_wait3A_692 : memref<80xi32, #tpu.memory_space<hbm>>) dst(%arg12 : memref<80xi32, #tpu.memory_space<vmem>>)
      %dma_wait3A_693 = arith.constant 1 : i32
      %dma_wait3A_694 = tpu.memref_slice %arg2[%dma_wait3A_693, %add3A_110] : memref<2x320000xi32, #tpu.memory_space<hbm>> -> memref<1x80xi32, #tpu.memory_space<hbm>>
      %dma_wait3A_695 = tpu.memref_squeeze %dma_wait3A_694 : memref<1x80xi32, #tpu.memory_space<hbm>> -> memref<80xi32, #tpu.memory_space<hbm>>
      %dma_wait3A_696 = tpu.memref_slice %arg2[%dma_wait3A_693, %add3A_110] : memref<2x320000xi32, #tpu.memory_space<hbm>> -> memref<1x80xi32, #tpu.memory_space<hbm>>
      %dma_wait3A_697 = tpu.memref_squeeze %dma_wait3A_696 : memref<1x80xi32, #tpu.memory_space<hbm>> -> memref<80xi32, #tpu.memory_space<hbm>>
      tpu.wait_dma2 semaphore(%arg38 : memref<!tpu.dma_semaphore, #tpu.memory_space<semaphore_mem>>) src(%dma_wait3A_697 : memref<80xi32, #tpu.memory_space<hbm>>) dst(%arg17 : memref<80xi32, #tpu.memory_space<vmem>>)
      %dma_wait3A_698 = tpu.memref_slice %arg3[%add3A_110] : memref<320000xi32, #tpu.memory_space<hbm>> -> memref<80xi32, #tpu.memory_space<hbm>>
      %dma_wait3A_699 = tpu.memref_slice %arg3[%add3A_110] : memref<320000xi32, #tpu.memory_space<hbm>> -> memref<80xi32, #tpu.memory_space<hbm>>
      tpu.wait_dma2 semaphore(%arg38 : memref<!tpu.dma_semaphore, #tpu.memory_space<semaphore_mem>>) src(%dma_wait3A_699 : memref<80xi32, #tpu.memory_space<hbm>>) dst(%arg22 : memref<80xi32, #tpu.memory_space<vmem>>)
      %add3A_700 = arith.constant 320 : i32
      %add3A_701 = arith.addi %multiple_of3A, %add3A_700 : i32
      %gt3A_702 = arith.constant 0 : i32
      %gt3A_703 = arith.cmpi sgt, %scan3A_49, %gt3A_702 : i32
      %convert_element_type3A_704 = arith.extui %gt3A_703 : i1 to i32
      %cond3A_705 = arith.constant 0 : i32
      %cond3A_706 = arith.cmpi ne, %convert_element_type3A_704, %cond3A_705 : i32
      scf.if %cond3A_706 {
        %dma_wait3A_832 = tpu.memref_slice %arg6[%add3A_701] : memref<320000xi32, #tpu.memory_space<hbm>> -> memref<80xi32, #tpu.memory_space<hbm>>
        %dma_wait3A_833 = tpu.memref_slice %arg6[%add3A_701] : memref<320000xi32, #tpu.memory_space<hbm>> -> memref<80xi32, #tpu.memory_space<hbm>>
        tpu.wait_dma2 semaphore(%arg39 : memref<!tpu.dma_semaphore, #tpu.memory_space<semaphore_mem>>) src(%arg27 : memref<80xi32, #tpu.memory_space<vmem>>) dst(%dma_wait3A_833 : memref<80xi32, #tpu.memory_space<hbm>>)
        %dma_wait3A_834 = tpu.memref_slice %arg7[%add3A_701] : memref<320000xi32, #tpu.memory_space<hbm>> -> memref<80xi32, #tpu.memory_space<hbm>>
        %dma_wait3A_835 = tpu.memref_slice %arg7[%add3A_701] : memref<320000xi32, #tpu.memory_space<hbm>> -> memref<80xi32, #tpu.memory_space<hbm>>
        tpu.wait_dma2 semaphore(%arg39 : memref<!tpu.dma_semaphore, #tpu.memory_space<semaphore_mem>>) src(%arg32 : memref<80xi32, #tpu.memory_space<vmem>>) dst(%dma_wait3A_835 : memref<80xi32, #tpu.memory_space<hbm>>)
      } else {
      }
      %get3A_707 = arith.constant 0 : index
      %get3A_708 = tpu.vector_load %arg12[%get3A_707] {strides = array<i32>} : memref<80xi32, #tpu.memory_space<vmem>>, vector<16xi32>,
      %get3A_709 = arith.constant 0 : index
      %get3A_710 = tpu.vector_load %arg17[%get3A_709] {strides = array<i32>} : memref<80xi32, #tpu.memory_space<vmem>>, vector<16xi32>,
      %get3A_711 = arith.constant 0 : index
      %get3A_712 = tpu.vector_load %arg22[%get3A_711] {strides = array<i32>} : memref<80xi32, #tpu.memory_space<vmem>>, vector<16xi32>,
      %mul3A_713 = arith.constant 10240 : i32
      %mul3A_714 = vector.broadcast %mul3A_713 : i32 to vector<16xi32>
      %mul3A_715 = arith.muli %get3A_712, %mul3A_714 : vector<16xi32>
      %add3A_716 = arith.addi %mul3A_715, %get3A_708 : vector<16xi32>
      %mul3A_717 = arith.constant 10240 : i32
      %mul3A_718 = vector.broadcast %mul3A_717 : i32 to vector<16xi32>
      %mul3A_719 = arith.muli %get3A_712, %mul3A_718 : vector<16xi32>
      %add3A_720 = arith.addi %mul3A_719, %get3A_710 : vector<16xi32>
      %swap3A_721 = arith.constant 0 : index
      %swap3A_722 = tpu.vector_load %arg27[%swap3A_721] {strides = array<i32>} : memref<80xi32, #tpu.memory_space<vmem>>, vector<16xi32>,
      tpu.vector_store %arg27[%swap3A_721], %add3A_716 {strides = array<i32>} : memref<80xi32, #tpu.memory_space<vmem>>, vector<16xi32>,
      %swap3A_723 = arith.constant 0 : index
      %swap3A_724 = tpu.vector_load %arg32[%swap3A_723] {strides = array<i32>} : memref<80xi32, #tpu.memory_space<vmem>>, vector<16xi32>,
      tpu.vector_store %arg32[%swap3A_723], %add3A_720 {strides = array<i32>} : memref<80xi32, #tpu.memory_space<vmem>>, vector<16xi32>,
      %shift_right_logical3A_725 = arith.constant 4 : i32
      %shift_right_logical3A_726 = vector.broadcast %shift_right_logical3A_725 : i32 to vector<16xi32>
      %shift_right_logical3A_727 = arith.shrui %add3A_720, %shift_right_logical3A_726 : vector<16xi32>
      %and3A_728 = arith.constant 15 : i32
      %and3A_729 = vector.broadcast %and3A_728 : i32 to vector<16xi32>
      %and3A_730 = arith.andi %add3A_720, %and3A_729 : vector<16xi32>
      tpu.vector_store_idx %arg33[%shift_right_logical3A_727, %and3A_730], %broadcast_in_dim3A_1 {add = true} : memref<1280x16xf32, #tpu.memory_space<vmem>>[vector<16xi32>, vector<16xi32>], vector<16xf32>,
      %get3A_731 = arith.constant 16 : index
      %get3A_732 = tpu.vector_load %arg12[%get3A_731] {strides = array<i32>} : memref<80xi32, #tpu.memory_space<vmem>>, vector<16xi32>,
      %get3A_733 = arith.constant 16 : index
      %get3A_734 = tpu.vector_load %arg17[%get3A_733] {strides = array<i32>} : memref<80xi32, #tpu.memory_space<vmem>>, vector<16xi32>,
      %get3A_735 = arith.constant 16 : index
      %get3A_736 = tpu.vector_load %arg22[%get3A_735] {strides = array<i32>} : memref<80xi32, #tpu.memory_space<vmem>>, vector<16xi32>,
      %mul3A_737 = arith.constant 10240 : i32
      %mul3A_738 = vector.broadcast %mul3A_737 : i32 to vector<16xi32>
      %mul3A_739 = arith.muli %get3A_736, %mul3A_738 : vector<16xi32>
      %add3A_740 = arith.addi %mul3A_739, %get3A_732 : vector<16xi32>
      %mul3A_741 = arith.constant 10240 : i32
      %mul3A_742 = vector.broadcast %mul3A_741 : i32 to vector<16xi32>
      %mul3A_743 = arith.muli %get3A_736, %mul3A_742 : vector<16xi32>
      %add3A_744 = arith.addi %mul3A_743, %get3A_734 : vector<16xi32>
      %swap3A_745 = arith.constant 16 : index
      %swap3A_746 = tpu.vector_load %arg27[%swap3A_745] {strides = array<i32>} : memref<80xi32, #tpu.memory_space<vmem>>, vector<16xi32>,
      tpu.vector_store %arg27[%swap3A_745], %add3A_740 {strides = array<i32>} : memref<80xi32, #tpu.memory_space<vmem>>, vector<16xi32>,
      %swap3A_747 = arith.constant 16 : index
      %swap3A_748 = tpu.vector_load %arg32[%swap3A_747] {strides = array<i32>} : memref<80xi32, #tpu.memory_space<vmem>>, vector<16xi32>,
      tpu.vector_store %arg32[%swap3A_747], %add3A_744 {strides = array<i32>} : memref<80xi32, #tpu.memory_space<vmem>>, vector<16xi32>,
      %shift_right_logical3A_749 = arith.constant 4 : i32
      %shift_right_logical3A_750 = vector.broadcast %shift_right_logical3A_749 : i32 to vector<16xi32>
      %shift_right_logical3A_751 = arith.shrui %add3A_744, %shift_right_logical3A_750 : vector<16xi32>
      %and3A_752 = arith.constant 15 : i32
      %and3A_753 = vector.broadcast %and3A_752 : i32 to vector<16xi32>
      %and3A_754 = arith.andi %add3A_744, %and3A_753 : vector<16xi32>
      tpu.vector_store_idx %arg33[%shift_right_logical3A_751, %and3A_754], %broadcast_in_dim3A_1 {add = true} : memref<1280x16xf32, #tpu.memory_space<vmem>>[vector<16xi32>, vector<16xi32>], vector<16xf32>,
      %get3A_755 = arith.constant 32 : index
      %get3A_756 = tpu.vector_load %arg12[%get3A_755] {strides = array<i32>} : memref<80xi32, #tpu.memory_space<vmem>>, vector<16xi32>,
      %get3A_757 = arith.constant 32 : index
      %get3A_758 = tpu.vector_load %arg17[%get3A_757] {strides = array<i32>} : memref<80xi32, #tpu.memory_space<vmem>>, vector<16xi32>,
      %get3A_759 = arith.constant 32 : index
      %get3A_760 = tpu.vector_load %arg22[%get3A_759] {strides = array<i32>} : memref<80xi32, #tpu.memory_space<vmem>>, vector<16xi32>,
      %mul3A_761 = arith.constant 10240 : i32
      %mul3A_762 = vector.broadcast %mul3A_761 : i32 to vector<16xi32>
      %mul3A_763 = arith.muli %get3A_760, %mul3A_762 : vector<16xi32>
      %add3A_764 = arith.addi %mul3A_763, %get3A_756 : vector<16xi32>
      %mul3A_765 = arith.constant 10240 : i32
      %mul3A_766 = vector.broadcast %mul3A_765 : i32 to vector<16xi32>
      %mul3A_767 = arith.muli %get3A_760, %mul3A_766 : vector<16xi32>
      %add3A_768 = arith.addi %mul3A_767, %get3A_758 : vector<16xi32>
      %swap3A_769 = arith.constant 32 : index
      %swap3A_770 = tpu.vector_load %arg27[%swap3A_769] {strides = array<i32>} : memref<80xi32, #tpu.memory_space<vmem>>, vector<16xi32>,
      tpu.vector_store %arg27[%swap3A_769], %add3A_764 {strides = array<i32>} : memref<80xi32, #tpu.memory_space<vmem>>, vector<16xi32>,
      %swap3A_771 = arith.constant 32 : index
      %swap3A_772 = tpu.vector_load %arg32[%swap3A_771] {strides = array<i32>} : memref<80xi32, #tpu.memory_space<vmem>>, vector<16xi32>,
      tpu.vector_store %arg32[%swap3A_771], %add3A_768 {strides = array<i32>} : memref<80xi32, #tpu.memory_space<vmem>>, vector<16xi32>,
      %shift_right_logical3A_773 = arith.constant 4 : i32
      %shift_right_logical3A_774 = vector.broadcast %shift_right_logical3A_773 : i32 to vector<16xi32>
      %shift_right_logical3A_775 = arith.shrui %add3A_768, %shift_right_logical3A_774 : vector<16xi32>
      %and3A_776 = arith.constant 15 : i32
      %and3A_777 = vector.broadcast %and3A_776 : i32 to vector<16xi32>
      %and3A_778 = arith.andi %add3A_768, %and3A_777 : vector<16xi32>
      tpu.vector_store_idx %arg33[%shift_right_logical3A_775, %and3A_778], %broadcast_in_dim3A_1 {add = true} : memref<1280x16xf32, #tpu.memory_space<vmem>>[vector<16xi32>, vector<16xi32>], vector<16xf32>,
      %get3A_779 = arith.constant 48 : index
      %get3A_780 = tpu.vector_load %arg12[%get3A_779] {strides = array<i32>} : memref<80xi32, #tpu.memory_space<vmem>>, vector<16xi32>,
      %get3A_781 = arith.constant 48 : index
      %get3A_782 = tpu.vector_load %arg17[%get3A_781] {strides = array<i32>} : memref<80xi32, #tpu.memory_space<vmem>>, vector<16xi32>,
      %get3A_783 = arith.constant 48 : index
      %get3A_784 = tpu.vector_load %arg22[%get3A_783] {strides = array<i32>} : memref<80xi32, #tpu.memory_space<vmem>>, vector<16xi32>,
      %mul3A_785 = arith.constant 10240 : i32
      %mul3A_786 = vector.broadcast %mul3A_785 : i32 to vector<16xi32>
      %mul3A_787 = arith.muli %get3A_784, %mul3A_786 : vector<16xi32>
      %add3A_788 = arith.addi %mul3A_787, %get3A_780 : vector<16xi32>
      %mul3A_789 = arith.constant 10240 : i32
      %mul3A_790 = vector.broadcast %mul3A_789 : i32 to vector<16xi32>
      %mul3A_791 = arith.muli %get3A_784, %mul3A_790 : vector<16xi32>
      %add3A_792 = arith.addi %mul3A_791, %get3A_782 : vector<16xi32>
      %swap3A_793 = arith.constant 48 : index
      %swap3A_794 = tpu.vector_load %arg27[%swap3A_793] {strides = array<i32>} : memref<80xi32, #tpu.memory_space<vmem>>, vector<16xi32>,
      tpu.vector_store %arg27[%swap3A_793], %add3A_788 {strides = array<i32>} : memref<80xi32, #tpu.memory_space<vmem>>, vector<16xi32>,
      %swap3A_795 = arith.constant 48 : index
      %swap3A_796 = tpu.vector_load %arg32[%swap3A_795] {strides = array<i32>} : memref<80xi32, #tpu.memory_space<vmem>>, vector<16xi32>,
      tpu.vector_store %arg32[%swap3A_795], %add3A_792 {strides = array<i32>} : memref<80xi32, #tpu.memory_space<vmem>>, vector<16xi32>,
      %shift_right_logical3A_797 = arith.constant 4 : i32
      %shift_right_logical3A_798 = vector.broadcast %shift_right_logical3A_797 : i32 to vector<16xi32>
      %shift_right_logical3A_799 = arith.shrui %add3A_792, %shift_right_logical3A_798 : vector<16xi32>
      %and3A_800 = arith.constant 15 : i32
      %and3A_801 = vector.broadcast %and3A_800 : i32 to vector<16xi32>
      %and3A_802 = arith.andi %add3A_792, %and3A_801 : vector<16xi32>
      tpu.vector_store_idx %arg33[%shift_right_logical3A_799, %and3A_802], %broadcast_in_dim3A_1 {add = true} : memref<1280x16xf32, #tpu.memory_space<vmem>>[vector<16xi32>, vector<16xi32>], vector<16xf32>,
      %get3A_803 = arith.constant 64 : index
      %get3A_804 = tpu.vector_load %arg12[%get3A_803] {strides = array<i32>} : memref<80xi32, #tpu.memory_space<vmem>>, vector<16xi32>,
      %get3A_805 = arith.constant 64 : index
      %get3A_806 = tpu.vector_load %arg17[%get3A_805] {strides = array<i32>} : memref<80xi32, #tpu.memory_space<vmem>>, vector<16xi32>,
      %get3A_807 = arith.constant 64 : index
      %get3A_808 = tpu.vector_load %arg22[%get3A_807] {strides = array<i32>} : memref<80xi32, #tpu.memory_space<vmem>>, vector<16xi32>,
      %mul3A_809 = arith.constant 10240 : i32
      %mul3A_810 = vector.broadcast %mul3A_809 : i32 to vector<16xi32>
      %mul3A_811 = arith.muli %get3A_808, %mul3A_810 : vector<16xi32>
      %add3A_812 = arith.addi %mul3A_811, %get3A_804 : vector<16xi32>
      %mul3A_813 = arith.constant 10240 : i32
      %mul3A_814 = vector.broadcast %mul3A_813 : i32 to vector<16xi32>
      %mul3A_815 = arith.muli %get3A_808, %mul3A_814 : vector<16xi32>
      %add3A_816 = arith.addi %mul3A_815, %get3A_806 : vector<16xi32>
      %swap3A_817 = arith.constant 64 : index
      %swap3A_818 = tpu.vector_load %arg27[%swap3A_817] {strides = array<i32>} : memref<80xi32, #tpu.memory_space<vmem>>, vector<16xi32>,
      tpu.vector_store %arg27[%swap3A_817], %add3A_812 {strides = array<i32>} : memref<80xi32, #tpu.memory_space<vmem>>, vector<16xi32>,
      %swap3A_819 = arith.constant 64 : index
      %swap3A_820 = tpu.vector_load %arg32[%swap3A_819] {strides = array<i32>} : memref<80xi32, #tpu.memory_space<vmem>>, vector<16xi32>,
      tpu.vector_store %arg32[%swap3A_819], %add3A_816 {strides = array<i32>} : memref<80xi32, #tpu.memory_space<vmem>>, vector<16xi32>,
      %shift_right_logical3A_821 = arith.constant 4 : i32
      %shift_right_logical3A_822 = vector.broadcast %shift_right_logical3A_821 : i32 to vector<16xi32>
      %shift_right_logical3A_823 = arith.shrui %add3A_816, %shift_right_logical3A_822 : vector<16xi32>
      %and3A_824 = arith.constant 15 : i32
      %and3A_825 = vector.broadcast %and3A_824 : i32 to vector<16xi32>
      %and3A_826 = arith.andi %add3A_816, %and3A_825 : vector<16xi32>
      tpu.vector_store_idx %arg33[%shift_right_logical3A_823, %and3A_826], %broadcast_in_dim3A_1 {add = true} : memref<1280x16xf32, #tpu.memory_space<vmem>>[vector<16xi32>, vector<16xi32>], vector<16xf32>,
      %dma_start3A_827 = tpu.memref_slice %arg6[%add3A_701] : memref<320000xi32, #tpu.memory_space<hbm>> -> memref<80xi32, #tpu.memory_space<hbm>>
      %dma_start3A_828 = tpu.memref_slice %arg6[%add3A_701] : memref<320000xi32, #tpu.memory_space<hbm>> -> memref<80xi32, #tpu.memory_space<hbm>>
      tpu.enqueue_dma source(%arg27 : memref<80xi32, #tpu.memory_space<vmem>>) target(%dma_start3A_828 : memref<80xi32, #tpu.memory_space<hbm>>) target_semaphore(%arg39 : memref<!tpu.dma_semaphore, #tpu.memory_space<semaphore_mem>>)
      %dma_start3A_829 = tpu.memref_slice %arg7[%add3A_701] : memref<320000xi32, #tpu.memory_space<hbm>> -> memref<80xi32, #tpu.memory_space<hbm>>
      %dma_start3A_830 = tpu.memref_slice %arg7[%add3A_701] : memref<320000xi32, #tpu.memory_space<hbm>> -> memref<80xi32, #tpu.memory_space<hbm>>
      tpu.enqueue_dma source(%arg32 : memref<80xi32, #tpu.memory_space<vmem>>) target(%dma_start3A_830 : memref<80xi32, #tpu.memory_space<hbm>>) target_semaphore(%arg39 : memref<!tpu.dma_semaphore, #tpu.memory_space<semaphore_mem>>)
      %scan3A_831 = arith.constant 0 : i32
      scf.yield %scan3A_831 : i32
    }
    %scan3A_9 = arith.constant 25 : i32
    %dma_wait3A = arith.constant 0 : i32
    %dma_wait3A_10 = tpu.memref_slice %arg6[%dma_wait3A] : memref<320000xi32, #tpu.memory_space<hbm>> -> memref<80xi32, #tpu.memory_space<hbm>>
    %dma_wait3A_11 = arith.constant 0 : i32
    %dma_wait3A_12 = tpu.memref_slice %arg6[%dma_wait3A_11] : memref<320000xi32, #tpu.memory_space<hbm>> -> memref<80xi32, #tpu.memory_space<hbm>>
    tpu.wait_dma2 semaphore(%arg39 : memref<!tpu.dma_semaphore, #tpu.memory_space<semaphore_mem>>) src(%arg23 : memref<80xi32, #tpu.memory_space<vmem>>) dst(%dma_wait3A_12 : memref<80xi32, #tpu.memory_space<hbm>>)
    %dma_wait3A_13 = arith.constant 0 : i32
    %dma_wait3A_14 = tpu.memref_slice %arg7[%dma_wait3A_13] : memref<320000xi32, #tpu.memory_space<hbm>> -> memref<80xi32, #tpu.memory_space<hbm>>
    %dma_wait3A_15 = arith.constant 0 : i32
    %dma_wait3A_16 = tpu.memref_slice %arg7[%dma_wait3A_15] : memref<320000xi32, #tpu.memory_space<hbm>> -> memref<80xi32, #tpu.memory_space<hbm>>
    tpu.wait_dma2 semaphore(%arg39 : memref<!tpu.dma_semaphore, #tpu.memory_space<semaphore_mem>>) src(%arg28 : memref<80xi32, #tpu.memory_space<vmem>>) dst(%dma_wait3A_16 : memref<80xi32, #tpu.memory_space<hbm>>)
    %dma_wait3A_17 = arith.constant 0 : i32
    %dma_wait3A_18 = tpu.memref_slice %arg6[%dma_wait3A_17] : memref<320000xi32, #tpu.memory_space<hbm>> -> memref<80xi32, #tpu.memory_space<hbm>>
    %dma_wait3A_19 = arith.constant 0 : i32
    %dma_wait3A_20 = tpu.memref_slice %arg6[%dma_wait3A_19] : memref<320000xi32, #tpu.memory_space<hbm>> -> memref<80xi32, #tpu.memory_space<hbm>>
    tpu.wait_dma2 semaphore(%arg39 : memref<!tpu.dma_semaphore, #tpu.memory_space<semaphore_mem>>) src(%arg24 : memref<80xi32, #tpu.memory_space<vmem>>) dst(%dma_wait3A_20 : memref<80xi32, #tpu.memory_space<hbm>>)
    %dma_wait3A_21 = arith.constant 0 : i32
    %dma_wait3A_22 = tpu.memref_slice %arg7[%dma_wait3A_21] : memref<320000xi32, #tpu.memory_space<hbm>> -> memref<80xi32, #tpu.memory_space<hbm>>
    %dma_wait3A_23 = arith.constant 0 : i32
    %dma_wait3A_24 = tpu.memref_slice %arg7[%dma_wait3A_23] : memref<320000xi32, #tpu.memory_space<hbm>> -> memref<80xi32, #tpu.memory_space<hbm>>
    tpu.wait_dma2 semaphore(%arg39 : memref<!tpu.dma_semaphore, #tpu.memory_space<semaphore_mem>>) src(%arg29 : memref<80xi32, #tpu.memory_space<vmem>>) dst(%dma_wait3A_24 : memref<80xi32, #tpu.memory_space<hbm>>)
    %dma_wait3A_25 = arith.constant 0 : i32
    %dma_wait3A_26 = tpu.memref_slice %arg6[%dma_wait3A_25] : memref<320000xi32, #tpu.memory_space<hbm>> -> memref<80xi32, #tpu.memory_space<hbm>>
    %dma_wait3A_27 = arith.constant 0 : i32
    %dma_wait3A_28 = tpu.memref_slice %arg6[%dma_wait3A_27] : memref<320000xi32, #tpu.memory_space<hbm>> -> memref<80xi32, #tpu.memory_space<hbm>>
    tpu.wait_dma2 semaphore(%arg39 : memref<!tpu.dma_semaphore, #tpu.memory_space<semaphore_mem>>) src(%arg25 : memref<80xi32, #tpu.memory_space<vmem>>) dst(%dma_wait3A_28 : memref<80xi32, #tpu.memory_space<hbm>>)
    %dma_wait3A_29 = arith.constant 0 : i32
    %dma_wait3A_30 = tpu.memref_slice %arg7[%dma_wait3A_29] : memref<320000xi32, #tpu.memory_space<hbm>> -> memref<80xi32, #tpu.memory_space<hbm>>
    %dma_wait3A_31 = arith.constant 0 : i32
    %dma_wait3A_32 = tpu.memref_slice %arg7[%dma_wait3A_31] : memref<320000xi32, #tpu.memory_space<hbm>> -> memref<80xi32, #tpu.memory_space<hbm>>
    tpu.wait_dma2 semaphore(%arg39 : memref<!tpu.dma_semaphore, #tpu.memory_space<semaphore_mem>>) src(%arg30 : memref<80xi32, #tpu.memory_space<vmem>>) dst(%dma_wait3A_32 : memref<80xi32, #tpu.memory_space<hbm>>)
    %dma_wait3A_33 = arith.constant 0 : i32
    %dma_wait3A_34 = tpu.memref_slice %arg6[%dma_wait3A_33] : memref<320000xi32, #tpu.memory_space<hbm>> -> memref<80xi32, #tpu.memory_space<hbm>>
    %dma_wait3A_35 = arith.constant 0 : i32
    %dma_wait3A_36 = tpu.memref_slice %arg6[%dma_wait3A_35] : memref<320000xi32, #tpu.memory_space<hbm>> -> memref<80xi32, #tpu.memory_space<hbm>>
    tpu.wait_dma2 semaphore(%arg39 : memref<!tpu.dma_semaphore, #tpu.memory_space<semaphore_mem>>) src(%arg26 : memref<80xi32, #tpu.memory_space<vmem>>) dst(%dma_wait3A_36 : memref<80xi32, #tpu.memory_space<hbm>>)
    %dma_wait3A_37 = arith.constant 0 : i32
    %dma_wait3A_38 = tpu.memref_slice %arg7[%dma_wait3A_37] : memref<320000xi32, #tpu.memory_space<hbm>> -> memref<80xi32, #tpu.memory_space<hbm>>
    %dma_wait3A_39 = arith.constant 0 : i32
    %dma_wait3A_40 = tpu.memref_slice %arg7[%dma_wait3A_39] : memref<320000xi32, #tpu.memory_space<hbm>> -> memref<80xi32, #tpu.memory_space<hbm>>
    tpu.wait_dma2 semaphore(%arg39 : memref<!tpu.dma_semaphore, #tpu.memory_space<semaphore_mem>>) src(%arg31 : memref<80xi32, #tpu.memory_space<vmem>>) dst(%dma_wait3A_40 : memref<80xi32, #tpu.memory_space<hbm>>)
    %dma_wait3A_41 = arith.constant 0 : i32
    %dma_wait3A_42 = tpu.memref_slice %arg6[%dma_wait3A_41] : memref<320000xi32, #tpu.memory_space<hbm>> -> memref<80xi32, #tpu.memory_space<hbm>>
    %dma_wait3A_43 = arith.constant 0 : i32
    %dma_wait3A_44 = tpu.memref_slice %arg6[%dma_wait3A_43] : memref<320000xi32, #tpu.memory_space<hbm>> -> memref<80xi32, #tpu.memory_space<hbm>>
    tpu.wait_dma2 semaphore(%arg39 : memref<!tpu.dma_semaphore, #tpu.memory_space<semaphore_mem>>) src(%arg27 : memref<80xi32, #tpu.memory_space<vmem>>) dst(%dma_wait3A_44 : memref<80xi32, #tpu.memory_space<hbm>>)
    %dma_wait3A_45 = arith.constant 0 : i32
    %dma_wait3A_46 = tpu.memref_slice %arg7[%dma_wait3A_45] : memref<320000xi32, #tpu.memory_space<hbm>> -> memref<80xi32, #tpu.memory_space<hbm>>
    %dma_wait3A_47 = arith.constant 0 : i32
    %dma_wait3A_48 = tpu.memref_slice %arg7[%dma_wait3A_47] : memref<320000xi32, #tpu.memory_space<hbm>> -> memref<80xi32, #tpu.memory_space<hbm>>
    tpu.wait_dma2 semaphore(%arg39 : memref<!tpu.dma_semaphore, #tpu.memory_space<semaphore_mem>>) src(%arg32 : memref<80xi32, #tpu.memory_space<vmem>>) dst(%dma_wait3A_48 : memref<80xi32, #tpu.memory_space<hbm>>)
    "tpu.region"() ({
      %run_scoped3A = tpu.sem_alloc : memref<!tpu.dma_semaphore, #tpu.memory_space<semaphore_mem>>
      %dma_start3A = arith.constant 0 : i32
      %dma_start3A_49 = arith.constant 0 : i32
      %dma_start3A_50 = tpu.memref_slice %arg5[%add3A, %dma_start3A, %dma_start3A_49] : memref<32x1280x16xf32, #tpu.memory_space<hbm>> -> memref<1x1280x16xf32, #tpu.memory_space<hbm>>
      %dma_start3A_51 = tpu.memref_squeeze %dma_start3A_50 : memref<1x1280x16xf32, #tpu.memory_space<hbm>> -> memref<1280x16xf32, #tpu.memory_space<hbm>>
      %dma_start3A_52 = arith.constant 0 : i32
      %dma_start3A_53 = arith.constant 0 : i32
      %dma_start3A_54 = tpu.memref_slice %arg5[%add3A, %dma_start3A_52, %dma_start3A_53] : memref<32x1280x16xf32, #tpu.memory_space<hbm>> -> memref<1x1280x16xf32, #tpu.memory_space<hbm>>
      %dma_start3A_55 = tpu.memref_squeeze %dma_start3A_54 : memref<1x1280x16xf32, #tpu.memory_space<hbm>> -> memref<1280x16xf32, #tpu.memory_space<hbm>>
      tpu.enqueue_dma source(%arg33 : memref<1280x16xf32, #tpu.memory_space<vmem>>) target(%dma_start3A_55 : memref<1280x16xf32, #tpu.memory_space<hbm>>) target_semaphore(%run_scoped3A : memref<!tpu.dma_semaphore, #tpu.memory_space<semaphore_mem>>)
      %dma_wait3A_56 = arith.constant 0 : i32
      %dma_wait3A_57 = arith.constant 0 : i32
      %dma_wait3A_58 = tpu.memref_slice %arg5[%add3A, %dma_wait3A_56, %dma_wait3A_57] : memref<32x1280x16xf32, #tpu.memory_space<hbm>> -> memref<1x1280x16xf32, #tpu.memory_space<hbm>>
      %dma_wait3A_59 = tpu.memref_squeeze %dma_wait3A_58 : memref<1x1280x16xf32, #tpu.memory_space<hbm>> -> memref<1280x16xf32, #tpu.memory_space<hbm>>
      %dma_wait3A_60 = arith.constant 0 : i32
      %dma_wait3A_61 = arith.constant 0 : i32
      %dma_wait3A_62 = tpu.memref_slice %arg5[%add3A, %dma_wait3A_60, %dma_wait3A_61] : memref<32x1280x16xf32, #tpu.memory_space<hbm>> -> memref<1x1280x16xf32, #tpu.memory_space<hbm>>
      %dma_wait3A_63 = tpu.memref_squeeze %dma_wait3A_62 : memref<1x1280x16xf32, #tpu.memory_space<hbm>> -> memref<1280x16xf32, #tpu.memory_space<hbm>>
      tpu.wait_dma2 semaphore(%run_scoped3A : memref<!tpu.dma_semaphore, #tpu.memory_space<semaphore_mem>>) src(%arg33 : memref<1280x16xf32, #tpu.memory_space<vmem>>) dst(%dma_wait3A_63 : memref<1280x16xf32, #tpu.memory_space<hbm>>)
      tpu.yield
    }) : () -> ()
    return
  }
}

#map = affine_map<(d0, d1) -> (0)>
#map1 = affine_map<(d0, d1) -> (0, 0)>
#map2 = affine_map<(d0, d1) -> (0, 0, 0)>
module attributes {stable_mosaic.version = 14 : i64} {
  func.func @gather_kernel(%arg0: i32, %arg1: i32, %arg2: memref<320000xi32, #tpu.memory_space<hbm>>, %arg3: memref<320000xi32, #tpu.memory_space<hbm>>, %arg4: memref<20480x16xf32, #tpu.memory_space<hbm>>, %arg5: memref<80x16xf32, #tpu.memory_space<hbm>>, %arg6: memref<2x20480x16xf32, #tpu.memory_space<hbm>>, %arg7: memref<80xi32, #tpu.memory_space<vmem>>, %arg8: memref<80xi32, #tpu.memory_space<vmem>>, %arg9: memref<80xi32, #tpu.memory_space<vmem>>, %arg10: memref<80xi32, #tpu.memory_space<vmem>>, %arg11: memref<80xi32, #tpu.memory_space<vmem>>, %arg12: memref<80xi32, #tpu.memory_space<vmem>>, %arg13: memref<80xi32, #tpu.memory_space<vmem>>, %arg14: memref<80xi32, #tpu.memory_space<vmem>>, %arg15: memref<80xi32, #tpu.memory_space<vmem>>, %arg16: memref<80xi32, #tpu.memory_space<vmem>>, %arg17: memref<80x16xf32, #tpu.memory_space<vmem>>, %arg18: memref<80x16xf32, #tpu.memory_space<vmem>>, %arg19: memref<80x16xf32, #tpu.memory_space<vmem>>, %arg20: memref<80x16xf32, #tpu.memory_space<vmem>>, %arg21: memref<80x16xf32, #tpu.memory_space<vmem>>, %arg22: memref<20480x16xf32, #tpu.memory_space<vmem_shared>>, %arg23: memref<!tpu.dma_semaphore, #tpu.memory_space<semaphore_mem>>, %arg24: memref<!tpu.dma_semaphore, #tpu.memory_space<semaphore_mem>>, %arg25: memref<!tpu.dma_semaphore, #tpu.memory_space<semaphore_mem>>, %arg26: memref<!tpu.dma_semaphore, #tpu.memory_space<semaphore_mem>>, %arg27: memref<!tpu.dma_semaphore, #tpu.memory_space<semaphore_mem>>, %arg28: memref<!tpu.dma_semaphore, #tpu.memory_space<semaphore_mem>>, %arg29: memref<!tpu.dma_semaphore, #tpu.memory_space<semaphore_mem>>, %arg30: memref<!tpu.dma_semaphore, #tpu.memory_space<semaphore_mem>>, %arg31: memref<!tpu.dma_semaphore, #tpu.memory_space<semaphore_mem>>, %arg32: memref<!tpu.dma_semaphore, #tpu.memory_space<semaphore_mem>>, %arg33: memref<!tpu.dma_semaphore, #tpu.memory_space<semaphore_mem>>, %arg34: memref<!tpu.dma_semaphore, #tpu.memory_space<semaphore_mem>>, %arg35: memref<!tpu.dma_semaphore, #tpu.memory_space<semaphore_mem>>, %arg36: memref<!tpu.dma_semaphore, #tpu.memory_space<semaphore_mem>>, %arg37: memref<!tpu.dma_semaphore, #tpu.memory_space<semaphore_mem>>) attributes {dimension_semantics = [#tpu.dimension_semantics<core_parallel>, #tpu.dimension_semantics<subcore_parallel>], iteration_bounds = array<i64: 2, 16>, scalar_prefetch = 0 : i64, scratch_operands = 31 : i64, tpu.core_type = #tpu.core_type<sc_vector_subcore>, window_params = [{transform_indices = #map}, {transform_indices = #map}, {transform_indices = #map1}, {transform_indices = #map1}, {transform_indices = #map2}]} {
    %mul3A = arith.constant 16 : i32
    %mul3A_0 = arith.muli %arg0, %mul3A : i32
    %add3A = arith.addi %mul3A_0, %arg1 : i32
    tpu.enqueue_dma source(%arg5 : memref<80x16xf32, #tpu.memory_space<hbm>>) target(%arg17 : memref<80x16xf32, #tpu.memory_space<vmem>>) target_semaphore(%arg23 : memref<!tpu.dma_semaphore, #tpu.memory_space<semaphore_mem>>)
    tpu.wait_dma2 semaphore(%arg23 : memref<!tpu.dma_semaphore, #tpu.memory_space<semaphore_mem>>) src(%arg5 : memref<80x16xf32, #tpu.memory_space<hbm>>) dst(%arg17 : memref<80x16xf32, #tpu.memory_space<vmem>>)
    %mul3A_1 = arith.constant 1280 : i32
    %mul3A_2 = arith.muli %arg1, %mul3A_1 : i32
    %add3A_3 = arith.constant 0 : i32
    %add3A_4 = arith.addi %mul3A_2, %add3A_3 : i32
    %dma_start3A = arith.constant 0 : i32
    %dma_start3A_5 = tpu.memref_slice %arg22[%add3A_4, %dma_start3A] : memref<20480x16xf32, #tpu.memory_space<vmem_shared>> -> memref<80x16xf32, #tpu.memory_space<vmem_shared>>
    %dma_start3A_6 = arith.constant 0 : i32
    %dma_start3A_7 = tpu.memref_slice %arg22[%add3A_4, %dma_start3A_6] : memref<20480x16xf32, #tpu.memory_space<vmem_shared>> -> memref<80x16xf32, #tpu.memory_space<vmem_shared>>
    tpu.enqueue_dma source(%arg17 : memref<80x16xf32, #tpu.memory_space<vmem>>) target(%dma_start3A_7 : memref<80x16xf32, #tpu.memory_space<vmem_shared>>) target_semaphore(%arg33 : memref<!tpu.dma_semaphore, #tpu.memory_space<semaphore_mem>>)
    %add3A_8 = arith.constant 80 : i32
    %add3A_9 = arith.addi %mul3A_2, %add3A_8 : i32
    %dma_start3A_10 = arith.constant 0 : i32
    %dma_start3A_11 = tpu.memref_slice %arg22[%add3A_9, %dma_start3A_10] : memref<20480x16xf32, #tpu.memory_space<vmem_shared>> -> memref<80x16xf32, #tpu.memory_space<vmem_shared>>
    %dma_start3A_12 = arith.constant 0 : i32
    %dma_start3A_13 = tpu.memref_slice %arg22[%add3A_9, %dma_start3A_12] : memref<20480x16xf32, #tpu.memory_space<vmem_shared>> -> memref<80x16xf32, #tpu.memory_space<vmem_shared>>
    tpu.enqueue_dma source(%arg17 : memref<80x16xf32, #tpu.memory_space<vmem>>) target(%dma_start3A_13 : memref<80x16xf32, #tpu.memory_space<vmem_shared>>) target_semaphore(%arg33 : memref<!tpu.dma_semaphore, #tpu.memory_space<semaphore_mem>>)
    %add3A_14 = arith.constant 160 : i32
    %add3A_15 = arith.addi %mul3A_2, %add3A_14 : i32
    %dma_start3A_16 = arith.constant 0 : i32
    %dma_start3A_17 = tpu.memref_slice %arg22[%add3A_15, %dma_start3A_16] : memref<20480x16xf32, #tpu.memory_space<vmem_shared>> -> memref<80x16xf32, #tpu.memory_space<vmem_shared>>
    %dma_start3A_18 = arith.constant 0 : i32
    %dma_start3A_19 = tpu.memref_slice %arg22[%add3A_15, %dma_start3A_18] : memref<20480x16xf32, #tpu.memory_space<vmem_shared>> -> memref<80x16xf32, #tpu.memory_space<vmem_shared>>
    tpu.enqueue_dma source(%arg17 : memref<80x16xf32, #tpu.memory_space<vmem>>) target(%dma_start3A_19 : memref<80x16xf32, #tpu.memory_space<vmem_shared>>) target_semaphore(%arg33 : memref<!tpu.dma_semaphore, #tpu.memory_space<semaphore_mem>>)
    %add3A_20 = arith.constant 240 : i32
    %add3A_21 = arith.addi %mul3A_2, %add3A_20 : i32
    %dma_start3A_22 = arith.constant 0 : i32
    %dma_start3A_23 = tpu.memref_slice %arg22[%add3A_21, %dma_start3A_22] : memref<20480x16xf32, #tpu.memory_space<vmem_shared>> -> memref<80x16xf32, #tpu.memory_space<vmem_shared>>
    %dma_start3A_24 = arith.constant 0 : i32
    %dma_start3A_25 = tpu.memref_slice %arg22[%add3A_21, %dma_start3A_24] : memref<20480x16xf32, #tpu.memory_space<vmem_shared>> -> memref<80x16xf32, #tpu.memory_space<vmem_shared>>
    tpu.enqueue_dma source(%arg17 : memref<80x16xf32, #tpu.memory_space<vmem>>) target(%dma_start3A_25 : memref<80x16xf32, #tpu.memory_space<vmem_shared>>) target_semaphore(%arg33 : memref<!tpu.dma_semaphore, #tpu.memory_space<semaphore_mem>>)
    %add3A_26 = arith.constant 320 : i32
    %add3A_27 = arith.addi %mul3A_2, %add3A_26 : i32
    %dma_start3A_28 = arith.constant 0 : i32
    %dma_start3A_29 = tpu.memref_slice %arg22[%add3A_27, %dma_start3A_28] : memref<20480x16xf32, #tpu.memory_space<vmem_shared>> -> memref<80x16xf32, #tpu.memory_space<vmem_shared>>
    %dma_start3A_30 = arith.constant 0 : i32
    %dma_start3A_31 = tpu.memref_slice %arg22[%add3A_27, %dma_start3A_30] : memref<20480x16xf32, #tpu.memory_space<vmem_shared>> -> memref<80x16xf32, #tpu.memory_space<vmem_shared>>
    tpu.enqueue_dma source(%arg17 : memref<80x16xf32, #tpu.memory_space<vmem>>) target(%dma_start3A_31 : memref<80x16xf32, #tpu.memory_space<vmem_shared>>) target_semaphore(%arg33 : memref<!tpu.dma_semaphore, #tpu.memory_space<semaphore_mem>>)
    %add3A_32 = arith.constant 400 : i32
    %add3A_33 = arith.addi %mul3A_2, %add3A_32 : i32
    %dma_start3A_34 = arith.constant 0 : i32
    %dma_start3A_35 = tpu.memref_slice %arg22[%add3A_33, %dma_start3A_34] : memref<20480x16xf32, #tpu.memory_space<vmem_shared>> -> memref<80x16xf32, #tpu.memory_space<vmem_shared>>
    %dma_start3A_36 = arith.constant 0 : i32
    %dma_start3A_37 = tpu.memref_slice %arg22[%add3A_33, %dma_start3A_36] : memref<20480x16xf32, #tpu.memory_space<vmem_shared>> -> memref<80x16xf32, #tpu.memory_space<vmem_shared>>
    tpu.enqueue_dma source(%arg17 : memref<80x16xf32, #tpu.memory_space<vmem>>) target(%dma_start3A_37 : memref<80x16xf32, #tpu.memory_space<vmem_shared>>) target_semaphore(%arg33 : memref<!tpu.dma_semaphore, #tpu.memory_space<semaphore_mem>>)
    %add3A_38 = arith.constant 480 : i32
    %add3A_39 = arith.addi %mul3A_2, %add3A_38 : i32
    %dma_start3A_40 = arith.constant 0 : i32
    %dma_start3A_41 = tpu.memref_slice %arg22[%add3A_39, %dma_start3A_40] : memref<20480x16xf32, #tpu.memory_space<vmem_shared>> -> memref<80x16xf32, #tpu.memory_space<vmem_shared>>
    %dma_start3A_42 = arith.constant 0 : i32
    %dma_start3A_43 = tpu.memref_slice %arg22[%add3A_39, %dma_start3A_42] : memref<20480x16xf32, #tpu.memory_space<vmem_shared>> -> memref<80x16xf32, #tpu.memory_space<vmem_shared>>
    tpu.enqueue_dma source(%arg17 : memref<80x16xf32, #tpu.memory_space<vmem>>) target(%dma_start3A_43 : memref<80x16xf32, #tpu.memory_space<vmem_shared>>) target_semaphore(%arg33 : memref<!tpu.dma_semaphore, #tpu.memory_space<semaphore_mem>>)
    %add3A_44 = arith.constant 560 : i32
    %add3A_45 = arith.addi %mul3A_2, %add3A_44 : i32
    %dma_start3A_46 = arith.constant 0 : i32
    %dma_start3A_47 = tpu.memref_slice %arg22[%add3A_45, %dma_start3A_46] : memref<20480x16xf32, #tpu.memory_space<vmem_shared>> -> memref<80x16xf32, #tpu.memory_space<vmem_shared>>
    %dma_start3A_48 = arith.constant 0 : i32
    %dma_start3A_49 = tpu.memref_slice %arg22[%add3A_45, %dma_start3A_48] : memref<20480x16xf32, #tpu.memory_space<vmem_shared>> -> memref<80x16xf32, #tpu.memory_space<vmem_shared>>
    tpu.enqueue_dma source(%arg17 : memref<80x16xf32, #tpu.memory_space<vmem>>) target(%dma_start3A_49 : memref<80x16xf32, #tpu.memory_space<vmem_shared>>) target_semaphore(%arg33 : memref<!tpu.dma_semaphore, #tpu.memory_space<semaphore_mem>>)
    %add3A_50 = arith.constant 640 : i32
    %add3A_51 = arith.addi %mul3A_2, %add3A_50 : i32
    %dma_start3A_52 = arith.constant 0 : i32
    %dma_start3A_53 = tpu.memref_slice %arg22[%add3A_51, %dma_start3A_52] : memref<20480x16xf32, #tpu.memory_space<vmem_shared>> -> memref<80x16xf32, #tpu.memory_space<vmem_shared>>
    %dma_start3A_54 = arith.constant 0 : i32
    %dma_start3A_55 = tpu.memref_slice %arg22[%add3A_51, %dma_start3A_54] : memref<20480x16xf32, #tpu.memory_space<vmem_shared>> -> memref<80x16xf32, #tpu.memory_space<vmem_shared>>
    tpu.enqueue_dma source(%arg17 : memref<80x16xf32, #tpu.memory_space<vmem>>) target(%dma_start3A_55 : memref<80x16xf32, #tpu.memory_space<vmem_shared>>) target_semaphore(%arg33 : memref<!tpu.dma_semaphore, #tpu.memory_space<semaphore_mem>>)
    %add3A_56 = arith.constant 720 : i32
    %add3A_57 = arith.addi %mul3A_2, %add3A_56 : i32
    %dma_start3A_58 = arith.constant 0 : i32
    %dma_start3A_59 = tpu.memref_slice %arg22[%add3A_57, %dma_start3A_58] : memref<20480x16xf32, #tpu.memory_space<vmem_shared>> -> memref<80x16xf32, #tpu.memory_space<vmem_shared>>
    %dma_start3A_60 = arith.constant 0 : i32
    %dma_start3A_61 = tpu.memref_slice %arg22[%add3A_57, %dma_start3A_60] : memref<20480x16xf32, #tpu.memory_space<vmem_shared>> -> memref<80x16xf32, #tpu.memory_space<vmem_shared>>
    tpu.enqueue_dma source(%arg17 : memref<80x16xf32, #tpu.memory_space<vmem>>) target(%dma_start3A_61 : memref<80x16xf32, #tpu.memory_space<vmem_shared>>) target_semaphore(%arg33 : memref<!tpu.dma_semaphore, #tpu.memory_space<semaphore_mem>>)
    %add3A_62 = arith.constant 800 : i32
    %add3A_63 = arith.addi %mul3A_2, %add3A_62 : i32
    %dma_start3A_64 = arith.constant 0 : i32
    %dma_start3A_65 = tpu.memref_slice %arg22[%add3A_63, %dma_start3A_64] : memref<20480x16xf32, #tpu.memory_space<vmem_shared>> -> memref<80x16xf32, #tpu.memory_space<vmem_shared>>
    %dma_start3A_66 = arith.constant 0 : i32
    %dma_start3A_67 = tpu.memref_slice %arg22[%add3A_63, %dma_start3A_66] : memref<20480x16xf32, #tpu.memory_space<vmem_shared>> -> memref<80x16xf32, #tpu.memory_space<vmem_shared>>
    tpu.enqueue_dma source(%arg17 : memref<80x16xf32, #tpu.memory_space<vmem>>) target(%dma_start3A_67 : memref<80x16xf32, #tpu.memory_space<vmem_shared>>) target_semaphore(%arg33 : memref<!tpu.dma_semaphore, #tpu.memory_space<semaphore_mem>>)
    %add3A_68 = arith.constant 880 : i32
    %add3A_69 = arith.addi %mul3A_2, %add3A_68 : i32
    %dma_start3A_70 = arith.constant 0 : i32
    %dma_start3A_71 = tpu.memref_slice %arg22[%add3A_69, %dma_start3A_70] : memref<20480x16xf32, #tpu.memory_space<vmem_shared>> -> memref<80x16xf32, #tpu.memory_space<vmem_shared>>
    %dma_start3A_72 = arith.constant 0 : i32
    %dma_start3A_73 = tpu.memref_slice %arg22[%add3A_69, %dma_start3A_72] : memref<20480x16xf32, #tpu.memory_space<vmem_shared>> -> memref<80x16xf32, #tpu.memory_space<vmem_shared>>
    tpu.enqueue_dma source(%arg17 : memref<80x16xf32, #tpu.memory_space<vmem>>) target(%dma_start3A_73 : memref<80x16xf32, #tpu.memory_space<vmem_shared>>) target_semaphore(%arg33 : memref<!tpu.dma_semaphore, #tpu.memory_space<semaphore_mem>>)
    %add3A_74 = arith.constant 960 : i32
    %add3A_75 = arith.addi %mul3A_2, %add3A_74 : i32
    %dma_start3A_76 = arith.constant 0 : i32
    %dma_start3A_77 = tpu.memref_slice %arg22[%add3A_75, %dma_start3A_76] : memref<20480x16xf32, #tpu.memory_space<vmem_shared>> -> memref<80x16xf32, #tpu.memory_space<vmem_shared>>
    %dma_start3A_78 = arith.constant 0 : i32
    %dma_start3A_79 = tpu.memref_slice %arg22[%add3A_75, %dma_start3A_78] : memref<20480x16xf32, #tpu.memory_space<vmem_shared>> -> memref<80x16xf32, #tpu.memory_space<vmem_shared>>
    tpu.enqueue_dma source(%arg17 : memref<80x16xf32, #tpu.memory_space<vmem>>) target(%dma_start3A_79 : memref<80x16xf32, #tpu.memory_space<vmem_shared>>) target_semaphore(%arg33 : memref<!tpu.dma_semaphore, #tpu.memory_space<semaphore_mem>>)
    %add3A_80 = arith.constant 1040 : i32
    %add3A_81 = arith.addi %mul3A_2, %add3A_80 : i32
    %dma_start3A_82 = arith.constant 0 : i32
    %dma_start3A_83 = tpu.memref_slice %arg22[%add3A_81, %dma_start3A_82] : memref<20480x16xf32, #tpu.memory_space<vmem_shared>> -> memref<80x16xf32, #tpu.memory_space<vmem_shared>>
    %dma_start3A_84 = arith.constant 0 : i32
    %dma_start3A_85 = tpu.memref_slice %arg22[%add3A_81, %dma_start3A_84] : memref<20480x16xf32, #tpu.memory_space<vmem_shared>> -> memref<80x16xf32, #tpu.memory_space<vmem_shared>>
    tpu.enqueue_dma source(%arg17 : memref<80x16xf32, #tpu.memory_space<vmem>>) target(%dma_start3A_85 : memref<80x16xf32, #tpu.memory_space<vmem_shared>>) target_semaphore(%arg33 : memref<!tpu.dma_semaphore, #tpu.memory_space<semaphore_mem>>)
    %add3A_86 = arith.constant 1120 : i32
    %add3A_87 = arith.addi %mul3A_2, %add3A_86 : i32
    %dma_start3A_88 = arith.constant 0 : i32
    %dma_start3A_89 = tpu.memref_slice %arg22[%add3A_87, %dma_start3A_88] : memref<20480x16xf32, #tpu.memory_space<vmem_shared>> -> memref<80x16xf32, #tpu.memory_space<vmem_shared>>
    %dma_start3A_90 = arith.constant 0 : i32
    %dma_start3A_91 = tpu.memref_slice %arg22[%add3A_87, %dma_start3A_90] : memref<20480x16xf32, #tpu.memory_space<vmem_shared>> -> memref<80x16xf32, #tpu.memory_space<vmem_shared>>
    tpu.enqueue_dma source(%arg17 : memref<80x16xf32, #tpu.memory_space<vmem>>) target(%dma_start3A_91 : memref<80x16xf32, #tpu.memory_space<vmem_shared>>) target_semaphore(%arg33 : memref<!tpu.dma_semaphore, #tpu.memory_space<semaphore_mem>>)
    %add3A_92 = arith.constant 1200 : i32
    %add3A_93 = arith.addi %mul3A_2, %add3A_92 : i32
    %dma_start3A_94 = arith.constant 0 : i32
    %dma_start3A_95 = tpu.memref_slice %arg22[%add3A_93, %dma_start3A_94] : memref<20480x16xf32, #tpu.memory_space<vmem_shared>> -> memref<80x16xf32, #tpu.memory_space<vmem_shared>>
    %dma_start3A_96 = arith.constant 0 : i32
    %dma_start3A_97 = tpu.memref_slice %arg22[%add3A_93, %dma_start3A_96] : memref<20480x16xf32, #tpu.memory_space<vmem_shared>> -> memref<80x16xf32, #tpu.memory_space<vmem_shared>>
    tpu.enqueue_dma source(%arg17 : memref<80x16xf32, #tpu.memory_space<vmem>>) target(%dma_start3A_97 : memref<80x16xf32, #tpu.memory_space<vmem_shared>>) target_semaphore(%arg33 : memref<!tpu.dma_semaphore, #tpu.memory_space<semaphore_mem>>)
    %dma_wait3A = arith.constant 0 : i32
    %dma_wait3A_98 = tpu.memref_slice %arg22[%add3A_4, %dma_wait3A] : memref<20480x16xf32, #tpu.memory_space<vmem_shared>> -> memref<80x16xf32, #tpu.memory_space<vmem_shared>>
    %dma_wait3A_99 = arith.constant 0 : i32
    %dma_wait3A_100 = tpu.memref_slice %arg22[%add3A_4, %dma_wait3A_99] : memref<20480x16xf32, #tpu.memory_space<vmem_shared>> -> memref<80x16xf32, #tpu.memory_space<vmem_shared>>
    tpu.wait_dma2 semaphore(%arg33 : memref<!tpu.dma_semaphore, #tpu.memory_space<semaphore_mem>>) src(%arg17 : memref<80x16xf32, #tpu.memory_space<vmem>>) dst(%dma_wait3A_100 : memref<80x16xf32, #tpu.memory_space<vmem_shared>>)
    %dma_wait3A_101 = arith.constant 0 : i32
    %dma_wait3A_102 = tpu.memref_slice %arg22[%add3A_9, %dma_wait3A_101] : memref<20480x16xf32, #tpu.memory_space<vmem_shared>> -> memref<80x16xf32, #tpu.memory_space<vmem_shared>>
    %dma_wait3A_103 = arith.constant 0 : i32
    %dma_wait3A_104 = tpu.memref_slice %arg22[%add3A_9, %dma_wait3A_103] : memref<20480x16xf32, #tpu.memory_space<vmem_shared>> -> memref<80x16xf32, #tpu.memory_space<vmem_shared>>
    tpu.wait_dma2 semaphore(%arg33 : memref<!tpu.dma_semaphore, #tpu.memory_space<semaphore_mem>>) src(%arg17 : memref<80x16xf32, #tpu.memory_space<vmem>>) dst(%dma_wait3A_104 : memref<80x16xf32, #tpu.memory_space<vmem_shared>>)
    %dma_wait3A_105 = arith.constant 0 : i32
    %dma_wait3A_106 = tpu.memref_slice %arg22[%add3A_15, %dma_wait3A_105] : memref<20480x16xf32, #tpu.memory_space<vmem_shared>> -> memref<80x16xf32, #tpu.memory_space<vmem_shared>>
    %dma_wait3A_107 = arith.constant 0 : i32
    %dma_wait3A_108 = tpu.memref_slice %arg22[%add3A_15, %dma_wait3A_107] : memref<20480x16xf32, #tpu.memory_space<vmem_shared>> -> memref<80x16xf32, #tpu.memory_space<vmem_shared>>
    tpu.wait_dma2 semaphore(%arg33 : memref<!tpu.dma_semaphore, #tpu.memory_space<semaphore_mem>>) src(%arg17 : memref<80x16xf32, #tpu.memory_space<vmem>>) dst(%dma_wait3A_108 : memref<80x16xf32, #tpu.memory_space<vmem_shared>>)
    %dma_wait3A_109 = arith.constant 0 : i32
    %dma_wait3A_110 = tpu.memref_slice %arg22[%add3A_21, %dma_wait3A_109] : memref<20480x16xf32, #tpu.memory_space<vmem_shared>> -> memref<80x16xf32, #tpu.memory_space<vmem_shared>>
    %dma_wait3A_111 = arith.constant 0 : i32
    %dma_wait3A_112 = tpu.memref_slice %arg22[%add3A_21, %dma_wait3A_111] : memref<20480x16xf32, #tpu.memory_space<vmem_shared>> -> memref<80x16xf32, #tpu.memory_space<vmem_shared>>
    tpu.wait_dma2 semaphore(%arg33 : memref<!tpu.dma_semaphore, #tpu.memory_space<semaphore_mem>>) src(%arg17 : memref<80x16xf32, #tpu.memory_space<vmem>>) dst(%dma_wait3A_112 : memref<80x16xf32, #tpu.memory_space<vmem_shared>>)
    %dma_wait3A_113 = arith.constant 0 : i32
    %dma_wait3A_114 = tpu.memref_slice %arg22[%add3A_27, %dma_wait3A_113] : memref<20480x16xf32, #tpu.memory_space<vmem_shared>> -> memref<80x16xf32, #tpu.memory_space<vmem_shared>>
    %dma_wait3A_115 = arith.constant 0 : i32
    %dma_wait3A_116 = tpu.memref_slice %arg22[%add3A_27, %dma_wait3A_115] : memref<20480x16xf32, #tpu.memory_space<vmem_shared>> -> memref<80x16xf32, #tpu.memory_space<vmem_shared>>
    tpu.wait_dma2 semaphore(%arg33 : memref<!tpu.dma_semaphore, #tpu.memory_space<semaphore_mem>>) src(%arg17 : memref<80x16xf32, #tpu.memory_space<vmem>>) dst(%dma_wait3A_116 : memref<80x16xf32, #tpu.memory_space<vmem_shared>>)
    %dma_wait3A_117 = arith.constant 0 : i32
    %dma_wait3A_118 = tpu.memref_slice %arg22[%add3A_33, %dma_wait3A_117] : memref<20480x16xf32, #tpu.memory_space<vmem_shared>> -> memref<80x16xf32, #tpu.memory_space<vmem_shared>>
    %dma_wait3A_119 = arith.constant 0 : i32
    %dma_wait3A_120 = tpu.memref_slice %arg22[%add3A_33, %dma_wait3A_119] : memref<20480x16xf32, #tpu.memory_space<vmem_shared>> -> memref<80x16xf32, #tpu.memory_space<vmem_shared>>
    tpu.wait_dma2 semaphore(%arg33 : memref<!tpu.dma_semaphore, #tpu.memory_space<semaphore_mem>>) src(%arg17 : memref<80x16xf32, #tpu.memory_space<vmem>>) dst(%dma_wait3A_120 : memref<80x16xf32, #tpu.memory_space<vmem_shared>>)
    %dma_wait3A_121 = arith.constant 0 : i32
    %dma_wait3A_122 = tpu.memref_slice %arg22[%add3A_39, %dma_wait3A_121] : memref<20480x16xf32, #tpu.memory_space<vmem_shared>> -> memref<80x16xf32, #tpu.memory_space<vmem_shared>>
    %dma_wait3A_123 = arith.constant 0 : i32
    %dma_wait3A_124 = tpu.memref_slice %arg22[%add3A_39, %dma_wait3A_123] : memref<20480x16xf32, #tpu.memory_space<vmem_shared>> -> memref<80x16xf32, #tpu.memory_space<vmem_shared>>
    tpu.wait_dma2 semaphore(%arg33 : memref<!tpu.dma_semaphore, #tpu.memory_space<semaphore_mem>>) src(%arg17 : memref<80x16xf32, #tpu.memory_space<vmem>>) dst(%dma_wait3A_124 : memref<80x16xf32, #tpu.memory_space<vmem_shared>>)
    %dma_wait3A_125 = arith.constant 0 : i32
    %dma_wait3A_126 = tpu.memref_slice %arg22[%add3A_45, %dma_wait3A_125] : memref<20480x16xf32, #tpu.memory_space<vmem_shared>> -> memref<80x16xf32, #tpu.memory_space<vmem_shared>>
    %dma_wait3A_127 = arith.constant 0 : i32
    %dma_wait3A_128 = tpu.memref_slice %arg22[%add3A_45, %dma_wait3A_127] : memref<20480x16xf32, #tpu.memory_space<vmem_shared>> -> memref<80x16xf32, #tpu.memory_space<vmem_shared>>
    tpu.wait_dma2 semaphore(%arg33 : memref<!tpu.dma_semaphore, #tpu.memory_space<semaphore_mem>>) src(%arg17 : memref<80x16xf32, #tpu.memory_space<vmem>>) dst(%dma_wait3A_128 : memref<80x16xf32, #tpu.memory_space<vmem_shared>>)
    %dma_wait3A_129 = arith.constant 0 : i32
    %dma_wait3A_130 = tpu.memref_slice %arg22[%add3A_51, %dma_wait3A_129] : memref<20480x16xf32, #tpu.memory_space<vmem_shared>> -> memref<80x16xf32, #tpu.memory_space<vmem_shared>>
    %dma_wait3A_131 = arith.constant 0 : i32
    %dma_wait3A_132 = tpu.memref_slice %arg22[%add3A_51, %dma_wait3A_131] : memref<20480x16xf32, #tpu.memory_space<vmem_shared>> -> memref<80x16xf32, #tpu.memory_space<vmem_shared>>
    tpu.wait_dma2 semaphore(%arg33 : memref<!tpu.dma_semaphore, #tpu.memory_space<semaphore_mem>>) src(%arg17 : memref<80x16xf32, #tpu.memory_space<vmem>>) dst(%dma_wait3A_132 : memref<80x16xf32, #tpu.memory_space<vmem_shared>>)
    %dma_wait3A_133 = arith.constant 0 : i32
    %dma_wait3A_134 = tpu.memref_slice %arg22[%add3A_57, %dma_wait3A_133] : memref<20480x16xf32, #tpu.memory_space<vmem_shared>> -> memref<80x16xf32, #tpu.memory_space<vmem_shared>>
    %dma_wait3A_135 = arith.constant 0 : i32
    %dma_wait3A_136 = tpu.memref_slice %arg22[%add3A_57, %dma_wait3A_135] : memref<20480x16xf32, #tpu.memory_space<vmem_shared>> -> memref<80x16xf32, #tpu.memory_space<vmem_shared>>
    tpu.wait_dma2 semaphore(%arg33 : memref<!tpu.dma_semaphore, #tpu.memory_space<semaphore_mem>>) src(%arg17 : memref<80x16xf32, #tpu.memory_space<vmem>>) dst(%dma_wait3A_136 : memref<80x16xf32, #tpu.memory_space<vmem_shared>>)
    %dma_wait3A_137 = arith.constant 0 : i32
    %dma_wait3A_138 = tpu.memref_slice %arg22[%add3A_63, %dma_wait3A_137] : memref<20480x16xf32, #tpu.memory_space<vmem_shared>> -> memref<80x16xf32, #tpu.memory_space<vmem_shared>>
    %dma_wait3A_139 = arith.constant 0 : i32
    %dma_wait3A_140 = tpu.memref_slice %arg22[%add3A_63, %dma_wait3A_139] : memref<20480x16xf32, #tpu.memory_space<vmem_shared>> -> memref<80x16xf32, #tpu.memory_space<vmem_shared>>
    tpu.wait_dma2 semaphore(%arg33 : memref<!tpu.dma_semaphore, #tpu.memory_space<semaphore_mem>>) src(%arg17 : memref<80x16xf32, #tpu.memory_space<vmem>>) dst(%dma_wait3A_140 : memref<80x16xf32, #tpu.memory_space<vmem_shared>>)
    %dma_wait3A_141 = arith.constant 0 : i32
    %dma_wait3A_142 = tpu.memref_slice %arg22[%add3A_69, %dma_wait3A_141] : memref<20480x16xf32, #tpu.memory_space<vmem_shared>> -> memref<80x16xf32, #tpu.memory_space<vmem_shared>>
    %dma_wait3A_143 = arith.constant 0 : i32
    %dma_wait3A_144 = tpu.memref_slice %arg22[%add3A_69, %dma_wait3A_143] : memref<20480x16xf32, #tpu.memory_space<vmem_shared>> -> memref<80x16xf32, #tpu.memory_space<vmem_shared>>
    tpu.wait_dma2 semaphore(%arg33 : memref<!tpu.dma_semaphore, #tpu.memory_space<semaphore_mem>>) src(%arg17 : memref<80x16xf32, #tpu.memory_space<vmem>>) dst(%dma_wait3A_144 : memref<80x16xf32, #tpu.memory_space<vmem_shared>>)
    %dma_wait3A_145 = arith.constant 0 : i32
    %dma_wait3A_146 = tpu.memref_slice %arg22[%add3A_75, %dma_wait3A_145] : memref<20480x16xf32, #tpu.memory_space<vmem_shared>> -> memref<80x16xf32, #tpu.memory_space<vmem_shared>>
    %dma_wait3A_147 = arith.constant 0 : i32
    %dma_wait3A_148 = tpu.memref_slice %arg22[%add3A_75, %dma_wait3A_147] : memref<20480x16xf32, #tpu.memory_space<vmem_shared>> -> memref<80x16xf32, #tpu.memory_space<vmem_shared>>
    tpu.wait_dma2 semaphore(%arg33 : memref<!tpu.dma_semaphore, #tpu.memory_space<semaphore_mem>>) src(%arg17 : memref<80x16xf32, #tpu.memory_space<vmem>>) dst(%dma_wait3A_148 : memref<80x16xf32, #tpu.memory_space<vmem_shared>>)
    %dma_wait3A_149 = arith.constant 0 : i32
    %dma_wait3A_150 = tpu.memref_slice %arg22[%add3A_81, %dma_wait3A_149] : memref<20480x16xf32, #tpu.memory_space<vmem_shared>> -> memref<80x16xf32, #tpu.memory_space<vmem_shared>>
    %dma_wait3A_151 = arith.constant 0 : i32
    %dma_wait3A_152 = tpu.memref_slice %arg22[%add3A_81, %dma_wait3A_151] : memref<20480x16xf32, #tpu.memory_space<vmem_shared>> -> memref<80x16xf32, #tpu.memory_space<vmem_shared>>
    tpu.wait_dma2 semaphore(%arg33 : memref<!tpu.dma_semaphore, #tpu.memory_space<semaphore_mem>>) src(%arg17 : memref<80x16xf32, #tpu.memory_space<vmem>>) dst(%dma_wait3A_152 : memref<80x16xf32, #tpu.memory_space<vmem_shared>>)
    %dma_wait3A_153 = arith.constant 0 : i32
    %dma_wait3A_154 = tpu.memref_slice %arg22[%add3A_87, %dma_wait3A_153] : memref<20480x16xf32, #tpu.memory_space<vmem_shared>> -> memref<80x16xf32, #tpu.memory_space<vmem_shared>>
    %dma_wait3A_155 = arith.constant 0 : i32
    %dma_wait3A_156 = tpu.memref_slice %arg22[%add3A_87, %dma_wait3A_155] : memref<20480x16xf32, #tpu.memory_space<vmem_shared>> -> memref<80x16xf32, #tpu.memory_space<vmem_shared>>
    tpu.wait_dma2 semaphore(%arg33 : memref<!tpu.dma_semaphore, #tpu.memory_space<semaphore_mem>>) src(%arg17 : memref<80x16xf32, #tpu.memory_space<vmem>>) dst(%dma_wait3A_156 : memref<80x16xf32, #tpu.memory_space<vmem_shared>>)
    %dma_wait3A_157 = arith.constant 0 : i32
    %dma_wait3A_158 = tpu.memref_slice %arg22[%add3A_93, %dma_wait3A_157] : memref<20480x16xf32, #tpu.memory_space<vmem_shared>> -> memref<80x16xf32, #tpu.memory_space<vmem_shared>>
    %dma_wait3A_159 = arith.constant 0 : i32
    %dma_wait3A_160 = tpu.memref_slice %arg22[%add3A_93, %dma_wait3A_159] : memref<20480x16xf32, #tpu.memory_space<vmem_shared>> -> memref<80x16xf32, #tpu.memory_space<vmem_shared>>
    tpu.wait_dma2 semaphore(%arg33 : memref<!tpu.dma_semaphore, #tpu.memory_space<semaphore_mem>>) src(%arg17 : memref<80x16xf32, #tpu.memory_space<vmem>>) dst(%dma_wait3A_160 : memref<80x16xf32, #tpu.memory_space<vmem_shared>>)
    %barrier3A = arith.constant 0 : index
    tpu.barrier barrier_id(%barrier3A)
    %mul3A_161 = arith.constant 10000 : i32
    %mul3A_162 = arith.muli %add3A, %mul3A_161 : i32
    %scan3A = arith.constant 0 : i32
    %scan3A_163 = arith.constant 0 : i32
    %scan3A_164 = arith.constant 25 : i32
    %scan3A_165 = arith.addi %scan3A_163, %scan3A_164 : i32
    %scan3A_166 = arith.constant 1 : i32
    %scan3A_167 = scf.for %scan3A_569 = %scan3A_163 to %scan3A_165 step %scan3A_166 iter_args(%scan3A_570 = %scan3A) -> (i32)  : i32 {
      %mul3A_571 = arith.constant 400 : i32
      %mul3A_572 = arith.muli %scan3A_569, %mul3A_571 : i32
      %add3A_573 = arith.addi %mul3A_162, %mul3A_572 : i32
      %multiple_of3A = tpu.assume_multiple %add3A_573, 80 : i32
      %add3A_574 = arith.constant 0 : i32
      %add3A_575 = arith.addi %multiple_of3A, %add3A_574 : i32
      %gt3A = arith.constant 0 : i32
      %gt3A_576 = arith.cmpi sgt, %scan3A_569, %gt3A : i32
      %convert_element_type3A = arith.extui %gt3A_576 : i1 to i32
      %cond3A = arith.constant 0 : i32
      %cond3A_577 = arith.cmpi ne, %convert_element_type3A, %cond3A : i32
      scf.if %cond3A_577 {
        %dma_wait3A_692 = arith.constant 0 : i32
        %dma_wait3A_693 = arith.constant 0 : i32
        %dma_wait3A_694 = tpu.memref_slice %arg22[%dma_wait3A_692, %dma_wait3A_693] : memref<20480x16xf32, #tpu.memory_space<vmem_shared>> -> memref<20480x16xf32, #tpu.memory_space<vmem_shared>>
        tpu.wait_indirect_dma semaphore(%arg33 : memref<!tpu.dma_semaphore, #tpu.memory_space<semaphore_mem>>) src(%arg17 : memref<80x16xf32, #tpu.memory_space<vmem>>) dst(%dma_wait3A_694 : memref<20480x16xf32, #tpu.memory_space<vmem_shared>>)
      } else {
      }
      %dma_start3A_578 = tpu.memref_slice %arg2[%add3A_575] : memref<320000xi32, #tpu.memory_space<hbm>> -> memref<80xi32, #tpu.memory_space<hbm>>
      %dma_start3A_579 = tpu.memref_slice %arg2[%add3A_575] : memref<320000xi32, #tpu.memory_space<hbm>> -> memref<80xi32, #tpu.memory_space<hbm>>
      tpu.enqueue_dma source(%dma_start3A_579 : memref<80xi32, #tpu.memory_space<hbm>>) target(%arg7 : memref<80xi32, #tpu.memory_space<vmem>>) target_semaphore(%arg23 : memref<!tpu.dma_semaphore, #tpu.memory_space<semaphore_mem>>)
      %dma_start3A_580 = tpu.memref_slice %arg3[%add3A_575] : memref<320000xi32, #tpu.memory_space<hbm>> -> memref<80xi32, #tpu.memory_space<hbm>>
      %dma_start3A_581 = tpu.memref_slice %arg3[%add3A_575] : memref<320000xi32, #tpu.memory_space<hbm>> -> memref<80xi32, #tpu.memory_space<hbm>>
      tpu.enqueue_dma source(%dma_start3A_581 : memref<80xi32, #tpu.memory_space<hbm>>) target(%arg12 : memref<80xi32, #tpu.memory_space<vmem>>) target_semaphore(%arg23 : memref<!tpu.dma_semaphore, #tpu.memory_space<semaphore_mem>>)
      %add3A_582 = arith.constant 80 : i32
      %add3A_583 = arith.addi %multiple_of3A, %add3A_582 : i32
      %gt3A_584 = arith.constant 0 : i32
      %gt3A_585 = arith.cmpi sgt, %scan3A_569, %gt3A_584 : i32
      %convert_element_type3A_586 = arith.extui %gt3A_585 : i1 to i32
      %cond3A_587 = arith.constant 0 : i32
      %cond3A_588 = arith.cmpi ne, %convert_element_type3A_586, %cond3A_587 : i32
      scf.if %cond3A_588 {
        %dma_wait3A_692 = arith.constant 0 : i32
        %dma_wait3A_693 = arith.constant 0 : i32
        %dma_wait3A_694 = tpu.memref_slice %arg22[%dma_wait3A_692, %dma_wait3A_693] : memref<20480x16xf32, #tpu.memory_space<vmem_shared>> -> memref<20480x16xf32, #tpu.memory_space<vmem_shared>>
        tpu.wait_indirect_dma semaphore(%arg34 : memref<!tpu.dma_semaphore, #tpu.memory_space<semaphore_mem>>) src(%arg18 : memref<80x16xf32, #tpu.memory_space<vmem>>) dst(%dma_wait3A_694 : memref<20480x16xf32, #tpu.memory_space<vmem_shared>>)
      } else {
      }
      %dma_start3A_589 = tpu.memref_slice %arg2[%add3A_583] : memref<320000xi32, #tpu.memory_space<hbm>> -> memref<80xi32, #tpu.memory_space<hbm>>
      %dma_start3A_590 = tpu.memref_slice %arg2[%add3A_583] : memref<320000xi32, #tpu.memory_space<hbm>> -> memref<80xi32, #tpu.memory_space<hbm>>
      tpu.enqueue_dma source(%dma_start3A_590 : memref<80xi32, #tpu.memory_space<hbm>>) target(%arg8 : memref<80xi32, #tpu.memory_space<vmem>>) target_semaphore(%arg24 : memref<!tpu.dma_semaphore, #tpu.memory_space<semaphore_mem>>)
      %dma_start3A_591 = tpu.memref_slice %arg3[%add3A_583] : memref<320000xi32, #tpu.memory_space<hbm>> -> memref<80xi32, #tpu.memory_space<hbm>>
      %dma_start3A_592 = tpu.memref_slice %arg3[%add3A_583] : memref<320000xi32, #tpu.memory_space<hbm>> -> memref<80xi32, #tpu.memory_space<hbm>>
      tpu.enqueue_dma source(%dma_start3A_592 : memref<80xi32, #tpu.memory_space<hbm>>) target(%arg13 : memref<80xi32, #tpu.memory_space<vmem>>) target_semaphore(%arg24 : memref<!tpu.dma_semaphore, #tpu.memory_space<semaphore_mem>>)
      %add3A_593 = arith.constant 160 : i32
      %add3A_594 = arith.addi %multiple_of3A, %add3A_593 : i32
      %gt3A_595 = arith.constant 0 : i32
      %gt3A_596 = arith.cmpi sgt, %scan3A_569, %gt3A_595 : i32
      %convert_element_type3A_597 = arith.extui %gt3A_596 : i1 to i32
      %cond3A_598 = arith.constant 0 : i32
      %cond3A_599 = arith.cmpi ne, %convert_element_type3A_597, %cond3A_598 : i32
      scf.if %cond3A_599 {
        %dma_wait3A_692 = arith.constant 0 : i32
        %dma_wait3A_693 = arith.constant 0 : i32
        %dma_wait3A_694 = tpu.memref_slice %arg22[%dma_wait3A_692, %dma_wait3A_693] : memref<20480x16xf32, #tpu.memory_space<vmem_shared>> -> memref<20480x16xf32, #tpu.memory_space<vmem_shared>>
        tpu.wait_indirect_dma semaphore(%arg35 : memref<!tpu.dma_semaphore, #tpu.memory_space<semaphore_mem>>) src(%arg19 : memref<80x16xf32, #tpu.memory_space<vmem>>) dst(%dma_wait3A_694 : memref<20480x16xf32, #tpu.memory_space<vmem_shared>>)
      } else {
      }
      %dma_start3A_600 = tpu.memref_slice %arg2[%add3A_594] : memref<320000xi32, #tpu.memory_space<hbm>> -> memref<80xi32, #tpu.memory_space<hbm>>
      %dma_start3A_601 = tpu.memref_slice %arg2[%add3A_594] : memref<320000xi32, #tpu.memory_space<hbm>> -> memref<80xi32, #tpu.memory_space<hbm>>
      tpu.enqueue_dma source(%dma_start3A_601 : memref<80xi32, #tpu.memory_space<hbm>>) target(%arg9 : memref<80xi32, #tpu.memory_space<vmem>>) target_semaphore(%arg25 : memref<!tpu.dma_semaphore, #tpu.memory_space<semaphore_mem>>)
      %dma_start3A_602 = tpu.memref_slice %arg3[%add3A_594] : memref<320000xi32, #tpu.memory_space<hbm>> -> memref<80xi32, #tpu.memory_space<hbm>>
      %dma_start3A_603 = tpu.memref_slice %arg3[%add3A_594] : memref<320000xi32, #tpu.memory_space<hbm>> -> memref<80xi32, #tpu.memory_space<hbm>>
      tpu.enqueue_dma source(%dma_start3A_603 : memref<80xi32, #tpu.memory_space<hbm>>) target(%arg14 : memref<80xi32, #tpu.memory_space<vmem>>) target_semaphore(%arg25 : memref<!tpu.dma_semaphore, #tpu.memory_space<semaphore_mem>>)
      %add3A_604 = arith.constant 240 : i32
      %add3A_605 = arith.addi %multiple_of3A, %add3A_604 : i32
      %gt3A_606 = arith.constant 0 : i32
      %gt3A_607 = arith.cmpi sgt, %scan3A_569, %gt3A_606 : i32
      %convert_element_type3A_608 = arith.extui %gt3A_607 : i1 to i32
      %cond3A_609 = arith.constant 0 : i32
      %cond3A_610 = arith.cmpi ne, %convert_element_type3A_608, %cond3A_609 : i32
      scf.if %cond3A_610 {
        %dma_wait3A_692 = arith.constant 0 : i32
        %dma_wait3A_693 = arith.constant 0 : i32
        %dma_wait3A_694 = tpu.memref_slice %arg22[%dma_wait3A_692, %dma_wait3A_693] : memref<20480x16xf32, #tpu.memory_space<vmem_shared>> -> memref<20480x16xf32, #tpu.memory_space<vmem_shared>>
        tpu.wait_indirect_dma semaphore(%arg36 : memref<!tpu.dma_semaphore, #tpu.memory_space<semaphore_mem>>) src(%arg20 : memref<80x16xf32, #tpu.memory_space<vmem>>) dst(%dma_wait3A_694 : memref<20480x16xf32, #tpu.memory_space<vmem_shared>>)
      } else {
      }
      %dma_start3A_611 = tpu.memref_slice %arg2[%add3A_605] : memref<320000xi32, #tpu.memory_space<hbm>> -> memref<80xi32, #tpu.memory_space<hbm>>
      %dma_start3A_612 = tpu.memref_slice %arg2[%add3A_605] : memref<320000xi32, #tpu.memory_space<hbm>> -> memref<80xi32, #tpu.memory_space<hbm>>
      tpu.enqueue_dma source(%dma_start3A_612 : memref<80xi32, #tpu.memory_space<hbm>>) target(%arg10 : memref<80xi32, #tpu.memory_space<vmem>>) target_semaphore(%arg26 : memref<!tpu.dma_semaphore, #tpu.memory_space<semaphore_mem>>)
      %dma_start3A_613 = tpu.memref_slice %arg3[%add3A_605] : memref<320000xi32, #tpu.memory_space<hbm>> -> memref<80xi32, #tpu.memory_space<hbm>>
      %dma_start3A_614 = tpu.memref_slice %arg3[%add3A_605] : memref<320000xi32, #tpu.memory_space<hbm>> -> memref<80xi32, #tpu.memory_space<hbm>>
      tpu.enqueue_dma source(%dma_start3A_614 : memref<80xi32, #tpu.memory_space<hbm>>) target(%arg15 : memref<80xi32, #tpu.memory_space<vmem>>) target_semaphore(%arg26 : memref<!tpu.dma_semaphore, #tpu.memory_space<semaphore_mem>>)
      %add3A_615 = arith.constant 320 : i32
      %add3A_616 = arith.addi %multiple_of3A, %add3A_615 : i32
      %gt3A_617 = arith.constant 0 : i32
      %gt3A_618 = arith.cmpi sgt, %scan3A_569, %gt3A_617 : i32
      %convert_element_type3A_619 = arith.extui %gt3A_618 : i1 to i32
      %cond3A_620 = arith.constant 0 : i32
      %cond3A_621 = arith.cmpi ne, %convert_element_type3A_619, %cond3A_620 : i32
      scf.if %cond3A_621 {
        %dma_wait3A_692 = arith.constant 0 : i32
        %dma_wait3A_693 = arith.constant 0 : i32
        %dma_wait3A_694 = tpu.memref_slice %arg22[%dma_wait3A_692, %dma_wait3A_693] : memref<20480x16xf32, #tpu.memory_space<vmem_shared>> -> memref<20480x16xf32, #tpu.memory_space<vmem_shared>>
        tpu.wait_indirect_dma semaphore(%arg37 : memref<!tpu.dma_semaphore, #tpu.memory_space<semaphore_mem>>) src(%arg21 : memref<80x16xf32, #tpu.memory_space<vmem>>) dst(%dma_wait3A_694 : memref<20480x16xf32, #tpu.memory_space<vmem_shared>>)
      } else {
      }
      %dma_start3A_622 = tpu.memref_slice %arg2[%add3A_616] : memref<320000xi32, #tpu.memory_space<hbm>> -> memref<80xi32, #tpu.memory_space<hbm>>
      %dma_start3A_623 = tpu.memref_slice %arg2[%add3A_616] : memref<320000xi32, #tpu.memory_space<hbm>> -> memref<80xi32, #tpu.memory_space<hbm>>
      tpu.enqueue_dma source(%dma_start3A_623 : memref<80xi32, #tpu.memory_space<hbm>>) target(%arg11 : memref<80xi32, #tpu.memory_space<vmem>>) target_semaphore(%arg27 : memref<!tpu.dma_semaphore, #tpu.memory_space<semaphore_mem>>)
      %dma_start3A_624 = tpu.memref_slice %arg3[%add3A_616] : memref<320000xi32, #tpu.memory_space<hbm>> -> memref<80xi32, #tpu.memory_space<hbm>>
      %dma_start3A_625 = tpu.memref_slice %arg3[%add3A_616] : memref<320000xi32, #tpu.memory_space<hbm>> -> memref<80xi32, #tpu.memory_space<hbm>>
      tpu.enqueue_dma source(%dma_start3A_625 : memref<80xi32, #tpu.memory_space<hbm>>) target(%arg16 : memref<80xi32, #tpu.memory_space<vmem>>) target_semaphore(%arg27 : memref<!tpu.dma_semaphore, #tpu.memory_space<semaphore_mem>>)
      %dma_wait3A_626 = tpu.memref_slice %arg2[%add3A_575] : memref<320000xi32, #tpu.memory_space<hbm>> -> memref<80xi32, #tpu.memory_space<hbm>>
      %dma_wait3A_627 = tpu.memref_slice %arg2[%add3A_575] : memref<320000xi32, #tpu.memory_space<hbm>> -> memref<80xi32, #tpu.memory_space<hbm>>
      tpu.wait_dma2 semaphore(%arg23 : memref<!tpu.dma_semaphore, #tpu.memory_space<semaphore_mem>>) src(%dma_wait3A_627 : memref<80xi32, #tpu.memory_space<hbm>>) dst(%arg7 : memref<80xi32, #tpu.memory_space<vmem>>)
      %dma_wait3A_628 = tpu.memref_slice %arg3[%add3A_575] : memref<320000xi32, #tpu.memory_space<hbm>> -> memref<80xi32, #tpu.memory_space<hbm>>
      %dma_wait3A_629 = tpu.memref_slice %arg3[%add3A_575] : memref<320000xi32, #tpu.memory_space<hbm>> -> memref<80xi32, #tpu.memory_space<hbm>>
      tpu.wait_dma2 semaphore(%arg23 : memref<!tpu.dma_semaphore, #tpu.memory_space<semaphore_mem>>) src(%dma_wait3A_629 : memref<80xi32, #tpu.memory_space<hbm>>) dst(%arg12 : memref<80xi32, #tpu.memory_space<vmem>>)
      %dma_start3A_630 = arith.constant 0 : i32
      %dma_start3A_631 = arith.constant 0 : i32
      %dma_start3A_632 = tpu.memref_slice %arg4[%dma_start3A_630, %dma_start3A_631] : memref<20480x16xf32, #tpu.memory_space<hbm>> -> memref<20480x16xf32, #tpu.memory_space<hbm>>
      tpu.enqueue_indirect_dma source(%dma_start3A_632 : memref<20480x16xf32, #tpu.memory_space<hbm>>) target(%arg17 : memref<80x16xf32, #tpu.memory_space<vmem>>) offsets(%arg7 : memref<80xi32, #tpu.memory_space<vmem>>) semaphore(%arg28 : memref<!tpu.dma_semaphore, #tpu.memory_space<semaphore_mem>>)
      %dma_wait3A_633 = tpu.memref_slice %arg2[%add3A_583] : memref<320000xi32, #tpu.memory_space<hbm>> -> memref<80xi32, #tpu.memory_space<hbm>>
      %dma_wait3A_634 = tpu.memref_slice %arg2[%add3A_583] : memref<320000xi32, #tpu.memory_space<hbm>> -> memref<80xi32, #tpu.memory_space<hbm>>
      tpu.wait_dma2 semaphore(%arg24 : memref<!tpu.dma_semaphore, #tpu.memory_space<semaphore_mem>>) src(%dma_wait3A_634 : memref<80xi32, #tpu.memory_space<hbm>>) dst(%arg8 : memref<80xi32, #tpu.memory_space<vmem>>)
      %dma_wait3A_635 = tpu.memref_slice %arg3[%add3A_583] : memref<320000xi32, #tpu.memory_space<hbm>> -> memref<80xi32, #tpu.memory_space<hbm>>
      %dma_wait3A_636 = tpu.memref_slice %arg3[%add3A_583] : memref<320000xi32, #tpu.memory_space<hbm>> -> memref<80xi32, #tpu.memory_space<hbm>>
      tpu.wait_dma2 semaphore(%arg24 : memref<!tpu.dma_semaphore, #tpu.memory_space<semaphore_mem>>) src(%dma_wait3A_636 : memref<80xi32, #tpu.memory_space<hbm>>) dst(%arg13 : memref<80xi32, #tpu.memory_space<vmem>>)
      %dma_start3A_637 = arith.constant 0 : i32
      %dma_start3A_638 = arith.constant 0 : i32
      %dma_start3A_639 = tpu.memref_slice %arg4[%dma_start3A_637, %dma_start3A_638] : memref<20480x16xf32, #tpu.memory_space<hbm>> -> memref<20480x16xf32, #tpu.memory_space<hbm>>
      tpu.enqueue_indirect_dma source(%dma_start3A_639 : memref<20480x16xf32, #tpu.memory_space<hbm>>) target(%arg18 : memref<80x16xf32, #tpu.memory_space<vmem>>) offsets(%arg8 : memref<80xi32, #tpu.memory_space<vmem>>) semaphore(%arg29 : memref<!tpu.dma_semaphore, #tpu.memory_space<semaphore_mem>>)
      %dma_wait3A_640 = tpu.memref_slice %arg2[%add3A_594] : memref<320000xi32, #tpu.memory_space<hbm>> -> memref<80xi32, #tpu.memory_space<hbm>>
      %dma_wait3A_641 = tpu.memref_slice %arg2[%add3A_594] : memref<320000xi32, #tpu.memory_space<hbm>> -> memref<80xi32, #tpu.memory_space<hbm>>
      tpu.wait_dma2 semaphore(%arg25 : memref<!tpu.dma_semaphore, #tpu.memory_space<semaphore_mem>>) src(%dma_wait3A_641 : memref<80xi32, #tpu.memory_space<hbm>>) dst(%arg9 : memref<80xi32, #tpu.memory_space<vmem>>)
      %dma_wait3A_642 = tpu.memref_slice %arg3[%add3A_594] : memref<320000xi32, #tpu.memory_space<hbm>> -> memref<80xi32, #tpu.memory_space<hbm>>
      %dma_wait3A_643 = tpu.memref_slice %arg3[%add3A_594] : memref<320000xi32, #tpu.memory_space<hbm>> -> memref<80xi32, #tpu.memory_space<hbm>>
      tpu.wait_dma2 semaphore(%arg25 : memref<!tpu.dma_semaphore, #tpu.memory_space<semaphore_mem>>) src(%dma_wait3A_643 : memref<80xi32, #tpu.memory_space<hbm>>) dst(%arg14 : memref<80xi32, #tpu.memory_space<vmem>>)
      %dma_start3A_644 = arith.constant 0 : i32
      %dma_start3A_645 = arith.constant 0 : i32
      %dma_start3A_646 = tpu.memref_slice %arg4[%dma_start3A_644, %dma_start3A_645] : memref<20480x16xf32, #tpu.memory_space<hbm>> -> memref<20480x16xf32, #tpu.memory_space<hbm>>
      tpu.enqueue_indirect_dma source(%dma_start3A_646 : memref<20480x16xf32, #tpu.memory_space<hbm>>) target(%arg19 : memref<80x16xf32, #tpu.memory_space<vmem>>) offsets(%arg9 : memref<80xi32, #tpu.memory_space<vmem>>) semaphore(%arg30 : memref<!tpu.dma_semaphore, #tpu.memory_space<semaphore_mem>>)
      %dma_wait3A_647 = tpu.memref_slice %arg2[%add3A_605] : memref<320000xi32, #tpu.memory_space<hbm>> -> memref<80xi32, #tpu.memory_space<hbm>>
      %dma_wait3A_648 = tpu.memref_slice %arg2[%add3A_605] : memref<320000xi32, #tpu.memory_space<hbm>> -> memref<80xi32, #tpu.memory_space<hbm>>
      tpu.wait_dma2 semaphore(%arg26 : memref<!tpu.dma_semaphore, #tpu.memory_space<semaphore_mem>>) src(%dma_wait3A_648 : memref<80xi32, #tpu.memory_space<hbm>>) dst(%arg10 : memref<80xi32, #tpu.memory_space<vmem>>)
      %dma_wait3A_649 = tpu.memref_slice %arg3[%add3A_605] : memref<320000xi32, #tpu.memory_space<hbm>> -> memref<80xi32, #tpu.memory_space<hbm>>
      %dma_wait3A_650 = tpu.memref_slice %arg3[%add3A_605] : memref<320000xi32, #tpu.memory_space<hbm>> -> memref<80xi32, #tpu.memory_space<hbm>>
      tpu.wait_dma2 semaphore(%arg26 : memref<!tpu.dma_semaphore, #tpu.memory_space<semaphore_mem>>) src(%dma_wait3A_650 : memref<80xi32, #tpu.memory_space<hbm>>) dst(%arg15 : memref<80xi32, #tpu.memory_space<vmem>>)
      %dma_start3A_651 = arith.constant 0 : i32
      %dma_start3A_652 = arith.constant 0 : i32
      %dma_start3A_653 = tpu.memref_slice %arg4[%dma_start3A_651, %dma_start3A_652] : memref<20480x16xf32, #tpu.memory_space<hbm>> -> memref<20480x16xf32, #tpu.memory_space<hbm>>
      tpu.enqueue_indirect_dma source(%dma_start3A_653 : memref<20480x16xf32, #tpu.memory_space<hbm>>) target(%arg20 : memref<80x16xf32, #tpu.memory_space<vmem>>) offsets(%arg10 : memref<80xi32, #tpu.memory_space<vmem>>) semaphore(%arg31 : memref<!tpu.dma_semaphore, #tpu.memory_space<semaphore_mem>>)
      %dma_wait3A_654 = tpu.memref_slice %arg2[%add3A_616] : memref<320000xi32, #tpu.memory_space<hbm>> -> memref<80xi32, #tpu.memory_space<hbm>>
      %dma_wait3A_655 = tpu.memref_slice %arg2[%add3A_616] : memref<320000xi32, #tpu.memory_space<hbm>> -> memref<80xi32, #tpu.memory_space<hbm>>
      tpu.wait_dma2 semaphore(%arg27 : memref<!tpu.dma_semaphore, #tpu.memory_space<semaphore_mem>>) src(%dma_wait3A_655 : memref<80xi32, #tpu.memory_space<hbm>>) dst(%arg11 : memref<80xi32, #tpu.memory_space<vmem>>)
      %dma_wait3A_656 = tpu.memref_slice %arg3[%add3A_616] : memref<320000xi32, #tpu.memory_space<hbm>> -> memref<80xi32, #tpu.memory_space<hbm>>
      %dma_wait3A_657 = tpu.memref_slice %arg3[%add3A_616] : memref<320000xi32, #tpu.memory_space<hbm>> -> memref<80xi32, #tpu.memory_space<hbm>>
      tpu.wait_dma2 semaphore(%arg27 : memref<!tpu.dma_semaphore, #tpu.memory_space<semaphore_mem>>) src(%dma_wait3A_657 : memref<80xi32, #tpu.memory_space<hbm>>) dst(%arg16 : memref<80xi32, #tpu.memory_space<vmem>>)
      %dma_start3A_658 = arith.constant 0 : i32
      %dma_start3A_659 = arith.constant 0 : i32
      %dma_start3A_660 = tpu.memref_slice %arg4[%dma_start3A_658, %dma_start3A_659] : memref<20480x16xf32, #tpu.memory_space<hbm>> -> memref<20480x16xf32, #tpu.memory_space<hbm>>
      tpu.enqueue_indirect_dma source(%dma_start3A_660 : memref<20480x16xf32, #tpu.memory_space<hbm>>) target(%arg21 : memref<80x16xf32, #tpu.memory_space<vmem>>) offsets(%arg11 : memref<80xi32, #tpu.memory_space<vmem>>) semaphore(%arg32 : memref<!tpu.dma_semaphore, #tpu.memory_space<semaphore_mem>>)
      %dma_wait3A_661 = arith.constant 0 : i32
      %dma_wait3A_662 = arith.constant 0 : i32
      %dma_wait3A_663 = tpu.memref_slice %arg4[%dma_wait3A_661, %dma_wait3A_662] : memref<20480x16xf32, #tpu.memory_space<hbm>> -> memref<20480x16xf32, #tpu.memory_space<hbm>>
      tpu.wait_indirect_dma semaphore(%arg28 : memref<!tpu.dma_semaphore, #tpu.memory_space<semaphore_mem>>) src(%dma_wait3A_663 : memref<20480x16xf32, #tpu.memory_space<hbm>>) dst(%arg17 : memref<80x16xf32, #tpu.memory_space<vmem>>)
      %dma_start3A_664 = arith.constant 0 : i32
      %dma_start3A_665 = arith.constant 0 : i32
      %dma_start3A_666 = tpu.memref_slice %arg22[%dma_start3A_664, %dma_start3A_665] : memref<20480x16xf32, #tpu.memory_space<vmem_shared>> -> memref<20480x16xf32, #tpu.memory_space<vmem_shared>>
      tpu.enqueue_indirect_dma source(%arg17 : memref<80x16xf32, #tpu.memory_space<vmem>>) target(%dma_start3A_666 : memref<20480x16xf32, #tpu.memory_space<vmem_shared>>) offsets(%arg12 : memref<80xi32, #tpu.memory_space<vmem>>) semaphore(%arg33 : memref<!tpu.dma_semaphore, #tpu.memory_space<semaphore_mem>>) {add = true}
      %dma_wait3A_667 = arith.constant 0 : i32
      %dma_wait3A_668 = arith.constant 0 : i32
      %dma_wait3A_669 = tpu.memref_slice %arg4[%dma_wait3A_667, %dma_wait3A_668] : memref<20480x16xf32, #tpu.memory_space<hbm>> -> memref<20480x16xf32, #tpu.memory_space<hbm>>
      tpu.wait_indirect_dma semaphore(%arg29 : memref<!tpu.dma_semaphore, #tpu.memory_space<semaphore_mem>>) src(%dma_wait3A_669 : memref<20480x16xf32, #tpu.memory_space<hbm>>) dst(%arg18 : memref<80x16xf32, #tpu.memory_space<vmem>>)
      %dma_start3A_670 = arith.constant 0 : i32
      %dma_start3A_671 = arith.constant 0 : i32
      %dma_start3A_672 = tpu.memref_slice %arg22[%dma_start3A_670, %dma_start3A_671] : memref<20480x16xf32, #tpu.memory_space<vmem_shared>> -> memref<20480x16xf32, #tpu.memory_space<vmem_shared>>
      tpu.enqueue_indirect_dma source(%arg18 : memref<80x16xf32, #tpu.memory_space<vmem>>) target(%dma_start3A_672 : memref<20480x16xf32, #tpu.memory_space<vmem_shared>>) offsets(%arg13 : memref<80xi32, #tpu.memory_space<vmem>>) semaphore(%arg34 : memref<!tpu.dma_semaphore, #tpu.memory_space<semaphore_mem>>) {add = true}
      %dma_wait3A_673 = arith.constant 0 : i32
      %dma_wait3A_674 = arith.constant 0 : i32
      %dma_wait3A_675 = tpu.memref_slice %arg4[%dma_wait3A_673, %dma_wait3A_674] : memref<20480x16xf32, #tpu.memory_space<hbm>> -> memref<20480x16xf32, #tpu.memory_space<hbm>>
      tpu.wait_indirect_dma semaphore(%arg30 : memref<!tpu.dma_semaphore, #tpu.memory_space<semaphore_mem>>) src(%dma_wait3A_675 : memref<20480x16xf32, #tpu.memory_space<hbm>>) dst(%arg19 : memref<80x16xf32, #tpu.memory_space<vmem>>)
      %dma_start3A_676 = arith.constant 0 : i32
      %dma_start3A_677 = arith.constant 0 : i32
      %dma_start3A_678 = tpu.memref_slice %arg22[%dma_start3A_676, %dma_start3A_677] : memref<20480x16xf32, #tpu.memory_space<vmem_shared>> -> memref<20480x16xf32, #tpu.memory_space<vmem_shared>>
      tpu.enqueue_indirect_dma source(%arg19 : memref<80x16xf32, #tpu.memory_space<vmem>>) target(%dma_start3A_678 : memref<20480x16xf32, #tpu.memory_space<vmem_shared>>) offsets(%arg14 : memref<80xi32, #tpu.memory_space<vmem>>) semaphore(%arg35 : memref<!tpu.dma_semaphore, #tpu.memory_space<semaphore_mem>>) {add = true}
      %dma_wait3A_679 = arith.constant 0 : i32
      %dma_wait3A_680 = arith.constant 0 : i32
      %dma_wait3A_681 = tpu.memref_slice %arg4[%dma_wait3A_679, %dma_wait3A_680] : memref<20480x16xf32, #tpu.memory_space<hbm>> -> memref<20480x16xf32, #tpu.memory_space<hbm>>
      tpu.wait_indirect_dma semaphore(%arg31 : memref<!tpu.dma_semaphore, #tpu.memory_space<semaphore_mem>>) src(%dma_wait3A_681 : memref<20480x16xf32, #tpu.memory_space<hbm>>) dst(%arg20 : memref<80x16xf32, #tpu.memory_space<vmem>>)
      %dma_start3A_682 = arith.constant 0 : i32
      %dma_start3A_683 = arith.constant 0 : i32
      %dma_start3A_684 = tpu.memref_slice %arg22[%dma_start3A_682, %dma_start3A_683] : memref<20480x16xf32, #tpu.memory_space<vmem_shared>> -> memref<20480x16xf32, #tpu.memory_space<vmem_shared>>
      tpu.enqueue_indirect_dma source(%arg20 : memref<80x16xf32, #tpu.memory_space<vmem>>) target(%dma_start3A_684 : memref<20480x16xf32, #tpu.memory_space<vmem_shared>>) offsets(%arg15 : memref<80xi32, #tpu.memory_space<vmem>>) semaphore(%arg36 : memref<!tpu.dma_semaphore, #tpu.memory_space<semaphore_mem>>) {add = true}
      %dma_wait3A_685 = arith.constant 0 : i32
      %dma_wait3A_686 = arith.constant 0 : i32
      %dma_wait3A_687 = tpu.memref_slice %arg4[%dma_wait3A_685, %dma_wait3A_686] : memref<20480x16xf32, #tpu.memory_space<hbm>> -> memref<20480x16xf32, #tpu.memory_space<hbm>>
      tpu.wait_indirect_dma semaphore(%arg32 : memref<!tpu.dma_semaphore, #tpu.memory_space<semaphore_mem>>) src(%dma_wait3A_687 : memref<20480x16xf32, #tpu.memory_space<hbm>>) dst(%arg21 : memref<80x16xf32, #tpu.memory_space<vmem>>)
      %dma_start3A_688 = arith.constant 0 : i32
      %dma_start3A_689 = arith.constant 0 : i32
      %dma_start3A_690 = tpu.memref_slice %arg22[%dma_start3A_688, %dma_start3A_689] : memref<20480x16xf32, #tpu.memory_space<vmem_shared>> -> memref<20480x16xf32, #tpu.memory_space<vmem_shared>>
      tpu.enqueue_indirect_dma source(%arg21 : memref<80x16xf32, #tpu.memory_space<vmem>>) target(%dma_start3A_690 : memref<20480x16xf32, #tpu.memory_space<vmem_shared>>) offsets(%arg16 : memref<80xi32, #tpu.memory_space<vmem>>) semaphore(%arg37 : memref<!tpu.dma_semaphore, #tpu.memory_space<semaphore_mem>>) {add = true}
      %scan3A_691 = arith.constant 0 : i32
      scf.yield %scan3A_691 : i32
    }
    %scan3A_168 = arith.constant 25 : i32
    %dma_wait3A_169 = arith.constant 0 : i32
    %dma_wait3A_170 = arith.constant 0 : i32
    %dma_wait3A_171 = tpu.memref_slice %arg22[%dma_wait3A_169, %dma_wait3A_170] : memref<20480x16xf32, #tpu.memory_space<vmem_shared>> -> memref<20480x16xf32, #tpu.memory_space<vmem_shared>>
    tpu.wait_indirect_dma semaphore(%arg33 : memref<!tpu.dma_semaphore, #tpu.memory_space<semaphore_mem>>) src(%arg17 : memref<80x16xf32, #tpu.memory_space<vmem>>) dst(%dma_wait3A_171 : memref<20480x16xf32, #tpu.memory_space<vmem_shared>>)
    %dma_wait3A_172 = arith.constant 0 : i32
    %dma_wait3A_173 = arith.constant 0 : i32
    %dma_wait3A_174 = tpu.memref_slice %arg22[%dma_wait3A_172, %dma_wait3A_173] : memref<20480x16xf32, #tpu.memory_space<vmem_shared>> -> memref<20480x16xf32, #tpu.memory_space<vmem_shared>>
    tpu.wait_indirect_dma semaphore(%arg34 : memref<!tpu.dma_semaphore, #tpu.memory_space<semaphore_mem>>) src(%arg18 : memref<80x16xf32, #tpu.memory_space<vmem>>) dst(%dma_wait3A_174 : memref<20480x16xf32, #tpu.memory_space<vmem_shared>>)
    %dma_wait3A_175 = arith.constant 0 : i32
    %dma_wait3A_176 = arith.constant 0 : i32
    %dma_wait3A_177 = tpu.memref_slice %arg22[%dma_wait3A_175, %dma_wait3A_176] : memref<20480x16xf32, #tpu.memory_space<vmem_shared>> -> memref<20480x16xf32, #tpu.memory_space<vmem_shared>>
    tpu.wait_indirect_dma semaphore(%arg35 : memref<!tpu.dma_semaphore, #tpu.memory_space<semaphore_mem>>) src(%arg19 : memref<80x16xf32, #tpu.memory_space<vmem>>) dst(%dma_wait3A_177 : memref<20480x16xf32, #tpu.memory_space<vmem_shared>>)
    %dma_wait3A_178 = arith.constant 0 : i32
    %dma_wait3A_179 = arith.constant 0 : i32
    %dma_wait3A_180 = tpu.memref_slice %arg22[%dma_wait3A_178, %dma_wait3A_179] : memref<20480x16xf32, #tpu.memory_space<vmem_shared>> -> memref<20480x16xf32, #tpu.memory_space<vmem_shared>>
    tpu.wait_indirect_dma semaphore(%arg36 : memref<!tpu.dma_semaphore, #tpu.memory_space<semaphore_mem>>) src(%arg20 : memref<80x16xf32, #tpu.memory_space<vmem>>) dst(%dma_wait3A_180 : memref<20480x16xf32, #tpu.memory_space<vmem_shared>>)
    %dma_wait3A_181 = arith.constant 0 : i32
    %dma_wait3A_182 = arith.constant 0 : i32
    %dma_wait3A_183 = tpu.memref_slice %arg22[%dma_wait3A_181, %dma_wait3A_182] : memref<20480x16xf32, #tpu.memory_space<vmem_shared>> -> memref<20480x16xf32, #tpu.memory_space<vmem_shared>>
    tpu.wait_indirect_dma semaphore(%arg37 : memref<!tpu.dma_semaphore, #tpu.memory_space<semaphore_mem>>) src(%arg21 : memref<80x16xf32, #tpu.memory_space<vmem>>) dst(%dma_wait3A_183 : memref<20480x16xf32, #tpu.memory_space<vmem_shared>>)
    %barrier3A_184 = arith.constant 0 : index
    tpu.barrier barrier_id(%barrier3A_184)
    %add3A_185 = arith.constant 0 : i32
    %add3A_186 = arith.addi %mul3A_2, %add3A_185 : i32
    %dma_start3A_187 = arith.constant 0 : i32
    %dma_start3A_188 = tpu.memref_slice %arg22[%add3A_186, %dma_start3A_187] : memref<20480x16xf32, #tpu.memory_space<vmem_shared>> -> memref<80x16xf32, #tpu.memory_space<vmem_shared>>
    %dma_start3A_189 = arith.constant 0 : i32
    %dma_start3A_190 = tpu.memref_slice %arg22[%add3A_186, %dma_start3A_189] : memref<20480x16xf32, #tpu.memory_space<vmem_shared>> -> memref<80x16xf32, #tpu.memory_space<vmem_shared>>
    tpu.enqueue_dma source(%dma_start3A_190 : memref<80x16xf32, #tpu.memory_space<vmem_shared>>) target(%arg17 : memref<80x16xf32, #tpu.memory_space<vmem>>) target_semaphore(%arg28 : memref<!tpu.dma_semaphore, #tpu.memory_space<semaphore_mem>>)
    %dma_wait3A_191 = arith.constant 0 : i32
    %dma_wait3A_192 = tpu.memref_slice %arg22[%add3A_186, %dma_wait3A_191] : memref<20480x16xf32, #tpu.memory_space<vmem_shared>> -> memref<80x16xf32, #tpu.memory_space<vmem_shared>>
    %dma_wait3A_193 = arith.constant 0 : i32
    %dma_wait3A_194 = tpu.memref_slice %arg22[%add3A_186, %dma_wait3A_193] : memref<20480x16xf32, #tpu.memory_space<vmem_shared>> -> memref<80x16xf32, #tpu.memory_space<vmem_shared>>
    tpu.wait_dma2 semaphore(%arg28 : memref<!tpu.dma_semaphore, #tpu.memory_space<semaphore_mem>>) src(%dma_wait3A_194 : memref<80x16xf32, #tpu.memory_space<vmem_shared>>) dst(%arg17 : memref<80x16xf32, #tpu.memory_space<vmem>>)
    %add3A_195 = arith.constant 0 : i32
    %add3A_196 = arith.addi %mul3A_2, %add3A_195 : i32
    %dma_start3A_197 = arith.constant 0 : i32
    %dma_start3A_198 = tpu.memref_slice %arg6[%arg0, %add3A_196, %dma_start3A_197] : memref<2x20480x16xf32, #tpu.memory_space<hbm>> -> memref<1x80x16xf32, #tpu.memory_space<hbm>>
    %dma_start3A_199 = tpu.memref_squeeze %dma_start3A_198 : memref<1x80x16xf32, #tpu.memory_space<hbm>> -> memref<80x16xf32, #tpu.memory_space<hbm>>
    %dma_start3A_200 = arith.constant 0 : i32
    %dma_start3A_201 = tpu.memref_slice %arg6[%arg0, %add3A_196, %dma_start3A_200] : memref<2x20480x16xf32, #tpu.memory_space<hbm>> -> memref<1x80x16xf32, #tpu.memory_space<hbm>>
    %dma_start3A_202 = tpu.memref_squeeze %dma_start3A_201 : memref<1x80x16xf32, #tpu.memory_space<hbm>> -> memref<80x16xf32, #tpu.memory_space<hbm>>
    tpu.enqueue_dma source(%arg17 : memref<80x16xf32, #tpu.memory_space<vmem>>) target(%dma_start3A_202 : memref<80x16xf32, #tpu.memory_space<hbm>>) target_semaphore(%arg33 : memref<!tpu.dma_semaphore, #tpu.memory_space<semaphore_mem>>)
    %add3A_203 = arith.constant 80 : i32
    %add3A_204 = arith.addi %mul3A_2, %add3A_203 : i32
    %dma_start3A_205 = arith.constant 0 : i32
    %dma_start3A_206 = tpu.memref_slice %arg22[%add3A_204, %dma_start3A_205] : memref<20480x16xf32, #tpu.memory_space<vmem_shared>> -> memref<80x16xf32, #tpu.memory_space<vmem_shared>>
    %dma_start3A_207 = arith.constant 0 : i32
    %dma_start3A_208 = tpu.memref_slice %arg22[%add3A_204, %dma_start3A_207] : memref<20480x16xf32, #tpu.memory_space<vmem_shared>> -> memref<80x16xf32, #tpu.memory_space<vmem_shared>>
    tpu.enqueue_dma source(%dma_start3A_208 : memref<80x16xf32, #tpu.memory_space<vmem_shared>>) target(%arg18 : memref<80x16xf32, #tpu.memory_space<vmem>>) target_semaphore(%arg29 : memref<!tpu.dma_semaphore, #tpu.memory_space<semaphore_mem>>)
    %dma_wait3A_209 = arith.constant 0 : i32
    %dma_wait3A_210 = tpu.memref_slice %arg22[%add3A_204, %dma_wait3A_209] : memref<20480x16xf32, #tpu.memory_space<vmem_shared>> -> memref<80x16xf32, #tpu.memory_space<vmem_shared>>
    %dma_wait3A_211 = arith.constant 0 : i32
    %dma_wait3A_212 = tpu.memref_slice %arg22[%add3A_204, %dma_wait3A_211] : memref<20480x16xf32, #tpu.memory_space<vmem_shared>> -> memref<80x16xf32, #tpu.memory_space<vmem_shared>>
    tpu.wait_dma2 semaphore(%arg29 : memref<!tpu.dma_semaphore, #tpu.memory_space<semaphore_mem>>) src(%dma_wait3A_212 : memref<80x16xf32, #tpu.memory_space<vmem_shared>>) dst(%arg18 : memref<80x16xf32, #tpu.memory_space<vmem>>)
    %add3A_213 = arith.constant 80 : i32
    %add3A_214 = arith.addi %mul3A_2, %add3A_213 : i32
    %dma_start3A_215 = arith.constant 0 : i32
    %dma_start3A_216 = tpu.memref_slice %arg6[%arg0, %add3A_214, %dma_start3A_215] : memref<2x20480x16xf32, #tpu.memory_space<hbm>> -> memref<1x80x16xf32, #tpu.memory_space<hbm>>
    %dma_start3A_217 = tpu.memref_squeeze %dma_start3A_216 : memref<1x80x16xf32, #tpu.memory_space<hbm>> -> memref<80x16xf32, #tpu.memory_space<hbm>>
    %dma_start3A_218 = arith.constant 0 : i32
    %dma_start3A_219 = tpu.memref_slice %arg6[%arg0, %add3A_214, %dma_start3A_218] : memref<2x20480x16xf32, #tpu.memory_space<hbm>> -> memref<1x80x16xf32, #tpu.memory_space<hbm>>
    %dma_start3A_220 = tpu.memref_squeeze %dma_start3A_219 : memref<1x80x16xf32, #tpu.memory_space<hbm>> -> memref<80x16xf32, #tpu.memory_space<hbm>>
    tpu.enqueue_dma source(%arg18 : memref<80x16xf32, #tpu.memory_space<vmem>>) target(%dma_start3A_220 : memref<80x16xf32, #tpu.memory_space<hbm>>) target_semaphore(%arg34 : memref<!tpu.dma_semaphore, #tpu.memory_space<semaphore_mem>>)
    %add3A_221 = arith.constant 160 : i32
    %add3A_222 = arith.addi %mul3A_2, %add3A_221 : i32
    %dma_start3A_223 = arith.constant 0 : i32
    %dma_start3A_224 = tpu.memref_slice %arg22[%add3A_222, %dma_start3A_223] : memref<20480x16xf32, #tpu.memory_space<vmem_shared>> -> memref<80x16xf32, #tpu.memory_space<vmem_shared>>
    %dma_start3A_225 = arith.constant 0 : i32
    %dma_start3A_226 = tpu.memref_slice %arg22[%add3A_222, %dma_start3A_225] : memref<20480x16xf32, #tpu.memory_space<vmem_shared>> -> memref<80x16xf32, #tpu.memory_space<vmem_shared>>
    tpu.enqueue_dma source(%dma_start3A_226 : memref<80x16xf32, #tpu.memory_space<vmem_shared>>) target(%arg19 : memref<80x16xf32, #tpu.memory_space<vmem>>) target_semaphore(%arg30 : memref<!tpu.dma_semaphore, #tpu.memory_space<semaphore_mem>>)
    %dma_wait3A_227 = arith.constant 0 : i32
    %dma_wait3A_228 = tpu.memref_slice %arg22[%add3A_222, %dma_wait3A_227] : memref<20480x16xf32, #tpu.memory_space<vmem_shared>> -> memref<80x16xf32, #tpu.memory_space<vmem_shared>>
    %dma_wait3A_229 = arith.constant 0 : i32
    %dma_wait3A_230 = tpu.memref_slice %arg22[%add3A_222, %dma_wait3A_229] : memref<20480x16xf32, #tpu.memory_space<vmem_shared>> -> memref<80x16xf32, #tpu.memory_space<vmem_shared>>
    tpu.wait_dma2 semaphore(%arg30 : memref<!tpu.dma_semaphore, #tpu.memory_space<semaphore_mem>>) src(%dma_wait3A_230 : memref<80x16xf32, #tpu.memory_space<vmem_shared>>) dst(%arg19 : memref<80x16xf32, #tpu.memory_space<vmem>>)
    %add3A_231 = arith.constant 160 : i32
    %add3A_232 = arith.addi %mul3A_2, %add3A_231 : i32
    %dma_start3A_233 = arith.constant 0 : i32
    %dma_start3A_234 = tpu.memref_slice %arg6[%arg0, %add3A_232, %dma_start3A_233] : memref<2x20480x16xf32, #tpu.memory_space<hbm>> -> memref<1x80x16xf32, #tpu.memory_space<hbm>>
    %dma_start3A_235 = tpu.memref_squeeze %dma_start3A_234 : memref<1x80x16xf32, #tpu.memory_space<hbm>> -> memref<80x16xf32, #tpu.memory_space<hbm>>
    %dma_start3A_236 = arith.constant 0 : i32
    %dma_start3A_237 = tpu.memref_slice %arg6[%arg0, %add3A_232, %dma_start3A_236] : memref<2x20480x16xf32, #tpu.memory_space<hbm>> -> memref<1x80x16xf32, #tpu.memory_space<hbm>>
    %dma_start3A_238 = tpu.memref_squeeze %dma_start3A_237 : memref<1x80x16xf32, #tpu.memory_space<hbm>> -> memref<80x16xf32, #tpu.memory_space<hbm>>
    tpu.enqueue_dma source(%arg19 : memref<80x16xf32, #tpu.memory_space<vmem>>) target(%dma_start3A_238 : memref<80x16xf32, #tpu.memory_space<hbm>>) target_semaphore(%arg35 : memref<!tpu.dma_semaphore, #tpu.memory_space<semaphore_mem>>)
    %add3A_239 = arith.constant 240 : i32
    %add3A_240 = arith.addi %mul3A_2, %add3A_239 : i32
    %dma_start3A_241 = arith.constant 0 : i32
    %dma_start3A_242 = tpu.memref_slice %arg22[%add3A_240, %dma_start3A_241] : memref<20480x16xf32, #tpu.memory_space<vmem_shared>> -> memref<80x16xf32, #tpu.memory_space<vmem_shared>>
    %dma_start3A_243 = arith.constant 0 : i32
    %dma_start3A_244 = tpu.memref_slice %arg22[%add3A_240, %dma_start3A_243] : memref<20480x16xf32, #tpu.memory_space<vmem_shared>> -> memref<80x16xf32, #tpu.memory_space<vmem_shared>>
    tpu.enqueue_dma source(%dma_start3A_244 : memref<80x16xf32, #tpu.memory_space<vmem_shared>>) target(%arg20 : memref<80x16xf32, #tpu.memory_space<vmem>>) target_semaphore(%arg31 : memref<!tpu.dma_semaphore, #tpu.memory_space<semaphore_mem>>)
    %dma_wait3A_245 = arith.constant 0 : i32
    %dma_wait3A_246 = tpu.memref_slice %arg22[%add3A_240, %dma_wait3A_245] : memref<20480x16xf32, #tpu.memory_space<vmem_shared>> -> memref<80x16xf32, #tpu.memory_space<vmem_shared>>
    %dma_wait3A_247 = arith.constant 0 : i32
    %dma_wait3A_248 = tpu.memref_slice %arg22[%add3A_240, %dma_wait3A_247] : memref<20480x16xf32, #tpu.memory_space<vmem_shared>> -> memref<80x16xf32, #tpu.memory_space<vmem_shared>>
    tpu.wait_dma2 semaphore(%arg31 : memref<!tpu.dma_semaphore, #tpu.memory_space<semaphore_mem>>) src(%dma_wait3A_248 : memref<80x16xf32, #tpu.memory_space<vmem_shared>>) dst(%arg20 : memref<80x16xf32, #tpu.memory_space<vmem>>)
    %add3A_249 = arith.constant 240 : i32
    %add3A_250 = arith.addi %mul3A_2, %add3A_249 : i32
    %dma_start3A_251 = arith.constant 0 : i32
    %dma_start3A_252 = tpu.memref_slice %arg6[%arg0, %add3A_250, %dma_start3A_251] : memref<2x20480x16xf32, #tpu.memory_space<hbm>> -> memref<1x80x16xf32, #tpu.memory_space<hbm>>
    %dma_start3A_253 = tpu.memref_squeeze %dma_start3A_252 : memref<1x80x16xf32, #tpu.memory_space<hbm>> -> memref<80x16xf32, #tpu.memory_space<hbm>>
    %dma_start3A_254 = arith.constant 0 : i32
    %dma_start3A_255 = tpu.memref_slice %arg6[%arg0, %add3A_250, %dma_start3A_254] : memref<2x20480x16xf32, #tpu.memory_space<hbm>> -> memref<1x80x16xf32, #tpu.memory_space<hbm>>
    %dma_start3A_256 = tpu.memref_squeeze %dma_start3A_255 : memref<1x80x16xf32, #tpu.memory_space<hbm>> -> memref<80x16xf32, #tpu.memory_space<hbm>>
    tpu.enqueue_dma source(%arg20 : memref<80x16xf32, #tpu.memory_space<vmem>>) target(%dma_start3A_256 : memref<80x16xf32, #tpu.memory_space<hbm>>) target_semaphore(%arg36 : memref<!tpu.dma_semaphore, #tpu.memory_space<semaphore_mem>>)
    %add3A_257 = arith.constant 320 : i32
    %add3A_258 = arith.addi %mul3A_2, %add3A_257 : i32
    %dma_start3A_259 = arith.constant 0 : i32
    %dma_start3A_260 = tpu.memref_slice %arg22[%add3A_258, %dma_start3A_259] : memref<20480x16xf32, #tpu.memory_space<vmem_shared>> -> memref<80x16xf32, #tpu.memory_space<vmem_shared>>
    %dma_start3A_261 = arith.constant 0 : i32
    %dma_start3A_262 = tpu.memref_slice %arg22[%add3A_258, %dma_start3A_261] : memref<20480x16xf32, #tpu.memory_space<vmem_shared>> -> memref<80x16xf32, #tpu.memory_space<vmem_shared>>
    tpu.enqueue_dma source(%dma_start3A_262 : memref<80x16xf32, #tpu.memory_space<vmem_shared>>) target(%arg21 : memref<80x16xf32, #tpu.memory_space<vmem>>) target_semaphore(%arg32 : memref<!tpu.dma_semaphore, #tpu.memory_space<semaphore_mem>>)
    %dma_wait3A_263 = arith.constant 0 : i32
    %dma_wait3A_264 = tpu.memref_slice %arg22[%add3A_258, %dma_wait3A_263] : memref<20480x16xf32, #tpu.memory_space<vmem_shared>> -> memref<80x16xf32, #tpu.memory_space<vmem_shared>>
    %dma_wait3A_265 = arith.constant 0 : i32
    %dma_wait3A_266 = tpu.memref_slice %arg22[%add3A_258, %dma_wait3A_265] : memref<20480x16xf32, #tpu.memory_space<vmem_shared>> -> memref<80x16xf32, #tpu.memory_space<vmem_shared>>
    tpu.wait_dma2 semaphore(%arg32 : memref<!tpu.dma_semaphore, #tpu.memory_space<semaphore_mem>>) src(%dma_wait3A_266 : memref<80x16xf32, #tpu.memory_space<vmem_shared>>) dst(%arg21 : memref<80x16xf32, #tpu.memory_space<vmem>>)
    %add3A_267 = arith.constant 320 : i32
    %add3A_268 = arith.addi %mul3A_2, %add3A_267 : i32
    %dma_start3A_269 = arith.constant 0 : i32
    %dma_start3A_270 = tpu.memref_slice %arg6[%arg0, %add3A_268, %dma_start3A_269] : memref<2x20480x16xf32, #tpu.memory_space<hbm>> -> memref<1x80x16xf32, #tpu.memory_space<hbm>>
    %dma_start3A_271 = tpu.memref_squeeze %dma_start3A_270 : memref<1x80x16xf32, #tpu.memory_space<hbm>> -> memref<80x16xf32, #tpu.memory_space<hbm>>
    %dma_start3A_272 = arith.constant 0 : i32
    %dma_start3A_273 = tpu.memref_slice %arg6[%arg0, %add3A_268, %dma_start3A_272] : memref<2x20480x16xf32, #tpu.memory_space<hbm>> -> memref<1x80x16xf32, #tpu.memory_space<hbm>>
    %dma_start3A_274 = tpu.memref_squeeze %dma_start3A_273 : memref<1x80x16xf32, #tpu.memory_space<hbm>> -> memref<80x16xf32, #tpu.memory_space<hbm>>
    tpu.enqueue_dma source(%arg21 : memref<80x16xf32, #tpu.memory_space<vmem>>) target(%dma_start3A_274 : memref<80x16xf32, #tpu.memory_space<hbm>>) target_semaphore(%arg37 : memref<!tpu.dma_semaphore, #tpu.memory_space<semaphore_mem>>)
    %dma_wait3A_275 = arith.constant 0 : i32
    %dma_wait3A_276 = tpu.memref_slice %arg6[%arg0, %add3A_196, %dma_wait3A_275] : memref<2x20480x16xf32, #tpu.memory_space<hbm>> -> memref<1x80x16xf32, #tpu.memory_space<hbm>>
    %dma_wait3A_277 = tpu.memref_squeeze %dma_wait3A_276 : memref<1x80x16xf32, #tpu.memory_space<hbm>> -> memref<80x16xf32, #tpu.memory_space<hbm>>
    %dma_wait3A_278 = arith.constant 0 : i32
    %dma_wait3A_279 = tpu.memref_slice %arg6[%arg0, %add3A_196, %dma_wait3A_278] : memref<2x20480x16xf32, #tpu.memory_space<hbm>> -> memref<1x80x16xf32, #tpu.memory_space<hbm>>
    %dma_wait3A_280 = tpu.memref_squeeze %dma_wait3A_279 : memref<1x80x16xf32, #tpu.memory_space<hbm>> -> memref<80x16xf32, #tpu.memory_space<hbm>>
    tpu.wait_dma2 semaphore(%arg33 : memref<!tpu.dma_semaphore, #tpu.memory_space<semaphore_mem>>) src(%arg17 : memref<80x16xf32, #tpu.memory_space<vmem>>) dst(%dma_wait3A_280 : memref<80x16xf32, #tpu.memory_space<hbm>>)
    %add3A_281 = arith.constant 400 : i32
    %add3A_282 = arith.addi %mul3A_2, %add3A_281 : i32
    %dma_start3A_283 = arith.constant 0 : i32
    %dma_start3A_284 = tpu.memref_slice %arg22[%add3A_282, %dma_start3A_283] : memref<20480x16xf32, #tpu.memory_space<vmem_shared>> -> memref<80x16xf32, #tpu.memory_space<vmem_shared>>
    %dma_start3A_285 = arith.constant 0 : i32
    %dma_start3A_286 = tpu.memref_slice %arg22[%add3A_282, %dma_start3A_285] : memref<20480x16xf32, #tpu.memory_space<vmem_shared>> -> memref<80x16xf32, #tpu.memory_space<vmem_shared>>
    tpu.enqueue_dma source(%dma_start3A_286 : memref<80x16xf32, #tpu.memory_space<vmem_shared>>) target(%arg17 : memref<80x16xf32, #tpu.memory_space<vmem>>) target_semaphore(%arg28 : memref<!tpu.dma_semaphore, #tpu.memory_space<semaphore_mem>>)
    %dma_wait3A_287 = arith.constant 0 : i32
    %dma_wait3A_288 = tpu.memref_slice %arg22[%add3A_282, %dma_wait3A_287] : memref<20480x16xf32, #tpu.memory_space<vmem_shared>> -> memref<80x16xf32, #tpu.memory_space<vmem_shared>>
    %dma_wait3A_289 = arith.constant 0 : i32
    %dma_wait3A_290 = tpu.memref_slice %arg22[%add3A_282, %dma_wait3A_289] : memref<20480x16xf32, #tpu.memory_space<vmem_shared>> -> memref<80x16xf32, #tpu.memory_space<vmem_shared>>
    tpu.wait_dma2 semaphore(%arg28 : memref<!tpu.dma_semaphore, #tpu.memory_space<semaphore_mem>>) src(%dma_wait3A_290 : memref<80x16xf32, #tpu.memory_space<vmem_shared>>) dst(%arg17 : memref<80x16xf32, #tpu.memory_space<vmem>>)
    %add3A_291 = arith.constant 400 : i32
    %add3A_292 = arith.addi %mul3A_2, %add3A_291 : i32
    %dma_start3A_293 = arith.constant 0 : i32
    %dma_start3A_294 = tpu.memref_slice %arg6[%arg0, %add3A_292, %dma_start3A_293] : memref<2x20480x16xf32, #tpu.memory_space<hbm>> -> memref<1x80x16xf32, #tpu.memory_space<hbm>>
    %dma_start3A_295 = tpu.memref_squeeze %dma_start3A_294 : memref<1x80x16xf32, #tpu.memory_space<hbm>> -> memref<80x16xf32, #tpu.memory_space<hbm>>
    %dma_start3A_296 = arith.constant 0 : i32
    %dma_start3A_297 = tpu.memref_slice %arg6[%arg0, %add3A_292, %dma_start3A_296] : memref<2x20480x16xf32, #tpu.memory_space<hbm>> -> memref<1x80x16xf32, #tpu.memory_space<hbm>>
    %dma_start3A_298 = tpu.memref_squeeze %dma_start3A_297 : memref<1x80x16xf32, #tpu.memory_space<hbm>> -> memref<80x16xf32, #tpu.memory_space<hbm>>
    tpu.enqueue_dma source(%arg17 : memref<80x16xf32, #tpu.memory_space<vmem>>) target(%dma_start3A_298 : memref<80x16xf32, #tpu.memory_space<hbm>>) target_semaphore(%arg33 : memref<!tpu.dma_semaphore, #tpu.memory_space<semaphore_mem>>)
    %dma_wait3A_299 = arith.constant 0 : i32
    %dma_wait3A_300 = tpu.memref_slice %arg6[%arg0, %add3A_214, %dma_wait3A_299] : memref<2x20480x16xf32, #tpu.memory_space<hbm>> -> memref<1x80x16xf32, #tpu.memory_space<hbm>>
    %dma_wait3A_301 = tpu.memref_squeeze %dma_wait3A_300 : memref<1x80x16xf32, #tpu.memory_space<hbm>> -> memref<80x16xf32, #tpu.memory_space<hbm>>
    %dma_wait3A_302 = arith.constant 0 : i32
    %dma_wait3A_303 = tpu.memref_slice %arg6[%arg0, %add3A_214, %dma_wait3A_302] : memref<2x20480x16xf32, #tpu.memory_space<hbm>> -> memref<1x80x16xf32, #tpu.memory_space<hbm>>
    %dma_wait3A_304 = tpu.memref_squeeze %dma_wait3A_303 : memref<1x80x16xf32, #tpu.memory_space<hbm>> -> memref<80x16xf32, #tpu.memory_space<hbm>>
    tpu.wait_dma2 semaphore(%arg34 : memref<!tpu.dma_semaphore, #tpu.memory_space<semaphore_mem>>) src(%arg18 : memref<80x16xf32, #tpu.memory_space<vmem>>) dst(%dma_wait3A_304 : memref<80x16xf32, #tpu.memory_space<hbm>>)
    %add3A_305 = arith.constant 480 : i32
    %add3A_306 = arith.addi %mul3A_2, %add3A_305 : i32
    %dma_start3A_307 = arith.constant 0 : i32
    %dma_start3A_308 = tpu.memref_slice %arg22[%add3A_306, %dma_start3A_307] : memref<20480x16xf32, #tpu.memory_space<vmem_shared>> -> memref<80x16xf32, #tpu.memory_space<vmem_shared>>
    %dma_start3A_309 = arith.constant 0 : i32
    %dma_start3A_310 = tpu.memref_slice %arg22[%add3A_306, %dma_start3A_309] : memref<20480x16xf32, #tpu.memory_space<vmem_shared>> -> memref<80x16xf32, #tpu.memory_space<vmem_shared>>
    tpu.enqueue_dma source(%dma_start3A_310 : memref<80x16xf32, #tpu.memory_space<vmem_shared>>) target(%arg18 : memref<80x16xf32, #tpu.memory_space<vmem>>) target_semaphore(%arg29 : memref<!tpu.dma_semaphore, #tpu.memory_space<semaphore_mem>>)
    %dma_wait3A_311 = arith.constant 0 : i32
    %dma_wait3A_312 = tpu.memref_slice %arg22[%add3A_306, %dma_wait3A_311] : memref<20480x16xf32, #tpu.memory_space<vmem_shared>> -> memref<80x16xf32, #tpu.memory_space<vmem_shared>>
    %dma_wait3A_313 = arith.constant 0 : i32
    %dma_wait3A_314 = tpu.memref_slice %arg22[%add3A_306, %dma_wait3A_313] : memref<20480x16xf32, #tpu.memory_space<vmem_shared>> -> memref<80x16xf32, #tpu.memory_space<vmem_shared>>
    tpu.wait_dma2 semaphore(%arg29 : memref<!tpu.dma_semaphore, #tpu.memory_space<semaphore_mem>>) src(%dma_wait3A_314 : memref<80x16xf32, #tpu.memory_space<vmem_shared>>) dst(%arg18 : memref<80x16xf32, #tpu.memory_space<vmem>>)
    %add3A_315 = arith.constant 480 : i32
    %add3A_316 = arith.addi %mul3A_2, %add3A_315 : i32
    %dma_start3A_317 = arith.constant 0 : i32
    %dma_start3A_318 = tpu.memref_slice %arg6[%arg0, %add3A_316, %dma_start3A_317] : memref<2x20480x16xf32, #tpu.memory_space<hbm>> -> memref<1x80x16xf32, #tpu.memory_space<hbm>>
    %dma_start3A_319 = tpu.memref_squeeze %dma_start3A_318 : memref<1x80x16xf32, #tpu.memory_space<hbm>> -> memref<80x16xf32, #tpu.memory_space<hbm>>
    %dma_start3A_320 = arith.constant 0 : i32
    %dma_start3A_321 = tpu.memref_slice %arg6[%arg0, %add3A_316, %dma_start3A_320] : memref<2x20480x16xf32, #tpu.memory_space<hbm>> -> memref<1x80x16xf32, #tpu.memory_space<hbm>>
    %dma_start3A_322 = tpu.memref_squeeze %dma_start3A_321 : memref<1x80x16xf32, #tpu.memory_space<hbm>> -> memref<80x16xf32, #tpu.memory_space<hbm>>
    tpu.enqueue_dma source(%arg18 : memref<80x16xf32, #tpu.memory_space<vmem>>) target(%dma_start3A_322 : memref<80x16xf32, #tpu.memory_space<hbm>>) target_semaphore(%arg34 : memref<!tpu.dma_semaphore, #tpu.memory_space<semaphore_mem>>)
    %dma_wait3A_323 = arith.constant 0 : i32
    %dma_wait3A_324 = tpu.memref_slice %arg6[%arg0, %add3A_232, %dma_wait3A_323] : memref<2x20480x16xf32, #tpu.memory_space<hbm>> -> memref<1x80x16xf32, #tpu.memory_space<hbm>>
    %dma_wait3A_325 = tpu.memref_squeeze %dma_wait3A_324 : memref<1x80x16xf32, #tpu.memory_space<hbm>> -> memref<80x16xf32, #tpu.memory_space<hbm>>
    %dma_wait3A_326 = arith.constant 0 : i32
    %dma_wait3A_327 = tpu.memref_slice %arg6[%arg0, %add3A_232, %dma_wait3A_326] : memref<2x20480x16xf32, #tpu.memory_space<hbm>> -> memref<1x80x16xf32, #tpu.memory_space<hbm>>
    %dma_wait3A_328 = tpu.memref_squeeze %dma_wait3A_327 : memref<1x80x16xf32, #tpu.memory_space<hbm>> -> memref<80x16xf32, #tpu.memory_space<hbm>>
    tpu.wait_dma2 semaphore(%arg35 : memref<!tpu.dma_semaphore, #tpu.memory_space<semaphore_mem>>) src(%arg19 : memref<80x16xf32, #tpu.memory_space<vmem>>) dst(%dma_wait3A_328 : memref<80x16xf32, #tpu.memory_space<hbm>>)
    %add3A_329 = arith.constant 560 : i32
    %add3A_330 = arith.addi %mul3A_2, %add3A_329 : i32
    %dma_start3A_331 = arith.constant 0 : i32
    %dma_start3A_332 = tpu.memref_slice %arg22[%add3A_330, %dma_start3A_331] : memref<20480x16xf32, #tpu.memory_space<vmem_shared>> -> memref<80x16xf32, #tpu.memory_space<vmem_shared>>
    %dma_start3A_333 = arith.constant 0 : i32
    %dma_start3A_334 = tpu.memref_slice %arg22[%add3A_330, %dma_start3A_333] : memref<20480x16xf32, #tpu.memory_space<vmem_shared>> -> memref<80x16xf32, #tpu.memory_space<vmem_shared>>
    tpu.enqueue_dma source(%dma_start3A_334 : memref<80x16xf32, #tpu.memory_space<vmem_shared>>) target(%arg19 : memref<80x16xf32, #tpu.memory_space<vmem>>) target_semaphore(%arg30 : memref<!tpu.dma_semaphore, #tpu.memory_space<semaphore_mem>>)
    %dma_wait3A_335 = arith.constant 0 : i32
    %dma_wait3A_336 = tpu.memref_slice %arg22[%add3A_330, %dma_wait3A_335] : memref<20480x16xf32, #tpu.memory_space<vmem_shared>> -> memref<80x16xf32, #tpu.memory_space<vmem_shared>>
    %dma_wait3A_337 = arith.constant 0 : i32
    %dma_wait3A_338 = tpu.memref_slice %arg22[%add3A_330, %dma_wait3A_337] : memref<20480x16xf32, #tpu.memory_space<vmem_shared>> -> memref<80x16xf32, #tpu.memory_space<vmem_shared>>
    tpu.wait_dma2 semaphore(%arg30 : memref<!tpu.dma_semaphore, #tpu.memory_space<semaphore_mem>>) src(%dma_wait3A_338 : memref<80x16xf32, #tpu.memory_space<vmem_shared>>) dst(%arg19 : memref<80x16xf32, #tpu.memory_space<vmem>>)
    %add3A_339 = arith.constant 560 : i32
    %add3A_340 = arith.addi %mul3A_2, %add3A_339 : i32
    %dma_start3A_341 = arith.constant 0 : i32
    %dma_start3A_342 = tpu.memref_slice %arg6[%arg0, %add3A_340, %dma_start3A_341] : memref<2x20480x16xf32, #tpu.memory_space<hbm>> -> memref<1x80x16xf32, #tpu.memory_space<hbm>>
    %dma_start3A_343 = tpu.memref_squeeze %dma_start3A_342 : memref<1x80x16xf32, #tpu.memory_space<hbm>> -> memref<80x16xf32, #tpu.memory_space<hbm>>
    %dma_start3A_344 = arith.constant 0 : i32
    %dma_start3A_345 = tpu.memref_slice %arg6[%arg0, %add3A_340, %dma_start3A_344] : memref<2x20480x16xf32, #tpu.memory_space<hbm>> -> memref<1x80x16xf32, #tpu.memory_space<hbm>>
    %dma_start3A_346 = tpu.memref_squeeze %dma_start3A_345 : memref<1x80x16xf32, #tpu.memory_space<hbm>> -> memref<80x16xf32, #tpu.memory_space<hbm>>
    tpu.enqueue_dma source(%arg19 : memref<80x16xf32, #tpu.memory_space<vmem>>) target(%dma_start3A_346 : memref<80x16xf32, #tpu.memory_space<hbm>>) target_semaphore(%arg35 : memref<!tpu.dma_semaphore, #tpu.memory_space<semaphore_mem>>)
    %dma_wait3A_347 = arith.constant 0 : i32
    %dma_wait3A_348 = tpu.memref_slice %arg6[%arg0, %add3A_250, %dma_wait3A_347] : memref<2x20480x16xf32, #tpu.memory_space<hbm>> -> memref<1x80x16xf32, #tpu.memory_space<hbm>>
    %dma_wait3A_349 = tpu.memref_squeeze %dma_wait3A_348 : memref<1x80x16xf32, #tpu.memory_space<hbm>> -> memref<80x16xf32, #tpu.memory_space<hbm>>
    %dma_wait3A_350 = arith.constant 0 : i32
    %dma_wait3A_351 = tpu.memref_slice %arg6[%arg0, %add3A_250, %dma_wait3A_350] : memref<2x20480x16xf32, #tpu.memory_space<hbm>> -> memref<1x80x16xf32, #tpu.memory_space<hbm>>
    %dma_wait3A_352 = tpu.memref_squeeze %dma_wait3A_351 : memref<1x80x16xf32, #tpu.memory_space<hbm>> -> memref<80x16xf32, #tpu.memory_space<hbm>>
    tpu.wait_dma2 semaphore(%arg36 : memref<!tpu.dma_semaphore, #tpu.memory_space<semaphore_mem>>) src(%arg20 : memref<80x16xf32, #tpu.memory_space<vmem>>) dst(%dma_wait3A_352 : memref<80x16xf32, #tpu.memory_space<hbm>>)
    %add3A_353 = arith.constant 640 : i32
    %add3A_354 = arith.addi %mul3A_2, %add3A_353 : i32
    %dma_start3A_355 = arith.constant 0 : i32
    %dma_start3A_356 = tpu.memref_slice %arg22[%add3A_354, %dma_start3A_355] : memref<20480x16xf32, #tpu.memory_space<vmem_shared>> -> memref<80x16xf32, #tpu.memory_space<vmem_shared>>
    %dma_start3A_357 = arith.constant 0 : i32
    %dma_start3A_358 = tpu.memref_slice %arg22[%add3A_354, %dma_start3A_357] : memref<20480x16xf32, #tpu.memory_space<vmem_shared>> -> memref<80x16xf32, #tpu.memory_space<vmem_shared>>
    tpu.enqueue_dma source(%dma_start3A_358 : memref<80x16xf32, #tpu.memory_space<vmem_shared>>) target(%arg20 : memref<80x16xf32, #tpu.memory_space<vmem>>) target_semaphore(%arg31 : memref<!tpu.dma_semaphore, #tpu.memory_space<semaphore_mem>>)
    %dma_wait3A_359 = arith.constant 0 : i32
    %dma_wait3A_360 = tpu.memref_slice %arg22[%add3A_354, %dma_wait3A_359] : memref<20480x16xf32, #tpu.memory_space<vmem_shared>> -> memref<80x16xf32, #tpu.memory_space<vmem_shared>>
    %dma_wait3A_361 = arith.constant 0 : i32
    %dma_wait3A_362 = tpu.memref_slice %arg22[%add3A_354, %dma_wait3A_361] : memref<20480x16xf32, #tpu.memory_space<vmem_shared>> -> memref<80x16xf32, #tpu.memory_space<vmem_shared>>
    tpu.wait_dma2 semaphore(%arg31 : memref<!tpu.dma_semaphore, #tpu.memory_space<semaphore_mem>>) src(%dma_wait3A_362 : memref<80x16xf32, #tpu.memory_space<vmem_shared>>) dst(%arg20 : memref<80x16xf32, #tpu.memory_space<vmem>>)
    %add3A_363 = arith.constant 640 : i32
    %add3A_364 = arith.addi %mul3A_2, %add3A_363 : i32
    %dma_start3A_365 = arith.constant 0 : i32
    %dma_start3A_366 = tpu.memref_slice %arg6[%arg0, %add3A_364, %dma_start3A_365] : memref<2x20480x16xf32, #tpu.memory_space<hbm>> -> memref<1x80x16xf32, #tpu.memory_space<hbm>>
    %dma_start3A_367 = tpu.memref_squeeze %dma_start3A_366 : memref<1x80x16xf32, #tpu.memory_space<hbm>> -> memref<80x16xf32, #tpu.memory_space<hbm>>
    %dma_start3A_368 = arith.constant 0 : i32
    %dma_start3A_369 = tpu.memref_slice %arg6[%arg0, %add3A_364, %dma_start3A_368] : memref<2x20480x16xf32, #tpu.memory_space<hbm>> -> memref<1x80x16xf32, #tpu.memory_space<hbm>>
    %dma_start3A_370 = tpu.memref_squeeze %dma_start3A_369 : memref<1x80x16xf32, #tpu.memory_space<hbm>> -> memref<80x16xf32, #tpu.memory_space<hbm>>
    tpu.enqueue_dma source(%arg20 : memref<80x16xf32, #tpu.memory_space<vmem>>) target(%dma_start3A_370 : memref<80x16xf32, #tpu.memory_space<hbm>>) target_semaphore(%arg36 : memref<!tpu.dma_semaphore, #tpu.memory_space<semaphore_mem>>)
    %dma_wait3A_371 = arith.constant 0 : i32
    %dma_wait3A_372 = tpu.memref_slice %arg6[%arg0, %add3A_268, %dma_wait3A_371] : memref<2x20480x16xf32, #tpu.memory_space<hbm>> -> memref<1x80x16xf32, #tpu.memory_space<hbm>>
    %dma_wait3A_373 = tpu.memref_squeeze %dma_wait3A_372 : memref<1x80x16xf32, #tpu.memory_space<hbm>> -> memref<80x16xf32, #tpu.memory_space<hbm>>
    %dma_wait3A_374 = arith.constant 0 : i32
    %dma_wait3A_375 = tpu.memref_slice %arg6[%arg0, %add3A_268, %dma_wait3A_374] : memref<2x20480x16xf32, #tpu.memory_space<hbm>> -> memref<1x80x16xf32, #tpu.memory_space<hbm>>
    %dma_wait3A_376 = tpu.memref_squeeze %dma_wait3A_375 : memref<1x80x16xf32, #tpu.memory_space<hbm>> -> memref<80x16xf32, #tpu.memory_space<hbm>>
    tpu.wait_dma2 semaphore(%arg37 : memref<!tpu.dma_semaphore, #tpu.memory_space<semaphore_mem>>) src(%arg21 : memref<80x16xf32, #tpu.memory_space<vmem>>) dst(%dma_wait3A_376 : memref<80x16xf32, #tpu.memory_space<hbm>>)
    %add3A_377 = arith.constant 720 : i32
    %add3A_378 = arith.addi %mul3A_2, %add3A_377 : i32
    %dma_start3A_379 = arith.constant 0 : i32
    %dma_start3A_380 = tpu.memref_slice %arg22[%add3A_378, %dma_start3A_379] : memref<20480x16xf32, #tpu.memory_space<vmem_shared>> -> memref<80x16xf32, #tpu.memory_space<vmem_shared>>
    %dma_start3A_381 = arith.constant 0 : i32
    %dma_start3A_382 = tpu.memref_slice %arg22[%add3A_378, %dma_start3A_381] : memref<20480x16xf32, #tpu.memory_space<vmem_shared>> -> memref<80x16xf32, #tpu.memory_space<vmem_shared>>
    tpu.enqueue_dma source(%dma_start3A_382 : memref<80x16xf32, #tpu.memory_space<vmem_shared>>) target(%arg21 : memref<80x16xf32, #tpu.memory_space<vmem>>) target_semaphore(%arg32 : memref<!tpu.dma_semaphore, #tpu.memory_space<semaphore_mem>>)
    %dma_wait3A_383 = arith.constant 0 : i32
    %dma_wait3A_384 = tpu.memref_slice %arg22[%add3A_378, %dma_wait3A_383] : memref<20480x16xf32, #tpu.memory_space<vmem_shared>> -> memref<80x16xf32, #tpu.memory_space<vmem_shared>>
    %dma_wait3A_385 = arith.constant 0 : i32
    %dma_wait3A_386 = tpu.memref_slice %arg22[%add3A_378, %dma_wait3A_385] : memref<20480x16xf32, #tpu.memory_space<vmem_shared>> -> memref<80x16xf32, #tpu.memory_space<vmem_shared>>
    tpu.wait_dma2 semaphore(%arg32 : memref<!tpu.dma_semaphore, #tpu.memory_space<semaphore_mem>>) src(%dma_wait3A_386 : memref<80x16xf32, #tpu.memory_space<vmem_shared>>) dst(%arg21 : memref<80x16xf32, #tpu.memory_space<vmem>>)
    %add3A_387 = arith.constant 720 : i32
    %add3A_388 = arith.addi %mul3A_2, %add3A_387 : i32
    %dma_start3A_389 = arith.constant 0 : i32
    %dma_start3A_390 = tpu.memref_slice %arg6[%arg0, %add3A_388, %dma_start3A_389] : memref<2x20480x16xf32, #tpu.memory_space<hbm>> -> memref<1x80x16xf32, #tpu.memory_space<hbm>>
    %dma_start3A_391 = tpu.memref_squeeze %dma_start3A_390 : memref<1x80x16xf32, #tpu.memory_space<hbm>> -> memref<80x16xf32, #tpu.memory_space<hbm>>
    %dma_start3A_392 = arith.constant 0 : i32
    %dma_start3A_393 = tpu.memref_slice %arg6[%arg0, %add3A_388, %dma_start3A_392] : memref<2x20480x16xf32, #tpu.memory_space<hbm>> -> memref<1x80x16xf32, #tpu.memory_space<hbm>>
    %dma_start3A_394 = tpu.memref_squeeze %dma_start3A_393 : memref<1x80x16xf32, #tpu.memory_space<hbm>> -> memref<80x16xf32, #tpu.memory_space<hbm>>
    tpu.enqueue_dma source(%arg21 : memref<80x16xf32, #tpu.memory_space<vmem>>) target(%dma_start3A_394 : memref<80x16xf32, #tpu.memory_space<hbm>>) target_semaphore(%arg37 : memref<!tpu.dma_semaphore, #tpu.memory_space<semaphore_mem>>)
    %dma_wait3A_395 = arith.constant 0 : i32
    %dma_wait3A_396 = tpu.memref_slice %arg6[%arg0, %add3A_292, %dma_wait3A_395] : memref<2x20480x16xf32, #tpu.memory_space<hbm>> -> memref<1x80x16xf32, #tpu.memory_space<hbm>>
    %dma_wait3A_397 = tpu.memref_squeeze %dma_wait3A_396 : memref<1x80x16xf32, #tpu.memory_space<hbm>> -> memref<80x16xf32, #tpu.memory_space<hbm>>
    %dma_wait3A_398 = arith.constant 0 : i32
    %dma_wait3A_399 = tpu.memref_slice %arg6[%arg0, %add3A_292, %dma_wait3A_398] : memref<2x20480x16xf32, #tpu.memory_space<hbm>> -> memref<1x80x16xf32, #tpu.memory_space<hbm>>
    %dma_wait3A_400 = tpu.memref_squeeze %dma_wait3A_399 : memref<1x80x16xf32, #tpu.memory_space<hbm>> -> memref<80x16xf32, #tpu.memory_space<hbm>>
    tpu.wait_dma2 semaphore(%arg33 : memref<!tpu.dma_semaphore, #tpu.memory_space<semaphore_mem>>) src(%arg17 : memref<80x16xf32, #tpu.memory_space<vmem>>) dst(%dma_wait3A_400 : memref<80x16xf32, #tpu.memory_space<hbm>>)
    %add3A_401 = arith.constant 800 : i32
    %add3A_402 = arith.addi %mul3A_2, %add3A_401 : i32
    %dma_start3A_403 = arith.constant 0 : i32
    %dma_start3A_404 = tpu.memref_slice %arg22[%add3A_402, %dma_start3A_403] : memref<20480x16xf32, #tpu.memory_space<vmem_shared>> -> memref<80x16xf32, #tpu.memory_space<vmem_shared>>
    %dma_start3A_405 = arith.constant 0 : i32
    %dma_start3A_406 = tpu.memref_slice %arg22[%add3A_402, %dma_start3A_405] : memref<20480x16xf32, #tpu.memory_space<vmem_shared>> -> memref<80x16xf32, #tpu.memory_space<vmem_shared>>
    tpu.enqueue_dma source(%dma_start3A_406 : memref<80x16xf32, #tpu.memory_space<vmem_shared>>) target(%arg17 : memref<80x16xf32, #tpu.memory_space<vmem>>) target_semaphore(%arg28 : memref<!tpu.dma_semaphore, #tpu.memory_space<semaphore_mem>>)
    %dma_wait3A_407 = arith.constant 0 : i32
    %dma_wait3A_408 = tpu.memref_slice %arg22[%add3A_402, %dma_wait3A_407] : memref<20480x16xf32, #tpu.memory_space<vmem_shared>> -> memref<80x16xf32, #tpu.memory_space<vmem_shared>>
    %dma_wait3A_409 = arith.constant 0 : i32
    %dma_wait3A_410 = tpu.memref_slice %arg22[%add3A_402, %dma_wait3A_409] : memref<20480x16xf32, #tpu.memory_space<vmem_shared>> -> memref<80x16xf32, #tpu.memory_space<vmem_shared>>
    tpu.wait_dma2 semaphore(%arg28 : memref<!tpu.dma_semaphore, #tpu.memory_space<semaphore_mem>>) src(%dma_wait3A_410 : memref<80x16xf32, #tpu.memory_space<vmem_shared>>) dst(%arg17 : memref<80x16xf32, #tpu.memory_space<vmem>>)
    %add3A_411 = arith.constant 800 : i32
    %add3A_412 = arith.addi %mul3A_2, %add3A_411 : i32
    %dma_start3A_413 = arith.constant 0 : i32
    %dma_start3A_414 = tpu.memref_slice %arg6[%arg0, %add3A_412, %dma_start3A_413] : memref<2x20480x16xf32, #tpu.memory_space<hbm>> -> memref<1x80x16xf32, #tpu.memory_space<hbm>>
    %dma_start3A_415 = tpu.memref_squeeze %dma_start3A_414 : memref<1x80x16xf32, #tpu.memory_space<hbm>> -> memref<80x16xf32, #tpu.memory_space<hbm>>
    %dma_start3A_416 = arith.constant 0 : i32
    %dma_start3A_417 = tpu.memref_slice %arg6[%arg0, %add3A_412, %dma_start3A_416] : memref<2x20480x16xf32, #tpu.memory_space<hbm>> -> memref<1x80x16xf32, #tpu.memory_space<hbm>>
    %dma_start3A_418 = tpu.memref_squeeze %dma_start3A_417 : memref<1x80x16xf32, #tpu.memory_space<hbm>> -> memref<80x16xf32, #tpu.memory_space<hbm>>
    tpu.enqueue_dma source(%arg17 : memref<80x16xf32, #tpu.memory_space<vmem>>) target(%dma_start3A_418 : memref<80x16xf32, #tpu.memory_space<hbm>>) target_semaphore(%arg33 : memref<!tpu.dma_semaphore, #tpu.memory_space<semaphore_mem>>)
    %dma_wait3A_419 = arith.constant 0 : i32
    %dma_wait3A_420 = tpu.memref_slice %arg6[%arg0, %add3A_316, %dma_wait3A_419] : memref<2x20480x16xf32, #tpu.memory_space<hbm>> -> memref<1x80x16xf32, #tpu.memory_space<hbm>>
    %dma_wait3A_421 = tpu.memref_squeeze %dma_wait3A_420 : memref<1x80x16xf32, #tpu.memory_space<hbm>> -> memref<80x16xf32, #tpu.memory_space<hbm>>
    %dma_wait3A_422 = arith.constant 0 : i32
    %dma_wait3A_423 = tpu.memref_slice %arg6[%arg0, %add3A_316, %dma_wait3A_422] : memref<2x20480x16xf32, #tpu.memory_space<hbm>> -> memref<1x80x16xf32, #tpu.memory_space<hbm>>
    %dma_wait3A_424 = tpu.memref_squeeze %dma_wait3A_423 : memref<1x80x16xf32, #tpu.memory_space<hbm>> -> memref<80x16xf32, #tpu.memory_space<hbm>>
    tpu.wait_dma2 semaphore(%arg34 : memref<!tpu.dma_semaphore, #tpu.memory_space<semaphore_mem>>) src(%arg18 : memref<80x16xf32, #tpu.memory_space<vmem>>) dst(%dma_wait3A_424 : memref<80x16xf32, #tpu.memory_space<hbm>>)
    %add3A_425 = arith.constant 880 : i32
    %add3A_426 = arith.addi %mul3A_2, %add3A_425 : i32
    %dma_start3A_427 = arith.constant 0 : i32
    %dma_start3A_428 = tpu.memref_slice %arg22[%add3A_426, %dma_start3A_427] : memref<20480x16xf32, #tpu.memory_space<vmem_shared>> -> memref<80x16xf32, #tpu.memory_space<vmem_shared>>
    %dma_start3A_429 = arith.constant 0 : i32
    %dma_start3A_430 = tpu.memref_slice %arg22[%add3A_426, %dma_start3A_429] : memref<20480x16xf32, #tpu.memory_space<vmem_shared>> -> memref<80x16xf32, #tpu.memory_space<vmem_shared>>
    tpu.enqueue_dma source(%dma_start3A_430 : memref<80x16xf32, #tpu.memory_space<vmem_shared>>) target(%arg18 : memref<80x16xf32, #tpu.memory_space<vmem>>) target_semaphore(%arg29 : memref<!tpu.dma_semaphore, #tpu.memory_space<semaphore_mem>>)
    %dma_wait3A_431 = arith.constant 0 : i32
    %dma_wait3A_432 = tpu.memref_slice %arg22[%add3A_426, %dma_wait3A_431] : memref<20480x16xf32, #tpu.memory_space<vmem_shared>> -> memref<80x16xf32, #tpu.memory_space<vmem_shared>>
    %dma_wait3A_433 = arith.constant 0 : i32
    %dma_wait3A_434 = tpu.memref_slice %arg22[%add3A_426, %dma_wait3A_433] : memref<20480x16xf32, #tpu.memory_space<vmem_shared>> -> memref<80x16xf32, #tpu.memory_space<vmem_shared>>
    tpu.wait_dma2 semaphore(%arg29 : memref<!tpu.dma_semaphore, #tpu.memory_space<semaphore_mem>>) src(%dma_wait3A_434 : memref<80x16xf32, #tpu.memory_space<vmem_shared>>) dst(%arg18 : memref<80x16xf32, #tpu.memory_space<vmem>>)
    %add3A_435 = arith.constant 880 : i32
    %add3A_436 = arith.addi %mul3A_2, %add3A_435 : i32
    %dma_start3A_437 = arith.constant 0 : i32
    %dma_start3A_438 = tpu.memref_slice %arg6[%arg0, %add3A_436, %dma_start3A_437] : memref<2x20480x16xf32, #tpu.memory_space<hbm>> -> memref<1x80x16xf32, #tpu.memory_space<hbm>>
    %dma_start3A_439 = tpu.memref_squeeze %dma_start3A_438 : memref<1x80x16xf32, #tpu.memory_space<hbm>> -> memref<80x16xf32, #tpu.memory_space<hbm>>
    %dma_start3A_440 = arith.constant 0 : i32
    %dma_start3A_441 = tpu.memref_slice %arg6[%arg0, %add3A_436, %dma_start3A_440] : memref<2x20480x16xf32, #tpu.memory_space<hbm>> -> memref<1x80x16xf32, #tpu.memory_space<hbm>>
    %dma_start3A_442 = tpu.memref_squeeze %dma_start3A_441 : memref<1x80x16xf32, #tpu.memory_space<hbm>> -> memref<80x16xf32, #tpu.memory_space<hbm>>
    tpu.enqueue_dma source(%arg18 : memref<80x16xf32, #tpu.memory_space<vmem>>) target(%dma_start3A_442 : memref<80x16xf32, #tpu.memory_space<hbm>>) target_semaphore(%arg34 : memref<!tpu.dma_semaphore, #tpu.memory_space<semaphore_mem>>)
    %dma_wait3A_443 = arith.constant 0 : i32
    %dma_wait3A_444 = tpu.memref_slice %arg6[%arg0, %add3A_340, %dma_wait3A_443] : memref<2x20480x16xf32, #tpu.memory_space<hbm>> -> memref<1x80x16xf32, #tpu.memory_space<hbm>>
    %dma_wait3A_445 = tpu.memref_squeeze %dma_wait3A_444 : memref<1x80x16xf32, #tpu.memory_space<hbm>> -> memref<80x16xf32, #tpu.memory_space<hbm>>
    %dma_wait3A_446 = arith.constant 0 : i32
    %dma_wait3A_447 = tpu.memref_slice %arg6[%arg0, %add3A_340, %dma_wait3A_446] : memref<2x20480x16xf32, #tpu.memory_space<hbm>> -> memref<1x80x16xf32, #tpu.memory_space<hbm>>
    %dma_wait3A_448 = tpu.memref_squeeze %dma_wait3A_447 : memref<1x80x16xf32, #tpu.memory_space<hbm>> -> memref<80x16xf32, #tpu.memory_space<hbm>>
    tpu.wait_dma2 semaphore(%arg35 : memref<!tpu.dma_semaphore, #tpu.memory_space<semaphore_mem>>) src(%arg19 : memref<80x16xf32, #tpu.memory_space<vmem>>) dst(%dma_wait3A_448 : memref<80x16xf32, #tpu.memory_space<hbm>>)
    %add3A_449 = arith.constant 960 : i32
    %add3A_450 = arith.addi %mul3A_2, %add3A_449 : i32
    %dma_start3A_451 = arith.constant 0 : i32
    %dma_start3A_452 = tpu.memref_slice %arg22[%add3A_450, %dma_start3A_451] : memref<20480x16xf32, #tpu.memory_space<vmem_shared>> -> memref<80x16xf32, #tpu.memory_space<vmem_shared>>
    %dma_start3A_453 = arith.constant 0 : i32
    %dma_start3A_454 = tpu.memref_slice %arg22[%add3A_450, %dma_start3A_453] : memref<20480x16xf32, #tpu.memory_space<vmem_shared>> -> memref<80x16xf32, #tpu.memory_space<vmem_shared>>
    tpu.enqueue_dma source(%dma_start3A_454 : memref<80x16xf32, #tpu.memory_space<vmem_shared>>) target(%arg19 : memref<80x16xf32, #tpu.memory_space<vmem>>) target_semaphore(%arg30 : memref<!tpu.dma_semaphore, #tpu.memory_space<semaphore_mem>>)
    %dma_wait3A_455 = arith.constant 0 : i32
    %dma_wait3A_456 = tpu.memref_slice %arg22[%add3A_450, %dma_wait3A_455] : memref<20480x16xf32, #tpu.memory_space<vmem_shared>> -> memref<80x16xf32, #tpu.memory_space<vmem_shared>>
    %dma_wait3A_457 = arith.constant 0 : i32
    %dma_wait3A_458 = tpu.memref_slice %arg22[%add3A_450, %dma_wait3A_457] : memref<20480x16xf32, #tpu.memory_space<vmem_shared>> -> memref<80x16xf32, #tpu.memory_space<vmem_shared>>
    tpu.wait_dma2 semaphore(%arg30 : memref<!tpu.dma_semaphore, #tpu.memory_space<semaphore_mem>>) src(%dma_wait3A_458 : memref<80x16xf32, #tpu.memory_space<vmem_shared>>) dst(%arg19 : memref<80x16xf32, #tpu.memory_space<vmem>>)
    %add3A_459 = arith.constant 960 : i32
    %add3A_460 = arith.addi %mul3A_2, %add3A_459 : i32
    %dma_start3A_461 = arith.constant 0 : i32
    %dma_start3A_462 = tpu.memref_slice %arg6[%arg0, %add3A_460, %dma_start3A_461] : memref<2x20480x16xf32, #tpu.memory_space<hbm>> -> memref<1x80x16xf32, #tpu.memory_space<hbm>>
    %dma_start3A_463 = tpu.memref_squeeze %dma_start3A_462 : memref<1x80x16xf32, #tpu.memory_space<hbm>> -> memref<80x16xf32, #tpu.memory_space<hbm>>
    %dma_start3A_464 = arith.constant 0 : i32
    %dma_start3A_465 = tpu.memref_slice %arg6[%arg0, %add3A_460, %dma_start3A_464] : memref<2x20480x16xf32, #tpu.memory_space<hbm>> -> memref<1x80x16xf32, #tpu.memory_space<hbm>>
    %dma_start3A_466 = tpu.memref_squeeze %dma_start3A_465 : memref<1x80x16xf32, #tpu.memory_space<hbm>> -> memref<80x16xf32, #tpu.memory_space<hbm>>
    tpu.enqueue_dma source(%arg19 : memref<80x16xf32, #tpu.memory_space<vmem>>) target(%dma_start3A_466 : memref<80x16xf32, #tpu.memory_space<hbm>>) target_semaphore(%arg35 : memref<!tpu.dma_semaphore, #tpu.memory_space<semaphore_mem>>)
    %dma_wait3A_467 = arith.constant 0 : i32
    %dma_wait3A_468 = tpu.memref_slice %arg6[%arg0, %add3A_364, %dma_wait3A_467] : memref<2x20480x16xf32, #tpu.memory_space<hbm>> -> memref<1x80x16xf32, #tpu.memory_space<hbm>>
    %dma_wait3A_469 = tpu.memref_squeeze %dma_wait3A_468 : memref<1x80x16xf32, #tpu.memory_space<hbm>> -> memref<80x16xf32, #tpu.memory_space<hbm>>
    %dma_wait3A_470 = arith.constant 0 : i32
    %dma_wait3A_471 = tpu.memref_slice %arg6[%arg0, %add3A_364, %dma_wait3A_470] : memref<2x20480x16xf32, #tpu.memory_space<hbm>> -> memref<1x80x16xf32, #tpu.memory_space<hbm>>
    %dma_wait3A_472 = tpu.memref_squeeze %dma_wait3A_471 : memref<1x80x16xf32, #tpu.memory_space<hbm>> -> memref<80x16xf32, #tpu.memory_space<hbm>>
    tpu.wait_dma2 semaphore(%arg36 : memref<!tpu.dma_semaphore, #tpu.memory_space<semaphore_mem>>) src(%arg20 : memref<80x16xf32, #tpu.memory_space<vmem>>) dst(%dma_wait3A_472 : memref<80x16xf32, #tpu.memory_space<hbm>>)
    %add3A_473 = arith.constant 1040 : i32
    %add3A_474 = arith.addi %mul3A_2, %add3A_473 : i32
    %dma_start3A_475 = arith.constant 0 : i32
    %dma_start3A_476 = tpu.memref_slice %arg22[%add3A_474, %dma_start3A_475] : memref<20480x16xf32, #tpu.memory_space<vmem_shared>> -> memref<80x16xf32, #tpu.memory_space<vmem_shared>>
    %dma_start3A_477 = arith.constant 0 : i32
    %dma_start3A_478 = tpu.memref_slice %arg22[%add3A_474, %dma_start3A_477] : memref<20480x16xf32, #tpu.memory_space<vmem_shared>> -> memref<80x16xf32, #tpu.memory_space<vmem_shared>>
    tpu.enqueue_dma source(%dma_start3A_478 : memref<80x16xf32, #tpu.memory_space<vmem_shared>>) target(%arg20 : memref<80x16xf32, #tpu.memory_space<vmem>>) target_semaphore(%arg31 : memref<!tpu.dma_semaphore, #tpu.memory_space<semaphore_mem>>)
    %dma_wait3A_479 = arith.constant 0 : i32
    %dma_wait3A_480 = tpu.memref_slice %arg22[%add3A_474, %dma_wait3A_479] : memref<20480x16xf32, #tpu.memory_space<vmem_shared>> -> memref<80x16xf32, #tpu.memory_space<vmem_shared>>
    %dma_wait3A_481 = arith.constant 0 : i32
    %dma_wait3A_482 = tpu.memref_slice %arg22[%add3A_474, %dma_wait3A_481] : memref<20480x16xf32, #tpu.memory_space<vmem_shared>> -> memref<80x16xf32, #tpu.memory_space<vmem_shared>>
    tpu.wait_dma2 semaphore(%arg31 : memref<!tpu.dma_semaphore, #tpu.memory_space<semaphore_mem>>) src(%dma_wait3A_482 : memref<80x16xf32, #tpu.memory_space<vmem_shared>>) dst(%arg20 : memref<80x16xf32, #tpu.memory_space<vmem>>)
    %add3A_483 = arith.constant 1040 : i32
    %add3A_484 = arith.addi %mul3A_2, %add3A_483 : i32
    %dma_start3A_485 = arith.constant 0 : i32
    %dma_start3A_486 = tpu.memref_slice %arg6[%arg0, %add3A_484, %dma_start3A_485] : memref<2x20480x16xf32, #tpu.memory_space<hbm>> -> memref<1x80x16xf32, #tpu.memory_space<hbm>>
    %dma_start3A_487 = tpu.memref_squeeze %dma_start3A_486 : memref<1x80x16xf32, #tpu.memory_space<hbm>> -> memref<80x16xf32, #tpu.memory_space<hbm>>
    %dma_start3A_488 = arith.constant 0 : i32
    %dma_start3A_489 = tpu.memref_slice %arg6[%arg0, %add3A_484, %dma_start3A_488] : memref<2x20480x16xf32, #tpu.memory_space<hbm>> -> memref<1x80x16xf32, #tpu.memory_space<hbm>>
    %dma_start3A_490 = tpu.memref_squeeze %dma_start3A_489 : memref<1x80x16xf32, #tpu.memory_space<hbm>> -> memref<80x16xf32, #tpu.memory_space<hbm>>
    tpu.enqueue_dma source(%arg20 : memref<80x16xf32, #tpu.memory_space<vmem>>) target(%dma_start3A_490 : memref<80x16xf32, #tpu.memory_space<hbm>>) target_semaphore(%arg36 : memref<!tpu.dma_semaphore, #tpu.memory_space<semaphore_mem>>)
    %dma_wait3A_491 = arith.constant 0 : i32
    %dma_wait3A_492 = tpu.memref_slice %arg6[%arg0, %add3A_388, %dma_wait3A_491] : memref<2x20480x16xf32, #tpu.memory_space<hbm>> -> memref<1x80x16xf32, #tpu.memory_space<hbm>>
    %dma_wait3A_493 = tpu.memref_squeeze %dma_wait3A_492 : memref<1x80x16xf32, #tpu.memory_space<hbm>> -> memref<80x16xf32, #tpu.memory_space<hbm>>
    %dma_wait3A_494 = arith.constant 0 : i32
    %dma_wait3A_495 = tpu.memref_slice %arg6[%arg0, %add3A_388, %dma_wait3A_494] : memref<2x20480x16xf32, #tpu.memory_space<hbm>> -> memref<1x80x16xf32, #tpu.memory_space<hbm>>
    %dma_wait3A_496 = tpu.memref_squeeze %dma_wait3A_495 : memref<1x80x16xf32, #tpu.memory_space<hbm>> -> memref<80x16xf32, #tpu.memory_space<hbm>>
    tpu.wait_dma2 semaphore(%arg37 : memref<!tpu.dma_semaphore, #tpu.memory_space<semaphore_mem>>) src(%arg21 : memref<80x16xf32, #tpu.memory_space<vmem>>) dst(%dma_wait3A_496 : memref<80x16xf32, #tpu.memory_space<hbm>>)
    %add3A_497 = arith.constant 1120 : i32
    %add3A_498 = arith.addi %mul3A_2, %add3A_497 : i32
    %dma_start3A_499 = arith.constant 0 : i32
    %dma_start3A_500 = tpu.memref_slice %arg22[%add3A_498, %dma_start3A_499] : memref<20480x16xf32, #tpu.memory_space<vmem_shared>> -> memref<80x16xf32, #tpu.memory_space<vmem_shared>>
    %dma_start3A_501 = arith.constant 0 : i32
    %dma_start3A_502 = tpu.memref_slice %arg22[%add3A_498, %dma_start3A_501] : memref<20480x16xf32, #tpu.memory_space<vmem_shared>> -> memref<80x16xf32, #tpu.memory_space<vmem_shared>>
    tpu.enqueue_dma source(%dma_start3A_502 : memref<80x16xf32, #tpu.memory_space<vmem_shared>>) target(%arg21 : memref<80x16xf32, #tpu.memory_space<vmem>>) target_semaphore(%arg32 : memref<!tpu.dma_semaphore, #tpu.memory_space<semaphore_mem>>)
    %dma_wait3A_503 = arith.constant 0 : i32
    %dma_wait3A_504 = tpu.memref_slice %arg22[%add3A_498, %dma_wait3A_503] : memref<20480x16xf32, #tpu.memory_space<vmem_shared>> -> memref<80x16xf32, #tpu.memory_space<vmem_shared>>
    %dma_wait3A_505 = arith.constant 0 : i32
    %dma_wait3A_506 = tpu.memref_slice %arg22[%add3A_498, %dma_wait3A_505] : memref<20480x16xf32, #tpu.memory_space<vmem_shared>> -> memref<80x16xf32, #tpu.memory_space<vmem_shared>>
    tpu.wait_dma2 semaphore(%arg32 : memref<!tpu.dma_semaphore, #tpu.memory_space<semaphore_mem>>) src(%dma_wait3A_506 : memref<80x16xf32, #tpu.memory_space<vmem_shared>>) dst(%arg21 : memref<80x16xf32, #tpu.memory_space<vmem>>)
    %add3A_507 = arith.constant 1120 : i32
    %add3A_508 = arith.addi %mul3A_2, %add3A_507 : i32
    %dma_start3A_509 = arith.constant 0 : i32
    %dma_start3A_510 = tpu.memref_slice %arg6[%arg0, %add3A_508, %dma_start3A_509] : memref<2x20480x16xf32, #tpu.memory_space<hbm>> -> memref<1x80x16xf32, #tpu.memory_space<hbm>>
    %dma_start3A_511 = tpu.memref_squeeze %dma_start3A_510 : memref<1x80x16xf32, #tpu.memory_space<hbm>> -> memref<80x16xf32, #tpu.memory_space<hbm>>
    %dma_start3A_512 = arith.constant 0 : i32
    %dma_start3A_513 = tpu.memref_slice %arg6[%arg0, %add3A_508, %dma_start3A_512] : memref<2x20480x16xf32, #tpu.memory_space<hbm>> -> memref<1x80x16xf32, #tpu.memory_space<hbm>>
    %dma_start3A_514 = tpu.memref_squeeze %dma_start3A_513 : memref<1x80x16xf32, #tpu.memory_space<hbm>> -> memref<80x16xf32, #tpu.memory_space<hbm>>
    tpu.enqueue_dma source(%arg21 : memref<80x16xf32, #tpu.memory_space<vmem>>) target(%dma_start3A_514 : memref<80x16xf32, #tpu.memory_space<hbm>>) target_semaphore(%arg37 : memref<!tpu.dma_semaphore, #tpu.memory_space<semaphore_mem>>)
    %dma_wait3A_515 = arith.constant 0 : i32
    %dma_wait3A_516 = tpu.memref_slice %arg6[%arg0, %add3A_412, %dma_wait3A_515] : memref<2x20480x16xf32, #tpu.memory_space<hbm>> -> memref<1x80x16xf32, #tpu.memory_space<hbm>>
    %dma_wait3A_517 = tpu.memref_squeeze %dma_wait3A_516 : memref<1x80x16xf32, #tpu.memory_space<hbm>> -> memref<80x16xf32, #tpu.memory_space<hbm>>
    %dma_wait3A_518 = arith.constant 0 : i32
    %dma_wait3A_519 = tpu.memref_slice %arg6[%arg0, %add3A_412, %dma_wait3A_518] : memref<2x20480x16xf32, #tpu.memory_space<hbm>> -> memref<1x80x16xf32, #tpu.memory_space<hbm>>
    %dma_wait3A_520 = tpu.memref_squeeze %dma_wait3A_519 : memref<1x80x16xf32, #tpu.memory_space<hbm>> -> memref<80x16xf32, #tpu.memory_space<hbm>>
    tpu.wait_dma2 semaphore(%arg33 : memref<!tpu.dma_semaphore, #tpu.memory_space<semaphore_mem>>) src(%arg17 : memref<80x16xf32, #tpu.memory_space<vmem>>) dst(%dma_wait3A_520 : memref<80x16xf32, #tpu.memory_space<hbm>>)
    %add3A_521 = arith.constant 1200 : i32
    %add3A_522 = arith.addi %mul3A_2, %add3A_521 : i32
    %dma_start3A_523 = arith.constant 0 : i32
    %dma_start3A_524 = tpu.memref_slice %arg22[%add3A_522, %dma_start3A_523] : memref<20480x16xf32, #tpu.memory_space<vmem_shared>> -> memref<80x16xf32, #tpu.memory_space<vmem_shared>>
    %dma_start3A_525 = arith.constant 0 : i32
    %dma_start3A_526 = tpu.memref_slice %arg22[%add3A_522, %dma_start3A_525] : memref<20480x16xf32, #tpu.memory_space<vmem_shared>> -> memref<80x16xf32, #tpu.memory_space<vmem_shared>>
    tpu.enqueue_dma source(%dma_start3A_526 : memref<80x16xf32, #tpu.memory_space<vmem_shared>>) target(%arg17 : memref<80x16xf32, #tpu.memory_space<vmem>>) target_semaphore(%arg28 : memref<!tpu.dma_semaphore, #tpu.memory_space<semaphore_mem>>)
    %dma_wait3A_527 = arith.constant 0 : i32
    %dma_wait3A_528 = tpu.memref_slice %arg22[%add3A_522, %dma_wait3A_527] : memref<20480x16xf32, #tpu.memory_space<vmem_shared>> -> memref<80x16xf32, #tpu.memory_space<vmem_shared>>
    %dma_wait3A_529 = arith.constant 0 : i32
    %dma_wait3A_530 = tpu.memref_slice %arg22[%add3A_522, %dma_wait3A_529] : memref<20480x16xf32, #tpu.memory_space<vmem_shared>> -> memref<80x16xf32, #tpu.memory_space<vmem_shared>>
    tpu.wait_dma2 semaphore(%arg28 : memref<!tpu.dma_semaphore, #tpu.memory_space<semaphore_mem>>) src(%dma_wait3A_530 : memref<80x16xf32, #tpu.memory_space<vmem_shared>>) dst(%arg17 : memref<80x16xf32, #tpu.memory_space<vmem>>)
    %add3A_531 = arith.constant 1200 : i32
    %add3A_532 = arith.addi %mul3A_2, %add3A_531 : i32
    %dma_start3A_533 = arith.constant 0 : i32
    %dma_start3A_534 = tpu.memref_slice %arg6[%arg0, %add3A_532, %dma_start3A_533] : memref<2x20480x16xf32, #tpu.memory_space<hbm>> -> memref<1x80x16xf32, #tpu.memory_space<hbm>>
    %dma_start3A_535 = tpu.memref_squeeze %dma_start3A_534 : memref<1x80x16xf32, #tpu.memory_space<hbm>> -> memref<80x16xf32, #tpu.memory_space<hbm>>
    %dma_start3A_536 = arith.constant 0 : i32
    %dma_start3A_537 = tpu.memref_slice %arg6[%arg0, %add3A_532, %dma_start3A_536] : memref<2x20480x16xf32, #tpu.memory_space<hbm>> -> memref<1x80x16xf32, #tpu.memory_space<hbm>>
    %dma_start3A_538 = tpu.memref_squeeze %dma_start3A_537 : memref<1x80x16xf32, #tpu.memory_space<hbm>> -> memref<80x16xf32, #tpu.memory_space<hbm>>
    tpu.enqueue_dma source(%arg17 : memref<80x16xf32, #tpu.memory_space<vmem>>) target(%dma_start3A_538 : memref<80x16xf32, #tpu.memory_space<hbm>>) target_semaphore(%arg33 : memref<!tpu.dma_semaphore, #tpu.memory_space<semaphore_mem>>)
    %dma_wait3A_539 = arith.constant 0 : i32
    %dma_wait3A_540 = tpu.memref_slice %arg6[%arg0, %add3A_532, %dma_wait3A_539] : memref<2x20480x16xf32, #tpu.memory_space<hbm>> -> memref<1x80x16xf32, #tpu.memory_space<hbm>>
    %dma_wait3A_541 = tpu.memref_squeeze %dma_wait3A_540 : memref<1x80x16xf32, #tpu.memory_space<hbm>> -> memref<80x16xf32, #tpu.memory_space<hbm>>
    %dma_wait3A_542 = arith.constant 0 : i32
    %dma_wait3A_543 = tpu.memref_slice %arg6[%arg0, %add3A_532, %dma_wait3A_542] : memref<2x20480x16xf32, #tpu.memory_space<hbm>> -> memref<1x80x16xf32, #tpu.memory_space<hbm>>
    %dma_wait3A_544 = tpu.memref_squeeze %dma_wait3A_543 : memref<1x80x16xf32, #tpu.memory_space<hbm>> -> memref<80x16xf32, #tpu.memory_space<hbm>>
    tpu.wait_dma2 semaphore(%arg33 : memref<!tpu.dma_semaphore, #tpu.memory_space<semaphore_mem>>) src(%arg17 : memref<80x16xf32, #tpu.memory_space<vmem>>) dst(%dma_wait3A_544 : memref<80x16xf32, #tpu.memory_space<hbm>>)
    %dma_wait3A_545 = arith.constant 0 : i32
    %dma_wait3A_546 = tpu.memref_slice %arg6[%arg0, %add3A_436, %dma_wait3A_545] : memref<2x20480x16xf32, #tpu.memory_space<hbm>> -> memref<1x80x16xf32, #tpu.memory_space<hbm>>
    %dma_wait3A_547 = tpu.memref_squeeze %dma_wait3A_546 : memref<1x80x16xf32, #tpu.memory_space<hbm>> -> memref<80x16xf32, #tpu.memory_space<hbm>>
    %dma_wait3A_548 = arith.constant 0 : i32
    %dma_wait3A_549 = tpu.memref_slice %arg6[%arg0, %add3A_436, %dma_wait3A_548] : memref<2x20480x16xf32, #tpu.memory_space<hbm>> -> memref<1x80x16xf32, #tpu.memory_space<hbm>>
    %dma_wait3A_550 = tpu.memref_squeeze %dma_wait3A_549 : memref<1x80x16xf32, #tpu.memory_space<hbm>> -> memref<80x16xf32, #tpu.memory_space<hbm>>
    tpu.wait_dma2 semaphore(%arg34 : memref<!tpu.dma_semaphore, #tpu.memory_space<semaphore_mem>>) src(%arg18 : memref<80x16xf32, #tpu.memory_space<vmem>>) dst(%dma_wait3A_550 : memref<80x16xf32, #tpu.memory_space<hbm>>)
    %dma_wait3A_551 = arith.constant 0 : i32
    %dma_wait3A_552 = tpu.memref_slice %arg6[%arg0, %add3A_460, %dma_wait3A_551] : memref<2x20480x16xf32, #tpu.memory_space<hbm>> -> memref<1x80x16xf32, #tpu.memory_space<hbm>>
    %dma_wait3A_553 = tpu.memref_squeeze %dma_wait3A_552 : memref<1x80x16xf32, #tpu.memory_space<hbm>> -> memref<80x16xf32, #tpu.memory_space<hbm>>
    %dma_wait3A_554 = arith.constant 0 : i32
    %dma_wait3A_555 = tpu.memref_slice %arg6[%arg0, %add3A_460, %dma_wait3A_554] : memref<2x20480x16xf32, #tpu.memory_space<hbm>> -> memref<1x80x16xf32, #tpu.memory_space<hbm>>
    %dma_wait3A_556 = tpu.memref_squeeze %dma_wait3A_555 : memref<1x80x16xf32, #tpu.memory_space<hbm>> -> memref<80x16xf32, #tpu.memory_space<hbm>>
    tpu.wait_dma2 semaphore(%arg35 : memref<!tpu.dma_semaphore, #tpu.memory_space<semaphore_mem>>) src(%arg19 : memref<80x16xf32, #tpu.memory_space<vmem>>) dst(%dma_wait3A_556 : memref<80x16xf32, #tpu.memory_space<hbm>>)
    %dma_wait3A_557 = arith.constant 0 : i32
    %dma_wait3A_558 = tpu.memref_slice %arg6[%arg0, %add3A_484, %dma_wait3A_557] : memref<2x20480x16xf32, #tpu.memory_space<hbm>> -> memref<1x80x16xf32, #tpu.memory_space<hbm>>
    %dma_wait3A_559 = tpu.memref_squeeze %dma_wait3A_558 : memref<1x80x16xf32, #tpu.memory_space<hbm>> -> memref<80x16xf32, #tpu.memory_space<hbm>>
    %dma_wait3A_560 = arith.constant 0 : i32
    %dma_wait3A_561 = tpu.memref_slice %arg6[%arg0, %add3A_484, %dma_wait3A_560] : memref<2x20480x16xf32, #tpu.memory_space<hbm>> -> memref<1x80x16xf32, #tpu.memory_space<hbm>>
    %dma_wait3A_562 = tpu.memref_squeeze %dma_wait3A_561 : memref<1x80x16xf32, #tpu.memory_space<hbm>> -> memref<80x16xf32, #tpu.memory_space<hbm>>
    tpu.wait_dma2 semaphore(%arg36 : memref<!tpu.dma_semaphore, #tpu.memory_space<semaphore_mem>>) src(%arg20 : memref<80x16xf32, #tpu.memory_space<vmem>>) dst(%dma_wait3A_562 : memref<80x16xf32, #tpu.memory_space<hbm>>)
    %dma_wait3A_563 = arith.constant 0 : i32
    %dma_wait3A_564 = tpu.memref_slice %arg6[%arg0, %add3A_508, %dma_wait3A_563] : memref<2x20480x16xf32, #tpu.memory_space<hbm>> -> memref<1x80x16xf32, #tpu.memory_space<hbm>>
    %dma_wait3A_565 = tpu.memref_squeeze %dma_wait3A_564 : memref<1x80x16xf32, #tpu.memory_space<hbm>> -> memref<80x16xf32, #tpu.memory_space<hbm>>
    %dma_wait3A_566 = arith.constant 0 : i32
    %dma_wait3A_567 = tpu.memref_slice %arg6[%arg0, %add3A_508, %dma_wait3A_566] : memref<2x20480x16xf32, #tpu.memory_space<hbm>> -> memref<1x80x16xf32, #tpu.memory_space<hbm>>
    %dma_wait3A_568 = tpu.memref_squeeze %dma_wait3A_567 : memref<1x80x16xf32, #tpu.memory_space<hbm>> -> memref<80x16xf32, #tpu.memory_space<hbm>>
    tpu.wait_dma2 semaphore(%arg37 : memref<!tpu.dma_semaphore, #tpu.memory_space<semaphore_mem>>) src(%arg21 : memref<80x16xf32, #tpu.memory_space<vmem>>) dst(%dma_wait3A_568 : memref<80x16xf32, #tpu.memory_space<hbm>>)
    return
  }
}

#map = affine_map<(d0, d1) -> (0)>
#map1 = affine_map<(d0, d1) -> (0, 0)>
#map2 = affine_map<(d0, d1) -> (0, 0, 0)>
module attributes {stable_mosaic.version = 14 : i64} {
  func.func @gather_kernel(%arg0: i32, %arg1: i32, %arg2: memref<320000xi32, #tpu.memory_space<hbm>>, %arg3: memref<320000xi32, #tpu.memory_space<hbm>>, %arg4: memref<20480x64xf32, #tpu.memory_space<hbm>>, %arg5: memref<80x64xf32, #tpu.memory_space<hbm>>, %arg6: memref<2x20480x64xf32, #tpu.memory_space<hbm>>, %arg7: memref<80xi32, #tpu.memory_space<vmem>>, %arg8: memref<80xi32, #tpu.memory_space<vmem>>, %arg9: memref<80xi32, #tpu.memory_space<vmem>>, %arg10: memref<80xi32, #tpu.memory_space<vmem>>, %arg11: memref<80xi32, #tpu.memory_space<vmem>>, %arg12: memref<80xi32, #tpu.memory_space<vmem>>, %arg13: memref<80xi32, #tpu.memory_space<vmem>>, %arg14: memref<80xi32, #tpu.memory_space<vmem>>, %arg15: memref<80xi32, #tpu.memory_space<vmem>>, %arg16: memref<80xi32, #tpu.memory_space<vmem>>, %arg17: memref<80x64xf32, #tpu.memory_space<vmem>>, %arg18: memref<80x64xf32, #tpu.memory_space<vmem>>, %arg19: memref<80x64xf32, #tpu.memory_space<vmem>>, %arg20: memref<80x64xf32, #tpu.memory_space<vmem>>, %arg21: memref<80x64xf32, #tpu.memory_space<vmem>>, %arg22: memref<20480x64xf32, #tpu.memory_space<vmem_shared>>, %arg23: memref<!tpu.dma_semaphore, #tpu.memory_space<semaphore_mem>>, %arg24: memref<!tpu.dma_semaphore, #tpu.memory_space<semaphore_mem>>, %arg25: memref<!tpu.dma_semaphore, #tpu.memory_space<semaphore_mem>>, %arg26: memref<!tpu.dma_semaphore, #tpu.memory_space<semaphore_mem>>, %arg27: memref<!tpu.dma_semaphore, #tpu.memory_space<semaphore_mem>>, %arg28: memref<!tpu.dma_semaphore, #tpu.memory_space<semaphore_mem>>, %arg29: memref<!tpu.dma_semaphore, #tpu.memory_space<semaphore_mem>>, %arg30: memref<!tpu.dma_semaphore, #tpu.memory_space<semaphore_mem>>, %arg31: memref<!tpu.dma_semaphore, #tpu.memory_space<semaphore_mem>>, %arg32: memref<!tpu.dma_semaphore, #tpu.memory_space<semaphore_mem>>, %arg33: memref<!tpu.dma_semaphore, #tpu.memory_space<semaphore_mem>>, %arg34: memref<!tpu.dma_semaphore, #tpu.memory_space<semaphore_mem>>, %arg35: memref<!tpu.dma_semaphore, #tpu.memory_space<semaphore_mem>>, %arg36: memref<!tpu.dma_semaphore, #tpu.memory_space<semaphore_mem>>, %arg37: memref<!tpu.dma_semaphore, #tpu.memory_space<semaphore_mem>>) attributes {dimension_semantics = [#tpu.dimension_semantics<core_parallel>, #tpu.dimension_semantics<subcore_parallel>], iteration_bounds = array<i64: 2, 16>, scalar_prefetch = 0 : i64, scratch_operands = 31 : i64, tpu.core_type = #tpu.core_type<sc_vector_subcore>, window_params = [{transform_indices = #map}, {transform_indices = #map}, {transform_indices = #map1}, {transform_indices = #map1}, {transform_indices = #map2}]} {
    %mul3A = arith.constant 16 : i32
    %mul3A_0 = arith.muli %arg0, %mul3A : i32
    %add3A = arith.addi %mul3A_0, %arg1 : i32
    tpu.enqueue_dma source(%arg5 : memref<80x64xf32, #tpu.memory_space<hbm>>) target(%arg17 : memref<80x64xf32, #tpu.memory_space<vmem>>) target_semaphore(%arg23 : memref<!tpu.dma_semaphore, #tpu.memory_space<semaphore_mem>>)
    tpu.wait_dma2 semaphore(%arg23 : memref<!tpu.dma_semaphore, #tpu.memory_space<semaphore_mem>>) src(%arg5 : memref<80x64xf32, #tpu.memory_space<hbm>>) dst(%arg17 : memref<80x64xf32, #tpu.memory_space<vmem>>)
    %mul3A_1 = arith.constant 1280 : i32
    %mul3A_2 = arith.muli %arg1, %mul3A_1 : i32
    %add3A_3 = arith.constant 0 : i32
    %add3A_4 = arith.addi %mul3A_2, %add3A_3 : i32
    %dma_start3A = arith.constant 0 : i32
    %dma_start3A_5 = tpu.memref_slice %arg22[%add3A_4, %dma_start3A] : memref<20480x64xf32, #tpu.memory_space<vmem_shared>> -> memref<80x64xf32, #tpu.memory_space<vmem_shared>>
    %dma_start3A_6 = arith.constant 0 : i32
    %dma_start3A_7 = tpu.memref_slice %arg22[%add3A_4, %dma_start3A_6] : memref<20480x64xf32, #tpu.memory_space<vmem_shared>> -> memref<80x64xf32, #tpu.memory_space<vmem_shared>>
    tpu.enqueue_dma source(%arg17 : memref<80x64xf32, #tpu.memory_space<vmem>>) target(%dma_start3A_7 : memref<80x64xf32, #tpu.memory_space<vmem_shared>>) target_semaphore(%arg33 : memref<!tpu.dma_semaphore, #tpu.memory_space<semaphore_mem>>)
    %add3A_8 = arith.constant 80 : i32
    %add3A_9 = arith.addi %mul3A_2, %add3A_8 : i32
    %dma_start3A_10 = arith.constant 0 : i32
    %dma_start3A_11 = tpu.memref_slice %arg22[%add3A_9, %dma_start3A_10] : memref<20480x64xf32, #tpu.memory_space<vmem_shared>> -> memref<80x64xf32, #tpu.memory_space<vmem_shared>>
    %dma_start3A_12 = arith.constant 0 : i32
    %dma_start3A_13 = tpu.memref_slice %arg22[%add3A_9, %dma_start3A_12] : memref<20480x64xf32, #tpu.memory_space<vmem_shared>> -> memref<80x64xf32, #tpu.memory_space<vmem_shared>>
    tpu.enqueue_dma source(%arg17 : memref<80x64xf32, #tpu.memory_space<vmem>>) target(%dma_start3A_13 : memref<80x64xf32, #tpu.memory_space<vmem_shared>>) target_semaphore(%arg33 : memref<!tpu.dma_semaphore, #tpu.memory_space<semaphore_mem>>)
    %add3A_14 = arith.constant 160 : i32
    %add3A_15 = arith.addi %mul3A_2, %add3A_14 : i32
    %dma_start3A_16 = arith.constant 0 : i32
    %dma_start3A_17 = tpu.memref_slice %arg22[%add3A_15, %dma_start3A_16] : memref<20480x64xf32, #tpu.memory_space<vmem_shared>> -> memref<80x64xf32, #tpu.memory_space<vmem_shared>>
    %dma_start3A_18 = arith.constant 0 : i32
    %dma_start3A_19 = tpu.memref_slice %arg22[%add3A_15, %dma_start3A_18] : memref<20480x64xf32, #tpu.memory_space<vmem_shared>> -> memref<80x64xf32, #tpu.memory_space<vmem_shared>>
    tpu.enqueue_dma source(%arg17 : memref<80x64xf32, #tpu.memory_space<vmem>>) target(%dma_start3A_19 : memref<80x64xf32, #tpu.memory_space<vmem_shared>>) target_semaphore(%arg33 : memref<!tpu.dma_semaphore, #tpu.memory_space<semaphore_mem>>)
    %add3A_20 = arith.constant 240 : i32
    %add3A_21 = arith.addi %mul3A_2, %add3A_20 : i32
    %dma_start3A_22 = arith.constant 0 : i32
    %dma_start3A_23 = tpu.memref_slice %arg22[%add3A_21, %dma_start3A_22] : memref<20480x64xf32, #tpu.memory_space<vmem_shared>> -> memref<80x64xf32, #tpu.memory_space<vmem_shared>>
    %dma_start3A_24 = arith.constant 0 : i32
    %dma_start3A_25 = tpu.memref_slice %arg22[%add3A_21, %dma_start3A_24] : memref<20480x64xf32, #tpu.memory_space<vmem_shared>> -> memref<80x64xf32, #tpu.memory_space<vmem_shared>>
    tpu.enqueue_dma source(%arg17 : memref<80x64xf32, #tpu.memory_space<vmem>>) target(%dma_start3A_25 : memref<80x64xf32, #tpu.memory_space<vmem_shared>>) target_semaphore(%arg33 : memref<!tpu.dma_semaphore, #tpu.memory_space<semaphore_mem>>)
    %add3A_26 = arith.constant 320 : i32
    %add3A_27 = arith.addi %mul3A_2, %add3A_26 : i32
    %dma_start3A_28 = arith.constant 0 : i32
    %dma_start3A_29 = tpu.memref_slice %arg22[%add3A_27, %dma_start3A_28] : memref<20480x64xf32, #tpu.memory_space<vmem_shared>> -> memref<80x64xf32, #tpu.memory_space<vmem_shared>>
    %dma_start3A_30 = arith.constant 0 : i32
    %dma_start3A_31 = tpu.memref_slice %arg22[%add3A_27, %dma_start3A_30] : memref<20480x64xf32, #tpu.memory_space<vmem_shared>> -> memref<80x64xf32, #tpu.memory_space<vmem_shared>>
    tpu.enqueue_dma source(%arg17 : memref<80x64xf32, #tpu.memory_space<vmem>>) target(%dma_start3A_31 : memref<80x64xf32, #tpu.memory_space<vmem_shared>>) target_semaphore(%arg33 : memref<!tpu.dma_semaphore, #tpu.memory_space<semaphore_mem>>)
    %add3A_32 = arith.constant 400 : i32
    %add3A_33 = arith.addi %mul3A_2, %add3A_32 : i32
    %dma_start3A_34 = arith.constant 0 : i32
    %dma_start3A_35 = tpu.memref_slice %arg22[%add3A_33, %dma_start3A_34] : memref<20480x64xf32, #tpu.memory_space<vmem_shared>> -> memref<80x64xf32, #tpu.memory_space<vmem_shared>>
    %dma_start3A_36 = arith.constant 0 : i32
    %dma_start3A_37 = tpu.memref_slice %arg22[%add3A_33, %dma_start3A_36] : memref<20480x64xf32, #tpu.memory_space<vmem_shared>> -> memref<80x64xf32, #tpu.memory_space<vmem_shared>>
    tpu.enqueue_dma source(%arg17 : memref<80x64xf32, #tpu.memory_space<vmem>>) target(%dma_start3A_37 : memref<80x64xf32, #tpu.memory_space<vmem_shared>>) target_semaphore(%arg33 : memref<!tpu.dma_semaphore, #tpu.memory_space<semaphore_mem>>)
    %add3A_38 = arith.constant 480 : i32
    %add3A_39 = arith.addi %mul3A_2, %add3A_38 : i32
    %dma_start3A_40 = arith.constant 0 : i32
    %dma_start3A_41 = tpu.memref_slice %arg22[%add3A_39, %dma_start3A_40] : memref<20480x64xf32, #tpu.memory_space<vmem_shared>> -> memref<80x64xf32, #tpu.memory_space<vmem_shared>>
    %dma_start3A_42 = arith.constant 0 : i32
    %dma_start3A_43 = tpu.memref_slice %arg22[%add3A_39, %dma_start3A_42] : memref<20480x64xf32, #tpu.memory_space<vmem_shared>> -> memref<80x64xf32, #tpu.memory_space<vmem_shared>>
    tpu.enqueue_dma source(%arg17 : memref<80x64xf32, #tpu.memory_space<vmem>>) target(%dma_start3A_43 : memref<80x64xf32, #tpu.memory_space<vmem_shared>>) target_semaphore(%arg33 : memref<!tpu.dma_semaphore, #tpu.memory_space<semaphore_mem>>)
    %add3A_44 = arith.constant 560 : i32
    %add3A_45 = arith.addi %mul3A_2, %add3A_44 : i32
    %dma_start3A_46 = arith.constant 0 : i32
    %dma_start3A_47 = tpu.memref_slice %arg22[%add3A_45, %dma_start3A_46] : memref<20480x64xf32, #tpu.memory_space<vmem_shared>> -> memref<80x64xf32, #tpu.memory_space<vmem_shared>>
    %dma_start3A_48 = arith.constant 0 : i32
    %dma_start3A_49 = tpu.memref_slice %arg22[%add3A_45, %dma_start3A_48] : memref<20480x64xf32, #tpu.memory_space<vmem_shared>> -> memref<80x64xf32, #tpu.memory_space<vmem_shared>>
    tpu.enqueue_dma source(%arg17 : memref<80x64xf32, #tpu.memory_space<vmem>>) target(%dma_start3A_49 : memref<80x64xf32, #tpu.memory_space<vmem_shared>>) target_semaphore(%arg33 : memref<!tpu.dma_semaphore, #tpu.memory_space<semaphore_mem>>)
    %add3A_50 = arith.constant 640 : i32
    %add3A_51 = arith.addi %mul3A_2, %add3A_50 : i32
    %dma_start3A_52 = arith.constant 0 : i32
    %dma_start3A_53 = tpu.memref_slice %arg22[%add3A_51, %dma_start3A_52] : memref<20480x64xf32, #tpu.memory_space<vmem_shared>> -> memref<80x64xf32, #tpu.memory_space<vmem_shared>>
    %dma_start3A_54 = arith.constant 0 : i32
    %dma_start3A_55 = tpu.memref_slice %arg22[%add3A_51, %dma_start3A_54] : memref<20480x64xf32, #tpu.memory_space<vmem_shared>> -> memref<80x64xf32, #tpu.memory_space<vmem_shared>>
    tpu.enqueue_dma source(%arg17 : memref<80x64xf32, #tpu.memory_space<vmem>>) target(%dma_start3A_55 : memref<80x64xf32, #tpu.memory_space<vmem_shared>>) target_semaphore(%arg33 : memref<!tpu.dma_semaphore, #tpu.memory_space<semaphore_mem>>)
    %add3A_56 = arith.constant 720 : i32
    %add3A_57 = arith.addi %mul3A_2, %add3A_56 : i32
    %dma_start3A_58 = arith.constant 0 : i32
    %dma_start3A_59 = tpu.memref_slice %arg22[%add3A_57, %dma_start3A_58] : memref<20480x64xf32, #tpu.memory_space<vmem_shared>> -> memref<80x64xf32, #tpu.memory_space<vmem_shared>>
    %dma_start3A_60 = arith.constant 0 : i32
    %dma_start3A_61 = tpu.memref_slice %arg22[%add3A_57, %dma_start3A_60] : memref<20480x64xf32, #tpu.memory_space<vmem_shared>> -> memref<80x64xf32, #tpu.memory_space<vmem_shared>>
    tpu.enqueue_dma source(%arg17 : memref<80x64xf32, #tpu.memory_space<vmem>>) target(%dma_start3A_61 : memref<80x64xf32, #tpu.memory_space<vmem_shared>>) target_semaphore(%arg33 : memref<!tpu.dma_semaphore, #tpu.memory_space<semaphore_mem>>)
    %add3A_62 = arith.constant 800 : i32
    %add3A_63 = arith.addi %mul3A_2, %add3A_62 : i32
    %dma_start3A_64 = arith.constant 0 : i32
    %dma_start3A_65 = tpu.memref_slice %arg22[%add3A_63, %dma_start3A_64] : memref<20480x64xf32, #tpu.memory_space<vmem_shared>> -> memref<80x64xf32, #tpu.memory_space<vmem_shared>>
    %dma_start3A_66 = arith.constant 0 : i32
    %dma_start3A_67 = tpu.memref_slice %arg22[%add3A_63, %dma_start3A_66] : memref<20480x64xf32, #tpu.memory_space<vmem_shared>> -> memref<80x64xf32, #tpu.memory_space<vmem_shared>>
    tpu.enqueue_dma source(%arg17 : memref<80x64xf32, #tpu.memory_space<vmem>>) target(%dma_start3A_67 : memref<80x64xf32, #tpu.memory_space<vmem_shared>>) target_semaphore(%arg33 : memref<!tpu.dma_semaphore, #tpu.memory_space<semaphore_mem>>)
    %add3A_68 = arith.constant 880 : i32
    %add3A_69 = arith.addi %mul3A_2, %add3A_68 : i32
    %dma_start3A_70 = arith.constant 0 : i32
    %dma_start3A_71 = tpu.memref_slice %arg22[%add3A_69, %dma_start3A_70] : memref<20480x64xf32, #tpu.memory_space<vmem_shared>> -> memref<80x64xf32, #tpu.memory_space<vmem_shared>>
    %dma_start3A_72 = arith.constant 0 : i32
    %dma_start3A_73 = tpu.memref_slice %arg22[%add3A_69, %dma_start3A_72] : memref<20480x64xf32, #tpu.memory_space<vmem_shared>> -> memref<80x64xf32, #tpu.memory_space<vmem_shared>>
    tpu.enqueue_dma source(%arg17 : memref<80x64xf32, #tpu.memory_space<vmem>>) target(%dma_start3A_73 : memref<80x64xf32, #tpu.memory_space<vmem_shared>>) target_semaphore(%arg33 : memref<!tpu.dma_semaphore, #tpu.memory_space<semaphore_mem>>)
    %add3A_74 = arith.constant 960 : i32
    %add3A_75 = arith.addi %mul3A_2, %add3A_74 : i32
    %dma_start3A_76 = arith.constant 0 : i32
    %dma_start3A_77 = tpu.memref_slice %arg22[%add3A_75, %dma_start3A_76] : memref<20480x64xf32, #tpu.memory_space<vmem_shared>> -> memref<80x64xf32, #tpu.memory_space<vmem_shared>>
    %dma_start3A_78 = arith.constant 0 : i32
    %dma_start3A_79 = tpu.memref_slice %arg22[%add3A_75, %dma_start3A_78] : memref<20480x64xf32, #tpu.memory_space<vmem_shared>> -> memref<80x64xf32, #tpu.memory_space<vmem_shared>>
    tpu.enqueue_dma source(%arg17 : memref<80x64xf32, #tpu.memory_space<vmem>>) target(%dma_start3A_79 : memref<80x64xf32, #tpu.memory_space<vmem_shared>>) target_semaphore(%arg33 : memref<!tpu.dma_semaphore, #tpu.memory_space<semaphore_mem>>)
    %add3A_80 = arith.constant 1040 : i32
    %add3A_81 = arith.addi %mul3A_2, %add3A_80 : i32
    %dma_start3A_82 = arith.constant 0 : i32
    %dma_start3A_83 = tpu.memref_slice %arg22[%add3A_81, %dma_start3A_82] : memref<20480x64xf32, #tpu.memory_space<vmem_shared>> -> memref<80x64xf32, #tpu.memory_space<vmem_shared>>
    %dma_start3A_84 = arith.constant 0 : i32
    %dma_start3A_85 = tpu.memref_slice %arg22[%add3A_81, %dma_start3A_84] : memref<20480x64xf32, #tpu.memory_space<vmem_shared>> -> memref<80x64xf32, #tpu.memory_space<vmem_shared>>
    tpu.enqueue_dma source(%arg17 : memref<80x64xf32, #tpu.memory_space<vmem>>) target(%dma_start3A_85 : memref<80x64xf32, #tpu.memory_space<vmem_shared>>) target_semaphore(%arg33 : memref<!tpu.dma_semaphore, #tpu.memory_space<semaphore_mem>>)
    %add3A_86 = arith.constant 1120 : i32
    %add3A_87 = arith.addi %mul3A_2, %add3A_86 : i32
    %dma_start3A_88 = arith.constant 0 : i32
    %dma_start3A_89 = tpu.memref_slice %arg22[%add3A_87, %dma_start3A_88] : memref<20480x64xf32, #tpu.memory_space<vmem_shared>> -> memref<80x64xf32, #tpu.memory_space<vmem_shared>>
    %dma_start3A_90 = arith.constant 0 : i32
    %dma_start3A_91 = tpu.memref_slice %arg22[%add3A_87, %dma_start3A_90] : memref<20480x64xf32, #tpu.memory_space<vmem_shared>> -> memref<80x64xf32, #tpu.memory_space<vmem_shared>>
    tpu.enqueue_dma source(%arg17 : memref<80x64xf32, #tpu.memory_space<vmem>>) target(%dma_start3A_91 : memref<80x64xf32, #tpu.memory_space<vmem_shared>>) target_semaphore(%arg33 : memref<!tpu.dma_semaphore, #tpu.memory_space<semaphore_mem>>)
    %add3A_92 = arith.constant 1200 : i32
    %add3A_93 = arith.addi %mul3A_2, %add3A_92 : i32
    %dma_start3A_94 = arith.constant 0 : i32
    %dma_start3A_95 = tpu.memref_slice %arg22[%add3A_93, %dma_start3A_94] : memref<20480x64xf32, #tpu.memory_space<vmem_shared>> -> memref<80x64xf32, #tpu.memory_space<vmem_shared>>
    %dma_start3A_96 = arith.constant 0 : i32
    %dma_start3A_97 = tpu.memref_slice %arg22[%add3A_93, %dma_start3A_96] : memref<20480x64xf32, #tpu.memory_space<vmem_shared>> -> memref<80x64xf32, #tpu.memory_space<vmem_shared>>
    tpu.enqueue_dma source(%arg17 : memref<80x64xf32, #tpu.memory_space<vmem>>) target(%dma_start3A_97 : memref<80x64xf32, #tpu.memory_space<vmem_shared>>) target_semaphore(%arg33 : memref<!tpu.dma_semaphore, #tpu.memory_space<semaphore_mem>>)
    %dma_wait3A = arith.constant 0 : i32
    %dma_wait3A_98 = tpu.memref_slice %arg22[%add3A_4, %dma_wait3A] : memref<20480x64xf32, #tpu.memory_space<vmem_shared>> -> memref<80x64xf32, #tpu.memory_space<vmem_shared>>
    %dma_wait3A_99 = arith.constant 0 : i32
    %dma_wait3A_100 = tpu.memref_slice %arg22[%add3A_4, %dma_wait3A_99] : memref<20480x64xf32, #tpu.memory_space<vmem_shared>> -> memref<80x64xf32, #tpu.memory_space<vmem_shared>>
    tpu.wait_dma2 semaphore(%arg33 : memref<!tpu.dma_semaphore, #tpu.memory_space<semaphore_mem>>) src(%arg17 : memref<80x64xf32, #tpu.memory_space<vmem>>) dst(%dma_wait3A_100 : memref<80x64xf32, #tpu.memory_space<vmem_shared>>)
    %dma_wait3A_101 = arith.constant 0 : i32
    %dma_wait3A_102 = tpu.memref_slice %arg22[%add3A_9, %dma_wait3A_101] : memref<20480x64xf32, #tpu.memory_space<vmem_shared>> -> memref<80x64xf32, #tpu.memory_space<vmem_shared>>
    %dma_wait3A_103 = arith.constant 0 : i32
    %dma_wait3A_104 = tpu.memref_slice %arg22[%add3A_9, %dma_wait3A_103] : memref<20480x64xf32, #tpu.memory_space<vmem_shared>> -> memref<80x64xf32, #tpu.memory_space<vmem_shared>>
    tpu.wait_dma2 semaphore(%arg33 : memref<!tpu.dma_semaphore, #tpu.memory_space<semaphore_mem>>) src(%arg17 : memref<80x64xf32, #tpu.memory_space<vmem>>) dst(%dma_wait3A_104 : memref<80x64xf32, #tpu.memory_space<vmem_shared>>)
    %dma_wait3A_105 = arith.constant 0 : i32
    %dma_wait3A_106 = tpu.memref_slice %arg22[%add3A_15, %dma_wait3A_105] : memref<20480x64xf32, #tpu.memory_space<vmem_shared>> -> memref<80x64xf32, #tpu.memory_space<vmem_shared>>
    %dma_wait3A_107 = arith.constant 0 : i32
    %dma_wait3A_108 = tpu.memref_slice %arg22[%add3A_15, %dma_wait3A_107] : memref<20480x64xf32, #tpu.memory_space<vmem_shared>> -> memref<80x64xf32, #tpu.memory_space<vmem_shared>>
    tpu.wait_dma2 semaphore(%arg33 : memref<!tpu.dma_semaphore, #tpu.memory_space<semaphore_mem>>) src(%arg17 : memref<80x64xf32, #tpu.memory_space<vmem>>) dst(%dma_wait3A_108 : memref<80x64xf32, #tpu.memory_space<vmem_shared>>)
    %dma_wait3A_109 = arith.constant 0 : i32
    %dma_wait3A_110 = tpu.memref_slice %arg22[%add3A_21, %dma_wait3A_109] : memref<20480x64xf32, #tpu.memory_space<vmem_shared>> -> memref<80x64xf32, #tpu.memory_space<vmem_shared>>
    %dma_wait3A_111 = arith.constant 0 : i32
    %dma_wait3A_112 = tpu.memref_slice %arg22[%add3A_21, %dma_wait3A_111] : memref<20480x64xf32, #tpu.memory_space<vmem_shared>> -> memref<80x64xf32, #tpu.memory_space<vmem_shared>>
    tpu.wait_dma2 semaphore(%arg33 : memref<!tpu.dma_semaphore, #tpu.memory_space<semaphore_mem>>) src(%arg17 : memref<80x64xf32, #tpu.memory_space<vmem>>) dst(%dma_wait3A_112 : memref<80x64xf32, #tpu.memory_space<vmem_shared>>)
    %dma_wait3A_113 = arith.constant 0 : i32
    %dma_wait3A_114 = tpu.memref_slice %arg22[%add3A_27, %dma_wait3A_113] : memref<20480x64xf32, #tpu.memory_space<vmem_shared>> -> memref<80x64xf32, #tpu.memory_space<vmem_shared>>
    %dma_wait3A_115 = arith.constant 0 : i32
    %dma_wait3A_116 = tpu.memref_slice %arg22[%add3A_27, %dma_wait3A_115] : memref<20480x64xf32, #tpu.memory_space<vmem_shared>> -> memref<80x64xf32, #tpu.memory_space<vmem_shared>>
    tpu.wait_dma2 semaphore(%arg33 : memref<!tpu.dma_semaphore, #tpu.memory_space<semaphore_mem>>) src(%arg17 : memref<80x64xf32, #tpu.memory_space<vmem>>) dst(%dma_wait3A_116 : memref<80x64xf32, #tpu.memory_space<vmem_shared>>)
    %dma_wait3A_117 = arith.constant 0 : i32
    %dma_wait3A_118 = tpu.memref_slice %arg22[%add3A_33, %dma_wait3A_117] : memref<20480x64xf32, #tpu.memory_space<vmem_shared>> -> memref<80x64xf32, #tpu.memory_space<vmem_shared>>
    %dma_wait3A_119 = arith.constant 0 : i32
    %dma_wait3A_120 = tpu.memref_slice %arg22[%add3A_33, %dma_wait3A_119] : memref<20480x64xf32, #tpu.memory_space<vmem_shared>> -> memref<80x64xf32, #tpu.memory_space<vmem_shared>>
    tpu.wait_dma2 semaphore(%arg33 : memref<!tpu.dma_semaphore, #tpu.memory_space<semaphore_mem>>) src(%arg17 : memref<80x64xf32, #tpu.memory_space<vmem>>) dst(%dma_wait3A_120 : memref<80x64xf32, #tpu.memory_space<vmem_shared>>)
    %dma_wait3A_121 = arith.constant 0 : i32
    %dma_wait3A_122 = tpu.memref_slice %arg22[%add3A_39, %dma_wait3A_121] : memref<20480x64xf32, #tpu.memory_space<vmem_shared>> -> memref<80x64xf32, #tpu.memory_space<vmem_shared>>
    %dma_wait3A_123 = arith.constant 0 : i32
    %dma_wait3A_124 = tpu.memref_slice %arg22[%add3A_39, %dma_wait3A_123] : memref<20480x64xf32, #tpu.memory_space<vmem_shared>> -> memref<80x64xf32, #tpu.memory_space<vmem_shared>>
    tpu.wait_dma2 semaphore(%arg33 : memref<!tpu.dma_semaphore, #tpu.memory_space<semaphore_mem>>) src(%arg17 : memref<80x64xf32, #tpu.memory_space<vmem>>) dst(%dma_wait3A_124 : memref<80x64xf32, #tpu.memory_space<vmem_shared>>)
    %dma_wait3A_125 = arith.constant 0 : i32
    %dma_wait3A_126 = tpu.memref_slice %arg22[%add3A_45, %dma_wait3A_125] : memref<20480x64xf32, #tpu.memory_space<vmem_shared>> -> memref<80x64xf32, #tpu.memory_space<vmem_shared>>
    %dma_wait3A_127 = arith.constant 0 : i32
    %dma_wait3A_128 = tpu.memref_slice %arg22[%add3A_45, %dma_wait3A_127] : memref<20480x64xf32, #tpu.memory_space<vmem_shared>> -> memref<80x64xf32, #tpu.memory_space<vmem_shared>>
    tpu.wait_dma2 semaphore(%arg33 : memref<!tpu.dma_semaphore, #tpu.memory_space<semaphore_mem>>) src(%arg17 : memref<80x64xf32, #tpu.memory_space<vmem>>) dst(%dma_wait3A_128 : memref<80x64xf32, #tpu.memory_space<vmem_shared>>)
    %dma_wait3A_129 = arith.constant 0 : i32
    %dma_wait3A_130 = tpu.memref_slice %arg22[%add3A_51, %dma_wait3A_129] : memref<20480x64xf32, #tpu.memory_space<vmem_shared>> -> memref<80x64xf32, #tpu.memory_space<vmem_shared>>
    %dma_wait3A_131 = arith.constant 0 : i32
    %dma_wait3A_132 = tpu.memref_slice %arg22[%add3A_51, %dma_wait3A_131] : memref<20480x64xf32, #tpu.memory_space<vmem_shared>> -> memref<80x64xf32, #tpu.memory_space<vmem_shared>>
    tpu.wait_dma2 semaphore(%arg33 : memref<!tpu.dma_semaphore, #tpu.memory_space<semaphore_mem>>) src(%arg17 : memref<80x64xf32, #tpu.memory_space<vmem>>) dst(%dma_wait3A_132 : memref<80x64xf32, #tpu.memory_space<vmem_shared>>)
    %dma_wait3A_133 = arith.constant 0 : i32
    %dma_wait3A_134 = tpu.memref_slice %arg22[%add3A_57, %dma_wait3A_133] : memref<20480x64xf32, #tpu.memory_space<vmem_shared>> -> memref<80x64xf32, #tpu.memory_space<vmem_shared>>
    %dma_wait3A_135 = arith.constant 0 : i32
    %dma_wait3A_136 = tpu.memref_slice %arg22[%add3A_57, %dma_wait3A_135] : memref<20480x64xf32, #tpu.memory_space<vmem_shared>> -> memref<80x64xf32, #tpu.memory_space<vmem_shared>>
    tpu.wait_dma2 semaphore(%arg33 : memref<!tpu.dma_semaphore, #tpu.memory_space<semaphore_mem>>) src(%arg17 : memref<80x64xf32, #tpu.memory_space<vmem>>) dst(%dma_wait3A_136 : memref<80x64xf32, #tpu.memory_space<vmem_shared>>)
    %dma_wait3A_137 = arith.constant 0 : i32
    %dma_wait3A_138 = tpu.memref_slice %arg22[%add3A_63, %dma_wait3A_137] : memref<20480x64xf32, #tpu.memory_space<vmem_shared>> -> memref<80x64xf32, #tpu.memory_space<vmem_shared>>
    %dma_wait3A_139 = arith.constant 0 : i32
    %dma_wait3A_140 = tpu.memref_slice %arg22[%add3A_63, %dma_wait3A_139] : memref<20480x64xf32, #tpu.memory_space<vmem_shared>> -> memref<80x64xf32, #tpu.memory_space<vmem_shared>>
    tpu.wait_dma2 semaphore(%arg33 : memref<!tpu.dma_semaphore, #tpu.memory_space<semaphore_mem>>) src(%arg17 : memref<80x64xf32, #tpu.memory_space<vmem>>) dst(%dma_wait3A_140 : memref<80x64xf32, #tpu.memory_space<vmem_shared>>)
    %dma_wait3A_141 = arith.constant 0 : i32
    %dma_wait3A_142 = tpu.memref_slice %arg22[%add3A_69, %dma_wait3A_141] : memref<20480x64xf32, #tpu.memory_space<vmem_shared>> -> memref<80x64xf32, #tpu.memory_space<vmem_shared>>
    %dma_wait3A_143 = arith.constant 0 : i32
    %dma_wait3A_144 = tpu.memref_slice %arg22[%add3A_69, %dma_wait3A_143] : memref<20480x64xf32, #tpu.memory_space<vmem_shared>> -> memref<80x64xf32, #tpu.memory_space<vmem_shared>>
    tpu.wait_dma2 semaphore(%arg33 : memref<!tpu.dma_semaphore, #tpu.memory_space<semaphore_mem>>) src(%arg17 : memref<80x64xf32, #tpu.memory_space<vmem>>) dst(%dma_wait3A_144 : memref<80x64xf32, #tpu.memory_space<vmem_shared>>)
    %dma_wait3A_145 = arith.constant 0 : i32
    %dma_wait3A_146 = tpu.memref_slice %arg22[%add3A_75, %dma_wait3A_145] : memref<20480x64xf32, #tpu.memory_space<vmem_shared>> -> memref<80x64xf32, #tpu.memory_space<vmem_shared>>
    %dma_wait3A_147 = arith.constant 0 : i32
    %dma_wait3A_148 = tpu.memref_slice %arg22[%add3A_75, %dma_wait3A_147] : memref<20480x64xf32, #tpu.memory_space<vmem_shared>> -> memref<80x64xf32, #tpu.memory_space<vmem_shared>>
    tpu.wait_dma2 semaphore(%arg33 : memref<!tpu.dma_semaphore, #tpu.memory_space<semaphore_mem>>) src(%arg17 : memref<80x64xf32, #tpu.memory_space<vmem>>) dst(%dma_wait3A_148 : memref<80x64xf32, #tpu.memory_space<vmem_shared>>)
    %dma_wait3A_149 = arith.constant 0 : i32
    %dma_wait3A_150 = tpu.memref_slice %arg22[%add3A_81, %dma_wait3A_149] : memref<20480x64xf32, #tpu.memory_space<vmem_shared>> -> memref<80x64xf32, #tpu.memory_space<vmem_shared>>
    %dma_wait3A_151 = arith.constant 0 : i32
    %dma_wait3A_152 = tpu.memref_slice %arg22[%add3A_81, %dma_wait3A_151] : memref<20480x64xf32, #tpu.memory_space<vmem_shared>> -> memref<80x64xf32, #tpu.memory_space<vmem_shared>>
    tpu.wait_dma2 semaphore(%arg33 : memref<!tpu.dma_semaphore, #tpu.memory_space<semaphore_mem>>) src(%arg17 : memref<80x64xf32, #tpu.memory_space<vmem>>) dst(%dma_wait3A_152 : memref<80x64xf32, #tpu.memory_space<vmem_shared>>)
    %dma_wait3A_153 = arith.constant 0 : i32
    %dma_wait3A_154 = tpu.memref_slice %arg22[%add3A_87, %dma_wait3A_153] : memref<20480x64xf32, #tpu.memory_space<vmem_shared>> -> memref<80x64xf32, #tpu.memory_space<vmem_shared>>
    %dma_wait3A_155 = arith.constant 0 : i32
    %dma_wait3A_156 = tpu.memref_slice %arg22[%add3A_87, %dma_wait3A_155] : memref<20480x64xf32, #tpu.memory_space<vmem_shared>> -> memref<80x64xf32, #tpu.memory_space<vmem_shared>>
    tpu.wait_dma2 semaphore(%arg33 : memref<!tpu.dma_semaphore, #tpu.memory_space<semaphore_mem>>) src(%arg17 : memref<80x64xf32, #tpu.memory_space<vmem>>) dst(%dma_wait3A_156 : memref<80x64xf32, #tpu.memory_space<vmem_shared>>)
    %dma_wait3A_157 = arith.constant 0 : i32
    %dma_wait3A_158 = tpu.memref_slice %arg22[%add3A_93, %dma_wait3A_157] : memref<20480x64xf32, #tpu.memory_space<vmem_shared>> -> memref<80x64xf32, #tpu.memory_space<vmem_shared>>
    %dma_wait3A_159 = arith.constant 0 : i32
    %dma_wait3A_160 = tpu.memref_slice %arg22[%add3A_93, %dma_wait3A_159] : memref<20480x64xf32, #tpu.memory_space<vmem_shared>> -> memref<80x64xf32, #tpu.memory_space<vmem_shared>>
    tpu.wait_dma2 semaphore(%arg33 : memref<!tpu.dma_semaphore, #tpu.memory_space<semaphore_mem>>) src(%arg17 : memref<80x64xf32, #tpu.memory_space<vmem>>) dst(%dma_wait3A_160 : memref<80x64xf32, #tpu.memory_space<vmem_shared>>)
    %barrier3A = arith.constant 0 : index
    tpu.barrier barrier_id(%barrier3A)
    %mul3A_161 = arith.constant 10000 : i32
    %mul3A_162 = arith.muli %add3A, %mul3A_161 : i32
    %scan3A = arith.constant 0 : i32
    %scan3A_163 = arith.constant 0 : i32
    %scan3A_164 = arith.constant 25 : i32
    %scan3A_165 = arith.addi %scan3A_163, %scan3A_164 : i32
    %scan3A_166 = arith.constant 1 : i32
    %scan3A_167 = scf.for %scan3A_569 = %scan3A_163 to %scan3A_165 step %scan3A_166 iter_args(%scan3A_570 = %scan3A) -> (i32)  : i32 {
      %mul3A_571 = arith.constant 400 : i32
      %mul3A_572 = arith.muli %scan3A_569, %mul3A_571 : i32
      %add3A_573 = arith.addi %mul3A_162, %mul3A_572 : i32
      %multiple_of3A = tpu.assume_multiple %add3A_573, 80 : i32
      %add3A_574 = arith.constant 0 : i32
      %add3A_575 = arith.addi %multiple_of3A, %add3A_574 : i32
      %gt3A = arith.constant 0 : i32
      %gt3A_576 = arith.cmpi sgt, %scan3A_569, %gt3A : i32
      %convert_element_type3A = arith.extui %gt3A_576 : i1 to i32
      %cond3A = arith.constant 0 : i32
      %cond3A_577 = arith.cmpi ne, %convert_element_type3A, %cond3A : i32
      scf.if %cond3A_577 {
        %dma_wait3A_692 = arith.constant 0 : i32
        %dma_wait3A_693 = arith.constant 0 : i32
        %dma_wait3A_694 = tpu.memref_slice %arg22[%dma_wait3A_692, %dma_wait3A_693] : memref<20480x64xf32, #tpu.memory_space<vmem_shared>> -> memref<20480x64xf32, #tpu.memory_space<vmem_shared>>
        tpu.wait_indirect_dma semaphore(%arg33 : memref<!tpu.dma_semaphore, #tpu.memory_space<semaphore_mem>>) src(%arg17 : memref<80x64xf32, #tpu.memory_space<vmem>>) dst(%dma_wait3A_694 : memref<20480x64xf32, #tpu.memory_space<vmem_shared>>)
      } else {
      }
      %dma_start3A_578 = tpu.memref_slice %arg2[%add3A_575] : memref<320000xi32, #tpu.memory_space<hbm>> -> memref<80xi32, #tpu.memory_space<hbm>>
      %dma_start3A_579 = tpu.memref_slice %arg2[%add3A_575] : memref<320000xi32, #tpu.memory_space<hbm>> -> memref<80xi32, #tpu.memory_space<hbm>>
      tpu.enqueue_dma source(%dma_start3A_579 : memref<80xi32, #tpu.memory_space<hbm>>) target(%arg7 : memref<80xi32, #tpu.memory_space<vmem>>) target_semaphore(%arg23 : memref<!tpu.dma_semaphore, #tpu.memory_space<semaphore_mem>>)
      %dma_start3A_580 = tpu.memref_slice %arg3[%add3A_575] : memref<320000xi32, #tpu.memory_space<hbm>> -> memref<80xi32, #tpu.memory_space<hbm>>
      %dma_start3A_581 = tpu.memref_slice %arg3[%add3A_575] : memref<320000xi32, #tpu.memory_space<hbm>> -> memref<80xi32, #tpu.memory_space<hbm>>
      tpu.enqueue_dma source(%dma_start3A_581 : memref<80xi32, #tpu.memory_space<hbm>>) target(%arg12 : memref<80xi32, #tpu.memory_space<vmem>>) target_semaphore(%arg23 : memref<!tpu.dma_semaphore, #tpu.memory_space<semaphore_mem>>)
      %add3A_582 = arith.constant 80 : i32
      %add3A_583 = arith.addi %multiple_of3A, %add3A_582 : i32
      %gt3A_584 = arith.constant 0 : i32
      %gt3A_585 = arith.cmpi sgt, %scan3A_569, %gt3A_584 : i32
      %convert_element_type3A_586 = arith.extui %gt3A_585 : i1 to i32
      %cond3A_587 = arith.constant 0 : i32
      %cond3A_588 = arith.cmpi ne, %convert_element_type3A_586, %cond3A_587 : i32
      scf.if %cond3A_588 {
        %dma_wait3A_692 = arith.constant 0 : i32
        %dma_wait3A_693 = arith.constant 0 : i32
        %dma_wait3A_694 = tpu.memref_slice %arg22[%dma_wait3A_692, %dma_wait3A_693] : memref<20480x64xf32, #tpu.memory_space<vmem_shared>> -> memref<20480x64xf32, #tpu.memory_space<vmem_shared>>
        tpu.wait_indirect_dma semaphore(%arg34 : memref<!tpu.dma_semaphore, #tpu.memory_space<semaphore_mem>>) src(%arg18 : memref<80x64xf32, #tpu.memory_space<vmem>>) dst(%dma_wait3A_694 : memref<20480x64xf32, #tpu.memory_space<vmem_shared>>)
      } else {
      }
      %dma_start3A_589 = tpu.memref_slice %arg2[%add3A_583] : memref<320000xi32, #tpu.memory_space<hbm>> -> memref<80xi32, #tpu.memory_space<hbm>>
      %dma_start3A_590 = tpu.memref_slice %arg2[%add3A_583] : memref<320000xi32, #tpu.memory_space<hbm>> -> memref<80xi32, #tpu.memory_space<hbm>>
      tpu.enqueue_dma source(%dma_start3A_590 : memref<80xi32, #tpu.memory_space<hbm>>) target(%arg8 : memref<80xi32, #tpu.memory_space<vmem>>) target_semaphore(%arg24 : memref<!tpu.dma_semaphore, #tpu.memory_space<semaphore_mem>>)
      %dma_start3A_591 = tpu.memref_slice %arg3[%add3A_583] : memref<320000xi32, #tpu.memory_space<hbm>> -> memref<80xi32, #tpu.memory_space<hbm>>
      %dma_start3A_592 = tpu.memref_slice %arg3[%add3A_583] : memref<320000xi32, #tpu.memory_space<hbm>> -> memref<80xi32, #tpu.memory_space<hbm>>
      tpu.enqueue_dma source(%dma_start3A_592 : memref<80xi32, #tpu.memory_space<hbm>>) target(%arg13 : memref<80xi32, #tpu.memory_space<vmem>>) target_semaphore(%arg24 : memref<!tpu.dma_semaphore, #tpu.memory_space<semaphore_mem>>)
      %add3A_593 = arith.constant 160 : i32
      %add3A_594 = arith.addi %multiple_of3A, %add3A_593 : i32
      %gt3A_595 = arith.constant 0 : i32
      %gt3A_596 = arith.cmpi sgt, %scan3A_569, %gt3A_595 : i32
      %convert_element_type3A_597 = arith.extui %gt3A_596 : i1 to i32
      %cond3A_598 = arith.constant 0 : i32
      %cond3A_599 = arith.cmpi ne, %convert_element_type3A_597, %cond3A_598 : i32
      scf.if %cond3A_599 {
        %dma_wait3A_692 = arith.constant 0 : i32
        %dma_wait3A_693 = arith.constant 0 : i32
        %dma_wait3A_694 = tpu.memref_slice %arg22[%dma_wait3A_692, %dma_wait3A_693] : memref<20480x64xf32, #tpu.memory_space<vmem_shared>> -> memref<20480x64xf32, #tpu.memory_space<vmem_shared>>
        tpu.wait_indirect_dma semaphore(%arg35 : memref<!tpu.dma_semaphore, #tpu.memory_space<semaphore_mem>>) src(%arg19 : memref<80x64xf32, #tpu.memory_space<vmem>>) dst(%dma_wait3A_694 : memref<20480x64xf32, #tpu.memory_space<vmem_shared>>)
      } else {
      }
      %dma_start3A_600 = tpu.memref_slice %arg2[%add3A_594] : memref<320000xi32, #tpu.memory_space<hbm>> -> memref<80xi32, #tpu.memory_space<hbm>>
      %dma_start3A_601 = tpu.memref_slice %arg2[%add3A_594] : memref<320000xi32, #tpu.memory_space<hbm>> -> memref<80xi32, #tpu.memory_space<hbm>>
      tpu.enqueue_dma source(%dma_start3A_601 : memref<80xi32, #tpu.memory_space<hbm>>) target(%arg9 : memref<80xi32, #tpu.memory_space<vmem>>) target_semaphore(%arg25 : memref<!tpu.dma_semaphore, #tpu.memory_space<semaphore_mem>>)
      %dma_start3A_602 = tpu.memref_slice %arg3[%add3A_594] : memref<320000xi32, #tpu.memory_space<hbm>> -> memref<80xi32, #tpu.memory_space<hbm>>
      %dma_start3A_603 = tpu.memref_slice %arg3[%add3A_594] : memref<320000xi32, #tpu.memory_space<hbm>> -> memref<80xi32, #tpu.memory_space<hbm>>
      tpu.enqueue_dma source(%dma_start3A_603 : memref<80xi32, #tpu.memory_space<hbm>>) target(%arg14 : memref<80xi32, #tpu.memory_space<vmem>>) target_semaphore(%arg25 : memref<!tpu.dma_semaphore, #tpu.memory_space<semaphore_mem>>)
      %add3A_604 = arith.constant 240 : i32
      %add3A_605 = arith.addi %multiple_of3A, %add3A_604 : i32
      %gt3A_606 = arith.constant 0 : i32
      %gt3A_607 = arith.cmpi sgt, %scan3A_569, %gt3A_606 : i32
      %convert_element_type3A_608 = arith.extui %gt3A_607 : i1 to i32
      %cond3A_609 = arith.constant 0 : i32
      %cond3A_610 = arith.cmpi ne, %convert_element_type3A_608, %cond3A_609 : i32
      scf.if %cond3A_610 {
        %dma_wait3A_692 = arith.constant 0 : i32
        %dma_wait3A_693 = arith.constant 0 : i32
        %dma_wait3A_694 = tpu.memref_slice %arg22[%dma_wait3A_692, %dma_wait3A_693] : memref<20480x64xf32, #tpu.memory_space<vmem_shared>> -> memref<20480x64xf32, #tpu.memory_space<vmem_shared>>
        tpu.wait_indirect_dma semaphore(%arg36 : memref<!tpu.dma_semaphore, #tpu.memory_space<semaphore_mem>>) src(%arg20 : memref<80x64xf32, #tpu.memory_space<vmem>>) dst(%dma_wait3A_694 : memref<20480x64xf32, #tpu.memory_space<vmem_shared>>)
      } else {
      }
      %dma_start3A_611 = tpu.memref_slice %arg2[%add3A_605] : memref<320000xi32, #tpu.memory_space<hbm>> -> memref<80xi32, #tpu.memory_space<hbm>>
      %dma_start3A_612 = tpu.memref_slice %arg2[%add3A_605] : memref<320000xi32, #tpu.memory_space<hbm>> -> memref<80xi32, #tpu.memory_space<hbm>>
      tpu.enqueue_dma source(%dma_start3A_612 : memref<80xi32, #tpu.memory_space<hbm>>) target(%arg10 : memref<80xi32, #tpu.memory_space<vmem>>) target_semaphore(%arg26 : memref<!tpu.dma_semaphore, #tpu.memory_space<semaphore_mem>>)
      %dma_start3A_613 = tpu.memref_slice %arg3[%add3A_605] : memref<320000xi32, #tpu.memory_space<hbm>> -> memref<80xi32, #tpu.memory_space<hbm>>
      %dma_start3A_614 = tpu.memref_slice %arg3[%add3A_605] : memref<320000xi32, #tpu.memory_space<hbm>> -> memref<80xi32, #tpu.memory_space<hbm>>
      tpu.enqueue_dma source(%dma_start3A_614 : memref<80xi32, #tpu.memory_space<hbm>>) target(%arg15 : memref<80xi32, #tpu.memory_space<vmem>>) target_semaphore(%arg26 : memref<!tpu.dma_semaphore, #tpu.memory_space<semaphore_mem>>)
      %add3A_615 = arith.constant 320 : i32
      %add3A_616 = arith.addi %multiple_of3A, %add3A_615 : i32
      %gt3A_617 = arith.constant 0 : i32
      %gt3A_618 = arith.cmpi sgt, %scan3A_569, %gt3A_617 : i32
      %convert_element_type3A_619 = arith.extui %gt3A_618 : i1 to i32
      %cond3A_620 = arith.constant 0 : i32
      %cond3A_621 = arith.cmpi ne, %convert_element_type3A_619, %cond3A_620 : i32
      scf.if %cond3A_621 {
        %dma_wait3A_692 = arith.constant 0 : i32
        %dma_wait3A_693 = arith.constant 0 : i32
        %dma_wait3A_694 = tpu.memref_slice %arg22[%dma_wait3A_692, %dma_wait3A_693] : memref<20480x64xf32, #tpu.memory_space<vmem_shared>> -> memref<20480x64xf32, #tpu.memory_space<vmem_shared>>
        tpu.wait_indirect_dma semaphore(%arg37 : memref<!tpu.dma_semaphore, #tpu.memory_space<semaphore_mem>>) src(%arg21 : memref<80x64xf32, #tpu.memory_space<vmem>>) dst(%dma_wait3A_694 : memref<20480x64xf32, #tpu.memory_space<vmem_shared>>)
      } else {
      }
      %dma_start3A_622 = tpu.memref_slice %arg2[%add3A_616] : memref<320000xi32, #tpu.memory_space<hbm>> -> memref<80xi32, #tpu.memory_space<hbm>>
      %dma_start3A_623 = tpu.memref_slice %arg2[%add3A_616] : memref<320000xi32, #tpu.memory_space<hbm>> -> memref<80xi32, #tpu.memory_space<hbm>>
      tpu.enqueue_dma source(%dma_start3A_623 : memref<80xi32, #tpu.memory_space<hbm>>) target(%arg11 : memref<80xi32, #tpu.memory_space<vmem>>) target_semaphore(%arg27 : memref<!tpu.dma_semaphore, #tpu.memory_space<semaphore_mem>>)
      %dma_start3A_624 = tpu.memref_slice %arg3[%add3A_616] : memref<320000xi32, #tpu.memory_space<hbm>> -> memref<80xi32, #tpu.memory_space<hbm>>
      %dma_start3A_625 = tpu.memref_slice %arg3[%add3A_616] : memref<320000xi32, #tpu.memory_space<hbm>> -> memref<80xi32, #tpu.memory_space<hbm>>
      tpu.enqueue_dma source(%dma_start3A_625 : memref<80xi32, #tpu.memory_space<hbm>>) target(%arg16 : memref<80xi32, #tpu.memory_space<vmem>>) target_semaphore(%arg27 : memref<!tpu.dma_semaphore, #tpu.memory_space<semaphore_mem>>)
      %dma_wait3A_626 = tpu.memref_slice %arg2[%add3A_575] : memref<320000xi32, #tpu.memory_space<hbm>> -> memref<80xi32, #tpu.memory_space<hbm>>
      %dma_wait3A_627 = tpu.memref_slice %arg2[%add3A_575] : memref<320000xi32, #tpu.memory_space<hbm>> -> memref<80xi32, #tpu.memory_space<hbm>>
      tpu.wait_dma2 semaphore(%arg23 : memref<!tpu.dma_semaphore, #tpu.memory_space<semaphore_mem>>) src(%dma_wait3A_627 : memref<80xi32, #tpu.memory_space<hbm>>) dst(%arg7 : memref<80xi32, #tpu.memory_space<vmem>>)
      %dma_wait3A_628 = tpu.memref_slice %arg3[%add3A_575] : memref<320000xi32, #tpu.memory_space<hbm>> -> memref<80xi32, #tpu.memory_space<hbm>>
      %dma_wait3A_629 = tpu.memref_slice %arg3[%add3A_575] : memref<320000xi32, #tpu.memory_space<hbm>> -> memref<80xi32, #tpu.memory_space<hbm>>
      tpu.wait_dma2 semaphore(%arg23 : memref<!tpu.dma_semaphore, #tpu.memory_space<semaphore_mem>>) src(%dma_wait3A_629 : memref<80xi32, #tpu.memory_space<hbm>>) dst(%arg12 : memref<80xi32, #tpu.memory_space<vmem>>)
      %dma_start3A_630 = arith.constant 0 : i32
      %dma_start3A_631 = arith.constant 0 : i32
      %dma_start3A_632 = tpu.memref_slice %arg4[%dma_start3A_630, %dma_start3A_631] : memref<20480x64xf32, #tpu.memory_space<hbm>> -> memref<20480x64xf32, #tpu.memory_space<hbm>>
      tpu.enqueue_indirect_dma source(%dma_start3A_632 : memref<20480x64xf32, #tpu.memory_space<hbm>>) target(%arg17 : memref<80x64xf32, #tpu.memory_space<vmem>>) offsets(%arg7 : memref<80xi32, #tpu.memory_space<vmem>>) semaphore(%arg28 : memref<!tpu.dma_semaphore, #tpu.memory_space<semaphore_mem>>)
      %dma_wait3A_633 = tpu.memref_slice %arg2[%add3A_583] : memref<320000xi32, #tpu.memory_space<hbm>> -> memref<80xi32, #tpu.memory_space<hbm>>
      %dma_wait3A_634 = tpu.memref_slice %arg2[%add3A_583] : memref<320000xi32, #tpu.memory_space<hbm>> -> memref<80xi32, #tpu.memory_space<hbm>>
      tpu.wait_dma2 semaphore(%arg24 : memref<!tpu.dma_semaphore, #tpu.memory_space<semaphore_mem>>) src(%dma_wait3A_634 : memref<80xi32, #tpu.memory_space<hbm>>) dst(%arg8 : memref<80xi32, #tpu.memory_space<vmem>>)
      %dma_wait3A_635 = tpu.memref_slice %arg3[%add3A_583] : memref<320000xi32, #tpu.memory_space<hbm>> -> memref<80xi32, #tpu.memory_space<hbm>>
      %dma_wait3A_636 = tpu.memref_slice %arg3[%add3A_583] : memref<320000xi32, #tpu.memory_space<hbm>> -> memref<80xi32, #tpu.memory_space<hbm>>
      tpu.wait_dma2 semaphore(%arg24 : memref<!tpu.dma_semaphore, #tpu.memory_space<semaphore_mem>>) src(%dma_wait3A_636 : memref<80xi32, #tpu.memory_space<hbm>>) dst(%arg13 : memref<80xi32, #tpu.memory_space<vmem>>)
      %dma_start3A_637 = arith.constant 0 : i32
      %dma_start3A_638 = arith.constant 0 : i32
      %dma_start3A_639 = tpu.memref_slice %arg4[%dma_start3A_637, %dma_start3A_638] : memref<20480x64xf32, #tpu.memory_space<hbm>> -> memref<20480x64xf32, #tpu.memory_space<hbm>>
      tpu.enqueue_indirect_dma source(%dma_start3A_639 : memref<20480x64xf32, #tpu.memory_space<hbm>>) target(%arg18 : memref<80x64xf32, #tpu.memory_space<vmem>>) offsets(%arg8 : memref<80xi32, #tpu.memory_space<vmem>>) semaphore(%arg29 : memref<!tpu.dma_semaphore, #tpu.memory_space<semaphore_mem>>)
      %dma_wait3A_640 = tpu.memref_slice %arg2[%add3A_594] : memref<320000xi32, #tpu.memory_space<hbm>> -> memref<80xi32, #tpu.memory_space<hbm>>
      %dma_wait3A_641 = tpu.memref_slice %arg2[%add3A_594] : memref<320000xi32, #tpu.memory_space<hbm>> -> memref<80xi32, #tpu.memory_space<hbm>>
      tpu.wait_dma2 semaphore(%arg25 : memref<!tpu.dma_semaphore, #tpu.memory_space<semaphore_mem>>) src(%dma_wait3A_641 : memref<80xi32, #tpu.memory_space<hbm>>) dst(%arg9 : memref<80xi32, #tpu.memory_space<vmem>>)
      %dma_wait3A_642 = tpu.memref_slice %arg3[%add3A_594] : memref<320000xi32, #tpu.memory_space<hbm>> -> memref<80xi32, #tpu.memory_space<hbm>>
      %dma_wait3A_643 = tpu.memref_slice %arg3[%add3A_594] : memref<320000xi32, #tpu.memory_space<hbm>> -> memref<80xi32, #tpu.memory_space<hbm>>
      tpu.wait_dma2 semaphore(%arg25 : memref<!tpu.dma_semaphore, #tpu.memory_space<semaphore_mem>>) src(%dma_wait3A_643 : memref<80xi32, #tpu.memory_space<hbm>>) dst(%arg14 : memref<80xi32, #tpu.memory_space<vmem>>)
      %dma_start3A_644 = arith.constant 0 : i32
      %dma_start3A_645 = arith.constant 0 : i32
      %dma_start3A_646 = tpu.memref_slice %arg4[%dma_start3A_644, %dma_start3A_645] : memref<20480x64xf32, #tpu.memory_space<hbm>> -> memref<20480x64xf32, #tpu.memory_space<hbm>>
      tpu.enqueue_indirect_dma source(%dma_start3A_646 : memref<20480x64xf32, #tpu.memory_space<hbm>>) target(%arg19 : memref<80x64xf32, #tpu.memory_space<vmem>>) offsets(%arg9 : memref<80xi32, #tpu.memory_space<vmem>>) semaphore(%arg30 : memref<!tpu.dma_semaphore, #tpu.memory_space<semaphore_mem>>)
      %dma_wait3A_647 = tpu.memref_slice %arg2[%add3A_605] : memref<320000xi32, #tpu.memory_space<hbm>> -> memref<80xi32, #tpu.memory_space<hbm>>
      %dma_wait3A_648 = tpu.memref_slice %arg2[%add3A_605] : memref<320000xi32, #tpu.memory_space<hbm>> -> memref<80xi32, #tpu.memory_space<hbm>>
      tpu.wait_dma2 semaphore(%arg26 : memref<!tpu.dma_semaphore, #tpu.memory_space<semaphore_mem>>) src(%dma_wait3A_648 : memref<80xi32, #tpu.memory_space<hbm>>) dst(%arg10 : memref<80xi32, #tpu.memory_space<vmem>>)
      %dma_wait3A_649 = tpu.memref_slice %arg3[%add3A_605] : memref<320000xi32, #tpu.memory_space<hbm>> -> memref<80xi32, #tpu.memory_space<hbm>>
      %dma_wait3A_650 = tpu.memref_slice %arg3[%add3A_605] : memref<320000xi32, #tpu.memory_space<hbm>> -> memref<80xi32, #tpu.memory_space<hbm>>
      tpu.wait_dma2 semaphore(%arg26 : memref<!tpu.dma_semaphore, #tpu.memory_space<semaphore_mem>>) src(%dma_wait3A_650 : memref<80xi32, #tpu.memory_space<hbm>>) dst(%arg15 : memref<80xi32, #tpu.memory_space<vmem>>)
      %dma_start3A_651 = arith.constant 0 : i32
      %dma_start3A_652 = arith.constant 0 : i32
      %dma_start3A_653 = tpu.memref_slice %arg4[%dma_start3A_651, %dma_start3A_652] : memref<20480x64xf32, #tpu.memory_space<hbm>> -> memref<20480x64xf32, #tpu.memory_space<hbm>>
      tpu.enqueue_indirect_dma source(%dma_start3A_653 : memref<20480x64xf32, #tpu.memory_space<hbm>>) target(%arg20 : memref<80x64xf32, #tpu.memory_space<vmem>>) offsets(%arg10 : memref<80xi32, #tpu.memory_space<vmem>>) semaphore(%arg31 : memref<!tpu.dma_semaphore, #tpu.memory_space<semaphore_mem>>)
      %dma_wait3A_654 = tpu.memref_slice %arg2[%add3A_616] : memref<320000xi32, #tpu.memory_space<hbm>> -> memref<80xi32, #tpu.memory_space<hbm>>
      %dma_wait3A_655 = tpu.memref_slice %arg2[%add3A_616] : memref<320000xi32, #tpu.memory_space<hbm>> -> memref<80xi32, #tpu.memory_space<hbm>>
      tpu.wait_dma2 semaphore(%arg27 : memref<!tpu.dma_semaphore, #tpu.memory_space<semaphore_mem>>) src(%dma_wait3A_655 : memref<80xi32, #tpu.memory_space<hbm>>) dst(%arg11 : memref<80xi32, #tpu.memory_space<vmem>>)
      %dma_wait3A_656 = tpu.memref_slice %arg3[%add3A_616] : memref<320000xi32, #tpu.memory_space<hbm>> -> memref<80xi32, #tpu.memory_space<hbm>>
      %dma_wait3A_657 = tpu.memref_slice %arg3[%add3A_616] : memref<320000xi32, #tpu.memory_space<hbm>> -> memref<80xi32, #tpu.memory_space<hbm>>
      tpu.wait_dma2 semaphore(%arg27 : memref<!tpu.dma_semaphore, #tpu.memory_space<semaphore_mem>>) src(%dma_wait3A_657 : memref<80xi32, #tpu.memory_space<hbm>>) dst(%arg16 : memref<80xi32, #tpu.memory_space<vmem>>)
      %dma_start3A_658 = arith.constant 0 : i32
      %dma_start3A_659 = arith.constant 0 : i32
      %dma_start3A_660 = tpu.memref_slice %arg4[%dma_start3A_658, %dma_start3A_659] : memref<20480x64xf32, #tpu.memory_space<hbm>> -> memref<20480x64xf32, #tpu.memory_space<hbm>>
      tpu.enqueue_indirect_dma source(%dma_start3A_660 : memref<20480x64xf32, #tpu.memory_space<hbm>>) target(%arg21 : memref<80x64xf32, #tpu.memory_space<vmem>>) offsets(%arg11 : memref<80xi32, #tpu.memory_space<vmem>>) semaphore(%arg32 : memref<!tpu.dma_semaphore, #tpu.memory_space<semaphore_mem>>)
      %dma_wait3A_661 = arith.constant 0 : i32
      %dma_wait3A_662 = arith.constant 0 : i32
      %dma_wait3A_663 = tpu.memref_slice %arg4[%dma_wait3A_661, %dma_wait3A_662] : memref<20480x64xf32, #tpu.memory_space<hbm>> -> memref<20480x64xf32, #tpu.memory_space<hbm>>
      tpu.wait_indirect_dma semaphore(%arg28 : memref<!tpu.dma_semaphore, #tpu.memory_space<semaphore_mem>>) src(%dma_wait3A_663 : memref<20480x64xf32, #tpu.memory_space<hbm>>) dst(%arg17 : memref<80x64xf32, #tpu.memory_space<vmem>>)
      %dma_start3A_664 = arith.constant 0 : i32
      %dma_start3A_665 = arith.constant 0 : i32
      %dma_start3A_666 = tpu.memref_slice %arg22[%dma_start3A_664, %dma_start3A_665] : memref<20480x64xf32, #tpu.memory_space<vmem_shared>> -> memref<20480x64xf32, #tpu.memory_space<vmem_shared>>
      tpu.enqueue_indirect_dma source(%arg17 : memref<80x64xf32, #tpu.memory_space<vmem>>) target(%dma_start3A_666 : memref<20480x64xf32, #tpu.memory_space<vmem_shared>>) offsets(%arg12 : memref<80xi32, #tpu.memory_space<vmem>>) semaphore(%arg33 : memref<!tpu.dma_semaphore, #tpu.memory_space<semaphore_mem>>) {add = true}
      %dma_wait3A_667 = arith.constant 0 : i32
      %dma_wait3A_668 = arith.constant 0 : i32
      %dma_wait3A_669 = tpu.memref_slice %arg4[%dma_wait3A_667, %dma_wait3A_668] : memref<20480x64xf32, #tpu.memory_space<hbm>> -> memref<20480x64xf32, #tpu.memory_space<hbm>>
      tpu.wait_indirect_dma semaphore(%arg29 : memref<!tpu.dma_semaphore, #tpu.memory_space<semaphore_mem>>) src(%dma_wait3A_669 : memref<20480x64xf32, #tpu.memory_space<hbm>>) dst(%arg18 : memref<80x64xf32, #tpu.memory_space<vmem>>)
      %dma_start3A_670 = arith.constant 0 : i32
      %dma_start3A_671 = arith.constant 0 : i32
      %dma_start3A_672 = tpu.memref_slice %arg22[%dma_start3A_670, %dma_start3A_671] : memref<20480x64xf32, #tpu.memory_space<vmem_shared>> -> memref<20480x64xf32, #tpu.memory_space<vmem_shared>>
      tpu.enqueue_indirect_dma source(%arg18 : memref<80x64xf32, #tpu.memory_space<vmem>>) target(%dma_start3A_672 : memref<20480x64xf32, #tpu.memory_space<vmem_shared>>) offsets(%arg13 : memref<80xi32, #tpu.memory_space<vmem>>) semaphore(%arg34 : memref<!tpu.dma_semaphore, #tpu.memory_space<semaphore_mem>>) {add = true}
      %dma_wait3A_673 = arith.constant 0 : i32
      %dma_wait3A_674 = arith.constant 0 : i32
      %dma_wait3A_675 = tpu.memref_slice %arg4[%dma_wait3A_673, %dma_wait3A_674] : memref<20480x64xf32, #tpu.memory_space<hbm>> -> memref<20480x64xf32, #tpu.memory_space<hbm>>
      tpu.wait_indirect_dma semaphore(%arg30 : memref<!tpu.dma_semaphore, #tpu.memory_space<semaphore_mem>>) src(%dma_wait3A_675 : memref<20480x64xf32, #tpu.memory_space<hbm>>) dst(%arg19 : memref<80x64xf32, #tpu.memory_space<vmem>>)
      %dma_start3A_676 = arith.constant 0 : i32
      %dma_start3A_677 = arith.constant 0 : i32
      %dma_start3A_678 = tpu.memref_slice %arg22[%dma_start3A_676, %dma_start3A_677] : memref<20480x64xf32, #tpu.memory_space<vmem_shared>> -> memref<20480x64xf32, #tpu.memory_space<vmem_shared>>
      tpu.enqueue_indirect_dma source(%arg19 : memref<80x64xf32, #tpu.memory_space<vmem>>) target(%dma_start3A_678 : memref<20480x64xf32, #tpu.memory_space<vmem_shared>>) offsets(%arg14 : memref<80xi32, #tpu.memory_space<vmem>>) semaphore(%arg35 : memref<!tpu.dma_semaphore, #tpu.memory_space<semaphore_mem>>) {add = true}
      %dma_wait3A_679 = arith.constant 0 : i32
      %dma_wait3A_680 = arith.constant 0 : i32
      %dma_wait3A_681 = tpu.memref_slice %arg4[%dma_wait3A_679, %dma_wait3A_680] : memref<20480x64xf32, #tpu.memory_space<hbm>> -> memref<20480x64xf32, #tpu.memory_space<hbm>>
      tpu.wait_indirect_dma semaphore(%arg31 : memref<!tpu.dma_semaphore, #tpu.memory_space<semaphore_mem>>) src(%dma_wait3A_681 : memref<20480x64xf32, #tpu.memory_space<hbm>>) dst(%arg20 : memref<80x64xf32, #tpu.memory_space<vmem>>)
      %dma_start3A_682 = arith.constant 0 : i32
      %dma_start3A_683 = arith.constant 0 : i32
      %dma_start3A_684 = tpu.memref_slice %arg22[%dma_start3A_682, %dma_start3A_683] : memref<20480x64xf32, #tpu.memory_space<vmem_shared>> -> memref<20480x64xf32, #tpu.memory_space<vmem_shared>>
      tpu.enqueue_indirect_dma source(%arg20 : memref<80x64xf32, #tpu.memory_space<vmem>>) target(%dma_start3A_684 : memref<20480x64xf32, #tpu.memory_space<vmem_shared>>) offsets(%arg15 : memref<80xi32, #tpu.memory_space<vmem>>) semaphore(%arg36 : memref<!tpu.dma_semaphore, #tpu.memory_space<semaphore_mem>>) {add = true}
      %dma_wait3A_685 = arith.constant 0 : i32
      %dma_wait3A_686 = arith.constant 0 : i32
      %dma_wait3A_687 = tpu.memref_slice %arg4[%dma_wait3A_685, %dma_wait3A_686] : memref<20480x64xf32, #tpu.memory_space<hbm>> -> memref<20480x64xf32, #tpu.memory_space<hbm>>
      tpu.wait_indirect_dma semaphore(%arg32 : memref<!tpu.dma_semaphore, #tpu.memory_space<semaphore_mem>>) src(%dma_wait3A_687 : memref<20480x64xf32, #tpu.memory_space<hbm>>) dst(%arg21 : memref<80x64xf32, #tpu.memory_space<vmem>>)
      %dma_start3A_688 = arith.constant 0 : i32
      %dma_start3A_689 = arith.constant 0 : i32
      %dma_start3A_690 = tpu.memref_slice %arg22[%dma_start3A_688, %dma_start3A_689] : memref<20480x64xf32, #tpu.memory_space<vmem_shared>> -> memref<20480x64xf32, #tpu.memory_space<vmem_shared>>
      tpu.enqueue_indirect_dma source(%arg21 : memref<80x64xf32, #tpu.memory_space<vmem>>) target(%dma_start3A_690 : memref<20480x64xf32, #tpu.memory_space<vmem_shared>>) offsets(%arg16 : memref<80xi32, #tpu.memory_space<vmem>>) semaphore(%arg37 : memref<!tpu.dma_semaphore, #tpu.memory_space<semaphore_mem>>) {add = true}
      %scan3A_691 = arith.constant 0 : i32
      scf.yield %scan3A_691 : i32
    }
    %scan3A_168 = arith.constant 25 : i32
    %dma_wait3A_169 = arith.constant 0 : i32
    %dma_wait3A_170 = arith.constant 0 : i32
    %dma_wait3A_171 = tpu.memref_slice %arg22[%dma_wait3A_169, %dma_wait3A_170] : memref<20480x64xf32, #tpu.memory_space<vmem_shared>> -> memref<20480x64xf32, #tpu.memory_space<vmem_shared>>
    tpu.wait_indirect_dma semaphore(%arg33 : memref<!tpu.dma_semaphore, #tpu.memory_space<semaphore_mem>>) src(%arg17 : memref<80x64xf32, #tpu.memory_space<vmem>>) dst(%dma_wait3A_171 : memref<20480x64xf32, #tpu.memory_space<vmem_shared>>)
    %dma_wait3A_172 = arith.constant 0 : i32
    %dma_wait3A_173 = arith.constant 0 : i32
    %dma_wait3A_174 = tpu.memref_slice %arg22[%dma_wait3A_172, %dma_wait3A_173] : memref<20480x64xf32, #tpu.memory_space<vmem_shared>> -> memref<20480x64xf32, #tpu.memory_space<vmem_shared>>
    tpu.wait_indirect_dma semaphore(%arg34 : memref<!tpu.dma_semaphore, #tpu.memory_space<semaphore_mem>>) src(%arg18 : memref<80x64xf32, #tpu.memory_space<vmem>>) dst(%dma_wait3A_174 : memref<20480x64xf32, #tpu.memory_space<vmem_shared>>)
    %dma_wait3A_175 = arith.constant 0 : i32
    %dma_wait3A_176 = arith.constant 0 : i32
    %dma_wait3A_177 = tpu.memref_slice %arg22[%dma_wait3A_175, %dma_wait3A_176] : memref<20480x64xf32, #tpu.memory_space<vmem_shared>> -> memref<20480x64xf32, #tpu.memory_space<vmem_shared>>
    tpu.wait_indirect_dma semaphore(%arg35 : memref<!tpu.dma_semaphore, #tpu.memory_space<semaphore_mem>>) src(%arg19 : memref<80x64xf32, #tpu.memory_space<vmem>>) dst(%dma_wait3A_177 : memref<20480x64xf32, #tpu.memory_space<vmem_shared>>)
    %dma_wait3A_178 = arith.constant 0 : i32
    %dma_wait3A_179 = arith.constant 0 : i32
    %dma_wait3A_180 = tpu.memref_slice %arg22[%dma_wait3A_178, %dma_wait3A_179] : memref<20480x64xf32, #tpu.memory_space<vmem_shared>> -> memref<20480x64xf32, #tpu.memory_space<vmem_shared>>
    tpu.wait_indirect_dma semaphore(%arg36 : memref<!tpu.dma_semaphore, #tpu.memory_space<semaphore_mem>>) src(%arg20 : memref<80x64xf32, #tpu.memory_space<vmem>>) dst(%dma_wait3A_180 : memref<20480x64xf32, #tpu.memory_space<vmem_shared>>)
    %dma_wait3A_181 = arith.constant 0 : i32
    %dma_wait3A_182 = arith.constant 0 : i32
    %dma_wait3A_183 = tpu.memref_slice %arg22[%dma_wait3A_181, %dma_wait3A_182] : memref<20480x64xf32, #tpu.memory_space<vmem_shared>> -> memref<20480x64xf32, #tpu.memory_space<vmem_shared>>
    tpu.wait_indirect_dma semaphore(%arg37 : memref<!tpu.dma_semaphore, #tpu.memory_space<semaphore_mem>>) src(%arg21 : memref<80x64xf32, #tpu.memory_space<vmem>>) dst(%dma_wait3A_183 : memref<20480x64xf32, #tpu.memory_space<vmem_shared>>)
    %barrier3A_184 = arith.constant 0 : index
    tpu.barrier barrier_id(%barrier3A_184)
    %add3A_185 = arith.constant 0 : i32
    %add3A_186 = arith.addi %mul3A_2, %add3A_185 : i32
    %dma_start3A_187 = arith.constant 0 : i32
    %dma_start3A_188 = tpu.memref_slice %arg22[%add3A_186, %dma_start3A_187] : memref<20480x64xf32, #tpu.memory_space<vmem_shared>> -> memref<80x64xf32, #tpu.memory_space<vmem_shared>>
    %dma_start3A_189 = arith.constant 0 : i32
    %dma_start3A_190 = tpu.memref_slice %arg22[%add3A_186, %dma_start3A_189] : memref<20480x64xf32, #tpu.memory_space<vmem_shared>> -> memref<80x64xf32, #tpu.memory_space<vmem_shared>>
    tpu.enqueue_dma source(%dma_start3A_190 : memref<80x64xf32, #tpu.memory_space<vmem_shared>>) target(%arg17 : memref<80x64xf32, #tpu.memory_space<vmem>>) target_semaphore(%arg28 : memref<!tpu.dma_semaphore, #tpu.memory_space<semaphore_mem>>)
    %dma_wait3A_191 = arith.constant 0 : i32
    %dma_wait3A_192 = tpu.memref_slice %arg22[%add3A_186, %dma_wait3A_191] : memref<20480x64xf32, #tpu.memory_space<vmem_shared>> -> memref<80x64xf32, #tpu.memory_space<vmem_shared>>
    %dma_wait3A_193 = arith.constant 0 : i32
    %dma_wait3A_194 = tpu.memref_slice %arg22[%add3A_186, %dma_wait3A_193] : memref<20480x64xf32, #tpu.memory_space<vmem_shared>> -> memref<80x64xf32, #tpu.memory_space<vmem_shared>>
    tpu.wait_dma2 semaphore(%arg28 : memref<!tpu.dma_semaphore, #tpu.memory_space<semaphore_mem>>) src(%dma_wait3A_194 : memref<80x64xf32, #tpu.memory_space<vmem_shared>>) dst(%arg17 : memref<80x64xf32, #tpu.memory_space<vmem>>)
    %add3A_195 = arith.constant 0 : i32
    %add3A_196 = arith.addi %mul3A_2, %add3A_195 : i32
    %dma_start3A_197 = arith.constant 0 : i32
    %dma_start3A_198 = tpu.memref_slice %arg6[%arg0, %add3A_196, %dma_start3A_197] : memref<2x20480x64xf32, #tpu.memory_space<hbm>> -> memref<1x80x64xf32, #tpu.memory_space<hbm>>
    %dma_start3A_199 = tpu.memref_squeeze %dma_start3A_198 : memref<1x80x64xf32, #tpu.memory_space<hbm>> -> memref<80x64xf32, #tpu.memory_space<hbm>>
    %dma_start3A_200 = arith.constant 0 : i32
    %dma_start3A_201 = tpu.memref_slice %arg6[%arg0, %add3A_196, %dma_start3A_200] : memref<2x20480x64xf32, #tpu.memory_space<hbm>> -> memref<1x80x64xf32, #tpu.memory_space<hbm>>
    %dma_start3A_202 = tpu.memref_squeeze %dma_start3A_201 : memref<1x80x64xf32, #tpu.memory_space<hbm>> -> memref<80x64xf32, #tpu.memory_space<hbm>>
    tpu.enqueue_dma source(%arg17 : memref<80x64xf32, #tpu.memory_space<vmem>>) target(%dma_start3A_202 : memref<80x64xf32, #tpu.memory_space<hbm>>) target_semaphore(%arg33 : memref<!tpu.dma_semaphore, #tpu.memory_space<semaphore_mem>>)
    %add3A_203 = arith.constant 80 : i32
    %add3A_204 = arith.addi %mul3A_2, %add3A_203 : i32
    %dma_start3A_205 = arith.constant 0 : i32
    %dma_start3A_206 = tpu.memref_slice %arg22[%add3A_204, %dma_start3A_205] : memref<20480x64xf32, #tpu.memory_space<vmem_shared>> -> memref<80x64xf32, #tpu.memory_space<vmem_shared>>
    %dma_start3A_207 = arith.constant 0 : i32
    %dma_start3A_208 = tpu.memref_slice %arg22[%add3A_204, %dma_start3A_207] : memref<20480x64xf32, #tpu.memory_space<vmem_shared>> -> memref<80x64xf32, #tpu.memory_space<vmem_shared>>
    tpu.enqueue_dma source(%dma_start3A_208 : memref<80x64xf32, #tpu.memory_space<vmem_shared>>) target(%arg18 : memref<80x64xf32, #tpu.memory_space<vmem>>) target_semaphore(%arg29 : memref<!tpu.dma_semaphore, #tpu.memory_space<semaphore_mem>>)
    %dma_wait3A_209 = arith.constant 0 : i32
    %dma_wait3A_210 = tpu.memref_slice %arg22[%add3A_204, %dma_wait3A_209] : memref<20480x64xf32, #tpu.memory_space<vmem_shared>> -> memref<80x64xf32, #tpu.memory_space<vmem_shared>>
    %dma_wait3A_211 = arith.constant 0 : i32
    %dma_wait3A_212 = tpu.memref_slice %arg22[%add3A_204, %dma_wait3A_211] : memref<20480x64xf32, #tpu.memory_space<vmem_shared>> -> memref<80x64xf32, #tpu.memory_space<vmem_shared>>
    tpu.wait_dma2 semaphore(%arg29 : memref<!tpu.dma_semaphore, #tpu.memory_space<semaphore_mem>>) src(%dma_wait3A_212 : memref<80x64xf32, #tpu.memory_space<vmem_shared>>) dst(%arg18 : memref<80x64xf32, #tpu.memory_space<vmem>>)
    %add3A_213 = arith.constant 80 : i32
    %add3A_214 = arith.addi %mul3A_2, %add3A_213 : i32
    %dma_start3A_215 = arith.constant 0 : i32
    %dma_start3A_216 = tpu.memref_slice %arg6[%arg0, %add3A_214, %dma_start3A_215] : memref<2x20480x64xf32, #tpu.memory_space<hbm>> -> memref<1x80x64xf32, #tpu.memory_space<hbm>>
    %dma_start3A_217 = tpu.memref_squeeze %dma_start3A_216 : memref<1x80x64xf32, #tpu.memory_space<hbm>> -> memref<80x64xf32, #tpu.memory_space<hbm>>
    %dma_start3A_218 = arith.constant 0 : i32
    %dma_start3A_219 = tpu.memref_slice %arg6[%arg0, %add3A_214, %dma_start3A_218] : memref<2x20480x64xf32, #tpu.memory_space<hbm>> -> memref<1x80x64xf32, #tpu.memory_space<hbm>>
    %dma_start3A_220 = tpu.memref_squeeze %dma_start3A_219 : memref<1x80x64xf32, #tpu.memory_space<hbm>> -> memref<80x64xf32, #tpu.memory_space<hbm>>
    tpu.enqueue_dma source(%arg18 : memref<80x64xf32, #tpu.memory_space<vmem>>) target(%dma_start3A_220 : memref<80x64xf32, #tpu.memory_space<hbm>>) target_semaphore(%arg34 : memref<!tpu.dma_semaphore, #tpu.memory_space<semaphore_mem>>)
    %add3A_221 = arith.constant 160 : i32
    %add3A_222 = arith.addi %mul3A_2, %add3A_221 : i32
    %dma_start3A_223 = arith.constant 0 : i32
    %dma_start3A_224 = tpu.memref_slice %arg22[%add3A_222, %dma_start3A_223] : memref<20480x64xf32, #tpu.memory_space<vmem_shared>> -> memref<80x64xf32, #tpu.memory_space<vmem_shared>>
    %dma_start3A_225 = arith.constant 0 : i32
    %dma_start3A_226 = tpu.memref_slice %arg22[%add3A_222, %dma_start3A_225] : memref<20480x64xf32, #tpu.memory_space<vmem_shared>> -> memref<80x64xf32, #tpu.memory_space<vmem_shared>>
    tpu.enqueue_dma source(%dma_start3A_226 : memref<80x64xf32, #tpu.memory_space<vmem_shared>>) target(%arg19 : memref<80x64xf32, #tpu.memory_space<vmem>>) target_semaphore(%arg30 : memref<!tpu.dma_semaphore, #tpu.memory_space<semaphore_mem>>)
    %dma_wait3A_227 = arith.constant 0 : i32
    %dma_wait3A_228 = tpu.memref_slice %arg22[%add3A_222, %dma_wait3A_227] : memref<20480x64xf32, #tpu.memory_space<vmem_shared>> -> memref<80x64xf32, #tpu.memory_space<vmem_shared>>
    %dma_wait3A_229 = arith.constant 0 : i32
    %dma_wait3A_230 = tpu.memref_slice %arg22[%add3A_222, %dma_wait3A_229] : memref<20480x64xf32, #tpu.memory_space<vmem_shared>> -> memref<80x64xf32, #tpu.memory_space<vmem_shared>>
    tpu.wait_dma2 semaphore(%arg30 : memref<!tpu.dma_semaphore, #tpu.memory_space<semaphore_mem>>) src(%dma_wait3A_230 : memref<80x64xf32, #tpu.memory_space<vmem_shared>>) dst(%arg19 : memref<80x64xf32, #tpu.memory_space<vmem>>)
    %add3A_231 = arith.constant 160 : i32
    %add3A_232 = arith.addi %mul3A_2, %add3A_231 : i32
    %dma_start3A_233 = arith.constant 0 : i32
    %dma_start3A_234 = tpu.memref_slice %arg6[%arg0, %add3A_232, %dma_start3A_233] : memref<2x20480x64xf32, #tpu.memory_space<hbm>> -> memref<1x80x64xf32, #tpu.memory_space<hbm>>
    %dma_start3A_235 = tpu.memref_squeeze %dma_start3A_234 : memref<1x80x64xf32, #tpu.memory_space<hbm>> -> memref<80x64xf32, #tpu.memory_space<hbm>>
    %dma_start3A_236 = arith.constant 0 : i32
    %dma_start3A_237 = tpu.memref_slice %arg6[%arg0, %add3A_232, %dma_start3A_236] : memref<2x20480x64xf32, #tpu.memory_space<hbm>> -> memref<1x80x64xf32, #tpu.memory_space<hbm>>
    %dma_start3A_238 = tpu.memref_squeeze %dma_start3A_237 : memref<1x80x64xf32, #tpu.memory_space<hbm>> -> memref<80x64xf32, #tpu.memory_space<hbm>>
    tpu.enqueue_dma source(%arg19 : memref<80x64xf32, #tpu.memory_space<vmem>>) target(%dma_start3A_238 : memref<80x64xf32, #tpu.memory_space<hbm>>) target_semaphore(%arg35 : memref<!tpu.dma_semaphore, #tpu.memory_space<semaphore_mem>>)
    %add3A_239 = arith.constant 240 : i32
    %add3A_240 = arith.addi %mul3A_2, %add3A_239 : i32
    %dma_start3A_241 = arith.constant 0 : i32
    %dma_start3A_242 = tpu.memref_slice %arg22[%add3A_240, %dma_start3A_241] : memref<20480x64xf32, #tpu.memory_space<vmem_shared>> -> memref<80x64xf32, #tpu.memory_space<vmem_shared>>
    %dma_start3A_243 = arith.constant 0 : i32
    %dma_start3A_244 = tpu.memref_slice %arg22[%add3A_240, %dma_start3A_243] : memref<20480x64xf32, #tpu.memory_space<vmem_shared>> -> memref<80x64xf32, #tpu.memory_space<vmem_shared>>
    tpu.enqueue_dma source(%dma_start3A_244 : memref<80x64xf32, #tpu.memory_space<vmem_shared>>) target(%arg20 : memref<80x64xf32, #tpu.memory_space<vmem>>) target_semaphore(%arg31 : memref<!tpu.dma_semaphore, #tpu.memory_space<semaphore_mem>>)
    %dma_wait3A_245 = arith.constant 0 : i32
    %dma_wait3A_246 = tpu.memref_slice %arg22[%add3A_240, %dma_wait3A_245] : memref<20480x64xf32, #tpu.memory_space<vmem_shared>> -> memref<80x64xf32, #tpu.memory_space<vmem_shared>>
    %dma_wait3A_247 = arith.constant 0 : i32
    %dma_wait3A_248 = tpu.memref_slice %arg22[%add3A_240, %dma_wait3A_247] : memref<20480x64xf32, #tpu.memory_space<vmem_shared>> -> memref<80x64xf32, #tpu.memory_space<vmem_shared>>
    tpu.wait_dma2 semaphore(%arg31 : memref<!tpu.dma_semaphore, #tpu.memory_space<semaphore_mem>>) src(%dma_wait3A_248 : memref<80x64xf32, #tpu.memory_space<vmem_shared>>) dst(%arg20 : memref<80x64xf32, #tpu.memory_space<vmem>>)
    %add3A_249 = arith.constant 240 : i32
    %add3A_250 = arith.addi %mul3A_2, %add3A_249 : i32
    %dma_start3A_251 = arith.constant 0 : i32
    %dma_start3A_252 = tpu.memref_slice %arg6[%arg0, %add3A_250, %dma_start3A_251] : memref<2x20480x64xf32, #tpu.memory_space<hbm>> -> memref<1x80x64xf32, #tpu.memory_space<hbm>>
    %dma_start3A_253 = tpu.memref_squeeze %dma_start3A_252 : memref<1x80x64xf32, #tpu.memory_space<hbm>> -> memref<80x64xf32, #tpu.memory_space<hbm>>
    %dma_start3A_254 = arith.constant 0 : i32
    %dma_start3A_255 = tpu.memref_slice %arg6[%arg0, %add3A_250, %dma_start3A_254] : memref<2x20480x64xf32, #tpu.memory_space<hbm>> -> memref<1x80x64xf32, #tpu.memory_space<hbm>>
    %dma_start3A_256 = tpu.memref_squeeze %dma_start3A_255 : memref<1x80x64xf32, #tpu.memory_space<hbm>> -> memref<80x64xf32, #tpu.memory_space<hbm>>
    tpu.enqueue_dma source(%arg20 : memref<80x64xf32, #tpu.memory_space<vmem>>) target(%dma_start3A_256 : memref<80x64xf32, #tpu.memory_space<hbm>>) target_semaphore(%arg36 : memref<!tpu.dma_semaphore, #tpu.memory_space<semaphore_mem>>)
    %add3A_257 = arith.constant 320 : i32
    %add3A_258 = arith.addi %mul3A_2, %add3A_257 : i32
    %dma_start3A_259 = arith.constant 0 : i32
    %dma_start3A_260 = tpu.memref_slice %arg22[%add3A_258, %dma_start3A_259] : memref<20480x64xf32, #tpu.memory_space<vmem_shared>> -> memref<80x64xf32, #tpu.memory_space<vmem_shared>>
    %dma_start3A_261 = arith.constant 0 : i32
    %dma_start3A_262 = tpu.memref_slice %arg22[%add3A_258, %dma_start3A_261] : memref<20480x64xf32, #tpu.memory_space<vmem_shared>> -> memref<80x64xf32, #tpu.memory_space<vmem_shared>>
    tpu.enqueue_dma source(%dma_start3A_262 : memref<80x64xf32, #tpu.memory_space<vmem_shared>>) target(%arg21 : memref<80x64xf32, #tpu.memory_space<vmem>>) target_semaphore(%arg32 : memref<!tpu.dma_semaphore, #tpu.memory_space<semaphore_mem>>)
    %dma_wait3A_263 = arith.constant 0 : i32
    %dma_wait3A_264 = tpu.memref_slice %arg22[%add3A_258, %dma_wait3A_263] : memref<20480x64xf32, #tpu.memory_space<vmem_shared>> -> memref<80x64xf32, #tpu.memory_space<vmem_shared>>
    %dma_wait3A_265 = arith.constant 0 : i32
    %dma_wait3A_266 = tpu.memref_slice %arg22[%add3A_258, %dma_wait3A_265] : memref<20480x64xf32, #tpu.memory_space<vmem_shared>> -> memref<80x64xf32, #tpu.memory_space<vmem_shared>>
    tpu.wait_dma2 semaphore(%arg32 : memref<!tpu.dma_semaphore, #tpu.memory_space<semaphore_mem>>) src(%dma_wait3A_266 : memref<80x64xf32, #tpu.memory_space<vmem_shared>>) dst(%arg21 : memref<80x64xf32, #tpu.memory_space<vmem>>)
    %add3A_267 = arith.constant 320 : i32
    %add3A_268 = arith.addi %mul3A_2, %add3A_267 : i32
    %dma_start3A_269 = arith.constant 0 : i32
    %dma_start3A_270 = tpu.memref_slice %arg6[%arg0, %add3A_268, %dma_start3A_269] : memref<2x20480x64xf32, #tpu.memory_space<hbm>> -> memref<1x80x64xf32, #tpu.memory_space<hbm>>
    %dma_start3A_271 = tpu.memref_squeeze %dma_start3A_270 : memref<1x80x64xf32, #tpu.memory_space<hbm>> -> memref<80x64xf32, #tpu.memory_space<hbm>>
    %dma_start3A_272 = arith.constant 0 : i32
    %dma_start3A_273 = tpu.memref_slice %arg6[%arg0, %add3A_268, %dma_start3A_272] : memref<2x20480x64xf32, #tpu.memory_space<hbm>> -> memref<1x80x64xf32, #tpu.memory_space<hbm>>
    %dma_start3A_274 = tpu.memref_squeeze %dma_start3A_273 : memref<1x80x64xf32, #tpu.memory_space<hbm>> -> memref<80x64xf32, #tpu.memory_space<hbm>>
    tpu.enqueue_dma source(%arg21 : memref<80x64xf32, #tpu.memory_space<vmem>>) target(%dma_start3A_274 : memref<80x64xf32, #tpu.memory_space<hbm>>) target_semaphore(%arg37 : memref<!tpu.dma_semaphore, #tpu.memory_space<semaphore_mem>>)
    %dma_wait3A_275 = arith.constant 0 : i32
    %dma_wait3A_276 = tpu.memref_slice %arg6[%arg0, %add3A_196, %dma_wait3A_275] : memref<2x20480x64xf32, #tpu.memory_space<hbm>> -> memref<1x80x64xf32, #tpu.memory_space<hbm>>
    %dma_wait3A_277 = tpu.memref_squeeze %dma_wait3A_276 : memref<1x80x64xf32, #tpu.memory_space<hbm>> -> memref<80x64xf32, #tpu.memory_space<hbm>>
    %dma_wait3A_278 = arith.constant 0 : i32
    %dma_wait3A_279 = tpu.memref_slice %arg6[%arg0, %add3A_196, %dma_wait3A_278] : memref<2x20480x64xf32, #tpu.memory_space<hbm>> -> memref<1x80x64xf32, #tpu.memory_space<hbm>>
    %dma_wait3A_280 = tpu.memref_squeeze %dma_wait3A_279 : memref<1x80x64xf32, #tpu.memory_space<hbm>> -> memref<80x64xf32, #tpu.memory_space<hbm>>
    tpu.wait_dma2 semaphore(%arg33 : memref<!tpu.dma_semaphore, #tpu.memory_space<semaphore_mem>>) src(%arg17 : memref<80x64xf32, #tpu.memory_space<vmem>>) dst(%dma_wait3A_280 : memref<80x64xf32, #tpu.memory_space<hbm>>)
    %add3A_281 = arith.constant 400 : i32
    %add3A_282 = arith.addi %mul3A_2, %add3A_281 : i32
    %dma_start3A_283 = arith.constant 0 : i32
    %dma_start3A_284 = tpu.memref_slice %arg22[%add3A_282, %dma_start3A_283] : memref<20480x64xf32, #tpu.memory_space<vmem_shared>> -> memref<80x64xf32, #tpu.memory_space<vmem_shared>>
    %dma_start3A_285 = arith.constant 0 : i32
    %dma_start3A_286 = tpu.memref_slice %arg22[%add3A_282, %dma_start3A_285] : memref<20480x64xf32, #tpu.memory_space<vmem_shared>> -> memref<80x64xf32, #tpu.memory_space<vmem_shared>>
    tpu.enqueue_dma source(%dma_start3A_286 : memref<80x64xf32, #tpu.memory_space<vmem_shared>>) target(%arg17 : memref<80x64xf32, #tpu.memory_space<vmem>>) target_semaphore(%arg28 : memref<!tpu.dma_semaphore, #tpu.memory_space<semaphore_mem>>)
    %dma_wait3A_287 = arith.constant 0 : i32
    %dma_wait3A_288 = tpu.memref_slice %arg22[%add3A_282, %dma_wait3A_287] : memref<20480x64xf32, #tpu.memory_space<vmem_shared>> -> memref<80x64xf32, #tpu.memory_space<vmem_shared>>
    %dma_wait3A_289 = arith.constant 0 : i32
    %dma_wait3A_290 = tpu.memref_slice %arg22[%add3A_282, %dma_wait3A_289] : memref<20480x64xf32, #tpu.memory_space<vmem_shared>> -> memref<80x64xf32, #tpu.memory_space<vmem_shared>>
    tpu.wait_dma2 semaphore(%arg28 : memref<!tpu.dma_semaphore, #tpu.memory_space<semaphore_mem>>) src(%dma_wait3A_290 : memref<80x64xf32, #tpu.memory_space<vmem_shared>>) dst(%arg17 : memref<80x64xf32, #tpu.memory_space<vmem>>)
    %add3A_291 = arith.constant 400 : i32
    %add3A_292 = arith.addi %mul3A_2, %add3A_291 : i32
    %dma_start3A_293 = arith.constant 0 : i32
    %dma_start3A_294 = tpu.memref_slice %arg6[%arg0, %add3A_292, %dma_start3A_293] : memref<2x20480x64xf32, #tpu.memory_space<hbm>> -> memref<1x80x64xf32, #tpu.memory_space<hbm>>
    %dma_start3A_295 = tpu.memref_squeeze %dma_start3A_294 : memref<1x80x64xf32, #tpu.memory_space<hbm>> -> memref<80x64xf32, #tpu.memory_space<hbm>>
    %dma_start3A_296 = arith.constant 0 : i32
    %dma_start3A_297 = tpu.memref_slice %arg6[%arg0, %add3A_292, %dma_start3A_296] : memref<2x20480x64xf32, #tpu.memory_space<hbm>> -> memref<1x80x64xf32, #tpu.memory_space<hbm>>
    %dma_start3A_298 = tpu.memref_squeeze %dma_start3A_297 : memref<1x80x64xf32, #tpu.memory_space<hbm>> -> memref<80x64xf32, #tpu.memory_space<hbm>>
    tpu.enqueue_dma source(%arg17 : memref<80x64xf32, #tpu.memory_space<vmem>>) target(%dma_start3A_298 : memref<80x64xf32, #tpu.memory_space<hbm>>) target_semaphore(%arg33 : memref<!tpu.dma_semaphore, #tpu.memory_space<semaphore_mem>>)
    %dma_wait3A_299 = arith.constant 0 : i32
    %dma_wait3A_300 = tpu.memref_slice %arg6[%arg0, %add3A_214, %dma_wait3A_299] : memref<2x20480x64xf32, #tpu.memory_space<hbm>> -> memref<1x80x64xf32, #tpu.memory_space<hbm>>
    %dma_wait3A_301 = tpu.memref_squeeze %dma_wait3A_300 : memref<1x80x64xf32, #tpu.memory_space<hbm>> -> memref<80x64xf32, #tpu.memory_space<hbm>>
    %dma_wait3A_302 = arith.constant 0 : i32
    %dma_wait3A_303 = tpu.memref_slice %arg6[%arg0, %add3A_214, %dma_wait3A_302] : memref<2x20480x64xf32, #tpu.memory_space<hbm>> -> memref<1x80x64xf32, #tpu.memory_space<hbm>>
    %dma_wait3A_304 = tpu.memref_squeeze %dma_wait3A_303 : memref<1x80x64xf32, #tpu.memory_space<hbm>> -> memref<80x64xf32, #tpu.memory_space<hbm>>
    tpu.wait_dma2 semaphore(%arg34 : memref<!tpu.dma_semaphore, #tpu.memory_space<semaphore_mem>>) src(%arg18 : memref<80x64xf32, #tpu.memory_space<vmem>>) dst(%dma_wait3A_304 : memref<80x64xf32, #tpu.memory_space<hbm>>)
    %add3A_305 = arith.constant 480 : i32
    %add3A_306 = arith.addi %mul3A_2, %add3A_305 : i32
    %dma_start3A_307 = arith.constant 0 : i32
    %dma_start3A_308 = tpu.memref_slice %arg22[%add3A_306, %dma_start3A_307] : memref<20480x64xf32, #tpu.memory_space<vmem_shared>> -> memref<80x64xf32, #tpu.memory_space<vmem_shared>>
    %dma_start3A_309 = arith.constant 0 : i32
    %dma_start3A_310 = tpu.memref_slice %arg22[%add3A_306, %dma_start3A_309] : memref<20480x64xf32, #tpu.memory_space<vmem_shared>> -> memref<80x64xf32, #tpu.memory_space<vmem_shared>>
    tpu.enqueue_dma source(%dma_start3A_310 : memref<80x64xf32, #tpu.memory_space<vmem_shared>>) target(%arg18 : memref<80x64xf32, #tpu.memory_space<vmem>>) target_semaphore(%arg29 : memref<!tpu.dma_semaphore, #tpu.memory_space<semaphore_mem>>)
    %dma_wait3A_311 = arith.constant 0 : i32
    %dma_wait3A_312 = tpu.memref_slice %arg22[%add3A_306, %dma_wait3A_311] : memref<20480x64xf32, #tpu.memory_space<vmem_shared>> -> memref<80x64xf32, #tpu.memory_space<vmem_shared>>
    %dma_wait3A_313 = arith.constant 0 : i32
    %dma_wait3A_314 = tpu.memref_slice %arg22[%add3A_306, %dma_wait3A_313] : memref<20480x64xf32, #tpu.memory_space<vmem_shared>> -> memref<80x64xf32, #tpu.memory_space<vmem_shared>>
    tpu.wait_dma2 semaphore(%arg29 : memref<!tpu.dma_semaphore, #tpu.memory_space<semaphore_mem>>) src(%dma_wait3A_314 : memref<80x64xf32, #tpu.memory_space<vmem_shared>>) dst(%arg18 : memref<80x64xf32, #tpu.memory_space<vmem>>)
    %add3A_315 = arith.constant 480 : i32
    %add3A_316 = arith.addi %mul3A_2, %add3A_315 : i32
    %dma_start3A_317 = arith.constant 0 : i32
    %dma_start3A_318 = tpu.memref_slice %arg6[%arg0, %add3A_316, %dma_start3A_317] : memref<2x20480x64xf32, #tpu.memory_space<hbm>> -> memref<1x80x64xf32, #tpu.memory_space<hbm>>
    %dma_start3A_319 = tpu.memref_squeeze %dma_start3A_318 : memref<1x80x64xf32, #tpu.memory_space<hbm>> -> memref<80x64xf32, #tpu.memory_space<hbm>>
    %dma_start3A_320 = arith.constant 0 : i32
    %dma_start3A_321 = tpu.memref_slice %arg6[%arg0, %add3A_316, %dma_start3A_320] : memref<2x20480x64xf32, #tpu.memory_space<hbm>> -> memref<1x80x64xf32, #tpu.memory_space<hbm>>
    %dma_start3A_322 = tpu.memref_squeeze %dma_start3A_321 : memref<1x80x64xf32, #tpu.memory_space<hbm>> -> memref<80x64xf32, #tpu.memory_space<hbm>>
    tpu.enqueue_dma source(%arg18 : memref<80x64xf32, #tpu.memory_space<vmem>>) target(%dma_start3A_322 : memref<80x64xf32, #tpu.memory_space<hbm>>) target_semaphore(%arg34 : memref<!tpu.dma_semaphore, #tpu.memory_space<semaphore_mem>>)
    %dma_wait3A_323 = arith.constant 0 : i32
    %dma_wait3A_324 = tpu.memref_slice %arg6[%arg0, %add3A_232, %dma_wait3A_323] : memref<2x20480x64xf32, #tpu.memory_space<hbm>> -> memref<1x80x64xf32, #tpu.memory_space<hbm>>
    %dma_wait3A_325 = tpu.memref_squeeze %dma_wait3A_324 : memref<1x80x64xf32, #tpu.memory_space<hbm>> -> memref<80x64xf32, #tpu.memory_space<hbm>>
    %dma_wait3A_326 = arith.constant 0 : i32
    %dma_wait3A_327 = tpu.memref_slice %arg6[%arg0, %add3A_232, %dma_wait3A_326] : memref<2x20480x64xf32, #tpu.memory_space<hbm>> -> memref<1x80x64xf32, #tpu.memory_space<hbm>>
    %dma_wait3A_328 = tpu.memref_squeeze %dma_wait3A_327 : memref<1x80x64xf32, #tpu.memory_space<hbm>> -> memref<80x64xf32, #tpu.memory_space<hbm>>
    tpu.wait_dma2 semaphore(%arg35 : memref<!tpu.dma_semaphore, #tpu.memory_space<semaphore_mem>>) src(%arg19 : memref<80x64xf32, #tpu.memory_space<vmem>>) dst(%dma_wait3A_328 : memref<80x64xf32, #tpu.memory_space<hbm>>)
    %add3A_329 = arith.constant 560 : i32
    %add3A_330 = arith.addi %mul3A_2, %add3A_329 : i32
    %dma_start3A_331 = arith.constant 0 : i32
    %dma_start3A_332 = tpu.memref_slice %arg22[%add3A_330, %dma_start3A_331] : memref<20480x64xf32, #tpu.memory_space<vmem_shared>> -> memref<80x64xf32, #tpu.memory_space<vmem_shared>>
    %dma_start3A_333 = arith.constant 0 : i32
    %dma_start3A_334 = tpu.memref_slice %arg22[%add3A_330, %dma_start3A_333] : memref<20480x64xf32, #tpu.memory_space<vmem_shared>> -> memref<80x64xf32, #tpu.memory_space<vmem_shared>>
    tpu.enqueue_dma source(%dma_start3A_334 : memref<80x64xf32, #tpu.memory_space<vmem_shared>>) target(%arg19 : memref<80x64xf32, #tpu.memory_space<vmem>>) target_semaphore(%arg30 : memref<!tpu.dma_semaphore, #tpu.memory_space<semaphore_mem>>)
    %dma_wait3A_335 = arith.constant 0 : i32
    %dma_wait3A_336 = tpu.memref_slice %arg22[%add3A_330, %dma_wait3A_335] : memref<20480x64xf32, #tpu.memory_space<vmem_shared>> -> memref<80x64xf32, #tpu.memory_space<vmem_shared>>
    %dma_wait3A_337 = arith.constant 0 : i32
    %dma_wait3A_338 = tpu.memref_slice %arg22[%add3A_330, %dma_wait3A_337] : memref<20480x64xf32, #tpu.memory_space<vmem_shared>> -> memref<80x64xf32, #tpu.memory_space<vmem_shared>>
    tpu.wait_dma2 semaphore(%arg30 : memref<!tpu.dma_semaphore, #tpu.memory_space<semaphore_mem>>) src(%dma_wait3A_338 : memref<80x64xf32, #tpu.memory_space<vmem_shared>>) dst(%arg19 : memref<80x64xf32, #tpu.memory_space<vmem>>)
    %add3A_339 = arith.constant 560 : i32
    %add3A_340 = arith.addi %mul3A_2, %add3A_339 : i32
    %dma_start3A_341 = arith.constant 0 : i32
    %dma_start3A_342 = tpu.memref_slice %arg6[%arg0, %add3A_340, %dma_start3A_341] : memref<2x20480x64xf32, #tpu.memory_space<hbm>> -> memref<1x80x64xf32, #tpu.memory_space<hbm>>
    %dma_start3A_343 = tpu.memref_squeeze %dma_start3A_342 : memref<1x80x64xf32, #tpu.memory_space<hbm>> -> memref<80x64xf32, #tpu.memory_space<hbm>>
    %dma_start3A_344 = arith.constant 0 : i32
    %dma_start3A_345 = tpu.memref_slice %arg6[%arg0, %add3A_340, %dma_start3A_344] : memref<2x20480x64xf32, #tpu.memory_space<hbm>> -> memref<1x80x64xf32, #tpu.memory_space<hbm>>
    %dma_start3A_346 = tpu.memref_squeeze %dma_start3A_345 : memref<1x80x64xf32, #tpu.memory_space<hbm>> -> memref<80x64xf32, #tpu.memory_space<hbm>>
    tpu.enqueue_dma source(%arg19 : memref<80x64xf32, #tpu.memory_space<vmem>>) target(%dma_start3A_346 : memref<80x64xf32, #tpu.memory_space<hbm>>) target_semaphore(%arg35 : memref<!tpu.dma_semaphore, #tpu.memory_space<semaphore_mem>>)
    %dma_wait3A_347 = arith.constant 0 : i32
    %dma_wait3A_348 = tpu.memref_slice %arg6[%arg0, %add3A_250, %dma_wait3A_347] : memref<2x20480x64xf32, #tpu.memory_space<hbm>> -> memref<1x80x64xf32, #tpu.memory_space<hbm>>
    %dma_wait3A_349 = tpu.memref_squeeze %dma_wait3A_348 : memref<1x80x64xf32, #tpu.memory_space<hbm>> -> memref<80x64xf32, #tpu.memory_space<hbm>>
    %dma_wait3A_350 = arith.constant 0 : i32
    %dma_wait3A_351 = tpu.memref_slice %arg6[%arg0, %add3A_250, %dma_wait3A_350] : memref<2x20480x64xf32, #tpu.memory_space<hbm>> -> memref<1x80x64xf32, #tpu.memory_space<hbm>>
    %dma_wait3A_352 = tpu.memref_squeeze %dma_wait3A_351 : memref<1x80x64xf32, #tpu.memory_space<hbm>> -> memref<80x64xf32, #tpu.memory_space<hbm>>
    tpu.wait_dma2 semaphore(%arg36 : memref<!tpu.dma_semaphore, #tpu.memory_space<semaphore_mem>>) src(%arg20 : memref<80x64xf32, #tpu.memory_space<vmem>>) dst(%dma_wait3A_352 : memref<80x64xf32, #tpu.memory_space<hbm>>)
    %add3A_353 = arith.constant 640 : i32
    %add3A_354 = arith.addi %mul3A_2, %add3A_353 : i32
    %dma_start3A_355 = arith.constant 0 : i32
    %dma_start3A_356 = tpu.memref_slice %arg22[%add3A_354, %dma_start3A_355] : memref<20480x64xf32, #tpu.memory_space<vmem_shared>> -> memref<80x64xf32, #tpu.memory_space<vmem_shared>>
    %dma_start3A_357 = arith.constant 0 : i32
    %dma_start3A_358 = tpu.memref_slice %arg22[%add3A_354, %dma_start3A_357] : memref<20480x64xf32, #tpu.memory_space<vmem_shared>> -> memref<80x64xf32, #tpu.memory_space<vmem_shared>>
    tpu.enqueue_dma source(%dma_start3A_358 : memref<80x64xf32, #tpu.memory_space<vmem_shared>>) target(%arg20 : memref<80x64xf32, #tpu.memory_space<vmem>>) target_semaphore(%arg31 : memref<!tpu.dma_semaphore, #tpu.memory_space<semaphore_mem>>)
    %dma_wait3A_359 = arith.constant 0 : i32
    %dma_wait3A_360 = tpu.memref_slice %arg22[%add3A_354, %dma_wait3A_359] : memref<20480x64xf32, #tpu.memory_space<vmem_shared>> -> memref<80x64xf32, #tpu.memory_space<vmem_shared>>
    %dma_wait3A_361 = arith.constant 0 : i32
    %dma_wait3A_362 = tpu.memref_slice %arg22[%add3A_354, %dma_wait3A_361] : memref<20480x64xf32, #tpu.memory_space<vmem_shared>> -> memref<80x64xf32, #tpu.memory_space<vmem_shared>>
    tpu.wait_dma2 semaphore(%arg31 : memref<!tpu.dma_semaphore, #tpu.memory_space<semaphore_mem>>) src(%dma_wait3A_362 : memref<80x64xf32, #tpu.memory_space<vmem_shared>>) dst(%arg20 : memref<80x64xf32, #tpu.memory_space<vmem>>)
    %add3A_363 = arith.constant 640 : i32
    %add3A_364 = arith.addi %mul3A_2, %add3A_363 : i32
    %dma_start3A_365 = arith.constant 0 : i32
    %dma_start3A_366 = tpu.memref_slice %arg6[%arg0, %add3A_364, %dma_start3A_365] : memref<2x20480x64xf32, #tpu.memory_space<hbm>> -> memref<1x80x64xf32, #tpu.memory_space<hbm>>
    %dma_start3A_367 = tpu.memref_squeeze %dma_start3A_366 : memref<1x80x64xf32, #tpu.memory_space<hbm>> -> memref<80x64xf32, #tpu.memory_space<hbm>>
    %dma_start3A_368 = arith.constant 0 : i32
    %dma_start3A_369 = tpu.memref_slice %arg6[%arg0, %add3A_364, %dma_start3A_368] : memref<2x20480x64xf32, #tpu.memory_space<hbm>> -> memref<1x80x64xf32, #tpu.memory_space<hbm>>
    %dma_start3A_370 = tpu.memref_squeeze %dma_start3A_369 : memref<1x80x64xf32, #tpu.memory_space<hbm>> -> memref<80x64xf32, #tpu.memory_space<hbm>>
    tpu.enqueue_dma source(%arg20 : memref<80x64xf32, #tpu.memory_space<vmem>>) target(%dma_start3A_370 : memref<80x64xf32, #tpu.memory_space<hbm>>) target_semaphore(%arg36 : memref<!tpu.dma_semaphore, #tpu.memory_space<semaphore_mem>>)
    %dma_wait3A_371 = arith.constant 0 : i32
    %dma_wait3A_372 = tpu.memref_slice %arg6[%arg0, %add3A_268, %dma_wait3A_371] : memref<2x20480x64xf32, #tpu.memory_space<hbm>> -> memref<1x80x64xf32, #tpu.memory_space<hbm>>
    %dma_wait3A_373 = tpu.memref_squeeze %dma_wait3A_372 : memref<1x80x64xf32, #tpu.memory_space<hbm>> -> memref<80x64xf32, #tpu.memory_space<hbm>>
    %dma_wait3A_374 = arith.constant 0 : i32
    %dma_wait3A_375 = tpu.memref_slice %arg6[%arg0, %add3A_268, %dma_wait3A_374] : memref<2x20480x64xf32, #tpu.memory_space<hbm>> -> memref<1x80x64xf32, #tpu.memory_space<hbm>>
    %dma_wait3A_376 = tpu.memref_squeeze %dma_wait3A_375 : memref<1x80x64xf32, #tpu.memory_space<hbm>> -> memref<80x64xf32, #tpu.memory_space<hbm>>
    tpu.wait_dma2 semaphore(%arg37 : memref<!tpu.dma_semaphore, #tpu.memory_space<semaphore_mem>>) src(%arg21 : memref<80x64xf32, #tpu.memory_space<vmem>>) dst(%dma_wait3A_376 : memref<80x64xf32, #tpu.memory_space<hbm>>)
    %add3A_377 = arith.constant 720 : i32
    %add3A_378 = arith.addi %mul3A_2, %add3A_377 : i32
    %dma_start3A_379 = arith.constant 0 : i32
    %dma_start3A_380 = tpu.memref_slice %arg22[%add3A_378, %dma_start3A_379] : memref<20480x64xf32, #tpu.memory_space<vmem_shared>> -> memref<80x64xf32, #tpu.memory_space<vmem_shared>>
    %dma_start3A_381 = arith.constant 0 : i32
    %dma_start3A_382 = tpu.memref_slice %arg22[%add3A_378, %dma_start3A_381] : memref<20480x64xf32, #tpu.memory_space<vmem_shared>> -> memref<80x64xf32, #tpu.memory_space<vmem_shared>>
    tpu.enqueue_dma source(%dma_start3A_382 : memref<80x64xf32, #tpu.memory_space<vmem_shared>>) target(%arg21 : memref<80x64xf32, #tpu.memory_space<vmem>>) target_semaphore(%arg32 : memref<!tpu.dma_semaphore, #tpu.memory_space<semaphore_mem>>)
    %dma_wait3A_383 = arith.constant 0 : i32
    %dma_wait3A_384 = tpu.memref_slice %arg22[%add3A_378, %dma_wait3A_383] : memref<20480x64xf32, #tpu.memory_space<vmem_shared>> -> memref<80x64xf32, #tpu.memory_space<vmem_shared>>
    %dma_wait3A_385 = arith.constant 0 : i32
    %dma_wait3A_386 = tpu.memref_slice %arg22[%add3A_378, %dma_wait3A_385] : memref<20480x64xf32, #tpu.memory_space<vmem_shared>> -> memref<80x64xf32, #tpu.memory_space<vmem_shared>>
    tpu.wait_dma2 semaphore(%arg32 : memref<!tpu.dma_semaphore, #tpu.memory_space<semaphore_mem>>) src(%dma_wait3A_386 : memref<80x64xf32, #tpu.memory_space<vmem_shared>>) dst(%arg21 : memref<80x64xf32, #tpu.memory_space<vmem>>)
    %add3A_387 = arith.constant 720 : i32
    %add3A_388 = arith.addi %mul3A_2, %add3A_387 : i32
    %dma_start3A_389 = arith.constant 0 : i32
    %dma_start3A_390 = tpu.memref_slice %arg6[%arg0, %add3A_388, %dma_start3A_389] : memref<2x20480x64xf32, #tpu.memory_space<hbm>> -> memref<1x80x64xf32, #tpu.memory_space<hbm>>
    %dma_start3A_391 = tpu.memref_squeeze %dma_start3A_390 : memref<1x80x64xf32, #tpu.memory_space<hbm>> -> memref<80x64xf32, #tpu.memory_space<hbm>>
    %dma_start3A_392 = arith.constant 0 : i32
    %dma_start3A_393 = tpu.memref_slice %arg6[%arg0, %add3A_388, %dma_start3A_392] : memref<2x20480x64xf32, #tpu.memory_space<hbm>> -> memref<1x80x64xf32, #tpu.memory_space<hbm>>
    %dma_start3A_394 = tpu.memref_squeeze %dma_start3A_393 : memref<1x80x64xf32, #tpu.memory_space<hbm>> -> memref<80x64xf32, #tpu.memory_space<hbm>>
    tpu.enqueue_dma source(%arg21 : memref<80x64xf32, #tpu.memory_space<vmem>>) target(%dma_start3A_394 : memref<80x64xf32, #tpu.memory_space<hbm>>) target_semaphore(%arg37 : memref<!tpu.dma_semaphore, #tpu.memory_space<semaphore_mem>>)
    %dma_wait3A_395 = arith.constant 0 : i32
    %dma_wait3A_396 = tpu.memref_slice %arg6[%arg0, %add3A_292, %dma_wait3A_395] : memref<2x20480x64xf32, #tpu.memory_space<hbm>> -> memref<1x80x64xf32, #tpu.memory_space<hbm>>
    %dma_wait3A_397 = tpu.memref_squeeze %dma_wait3A_396 : memref<1x80x64xf32, #tpu.memory_space<hbm>> -> memref<80x64xf32, #tpu.memory_space<hbm>>
    %dma_wait3A_398 = arith.constant 0 : i32
    %dma_wait3A_399 = tpu.memref_slice %arg6[%arg0, %add3A_292, %dma_wait3A_398] : memref<2x20480x64xf32, #tpu.memory_space<hbm>> -> memref<1x80x64xf32, #tpu.memory_space<hbm>>
    %dma_wait3A_400 = tpu.memref_squeeze %dma_wait3A_399 : memref<1x80x64xf32, #tpu.memory_space<hbm>> -> memref<80x64xf32, #tpu.memory_space<hbm>>
    tpu.wait_dma2 semaphore(%arg33 : memref<!tpu.dma_semaphore, #tpu.memory_space<semaphore_mem>>) src(%arg17 : memref<80x64xf32, #tpu.memory_space<vmem>>) dst(%dma_wait3A_400 : memref<80x64xf32, #tpu.memory_space<hbm>>)
    %add3A_401 = arith.constant 800 : i32
    %add3A_402 = arith.addi %mul3A_2, %add3A_401 : i32
    %dma_start3A_403 = arith.constant 0 : i32
    %dma_start3A_404 = tpu.memref_slice %arg22[%add3A_402, %dma_start3A_403] : memref<20480x64xf32, #tpu.memory_space<vmem_shared>> -> memref<80x64xf32, #tpu.memory_space<vmem_shared>>
    %dma_start3A_405 = arith.constant 0 : i32
    %dma_start3A_406 = tpu.memref_slice %arg22[%add3A_402, %dma_start3A_405] : memref<20480x64xf32, #tpu.memory_space<vmem_shared>> -> memref<80x64xf32, #tpu.memory_space<vmem_shared>>
    tpu.enqueue_dma source(%dma_start3A_406 : memref<80x64xf32, #tpu.memory_space<vmem_shared>>) target(%arg17 : memref<80x64xf32, #tpu.memory_space<vmem>>) target_semaphore(%arg28 : memref<!tpu.dma_semaphore, #tpu.memory_space<semaphore_mem>>)
    %dma_wait3A_407 = arith.constant 0 : i32
    %dma_wait3A_408 = tpu.memref_slice %arg22[%add3A_402, %dma_wait3A_407] : memref<20480x64xf32, #tpu.memory_space<vmem_shared>> -> memref<80x64xf32, #tpu.memory_space<vmem_shared>>
    %dma_wait3A_409 = arith.constant 0 : i32
    %dma_wait3A_410 = tpu.memref_slice %arg22[%add3A_402, %dma_wait3A_409] : memref<20480x64xf32, #tpu.memory_space<vmem_shared>> -> memref<80x64xf32, #tpu.memory_space<vmem_shared>>
    tpu.wait_dma2 semaphore(%arg28 : memref<!tpu.dma_semaphore, #tpu.memory_space<semaphore_mem>>) src(%dma_wait3A_410 : memref<80x64xf32, #tpu.memory_space<vmem_shared>>) dst(%arg17 : memref<80x64xf32, #tpu.memory_space<vmem>>)
    %add3A_411 = arith.constant 800 : i32
    %add3A_412 = arith.addi %mul3A_2, %add3A_411 : i32
    %dma_start3A_413 = arith.constant 0 : i32
    %dma_start3A_414 = tpu.memref_slice %arg6[%arg0, %add3A_412, %dma_start3A_413] : memref<2x20480x64xf32, #tpu.memory_space<hbm>> -> memref<1x80x64xf32, #tpu.memory_space<hbm>>
    %dma_start3A_415 = tpu.memref_squeeze %dma_start3A_414 : memref<1x80x64xf32, #tpu.memory_space<hbm>> -> memref<80x64xf32, #tpu.memory_space<hbm>>
    %dma_start3A_416 = arith.constant 0 : i32
    %dma_start3A_417 = tpu.memref_slice %arg6[%arg0, %add3A_412, %dma_start3A_416] : memref<2x20480x64xf32, #tpu.memory_space<hbm>> -> memref<1x80x64xf32, #tpu.memory_space<hbm>>
    %dma_start3A_418 = tpu.memref_squeeze %dma_start3A_417 : memref<1x80x64xf32, #tpu.memory_space<hbm>> -> memref<80x64xf32, #tpu.memory_space<hbm>>
    tpu.enqueue_dma source(%arg17 : memref<80x64xf32, #tpu.memory_space<vmem>>) target(%dma_start3A_418 : memref<80x64xf32, #tpu.memory_space<hbm>>) target_semaphore(%arg33 : memref<!tpu.dma_semaphore, #tpu.memory_space<semaphore_mem>>)
    %dma_wait3A_419 = arith.constant 0 : i32
    %dma_wait3A_420 = tpu.memref_slice %arg6[%arg0, %add3A_316, %dma_wait3A_419] : memref<2x20480x64xf32, #tpu.memory_space<hbm>> -> memref<1x80x64xf32, #tpu.memory_space<hbm>>
    %dma_wait3A_421 = tpu.memref_squeeze %dma_wait3A_420 : memref<1x80x64xf32, #tpu.memory_space<hbm>> -> memref<80x64xf32, #tpu.memory_space<hbm>>
    %dma_wait3A_422 = arith.constant 0 : i32
    %dma_wait3A_423 = tpu.memref_slice %arg6[%arg0, %add3A_316, %dma_wait3A_422] : memref<2x20480x64xf32, #tpu.memory_space<hbm>> -> memref<1x80x64xf32, #tpu.memory_space<hbm>>
    %dma_wait3A_424 = tpu.memref_squeeze %dma_wait3A_423 : memref<1x80x64xf32, #tpu.memory_space<hbm>> -> memref<80x64xf32, #tpu.memory_space<hbm>>
    tpu.wait_dma2 semaphore(%arg34 : memref<!tpu.dma_semaphore, #tpu.memory_space<semaphore_mem>>) src(%arg18 : memref<80x64xf32, #tpu.memory_space<vmem>>) dst(%dma_wait3A_424 : memref<80x64xf32, #tpu.memory_space<hbm>>)
    %add3A_425 = arith.constant 880 : i32
    %add3A_426 = arith.addi %mul3A_2, %add3A_425 : i32
    %dma_start3A_427 = arith.constant 0 : i32
    %dma_start3A_428 = tpu.memref_slice %arg22[%add3A_426, %dma_start3A_427] : memref<20480x64xf32, #tpu.memory_space<vmem_shared>> -> memref<80x64xf32, #tpu.memory_space<vmem_shared>>
    %dma_start3A_429 = arith.constant 0 : i32
    %dma_start3A_430 = tpu.memref_slice %arg22[%add3A_426, %dma_start3A_429] : memref<20480x64xf32, #tpu.memory_space<vmem_shared>> -> memref<80x64xf32, #tpu.memory_space<vmem_shared>>
    tpu.enqueue_dma source(%dma_start3A_430 : memref<80x64xf32, #tpu.memory_space<vmem_shared>>) target(%arg18 : memref<80x64xf32, #tpu.memory_space<vmem>>) target_semaphore(%arg29 : memref<!tpu.dma_semaphore, #tpu.memory_space<semaphore_mem>>)
    %dma_wait3A_431 = arith.constant 0 : i32
    %dma_wait3A_432 = tpu.memref_slice %arg22[%add3A_426, %dma_wait3A_431] : memref<20480x64xf32, #tpu.memory_space<vmem_shared>> -> memref<80x64xf32, #tpu.memory_space<vmem_shared>>
    %dma_wait3A_433 = arith.constant 0 : i32
    %dma_wait3A_434 = tpu.memref_slice %arg22[%add3A_426, %dma_wait3A_433] : memref<20480x64xf32, #tpu.memory_space<vmem_shared>> -> memref<80x64xf32, #tpu.memory_space<vmem_shared>>
    tpu.wait_dma2 semaphore(%arg29 : memref<!tpu.dma_semaphore, #tpu.memory_space<semaphore_mem>>) src(%dma_wait3A_434 : memref<80x64xf32, #tpu.memory_space<vmem_shared>>) dst(%arg18 : memref<80x64xf32, #tpu.memory_space<vmem>>)
    %add3A_435 = arith.constant 880 : i32
    %add3A_436 = arith.addi %mul3A_2, %add3A_435 : i32
    %dma_start3A_437 = arith.constant 0 : i32
    %dma_start3A_438 = tpu.memref_slice %arg6[%arg0, %add3A_436, %dma_start3A_437] : memref<2x20480x64xf32, #tpu.memory_space<hbm>> -> memref<1x80x64xf32, #tpu.memory_space<hbm>>
    %dma_start3A_439 = tpu.memref_squeeze %dma_start3A_438 : memref<1x80x64xf32, #tpu.memory_space<hbm>> -> memref<80x64xf32, #tpu.memory_space<hbm>>
    %dma_start3A_440 = arith.constant 0 : i32
    %dma_start3A_441 = tpu.memref_slice %arg6[%arg0, %add3A_436, %dma_start3A_440] : memref<2x20480x64xf32, #tpu.memory_space<hbm>> -> memref<1x80x64xf32, #tpu.memory_space<hbm>>
    %dma_start3A_442 = tpu.memref_squeeze %dma_start3A_441 : memref<1x80x64xf32, #tpu.memory_space<hbm>> -> memref<80x64xf32, #tpu.memory_space<hbm>>
    tpu.enqueue_dma source(%arg18 : memref<80x64xf32, #tpu.memory_space<vmem>>) target(%dma_start3A_442 : memref<80x64xf32, #tpu.memory_space<hbm>>) target_semaphore(%arg34 : memref<!tpu.dma_semaphore, #tpu.memory_space<semaphore_mem>>)
    %dma_wait3A_443 = arith.constant 0 : i32
    %dma_wait3A_444 = tpu.memref_slice %arg6[%arg0, %add3A_340, %dma_wait3A_443] : memref<2x20480x64xf32, #tpu.memory_space<hbm>> -> memref<1x80x64xf32, #tpu.memory_space<hbm>>
    %dma_wait3A_445 = tpu.memref_squeeze %dma_wait3A_444 : memref<1x80x64xf32, #tpu.memory_space<hbm>> -> memref<80x64xf32, #tpu.memory_space<hbm>>
    %dma_wait3A_446 = arith.constant 0 : i32
    %dma_wait3A_447 = tpu.memref_slice %arg6[%arg0, %add3A_340, %dma_wait3A_446] : memref<2x20480x64xf32, #tpu.memory_space<hbm>> -> memref<1x80x64xf32, #tpu.memory_space<hbm>>
    %dma_wait3A_448 = tpu.memref_squeeze %dma_wait3A_447 : memref<1x80x64xf32, #tpu.memory_space<hbm>> -> memref<80x64xf32, #tpu.memory_space<hbm>>
    tpu.wait_dma2 semaphore(%arg35 : memref<!tpu.dma_semaphore, #tpu.memory_space<semaphore_mem>>) src(%arg19 : memref<80x64xf32, #tpu.memory_space<vmem>>) dst(%dma_wait3A_448 : memref<80x64xf32, #tpu.memory_space<hbm>>)
    %add3A_449 = arith.constant 960 : i32
    %add3A_450 = arith.addi %mul3A_2, %add3A_449 : i32
    %dma_start3A_451 = arith.constant 0 : i32
    %dma_start3A_452 = tpu.memref_slice %arg22[%add3A_450, %dma_start3A_451] : memref<20480x64xf32, #tpu.memory_space<vmem_shared>> -> memref<80x64xf32, #tpu.memory_space<vmem_shared>>
    %dma_start3A_453 = arith.constant 0 : i32
    %dma_start3A_454 = tpu.memref_slice %arg22[%add3A_450, %dma_start3A_453] : memref<20480x64xf32, #tpu.memory_space<vmem_shared>> -> memref<80x64xf32, #tpu.memory_space<vmem_shared>>
    tpu.enqueue_dma source(%dma_start3A_454 : memref<80x64xf32, #tpu.memory_space<vmem_shared>>) target(%arg19 : memref<80x64xf32, #tpu.memory_space<vmem>>) target_semaphore(%arg30 : memref<!tpu.dma_semaphore, #tpu.memory_space<semaphore_mem>>)
    %dma_wait3A_455 = arith.constant 0 : i32
    %dma_wait3A_456 = tpu.memref_slice %arg22[%add3A_450, %dma_wait3A_455] : memref<20480x64xf32, #tpu.memory_space<vmem_shared>> -> memref<80x64xf32, #tpu.memory_space<vmem_shared>>
    %dma_wait3A_457 = arith.constant 0 : i32
    %dma_wait3A_458 = tpu.memref_slice %arg22[%add3A_450, %dma_wait3A_457] : memref<20480x64xf32, #tpu.memory_space<vmem_shared>> -> memref<80x64xf32, #tpu.memory_space<vmem_shared>>
    tpu.wait_dma2 semaphore(%arg30 : memref<!tpu.dma_semaphore, #tpu.memory_space<semaphore_mem>>) src(%dma_wait3A_458 : memref<80x64xf32, #tpu.memory_space<vmem_shared>>) dst(%arg19 : memref<80x64xf32, #tpu.memory_space<vmem>>)
    %add3A_459 = arith.constant 960 : i32
    %add3A_460 = arith.addi %mul3A_2, %add3A_459 : i32
    %dma_start3A_461 = arith.constant 0 : i32
    %dma_start3A_462 = tpu.memref_slice %arg6[%arg0, %add3A_460, %dma_start3A_461] : memref<2x20480x64xf32, #tpu.memory_space<hbm>> -> memref<1x80x64xf32, #tpu.memory_space<hbm>>
    %dma_start3A_463 = tpu.memref_squeeze %dma_start3A_462 : memref<1x80x64xf32, #tpu.memory_space<hbm>> -> memref<80x64xf32, #tpu.memory_space<hbm>>
    %dma_start3A_464 = arith.constant 0 : i32
    %dma_start3A_465 = tpu.memref_slice %arg6[%arg0, %add3A_460, %dma_start3A_464] : memref<2x20480x64xf32, #tpu.memory_space<hbm>> -> memref<1x80x64xf32, #tpu.memory_space<hbm>>
    %dma_start3A_466 = tpu.memref_squeeze %dma_start3A_465 : memref<1x80x64xf32, #tpu.memory_space<hbm>> -> memref<80x64xf32, #tpu.memory_space<hbm>>
    tpu.enqueue_dma source(%arg19 : memref<80x64xf32, #tpu.memory_space<vmem>>) target(%dma_start3A_466 : memref<80x64xf32, #tpu.memory_space<hbm>>) target_semaphore(%arg35 : memref<!tpu.dma_semaphore, #tpu.memory_space<semaphore_mem>>)
    %dma_wait3A_467 = arith.constant 0 : i32
    %dma_wait3A_468 = tpu.memref_slice %arg6[%arg0, %add3A_364, %dma_wait3A_467] : memref<2x20480x64xf32, #tpu.memory_space<hbm>> -> memref<1x80x64xf32, #tpu.memory_space<hbm>>
    %dma_wait3A_469 = tpu.memref_squeeze %dma_wait3A_468 : memref<1x80x64xf32, #tpu.memory_space<hbm>> -> memref<80x64xf32, #tpu.memory_space<hbm>>
    %dma_wait3A_470 = arith.constant 0 : i32
    %dma_wait3A_471 = tpu.memref_slice %arg6[%arg0, %add3A_364, %dma_wait3A_470] : memref<2x20480x64xf32, #tpu.memory_space<hbm>> -> memref<1x80x64xf32, #tpu.memory_space<hbm>>
    %dma_wait3A_472 = tpu.memref_squeeze %dma_wait3A_471 : memref<1x80x64xf32, #tpu.memory_space<hbm>> -> memref<80x64xf32, #tpu.memory_space<hbm>>
    tpu.wait_dma2 semaphore(%arg36 : memref<!tpu.dma_semaphore, #tpu.memory_space<semaphore_mem>>) src(%arg20 : memref<80x64xf32, #tpu.memory_space<vmem>>) dst(%dma_wait3A_472 : memref<80x64xf32, #tpu.memory_space<hbm>>)
    %add3A_473 = arith.constant 1040 : i32
    %add3A_474 = arith.addi %mul3A_2, %add3A_473 : i32
    %dma_start3A_475 = arith.constant 0 : i32
    %dma_start3A_476 = tpu.memref_slice %arg22[%add3A_474, %dma_start3A_475] : memref<20480x64xf32, #tpu.memory_space<vmem_shared>> -> memref<80x64xf32, #tpu.memory_space<vmem_shared>>
    %dma_start3A_477 = arith.constant 0 : i32
    %dma_start3A_478 = tpu.memref_slice %arg22[%add3A_474, %dma_start3A_477] : memref<20480x64xf32, #tpu.memory_space<vmem_shared>> -> memref<80x64xf32, #tpu.memory_space<vmem_shared>>
    tpu.enqueue_dma source(%dma_start3A_478 : memref<80x64xf32, #tpu.memory_space<vmem_shared>>) target(%arg20 : memref<80x64xf32, #tpu.memory_space<vmem>>) target_semaphore(%arg31 : memref<!tpu.dma_semaphore, #tpu.memory_space<semaphore_mem>>)
    %dma_wait3A_479 = arith.constant 0 : i32
    %dma_wait3A_480 = tpu.memref_slice %arg22[%add3A_474, %dma_wait3A_479] : memref<20480x64xf32, #tpu.memory_space<vmem_shared>> -> memref<80x64xf32, #tpu.memory_space<vmem_shared>>
    %dma_wait3A_481 = arith.constant 0 : i32
    %dma_wait3A_482 = tpu.memref_slice %arg22[%add3A_474, %dma_wait3A_481] : memref<20480x64xf32, #tpu.memory_space<vmem_shared>> -> memref<80x64xf32, #tpu.memory_space<vmem_shared>>
    tpu.wait_dma2 semaphore(%arg31 : memref<!tpu.dma_semaphore, #tpu.memory_space<semaphore_mem>>) src(%dma_wait3A_482 : memref<80x64xf32, #tpu.memory_space<vmem_shared>>) dst(%arg20 : memref<80x64xf32, #tpu.memory_space<vmem>>)
    %add3A_483 = arith.constant 1040 : i32
    %add3A_484 = arith.addi %mul3A_2, %add3A_483 : i32
    %dma_start3A_485 = arith.constant 0 : i32
    %dma_start3A_486 = tpu.memref_slice %arg6[%arg0, %add3A_484, %dma_start3A_485] : memref<2x20480x64xf32, #tpu.memory_space<hbm>> -> memref<1x80x64xf32, #tpu.memory_space<hbm>>
    %dma_start3A_487 = tpu.memref_squeeze %dma_start3A_486 : memref<1x80x64xf32, #tpu.memory_space<hbm>> -> memref<80x64xf32, #tpu.memory_space<hbm>>
    %dma_start3A_488 = arith.constant 0 : i32
    %dma_start3A_489 = tpu.memref_slice %arg6[%arg0, %add3A_484, %dma_start3A_488] : memref<2x20480x64xf32, #tpu.memory_space<hbm>> -> memref<1x80x64xf32, #tpu.memory_space<hbm>>
    %dma_start3A_490 = tpu.memref_squeeze %dma_start3A_489 : memref<1x80x64xf32, #tpu.memory_space<hbm>> -> memref<80x64xf32, #tpu.memory_space<hbm>>
    tpu.enqueue_dma source(%arg20 : memref<80x64xf32, #tpu.memory_space<vmem>>) target(%dma_start3A_490 : memref<80x64xf32, #tpu.memory_space<hbm>>) target_semaphore(%arg36 : memref<!tpu.dma_semaphore, #tpu.memory_space<semaphore_mem>>)
    %dma_wait3A_491 = arith.constant 0 : i32
    %dma_wait3A_492 = tpu.memref_slice %arg6[%arg0, %add3A_388, %dma_wait3A_491] : memref<2x20480x64xf32, #tpu.memory_space<hbm>> -> memref<1x80x64xf32, #tpu.memory_space<hbm>>
    %dma_wait3A_493 = tpu.memref_squeeze %dma_wait3A_492 : memref<1x80x64xf32, #tpu.memory_space<hbm>> -> memref<80x64xf32, #tpu.memory_space<hbm>>
    %dma_wait3A_494 = arith.constant 0 : i32
    %dma_wait3A_495 = tpu.memref_slice %arg6[%arg0, %add3A_388, %dma_wait3A_494] : memref<2x20480x64xf32, #tpu.memory_space<hbm>> -> memref<1x80x64xf32, #tpu.memory_space<hbm>>
    %dma_wait3A_496 = tpu.memref_squeeze %dma_wait3A_495 : memref<1x80x64xf32, #tpu.memory_space<hbm>> -> memref<80x64xf32, #tpu.memory_space<hbm>>
    tpu.wait_dma2 semaphore(%arg37 : memref<!tpu.dma_semaphore, #tpu.memory_space<semaphore_mem>>) src(%arg21 : memref<80x64xf32, #tpu.memory_space<vmem>>) dst(%dma_wait3A_496 : memref<80x64xf32, #tpu.memory_space<hbm>>)
    %add3A_497 = arith.constant 1120 : i32
    %add3A_498 = arith.addi %mul3A_2, %add3A_497 : i32
    %dma_start3A_499 = arith.constant 0 : i32
    %dma_start3A_500 = tpu.memref_slice %arg22[%add3A_498, %dma_start3A_499] : memref<20480x64xf32, #tpu.memory_space<vmem_shared>> -> memref<80x64xf32, #tpu.memory_space<vmem_shared>>
    %dma_start3A_501 = arith.constant 0 : i32
    %dma_start3A_502 = tpu.memref_slice %arg22[%add3A_498, %dma_start3A_501] : memref<20480x64xf32, #tpu.memory_space<vmem_shared>> -> memref<80x64xf32, #tpu.memory_space<vmem_shared>>
    tpu.enqueue_dma source(%dma_start3A_502 : memref<80x64xf32, #tpu.memory_space<vmem_shared>>) target(%arg21 : memref<80x64xf32, #tpu.memory_space<vmem>>) target_semaphore(%arg32 : memref<!tpu.dma_semaphore, #tpu.memory_space<semaphore_mem>>)
    %dma_wait3A_503 = arith.constant 0 : i32
    %dma_wait3A_504 = tpu.memref_slice %arg22[%add3A_498, %dma_wait3A_503] : memref<20480x64xf32, #tpu.memory_space<vmem_shared>> -> memref<80x64xf32, #tpu.memory_space<vmem_shared>>
    %dma_wait3A_505 = arith.constant 0 : i32
    %dma_wait3A_506 = tpu.memref_slice %arg22[%add3A_498, %dma_wait3A_505] : memref<20480x64xf32, #tpu.memory_space<vmem_shared>> -> memref<80x64xf32, #tpu.memory_space<vmem_shared>>
    tpu.wait_dma2 semaphore(%arg32 : memref<!tpu.dma_semaphore, #tpu.memory_space<semaphore_mem>>) src(%dma_wait3A_506 : memref<80x64xf32, #tpu.memory_space<vmem_shared>>) dst(%arg21 : memref<80x64xf32, #tpu.memory_space<vmem>>)
    %add3A_507 = arith.constant 1120 : i32
    %add3A_508 = arith.addi %mul3A_2, %add3A_507 : i32
    %dma_start3A_509 = arith.constant 0 : i32
    %dma_start3A_510 = tpu.memref_slice %arg6[%arg0, %add3A_508, %dma_start3A_509] : memref<2x20480x64xf32, #tpu.memory_space<hbm>> -> memref<1x80x64xf32, #tpu.memory_space<hbm>>
    %dma_start3A_511 = tpu.memref_squeeze %dma_start3A_510 : memref<1x80x64xf32, #tpu.memory_space<hbm>> -> memref<80x64xf32, #tpu.memory_space<hbm>>
    %dma_start3A_512 = arith.constant 0 : i32
    %dma_start3A_513 = tpu.memref_slice %arg6[%arg0, %add3A_508, %dma_start3A_512] : memref<2x20480x64xf32, #tpu.memory_space<hbm>> -> memref<1x80x64xf32, #tpu.memory_space<hbm>>
    %dma_start3A_514 = tpu.memref_squeeze %dma_start3A_513 : memref<1x80x64xf32, #tpu.memory_space<hbm>> -> memref<80x64xf32, #tpu.memory_space<hbm>>
    tpu.enqueue_dma source(%arg21 : memref<80x64xf32, #tpu.memory_space<vmem>>) target(%dma_start3A_514 : memref<80x64xf32, #tpu.memory_space<hbm>>) target_semaphore(%arg37 : memref<!tpu.dma_semaphore, #tpu.memory_space<semaphore_mem>>)
    %dma_wait3A_515 = arith.constant 0 : i32
    %dma_wait3A_516 = tpu.memref_slice %arg6[%arg0, %add3A_412, %dma_wait3A_515] : memref<2x20480x64xf32, #tpu.memory_space<hbm>> -> memref<1x80x64xf32, #tpu.memory_space<hbm>>
    %dma_wait3A_517 = tpu.memref_squeeze %dma_wait3A_516 : memref<1x80x64xf32, #tpu.memory_space<hbm>> -> memref<80x64xf32, #tpu.memory_space<hbm>>
    %dma_wait3A_518 = arith.constant 0 : i32
    %dma_wait3A_519 = tpu.memref_slice %arg6[%arg0, %add3A_412, %dma_wait3A_518] : memref<2x20480x64xf32, #tpu.memory_space<hbm>> -> memref<1x80x64xf32, #tpu.memory_space<hbm>>
    %dma_wait3A_520 = tpu.memref_squeeze %dma_wait3A_519 : memref<1x80x64xf32, #tpu.memory_space<hbm>> -> memref<80x64xf32, #tpu.memory_space<hbm>>
    tpu.wait_dma2 semaphore(%arg33 : memref<!tpu.dma_semaphore, #tpu.memory_space<semaphore_mem>>) src(%arg17 : memref<80x64xf32, #tpu.memory_space<vmem>>) dst(%dma_wait3A_520 : memref<80x64xf32, #tpu.memory_space<hbm>>)
    %add3A_521 = arith.constant 1200 : i32
    %add3A_522 = arith.addi %mul3A_2, %add3A_521 : i32
    %dma_start3A_523 = arith.constant 0 : i32
    %dma_start3A_524 = tpu.memref_slice %arg22[%add3A_522, %dma_start3A_523] : memref<20480x64xf32, #tpu.memory_space<vmem_shared>> -> memref<80x64xf32, #tpu.memory_space<vmem_shared>>
    %dma_start3A_525 = arith.constant 0 : i32
    %dma_start3A_526 = tpu.memref_slice %arg22[%add3A_522, %dma_start3A_525] : memref<20480x64xf32, #tpu.memory_space<vmem_shared>> -> memref<80x64xf32, #tpu.memory_space<vmem_shared>>
    tpu.enqueue_dma source(%dma_start3A_526 : memref<80x64xf32, #tpu.memory_space<vmem_shared>>) target(%arg17 : memref<80x64xf32, #tpu.memory_space<vmem>>) target_semaphore(%arg28 : memref<!tpu.dma_semaphore, #tpu.memory_space<semaphore_mem>>)
    %dma_wait3A_527 = arith.constant 0 : i32
    %dma_wait3A_528 = tpu.memref_slice %arg22[%add3A_522, %dma_wait3A_527] : memref<20480x64xf32, #tpu.memory_space<vmem_shared>> -> memref<80x64xf32, #tpu.memory_space<vmem_shared>>
    %dma_wait3A_529 = arith.constant 0 : i32
    %dma_wait3A_530 = tpu.memref_slice %arg22[%add3A_522, %dma_wait3A_529] : memref<20480x64xf32, #tpu.memory_space<vmem_shared>> -> memref<80x64xf32, #tpu.memory_space<vmem_shared>>
    tpu.wait_dma2 semaphore(%arg28 : memref<!tpu.dma_semaphore, #tpu.memory_space<semaphore_mem>>) src(%dma_wait3A_530 : memref<80x64xf32, #tpu.memory_space<vmem_shared>>) dst(%arg17 : memref<80x64xf32, #tpu.memory_space<vmem>>)
    %add3A_531 = arith.constant 1200 : i32
    %add3A_532 = arith.addi %mul3A_2, %add3A_531 : i32
    %dma_start3A_533 = arith.constant 0 : i32
    %dma_start3A_534 = tpu.memref_slice %arg6[%arg0, %add3A_532, %dma_start3A_533] : memref<2x20480x64xf32, #tpu.memory_space<hbm>> -> memref<1x80x64xf32, #tpu.memory_space<hbm>>
    %dma_start3A_535 = tpu.memref_squeeze %dma_start3A_534 : memref<1x80x64xf32, #tpu.memory_space<hbm>> -> memref<80x64xf32, #tpu.memory_space<hbm>>
    %dma_start3A_536 = arith.constant 0 : i32
    %dma_start3A_537 = tpu.memref_slice %arg6[%arg0, %add3A_532, %dma_start3A_536] : memref<2x20480x64xf32, #tpu.memory_space<hbm>> -> memref<1x80x64xf32, #tpu.memory_space<hbm>>
    %dma_start3A_538 = tpu.memref_squeeze %dma_start3A_537 : memref<1x80x64xf32, #tpu.memory_space<hbm>> -> memref<80x64xf32, #tpu.memory_space<hbm>>
    tpu.enqueue_dma source(%arg17 : memref<80x64xf32, #tpu.memory_space<vmem>>) target(%dma_start3A_538 : memref<80x64xf32, #tpu.memory_space<hbm>>) target_semaphore(%arg33 : memref<!tpu.dma_semaphore, #tpu.memory_space<semaphore_mem>>)
    %dma_wait3A_539 = arith.constant 0 : i32
    %dma_wait3A_540 = tpu.memref_slice %arg6[%arg0, %add3A_532, %dma_wait3A_539] : memref<2x20480x64xf32, #tpu.memory_space<hbm>> -> memref<1x80x64xf32, #tpu.memory_space<hbm>>
    %dma_wait3A_541 = tpu.memref_squeeze %dma_wait3A_540 : memref<1x80x64xf32, #tpu.memory_space<hbm>> -> memref<80x64xf32, #tpu.memory_space<hbm>>
    %dma_wait3A_542 = arith.constant 0 : i32
    %dma_wait3A_543 = tpu.memref_slice %arg6[%arg0, %add3A_532, %dma_wait3A_542] : memref<2x20480x64xf32, #tpu.memory_space<hbm>> -> memref<1x80x64xf32, #tpu.memory_space<hbm>>
    %dma_wait3A_544 = tpu.memref_squeeze %dma_wait3A_543 : memref<1x80x64xf32, #tpu.memory_space<hbm>> -> memref<80x64xf32, #tpu.memory_space<hbm>>
    tpu.wait_dma2 semaphore(%arg33 : memref<!tpu.dma_semaphore, #tpu.memory_space<semaphore_mem>>) src(%arg17 : memref<80x64xf32, #tpu.memory_space<vmem>>) dst(%dma_wait3A_544 : memref<80x64xf32, #tpu.memory_space<hbm>>)
    %dma_wait3A_545 = arith.constant 0 : i32
    %dma_wait3A_546 = tpu.memref_slice %arg6[%arg0, %add3A_436, %dma_wait3A_545] : memref<2x20480x64xf32, #tpu.memory_space<hbm>> -> memref<1x80x64xf32, #tpu.memory_space<hbm>>
    %dma_wait3A_547 = tpu.memref_squeeze %dma_wait3A_546 : memref<1x80x64xf32, #tpu.memory_space<hbm>> -> memref<80x64xf32, #tpu.memory_space<hbm>>
    %dma_wait3A_548 = arith.constant 0 : i32
    %dma_wait3A_549 = tpu.memref_slice %arg6[%arg0, %add3A_436, %dma_wait3A_548] : memref<2x20480x64xf32, #tpu.memory_space<hbm>> -> memref<1x80x64xf32, #tpu.memory_space<hbm>>
    %dma_wait3A_550 = tpu.memref_squeeze %dma_wait3A_549 : memref<1x80x64xf32, #tpu.memory_space<hbm>> -> memref<80x64xf32, #tpu.memory_space<hbm>>
    tpu.wait_dma2 semaphore(%arg34 : memref<!tpu.dma_semaphore, #tpu.memory_space<semaphore_mem>>) src(%arg18 : memref<80x64xf32, #tpu.memory_space<vmem>>) dst(%dma_wait3A_550 : memref<80x64xf32, #tpu.memory_space<hbm>>)
    %dma_wait3A_551 = arith.constant 0 : i32
    %dma_wait3A_552 = tpu.memref_slice %arg6[%arg0, %add3A_460, %dma_wait3A_551] : memref<2x20480x64xf32, #tpu.memory_space<hbm>> -> memref<1x80x64xf32, #tpu.memory_space<hbm>>
    %dma_wait3A_553 = tpu.memref_squeeze %dma_wait3A_552 : memref<1x80x64xf32, #tpu.memory_space<hbm>> -> memref<80x64xf32, #tpu.memory_space<hbm>>
    %dma_wait3A_554 = arith.constant 0 : i32
    %dma_wait3A_555 = tpu.memref_slice %arg6[%arg0, %add3A_460, %dma_wait3A_554] : memref<2x20480x64xf32, #tpu.memory_space<hbm>> -> memref<1x80x64xf32, #tpu.memory_space<hbm>>
    %dma_wait3A_556 = tpu.memref_squeeze %dma_wait3A_555 : memref<1x80x64xf32, #tpu.memory_space<hbm>> -> memref<80x64xf32, #tpu.memory_space<hbm>>
    tpu.wait_dma2 semaphore(%arg35 : memref<!tpu.dma_semaphore, #tpu.memory_space<semaphore_mem>>) src(%arg19 : memref<80x64xf32, #tpu.memory_space<vmem>>) dst(%dma_wait3A_556 : memref<80x64xf32, #tpu.memory_space<hbm>>)
    %dma_wait3A_557 = arith.constant 0 : i32
    %dma_wait3A_558 = tpu.memref_slice %arg6[%arg0, %add3A_484, %dma_wait3A_557] : memref<2x20480x64xf32, #tpu.memory_space<hbm>> -> memref<1x80x64xf32, #tpu.memory_space<hbm>>
    %dma_wait3A_559 = tpu.memref_squeeze %dma_wait3A_558 : memref<1x80x64xf32, #tpu.memory_space<hbm>> -> memref<80x64xf32, #tpu.memory_space<hbm>>
    %dma_wait3A_560 = arith.constant 0 : i32
    %dma_wait3A_561 = tpu.memref_slice %arg6[%arg0, %add3A_484, %dma_wait3A_560] : memref<2x20480x64xf32, #tpu.memory_space<hbm>> -> memref<1x80x64xf32, #tpu.memory_space<hbm>>
    %dma_wait3A_562 = tpu.memref_squeeze %dma_wait3A_561 : memref<1x80x64xf32, #tpu.memory_space<hbm>> -> memref<80x64xf32, #tpu.memory_space<hbm>>
    tpu.wait_dma2 semaphore(%arg36 : memref<!tpu.dma_semaphore, #tpu.memory_space<semaphore_mem>>) src(%arg20 : memref<80x64xf32, #tpu.memory_space<vmem>>) dst(%dma_wait3A_562 : memref<80x64xf32, #tpu.memory_space<hbm>>)
    %dma_wait3A_563 = arith.constant 0 : i32
    %dma_wait3A_564 = tpu.memref_slice %arg6[%arg0, %add3A_508, %dma_wait3A_563] : memref<2x20480x64xf32, #tpu.memory_space<hbm>> -> memref<1x80x64xf32, #tpu.memory_space<hbm>>
    %dma_wait3A_565 = tpu.memref_squeeze %dma_wait3A_564 : memref<1x80x64xf32, #tpu.memory_space<hbm>> -> memref<80x64xf32, #tpu.memory_space<hbm>>
    %dma_wait3A_566 = arith.constant 0 : i32
    %dma_wait3A_567 = tpu.memref_slice %arg6[%arg0, %add3A_508, %dma_wait3A_566] : memref<2x20480x64xf32, #tpu.memory_space<hbm>> -> memref<1x80x64xf32, #tpu.memory_space<hbm>>
    %dma_wait3A_568 = tpu.memref_squeeze %dma_wait3A_567 : memref<1x80x64xf32, #tpu.memory_space<hbm>> -> memref<80x64xf32, #tpu.memory_space<hbm>>
    tpu.wait_dma2 semaphore(%arg37 : memref<!tpu.dma_semaphore, #tpu.memory_space<semaphore_mem>>) src(%arg21 : memref<80x64xf32, #tpu.memory_space<vmem>>) dst(%dma_wait3A_568 : memref<80x64xf32, #tpu.memory_space<hbm>>)
    return
  }
}

module attributes {stable_mosaic.version = 14 : i64} {
  func.func @_tc_dense1_body(%arg0: i32, %arg1: memref<512x128xf32, #tpu.memory_space<vmem>>, %arg2: memref<128x64xf32, #tpu.memory_space<vmem>>, %arg3: memref<2x128x64xf32, #tpu.memory_space<vmem>>, %arg4: memref<1x64xf32, #tpu.memory_space<vmem>>, %arg5: memref<512x64xf32, #tpu.memory_space<vmem>>, %arg6: memref<2x512x64xf32, #tpu.memory_space<vmem>>) attributes {dimension_semantics = [#tpu.dimension_semantics<arbitrary>], iteration_bounds = array<i64: 20>, scalar_prefetch = 0 : i64, scratch_operands = 0 : i64, tpu.core_type = #tpu.core_type<tc>, window_params = [{transform_indices = @transform_0, window_bounds = array<i64: 512, 128>}, {pipeline_mode = #tpu.pipeline_mode<synchronous>, transform_indices = @transform_1, window_bounds = array<i64: 128, 64>}, {pipeline_mode = #tpu.pipeline_mode<synchronous>, transform_indices = @transform_2, window_bounds = array<i64: 2, 128, 64>}, {pipeline_mode = #tpu.pipeline_mode<synchronous>, transform_indices = @transform_3, window_bounds = array<i64: 1, 64>}, {transform_indices = @transform_4, window_bounds = array<i64: 512, 64>}, {transform_indices = @transform_5, window_bounds = array<i64: 2, 512, 64>}]} {
    %get3A = arith.constant 0 : index
    %get3A_0 = arith.constant 0 : index
    %get3A_1 = vector.load %arg1[%get3A, %get3A_0] : memref<512x128xf32, #tpu.memory_space<vmem>>, vector<512x128xf32>
    %get3A_2 = arith.constant 0 : index
    %get3A_3 = arith.constant 0 : index
    %get3A_4 = vector.load %arg2[%get3A_2, %get3A_3] : memref<128x64xf32, #tpu.memory_space<vmem>>, vector<128x64xf32>
    %dot_general3A = arith.constant dense<0.000000e+00> : vector<512x64xf32>
    %dot_general3A_5 = tpu.matmul %get3A_1, %get3A_4, %dot_general3A {dimension_numbers = #tpu.dot_dimension_numbers<[1], [0], [0], [1], [0, 0, 1, 1], [], []>, transpose_lhs_hint = false} : vector<512x128xf32>, vector<128x64xf32>, vector<512x64xf32> -> vector<512x64xf32>
    %get3A_6 = arith.constant 0 : index
    %get3A_7 = arith.constant 0 : index
    %get3A_8 = vector.load %arg4[%get3A_6, %get3A_7] : memref<1x64xf32, #tpu.memory_space<vmem>>, vector<1x64xf32>
    %add3A = vector.broadcast %get3A_8 : vector<1x64xf32> to vector<512x64xf32>
    %add3A_9 = arith.addf %dot_general3A_5, %add3A : vector<512x64xf32>
    %swap3A = arith.constant 0 : index
    %swap3A_10 = arith.constant 0 : index
    %swap3A_11 = vector.load %arg5[%swap3A, %swap3A_10] : memref<512x64xf32, #tpu.memory_space<vmem>>, vector<512x64xf32>
    tpu.vector_store %arg5[%swap3A, %swap3A_10], %add3A_9 {strides = array<i32>} : memref<512x64xf32, #tpu.memory_space<vmem>>, vector<512x64xf32>,
    %get3A_12 = arith.constant 0 : index
    %get3A_13 = arith.constant 0 : index
    %get3A_14 = arith.constant 0 : index
    %get3A_15 = vector.load %arg3[%get3A_12, %get3A_13, %get3A_14] : memref<2x128x64xf32, #tpu.memory_space<vmem>>, vector<1x128x64xf32>
    %get3A_16 = vector.shape_cast %get3A_15 : vector<1x128x64xf32> to vector<128x64xf32>
    %dot_general3A_17 = arith.constant dense<0.000000e+00> : vector<512x64xf32>
    %dot_general3A_18 = tpu.matmul %get3A_1, %get3A_16, %dot_general3A_17 {dimension_numbers = #tpu.dot_dimension_numbers<[1], [0], [0], [1], [0, 0, 1, 1], [], []>, transpose_lhs_hint = false} : vector<512x128xf32>, vector<128x64xf32>, vector<512x64xf32> -> vector<512x64xf32>
    %get3A_19 = arith.constant 1 : index
    %get3A_20 = arith.constant 0 : index
    %get3A_21 = arith.constant 0 : index
    %get3A_22 = vector.load %arg3[%get3A_19, %get3A_20, %get3A_21] : memref<2x128x64xf32, #tpu.memory_space<vmem>>, vector<1x128x64xf32>
    %get3A_23 = vector.shape_cast %get3A_22 : vector<1x128x64xf32> to vector<128x64xf32>
    %dot_general3A_24 = arith.constant dense<0.000000e+00> : vector<512x64xf32>
    %dot_general3A_25 = tpu.matmul %get3A_1, %get3A_23, %dot_general3A_24 {dimension_numbers = #tpu.dot_dimension_numbers<[1], [0], [0], [1], [0, 0, 1, 1], [], []>, transpose_lhs_hint = false} : vector<512x128xf32>, vector<128x64xf32>, vector<512x64xf32> -> vector<512x64xf32>
    %stack3A = vector.shape_cast %dot_general3A_18 : vector<512x64xf32> to vector<1x512x64xf32>
    %stack3A_26 = vector.shape_cast %dot_general3A_25 : vector<512x64xf32> to vector<1x512x64xf32>
    %stack3A_27 = tpu.concatenate %stack3A, %stack3A_26 in 0 : vector<1x512x64xf32>, vector<1x512x64xf32> -> vector<2x512x64xf32>
    %swap3A_28 = arith.constant 0 : index
    %swap3A_29 = arith.constant 0 : index
    %swap3A_30 = arith.constant 0 : index
    %swap3A_31 = vector.load %arg6[%swap3A_28, %swap3A_29, %swap3A_30] : memref<2x512x64xf32, #tpu.memory_space<vmem>>, vector<2x512x64xf32>
    tpu.vector_store %arg6[%swap3A_28, %swap3A_29, %swap3A_30], %stack3A_27 {strides = array<i32>} : memref<2x512x64xf32, #tpu.memory_space<vmem>>, vector<2x512x64xf32>,
    return
  }
  func.func @transform_0(%arg0: i32) -> (i32, i32) {
    %c0_i32 = arith.constant 0 : i32
    %c0_i32_0 = arith.constant 0 : i32
    return %arg0, %c0_i32 : i32, i32
  }
  func.func @transform_1(%arg0: i32) -> (i32, i32) {
    %c0_i32 = arith.constant 0 : i32
    %c0_i32_0 = arith.constant 0 : i32
    %c0_i32_1 = arith.constant 0 : i32
    return %c0_i32, %c0_i32_0 : i32, i32
  }
  func.func @transform_2(%arg0: i32) -> (i32, i32, i32) {
    %c0_i32 = arith.constant 0 : i32
    %c0_i32_0 = arith.constant 0 : i32
    %c0_i32_1 = arith.constant 0 : i32
    %c0_i32_2 = arith.constant 0 : i32
    return %c0_i32, %c0_i32_0, %c0_i32_1 : i32, i32, i32
  }
  func.func @transform_3(%arg0: i32) -> (i32, i32) {
    %c0_i32 = arith.constant 0 : i32
    %c0_i32_0 = arith.constant 0 : i32
    %c0_i32_1 = arith.constant 0 : i32
    return %c0_i32, %c0_i32_0 : i32, i32
  }
  func.func @transform_4(%arg0: i32) -> (i32, i32) {
    %c0_i32 = arith.constant 0 : i32
    %c0_i32_0 = arith.constant 0 : i32
    return %arg0, %c0_i32 : i32, i32
  }
  func.func @transform_5(%arg0: i32) -> (i32, i32, i32) {
    %c0_i32 = arith.constant 0 : i32
    %c0_i32_0 = arith.constant 0 : i32
    %c0_i32_1 = arith.constant 0 : i32
    return %c0_i32, %arg0, %c0_i32_0 : i32, i32, i32
  }
}

module attributes {stable_mosaic.version = 14 : i64} {
  func.func @_tc_inv_body(%arg0: i32, %arg1: memref<32x160x128xf32, #tpu.memory_space<vmem>>, %arg2: memref<160x128xf32, #tpu.memory_space<vmem>>) attributes {dimension_semantics = [#tpu.dimension_semantics<arbitrary>], iteration_bounds = array<i64: 1>, scalar_prefetch = 0 : i64, scratch_operands = 0 : i64, tpu.core_type = #tpu.core_type<tc>, window_params = [{pipeline_mode = #tpu.pipeline_mode<synchronous>, transform_indices = @transform_0, window_bounds = array<i64: 32, 160, 128>}, {pipeline_mode = #tpu.pipeline_mode<synchronous>, transform_indices = @transform_1, window_bounds = array<i64: 160, 128>}]} {
    %get3A = arith.constant 0 : index
    %get3A_0 = arith.constant 0 : index
    %get3A_1 = arith.constant 0 : index
    %get3A_2 = vector.load %arg1[%get3A, %get3A_0, %get3A_1] : memref<32x160x128xf32, #tpu.memory_space<vmem>>, vector<32x160x128xf32>
    %reduce_sum3A = arith.constant dense<0.000000e+00> : vector<160x128xf32>
    %reduce_sum3A_3 = vector.multi_reduction <add>, %get3A_2, %reduce_sum3A [0] : vector<32x160x128xf32> to vector<160x128xf32>
    %max3A = arith.constant 1.000000e+00 : f32
    %max3A_4 = vector.broadcast %max3A : f32 to vector<160x128xf32>
    %max3A_5 = arith.maximumf %reduce_sum3A_3, %max3A_4 : vector<160x128xf32>
    %div3A = arith.constant 1.000000e+00 : f32
    %div3A_6 = vector.broadcast %div3A : f32 to vector<160x128xf32>
    %div3A_7 = arith.divf %div3A_6, %max3A_5 : vector<160x128xf32>
    %swap3A = arith.constant 0 : index
    %swap3A_8 = arith.constant 0 : index
    %swap3A_9 = vector.load %arg2[%swap3A, %swap3A_8] : memref<160x128xf32, #tpu.memory_space<vmem>>, vector<160x128xf32>
    tpu.vector_store %arg2[%swap3A, %swap3A_8], %div3A_7 {strides = array<i32>} : memref<160x128xf32, #tpu.memory_space<vmem>>, vector<160x128xf32>,
    return
  }
  func.func @transform_0(%arg0: i32) -> (i32, i32, i32) {
    %c0_i32 = arith.constant 0 : i32
    %c0_i32_0 = arith.constant 0 : i32
    %c0_i32_1 = arith.constant 0 : i32
    %c0_i32_2 = arith.constant 0 : i32
    return %c0_i32, %c0_i32_0, %c0_i32_1 : i32, i32, i32
  }
  func.func @transform_1(%arg0: i32) -> (i32, i32) {
    %c0_i32 = arith.constant 0 : i32
    %c0_i32_0 = arith.constant 0 : i32
    %c0_i32_1 = arith.constant 0 : i32
    return %c0_i32, %c0_i32_0 : i32, i32
  }
}

module attributes {stable_mosaic.version = 14 : i64} {
  func.func @_tc_combine1_body(%arg0: i32, %arg1: memref<512x64xf32, #tpu.memory_space<vmem>>, %arg2: memref<2x512x64xf32, #tpu.memory_space<vmem>>, %arg3: memref<2x512x64xf32, #tpu.memory_space<vmem>>, %arg4: memref<2x512xf32, #tpu.memory_space<vmem>>, %arg5: memref<64x16xf32, #tpu.memory_space<vmem>>, %arg6: memref<2x64x16xf32, #tpu.memory_space<vmem>>, %arg7: memref<1x16xf32, #tpu.memory_space<vmem>>, %arg8: memref<512x16xf32, #tpu.memory_space<vmem>>, %arg9: memref<2x512x16xf32, #tpu.memory_space<vmem>>) attributes {dimension_semantics = [#tpu.dimension_semantics<arbitrary>], iteration_bounds = array<i64: 20>, scalar_prefetch = 0 : i64, scratch_operands = 0 : i64, tpu.core_type = #tpu.core_type<tc>, window_params = [{transform_indices = @transform_0, window_bounds = array<i64: 512, 64>}, {transform_indices = @transform_1, window_bounds = array<i64: 2, 512, 64>}, {transform_indices = @transform_2, window_bounds = array<i64: 2, 512, 64>}, {transform_indices = @transform_3, window_bounds = array<i64: 2, 512>}, {pipeline_mode = #tpu.pipeline_mode<synchronous>, transform_indices = @transform_4, window_bounds = array<i64: 64, 16>}, {pipeline_mode = #tpu.pipeline_mode<synchronous>, transform_indices = @transform_5, window_bounds = array<i64: 2, 64, 16>}, {pipeline_mode = #tpu.pipeline_mode<synchronous>, transform_indices = @transform_6, window_bounds = array<i64: 1, 16>}, {transform_indices = @transform_7, window_bounds = array<i64: 512, 16>}, {transform_indices = @transform_8, window_bounds = array<i64: 2, 512, 16>}]} {
    %get3A = arith.constant 0 : index
    %get3A_0 = arith.constant 0 : index
    %get3A_1 = vector.load %arg4[%get3A, %get3A_0] : memref<2x512xf32, #tpu.memory_space<vmem>>, vector<2x512xf32>
    %get3A_2 = arith.constant 0 : index
    %get3A_3 = arith.constant 0 : index
    %get3A_4 = arith.constant 0 : index
    %get3A_5 = vector.load %arg2[%get3A_2, %get3A_3, %get3A_4] : memref<2x512x64xf32, #tpu.memory_space<vmem>>, vector<2x512x64xf32>
    %get3A_6 = arith.constant 0 : index
    %get3A_7 = arith.constant 0 : index
    %get3A_8 = arith.constant 0 : index
    %get3A_9 = vector.load %arg3[%get3A_6, %get3A_7, %get3A_8] : memref<2x512x64xf32, #tpu.memory_space<vmem>>, vector<2x512x64xf32>
    %slice3A = vector.extract_strided_slice %get3A_5 {offsets = [0, 0, 0], sizes = [1, 512, 64], strides = [1, 1, 1]} : vector<2x512x64xf32> to vector<1x512x64xf32>
    %squeeze3A = vector.shape_cast %slice3A : vector<1x512x64xf32> to vector<512x64xf32>
    %slice3A_10 = vector.extract_strided_slice %get3A_5 {offsets = [1, 0, 0], sizes = [1, 512, 64], strides = [1, 1, 1]} : vector<2x512x64xf32> to vector<1x512x64xf32>
    %squeeze3A_11 = vector.shape_cast %slice3A_10 : vector<1x512x64xf32> to vector<512x64xf32>
    %add3A = arith.addf %squeeze3A, %squeeze3A_11 : vector<512x64xf32>
    %slice3A_12 = vector.extract_strided_slice %get3A_9 {offsets = [0, 0, 0], sizes = [1, 512, 64], strides = [1, 1, 1]} : vector<2x512x64xf32> to vector<1x512x64xf32>
    %squeeze3A_13 = vector.shape_cast %slice3A_12 : vector<1x512x64xf32> to vector<512x64xf32>
    %slice3A_14 = vector.extract_strided_slice %get3A_9 {offsets = [1, 0, 0], sizes = [1, 512, 64], strides = [1, 1, 1]} : vector<2x512x64xf32> to vector<1x512x64xf32>
    %squeeze3A_15 = vector.shape_cast %slice3A_14 : vector<1x512x64xf32> to vector<512x64xf32>
    %add3A_16 = arith.addf %squeeze3A_13, %squeeze3A_15 : vector<512x64xf32>
    %get3A_17 = arith.constant 0 : index
    %get3A_18 = arith.constant 0 : index
    %get3A_19 = vector.load %arg1[%get3A_17, %get3A_18] : memref<512x64xf32, #tpu.memory_space<vmem>>, vector<512x64xf32>
    %slice3A_20 = vector.extract_strided_slice %get3A_1 {offsets = [0, 0], sizes = [1, 512], strides = [1, 1]} : vector<2x512xf32> to vector<1x512xf32>
    %squeeze3A_21 = vector.shape_cast %slice3A_20 : vector<1x512xf32> to vector<512xf32>
    %broadcast_in_dim3A = vector.shape_cast %squeeze3A_21 : vector<512xf32> to vector<512x1xf32>
    %mul3A = vector.broadcast %broadcast_in_dim3A : vector<512x1xf32> to vector<512x64xf32>
    %mul3A_22 = arith.mulf %add3A, %mul3A : vector<512x64xf32>
    %add3A_23 = arith.addf %get3A_19, %mul3A_22 : vector<512x64xf32>
    %slice3A_24 = vector.extract_strided_slice %get3A_1 {offsets = [1, 0], sizes = [1, 512], strides = [1, 1]} : vector<2x512xf32> to vector<1x512xf32>
    %squeeze3A_25 = vector.shape_cast %slice3A_24 : vector<1x512xf32> to vector<512xf32>
    %broadcast_in_dim3A_26 = vector.shape_cast %squeeze3A_25 : vector<512xf32> to vector<512x1xf32>
    %mul3A_27 = vector.broadcast %broadcast_in_dim3A_26 : vector<512x1xf32> to vector<512x64xf32>
    %mul3A_28 = arith.mulf %add3A_16, %mul3A_27 : vector<512x64xf32>
    %add3A_29 = arith.addf %add3A_23, %mul3A_28 : vector<512x64xf32>
    %max3A = arith.constant 0.000000e+00 : f32
    %max3A_30 = vector.broadcast %max3A : f32 to vector<512x64xf32>
    %max3A_31 = arith.maximumf %add3A_29, %max3A_30 : vector<512x64xf32>
    %get3A_32 = arith.constant 0 : index
    %get3A_33 = arith.constant 0 : index
    %get3A_34 = vector.load %arg5[%get3A_32, %get3A_33] : memref<64x16xf32, #tpu.memory_space<vmem>>, vector<64x16xf32>
    %dot_general3A = arith.constant dense<0.000000e+00> : vector<512x16xf32>
    %dot_general3A_35 = tpu.matmul %max3A_31, %get3A_34, %dot_general3A {dimension_numbers = #tpu.dot_dimension_numbers<[1], [0], [0], [1], [0, 0, 1, 1], [], []>, transpose_lhs_hint = false} : vector<512x64xf32>, vector<64x16xf32>, vector<512x16xf32> -> vector<512x16xf32>
    %get3A_36 = arith.constant 0 : index
    %get3A_37 = arith.constant 0 : index
    %get3A_38 = vector.load %arg7[%get3A_36, %get3A_37] : memref<1x16xf32, #tpu.memory_space<vmem>>, vector<1x16xf32>
    %add3A_39 = vector.broadcast %get3A_38 : vector<1x16xf32> to vector<512x16xf32>
    %add3A_40 = arith.addf %dot_general3A_35, %add3A_39 : vector<512x16xf32>
    %swap3A = arith.constant 0 : index
    %swap3A_41 = arith.constant 0 : index
    %swap3A_42 = vector.load %arg8[%swap3A, %swap3A_41] : memref<512x16xf32, #tpu.memory_space<vmem>>, vector<512x16xf32>
    tpu.vector_store %arg8[%swap3A, %swap3A_41], %add3A_40 {strides = array<i32>} : memref<512x16xf32, #tpu.memory_space<vmem>>, vector<512x16xf32>,
    %get3A_43 = arith.constant 0 : index
    %get3A_44 = arith.constant 0 : index
    %get3A_45 = arith.constant 0 : index
    %get3A_46 = vector.load %arg6[%get3A_43, %get3A_44, %get3A_45] : memref<2x64x16xf32, #tpu.memory_space<vmem>>, vector<1x64x16xf32>
    %get3A_47 = vector.shape_cast %get3A_46 : vector<1x64x16xf32> to vector<64x16xf32>
    %dot_general3A_48 = arith.constant dense<0.000000e+00> : vector<512x16xf32>
    %dot_general3A_49 = tpu.matmul %max3A_31, %get3A_47, %dot_general3A_48 {dimension_numbers = #tpu.dot_dimension_numbers<[1], [0], [0], [1], [0, 0, 1, 1], [], []>, transpose_lhs_hint = false} : vector<512x64xf32>, vector<64x16xf32>, vector<512x16xf32> -> vector<512x16xf32>
    %get3A_50 = arith.constant 1 : index
    %get3A_51 = arith.constant 0 : index
    %get3A_52 = arith.constant 0 : index
    %get3A_53 = vector.load %arg6[%get3A_50, %get3A_51, %get3A_52] : memref<2x64x16xf32, #tpu.memory_space<vmem>>, vector<1x64x16xf32>
    %get3A_54 = vector.shape_cast %get3A_53 : vector<1x64x16xf32> to vector<64x16xf32>
    %dot_general3A_55 = arith.constant dense<0.000000e+00> : vector<512x16xf32>
    %dot_general3A_56 = tpu.matmul %max3A_31, %get3A_54, %dot_general3A_55 {dimension_numbers = #tpu.dot_dimension_numbers<[1], [0], [0], [1], [0, 0, 1, 1], [], []>, transpose_lhs_hint = false} : vector<512x64xf32>, vector<64x16xf32>, vector<512x16xf32> -> vector<512x16xf32>
    %stack3A = vector.shape_cast %dot_general3A_49 : vector<512x16xf32> to vector<1x512x16xf32>
    %stack3A_57 = vector.shape_cast %dot_general3A_56 : vector<512x16xf32> to vector<1x512x16xf32>
    %stack3A_58 = tpu.concatenate %stack3A, %stack3A_57 in 0 : vector<1x512x16xf32>, vector<1x512x16xf32> -> vector<2x512x16xf32>
    %swap3A_59 = arith.constant 0 : index
    %swap3A_60 = arith.constant 0 : index
    %swap3A_61 = arith.constant 0 : index
    %swap3A_62 = vector.load %arg9[%swap3A_59, %swap3A_60, %swap3A_61] : memref<2x512x16xf32, #tpu.memory_space<vmem>>, vector<2x512x16xf32>
    tpu.vector_store %arg9[%swap3A_59, %swap3A_60, %swap3A_61], %stack3A_58 {strides = array<i32>} : memref<2x512x16xf32, #tpu.memory_space<vmem>>, vector<2x512x16xf32>,
    return
  }
  func.func @transform_0(%arg0: i32) -> (i32, i32) {
    %c0_i32 = arith.constant 0 : i32
    %c0_i32_0 = arith.constant 0 : i32
    return %arg0, %c0_i32 : i32, i32
  }
  func.func @transform_1(%arg0: i32) -> (i32, i32, i32) {
    %c0_i32 = arith.constant 0 : i32
    %c0_i32_0 = arith.constant 0 : i32
    %c0_i32_1 = arith.constant 0 : i32
    return %c0_i32, %arg0, %c0_i32_0 : i32, i32, i32
  }
  func.func @transform_2(%arg0: i32) -> (i32, i32, i32) {
    %add3A = arith.constant 20 : i32
    %add3A_0 = arith.addi %add3A, %arg0 : i32
    %c0_i32 = arith.constant 0 : i32
    %c0_i32_1 = arith.constant 0 : i32
    %c0_i32_2 = arith.constant 0 : i32
    return %c0_i32, %add3A_0, %c0_i32_1 : i32, i32, i32
  }
  func.func @transform_3(%arg0: i32) -> (i32, i32) {
    %c0_i32 = arith.constant 0 : i32
    %c0_i32_0 = arith.constant 0 : i32
    return %c0_i32, %arg0 : i32, i32
  }
  func.func @transform_4(%arg0: i32) -> (i32, i32) {
    %c0_i32 = arith.constant 0 : i32
    %c0_i32_0 = arith.constant 0 : i32
    %c0_i32_1 = arith.constant 0 : i32
    return %c0_i32, %c0_i32_0 : i32, i32
  }
  func.func @transform_5(%arg0: i32) -> (i32, i32, i32) {
    %c0_i32 = arith.constant 0 : i32
    %c0_i32_0 = arith.constant 0 : i32
    %c0_i32_1 = arith.constant 0 : i32
    %c0_i32_2 = arith.constant 0 : i32
    return %c0_i32, %c0_i32_0, %c0_i32_1 : i32, i32, i32
  }
  func.func @transform_6(%arg0: i32) -> (i32, i32) {
    %c0_i32 = arith.constant 0 : i32
    %c0_i32_0 = arith.constant 0 : i32
    %c0_i32_1 = arith.constant 0 : i32
    return %c0_i32, %c0_i32_0 : i32, i32
  }
  func.func @transform_7(%arg0: i32) -> (i32, i32) {
    %c0_i32 = arith.constant 0 : i32
    %c0_i32_0 = arith.constant 0 : i32
    return %arg0, %c0_i32 : i32, i32
  }
  func.func @transform_8(%arg0: i32) -> (i32, i32, i32) {
    %c0_i32 = arith.constant 0 : i32
    %c0_i32_0 = arith.constant 0 : i32
    %c0_i32_1 = arith.constant 0 : i32
    return %c0_i32, %arg0, %c0_i32_0 : i32, i32, i32
  }
}

module attributes {stable_mosaic.version = 14 : i64} {
  func.func @_tc_final_body(%arg0: i32, %arg1: memref<128x128xf32, #tpu.memory_space<vmem>>, %arg2: memref<2x128x128xf32, #tpu.memory_space<vmem>>, %arg3: memref<2x128x128xf32, #tpu.memory_space<vmem>>, %arg4: memref<128x128xf32, #tpu.memory_space<vmem>>, %arg5: memref<128x128xf32, #tpu.memory_space<vmem>>, %arg6: memref<128x128xf32, #tpu.memory_space<vmem>>) attributes {dimension_semantics = [#tpu.dimension_semantics<arbitrary>], iteration_bounds = array<i64: 10>, scalar_prefetch = 0 : i64, scratch_operands = 0 : i64, tpu.core_type = #tpu.core_type<tc>, window_params = [{transform_indices = @transform_0, window_bounds = array<i64: 128, 128>}, {transform_indices = @transform_1, window_bounds = array<i64: 2, 128, 128>}, {transform_indices = @transform_2, window_bounds = array<i64: 2, 128, 128>}, {transform_indices = @transform_3, window_bounds = array<i64: 128, 128>}, {transform_indices = @transform_4, window_bounds = array<i64: 128, 128>}, {transform_indices = @transform_5, window_bounds = array<i64: 128, 128>}]} {
    %get3A = arith.constant 0 : index
    %get3A_0 = arith.constant 0 : index
    %get3A_1 = arith.constant 0 : index
    %get3A_2 = vector.load %arg2[%get3A, %get3A_0, %get3A_1] : memref<2x128x128xf32, #tpu.memory_space<vmem>>, vector<2x128x128xf32>
    %get3A_3 = arith.constant 0 : index
    %get3A_4 = arith.constant 0 : index
    %get3A_5 = arith.constant 0 : index
    %get3A_6 = vector.load %arg3[%get3A_3, %get3A_4, %get3A_5] : memref<2x128x128xf32, #tpu.memory_space<vmem>>, vector<2x128x128xf32>
    %slice3A = vector.extract_strided_slice %get3A_2 {offsets = [0, 0, 0], sizes = [1, 128, 128], strides = [1, 1, 1]} : vector<2x128x128xf32> to vector<1x128x128xf32>
    %squeeze3A = vector.shape_cast %slice3A : vector<1x128x128xf32> to vector<128x128xf32>
    %slice3A_7 = vector.extract_strided_slice %get3A_2 {offsets = [1, 0, 0], sizes = [1, 128, 128], strides = [1, 1, 1]} : vector<2x128x128xf32> to vector<1x128x128xf32>
    %squeeze3A_8 = vector.shape_cast %slice3A_7 : vector<1x128x128xf32> to vector<128x128xf32>
    %add3A = arith.addf %squeeze3A, %squeeze3A_8 : vector<128x128xf32>
    %slice3A_9 = vector.extract_strided_slice %get3A_6 {offsets = [0, 0, 0], sizes = [1, 128, 128], strides = [1, 1, 1]} : vector<2x128x128xf32> to vector<1x128x128xf32>
    %squeeze3A_10 = vector.shape_cast %slice3A_9 : vector<1x128x128xf32> to vector<128x128xf32>
    %slice3A_11 = vector.extract_strided_slice %get3A_6 {offsets = [1, 0, 0], sizes = [1, 128, 128], strides = [1, 1, 1]} : vector<2x128x128xf32> to vector<1x128x128xf32>
    %squeeze3A_12 = vector.shape_cast %slice3A_11 : vector<1x128x128xf32> to vector<128x128xf32>
    %add3A_13 = arith.addf %squeeze3A_10, %squeeze3A_12 : vector<128x128xf32>
    %get3A_14 = arith.constant 0 : index
    %get3A_15 = arith.constant 0 : index
    %get3A_16 = vector.load %arg1[%get3A_14, %get3A_15] : memref<128x128xf32, #tpu.memory_space<vmem>>, vector<128x128xf32>
    %get3A_17 = arith.constant 0 : index
    %get3A_18 = arith.constant 0 : index
    %get3A_19 = vector.load %arg4[%get3A_17, %get3A_18] : memref<128x128xf32, #tpu.memory_space<vmem>>, vector<128x128xf32>
    %mul3A = arith.mulf %add3A, %get3A_19 : vector<128x128xf32>
    %add3A_20 = arith.addf %get3A_16, %mul3A : vector<128x128xf32>
    %get3A_21 = arith.constant 0 : index
    %get3A_22 = arith.constant 0 : index
    %get3A_23 = vector.load %arg5[%get3A_21, %get3A_22] : memref<128x128xf32, #tpu.memory_space<vmem>>, vector<128x128xf32>
    %mul3A_24 = arith.mulf %add3A_13, %get3A_23 : vector<128x128xf32>
    %add3A_25 = arith.addf %add3A_20, %mul3A_24 : vector<128x128xf32>
    %swap3A = arith.constant 0 : index
    %swap3A_26 = arith.constant 0 : index
    %swap3A_27 = vector.load %arg6[%swap3A, %swap3A_26] : memref<128x128xf32, #tpu.memory_space<vmem>>, vector<128x128xf32>
    tpu.vector_store %arg6[%swap3A, %swap3A_26], %add3A_25 {strides = array<i32>} : memref<128x128xf32, #tpu.memory_space<vmem>>, vector<128x128xf32>,
    return
  }
  func.func @transform_0(%arg0: i32) -> (i32, i32) {
    %c0_i32 = arith.constant 0 : i32
    %c0_i32_0 = arith.constant 0 : i32
    return %arg0, %c0_i32 : i32, i32
  }
  func.func @transform_1(%arg0: i32) -> (i32, i32, i32) {
    %c0_i32 = arith.constant 0 : i32
    %c0_i32_0 = arith.constant 0 : i32
    %c0_i32_1 = arith.constant 0 : i32
    return %c0_i32, %arg0, %c0_i32_0 : i32, i32, i32
  }
  func.func @transform_2(%arg0: i32) -> (i32, i32, i32) {
    %add3A = arith.constant 10 : i32
    %add3A_0 = arith.addi %add3A, %arg0 : i32
    %c0_i32 = arith.constant 0 : i32
    %c0_i32_1 = arith.constant 0 : i32
    %c0_i32_2 = arith.constant 0 : i32
    return %c0_i32, %add3A_0, %c0_i32_1 : i32, i32, i32
  }
  func.func @transform_3(%arg0: i32) -> (i32, i32) {
    %c0_i32 = arith.constant 0 : i32
    %c0_i32_0 = arith.constant 0 : i32
    return %arg0, %c0_i32 : i32, i32
  }
  func.func @transform_4(%arg0: i32) -> (i32, i32) {
    %c0_i32 = arith.constant 0 : i32
    %c0_i32_0 = arith.constant 0 : i32
    return %arg0, %c0_i32 : i32, i32
  }
  func.func @transform_5(%arg0: i32) -> (i32, i32) {
    %c0_i32 = arith.constant 0 : i32
    %c0_i32_0 = arith.constant 0 : i32
    return %arg0, %c0_i32 : i32, i32
  }
}

</mosaic_0001>

<sc_bundles>
// kernel: kernel.12.cloned.1.call-start
scs
__scs_entry_jumppad:
0x0: {  	(pc) =	sbr.rel $0x88, $3  }
0x1: {  	(tag) =	ssettag $0x0;
	lr =	simm.s32 $0x1  }
0x2: {  	[smem:$0x3F98] =	sst lr;
	_ =	strace $0xD0000000  }
0x3: {  	_ = 	snop  }
0x4: {  	_ = 	snop  }
0x5: {  	_ = 	snop  }
0x6: {  	_ = 	snop  }
0x7: {  	_ = 	snop  }
__scs_overlays_trampoline_lowered:
0x8: {  	[smem:$0x3FA7] =	sst s0  }
0x9: {  	[smem:$0x3FA8] =	sst s1  }
0xa: {  	[smem:$0x3FA9] =	sst s2  }
0xb: {  	[smem:$0x3FAA] =	sst s3  }
0xc: {  	[smem:$0x3FAB] =	sst s4  }
0xd: {  	[smem:$0x3FAC] =	sst s5  }
0xe: {  	[smem:$0x3FAD] =	sst s6  }
0xf: {  	[smem:$0x3FAE] =	sst s7  }
0x10: {  	[smem:$0x3FAF] =	sst s8  }
0x11: {  	[smem:$0x3FB0] =	sst s9;
	s0 =	simm.s32 @!p0 $0x0  }
0x12: {  	s1 =	sld [smem:$0x3F96];
	s0 =	simm.s32 @p0 $0x1  }
0x13: {  	[smem:$0x3FB1] =	sst s0;
	s0 =	simm.s32 @!p1 $0x0  }
0x14: {  	s2 =	sld [smem:$0x3F95];
	s0 =	simm.s32 @p1 $0x1  }
0x15: {  	[smem:$0x3FB2] =	sst s0;
	s0 =	simm.s32 @!p2 $0x0  }
0x16: {  	s3 =	sld [smem:$0x3FDB];
	s0 =	simm.s32 @p2 $0x1  }
0x17: {  	s4 =	simm.s32 $0x1BF5;
	[smem:$0x3FB4] =	sst s0  }
0x18: {  	s0 =	sld [smem:$0x3F97];
	_ =	swait.ge [sflag:s4], $0x0  }
0x19: {  	s7 =	sld [smem:$0x3F98]  }
0x1a: {  	s8 =	sadd.s32 $0xFFFFE003, lr  }
0x1b: {  	s9 =	sadd.s32 $0xFFFFFEF7, lr;
	s5 =	simm.s32 $0xFFFFFFFF;
	p2 =	slt.u32 s8, $0xFFFFF086  }
0x1c: {  	p1 =	slt.u32 s9, $0xF7A;
	s5 =	simm.s32 @!p2 $0x0  }
0x1d: {  	s5 =	simm.s32 @p1 $0x1;
	p0 =	seq.s32 s7, s2  }
0x1e: {  	s7 =	smul.u32 @!p0 $0xF7A, s2;
	p2 =	seq.s32 @!p0 s5, $0x0  }
0x1f: {  	s9 =	smul.u32 $0xF7A, s1;
	s8 =	simm.s32 @!p0 $0x1BF5;
	p2 =	por !p2, p0  }
0x20: {  	[sflag:s8] =	ssyncset.s32 @!p0 $0xFFFFF086;
	s6 =	sadd.s32 @!p0 s3, s7;
	s7 =	simm.s32 @!p0 $0x108  }
0x21: {  	s3 =	sadd.s32 s3, s9;
	s6 =	sadd.s32 @!p0 $0x88, s6;
	s7 =	simm.s32 @p2 $0x1082  }
0x22: {  	[simem:s7], [sflag:s8] =	dma.local @!p0 [hbm:s6], $0xF7A  }
0x23: {  	s9 =	sor.u32 $0xD0000000, s2;
	s6 =	simm.s32 $0x108;
	_ =	swait.ge @!p0 [sflag:s8], $0x0  }
0x24: {  	s3 =	sadd.s32 $0x88, s3;
	s6 =	simm.s32 @!p1 $0x1082;
	[sflag:s4] =	ssyncset.s32 $0xFFFFF086  }
0x25: {  	[simem:s6], [sflag:s4] =	dma.local [hbm:s3], $0xF7A  }
0x26: {  	[smem:$0x3F98] =	sst s1;
	(tag) =	ssettag s2;
	_ =	strace s9  }
0x27: {  	s1 =	sld [smem:$0x3FA8]  }
0x28: {  	s2 =	sld [smem:$0x3FA9]  }
0x29: {  	s4 =	sld [smem:$0x3FAB]  }
0x2a: {  	p0 =	seq.s32 s5, $0x0;
	s5 =	sld [smem:$0x3FAC]  }
0x2b: {  	s6 =	sld [smem:$0x3FAD]  }
0x2c: {  	s7 =	sld [smem:$0x3FAE]  }
0x2d: {  	s3 =	simm.s32 $0x108;
	s8 =	sld [smem:$0x3FAF]  }
0x2e: {  	s3 =	simm.s32 @!p0 $0x1082;
	s9 =	sld [smem:$0x3FB0]  }
0x2f: {  	lr =	sadd.s32 s0, s3;
	s0 =	sld [smem:$0x3FA7]  }
0x30: {  	s3 =	sld [smem:$0x3FAA]  }
0x31: {  	[smem:$0x3FB3] =	sst s10  }
0x32: {  	s10 =	sld [smem:$0x3FB1];
	_ =	sdelay $0x3  }
0x33: {  	p0 =	seq.s32 s10, $0x1;
	s10 =	sld [smem:$0x3FB3];
	_ =	sdelay $0x3  }
0x34: {  	[smem:$0x3FB3] =	sst s10  }
0x35: {  	s10 =	sld [smem:$0x3FB2];
	_ =	sdelay $0x3  }
0x36: {  	p1 =	seq.s32 s10, $0x1;
	s10 =	sld [smem:$0x3FB3];
	_ =	sdelay $0x3  }
0x37: {  	[smem:$0x3FB3] =	sst s10  }
0x38: {  	s10 =	sld [smem:$0x3FB4]  }
0x39: {  	_ = 	snop;
	(pc) =	sbr.ind lr, $3  }
0x3a: {  	_ = 	snop  }
0x3b: {  	_ = 	snop  }
0x3c: {  	p2 =	seq.s32 s10, $0x1;
	s10 =	sld [smem:$0x3FB3]  }
0x3d: {  	_ =	shalt  }
0x3e: {  	_ =	shalt  }
0x3f: {  	_ =	shalt  }
0x40: {  	_ =	shalt  }
0x41: {  	_ =	shalt  }
0x42: {  	_ =	shalt  }
0x43: {  	_ =	shalt  }
0x44: {  	_ =	shalt  }
0x45: {  	_ =	shalt  }
0x46: {  	_ =	shalt  }
0x47: {  	_ =	shalt  }
0x48: {  	_ =	shalt  }
0x49: {  	_ =	shalt  }
0x4a: {  	_ =	shalt  }
0x4b: {  	_ =	shalt  }
0x4c: {  	_ =	shalt  }
0x4d: {  	_ =	shalt  }
0x4e: {  	_ =	shalt  }
0x4f: {  	_ =	shalt  }
0x50: {  	_ =	shalt  }
0x51: {  	_ =	shalt  }
0x52: {  	_ =	shalt  }
0x53: {  	_ =	shalt  }
0x54: {  	_ =	shalt  }
0x55: {  	_ =	shalt  }
0x56: {  	_ =	shalt  }
0x57: {  	_ =	shalt  }
0x58: {  	_ =	shalt  }
0x59: {  	_ =	shalt  }
0x5a: {  	_ =	shalt  }
0x5b: {  	_ =	shalt  }
0x5c: {  	_ =	shalt  }
0x5d: {  	_ =	shalt  }
0x5e: {  	_ =	shalt  }
0x5f: {  	_ =	shalt  }
0x60: {  	_ =	shalt  }
0x61: {  	_ =	shalt  }
0x62: {  	_ =	shalt  }
0x63: {  	_ =	shalt  }
0x64: {  	_ =	shalt  }
0x65: {  	_ =	shalt  }
0x66: {  	_ =	shalt  }
0x67: {  	_ =	shalt  }
0x68: {  	_ =	shalt  }
0x69: {  	_ =	shalt  }
0x6a: {  	_ =	shalt  }
0x6b: {  	_ =	shalt  }
0x6c: {  	_ =	shalt  }
0x6d: {  	_ =	shalt  }
0x6e: {  	_ =	shalt  }
0x6f: {  	_ =	shalt  }
0x70: {  	_ =	shalt  }
0x71: {  	_ =	shalt  }
0x72: {  	_ =	shalt  }
0x73: {  	_ =	shalt  }
0x74: {  	_ =	shalt  }
0x75: {  	_ =	shalt  }
0x76: {  	_ =	shalt  }
0x77: {  	_ =	shalt  }
0x78: {  	_ =	shalt  }
0x79: {  	_ =	shalt  }
0x7a: {  	_ =	shalt  }
0x7b: {  	_ =	shalt  }
0x7c: {  	_ =	shalt  }
0x7d: {  	_ =	shalt  }
0x7e: {  	_ =	shalt  }
0x7f: {  	_ =	shalt  }
0x80: {  	_ =	shalt  }
0x81: {  	_ =	shalt  }
0x82: {  	_ =	shalt  }
0x83: {  	_ =	shalt  }
0x84: {  	_ =	shalt  }
0x85: {  	_ =	shalt  }
0x86: {  	_ =	shalt  }
0x87: {  	_ =	shalt  }
.Lfunc_end0:
.L_simem_size_0:
called_computation.1_lowered:
.L_overlay_start_0:
0x88: {  	s2 =	sld [smem:$0x3FD9]  }
0x89: {  	s3 =	sld [smem:$0x3FFE];
	_ =	sdelay $0x1  }
0x8a: {  	s1 =	srdreg.scid  }
0x8b: {  	s0 =	sand.u32 $0x1, s1  }
0x8c: {  	s17 =	sshll.u32 s0, $0xA;
	s2 =	sadd.s32 s3, s2  }
0x8d: {  	s2 =	sadd.s32 s2, s17  }
0x8e: {  	[smem:$0x3FBF] =	sst s2  }
0x8f: {  	_ = 	snop  }
0x90: {  	s2 =	sld [smem:$0x3FD0];
	(tm) =	ssettm $0x1  }
0x91: {  	s18 =	sld [smem:$0x3FFB];
	_ =	sdelay $0x3  }
0x92: {  	_ =	strace s18  }
0x93: {  	s3 =	sld [smem:$0x3FFC];
	_ =	sdelay $0x3  }
0x94: {  	_ =	strace s3  }
0x95: {  	s3 =	sld [smem:$0x3FFD];
	_ =	sdelay $0x3  }
0x96: {  	_ =	strace s3  }
0x97: {  	_ =	strace $0x8FFFFFFF  }
0x98: {  	s19 =	sld [smem:$0x3FDB];
	_ =	sdelay $0x1  }
0x99: {  	s4 =	simm.s32 $_scs_section_size  }
0x9a: {  	s5 =	simm.s32 $_size__tile_overlayer_lowered;
	s6 =	simm.s32 $_tile_overlayer_lowered  }
0x9b: {  	s22 =	simm.s32 $0x1BFF;
	s21 =	sshll.u32 s6, $0x1;
	s3 =	sadd.s32 s4, s19  }
0x9c: {  	s7 =	simm.s32 $0x0;
	s20 =	sshll.u32 s5, $0x1;
	s5 =	sadd.s32 s21, s3  }
0x9d: {  	[timem:s7], [sflag:s22] =	dma.local [hbm:s5], s20  }
0x9e: {  	_ =	swait.ge [sflag:s22], s20  }
0x9f: {  	s4 =	ssub.s32 $0x0, s20;
	[sflag:s22] =	ssyncset.done $0x0  }
0xa0: {  	[sflag:s22] =	ssyncadd.s32 s4;
	_ =	sdelay $0x1  }
0xa1: {  	s23 =	simm.s32 $0x1B8B  }
0xa2: {  	_ =	swait.ge [sflag:s23], $0x1  }
0xa3: {  	[sflag:s23] =	ssyncset.done $0x0  }
0xa4: {  	s25 =	simm.s32 $0x1B8E;
	s24 =	sld [smem:$0x3FFE];
	[sflag:s23] =	ssyncadd.s32 $0xFFFFFFFF  }
0xa5: {  	s26 =	simm.s32 $execute0_lowered;
	[smem:$0x3FD2] =	sst s25  }
0xa6: {  	s5 =	sshll.u32 s26, $0x1;
	_ =	strace $0x80000049;
	[dreg:$0x1] =	wrdreg $0xFFFFFFFF  }
0xa7: {  	s28 =	simm.s32 $_size_execute0_lowered;
	s3 =	sadd.s32 s3, s5;
	[dreg:$0x0] =	wrdreg $0x0  }
0xa8: {  	s5 =	sshll.u32 s28, $0x1;
	[dreg:$0x2] =	wrdreg s3  }
0xa9: {  	[dreg:$0x3] =	wrdreg s5  }
0xaa: {  	[dreg:$0x4] =	wrdreg $0xC0  }
0xab: {  	_ =	task [dreg:s7], $0x5FFFF  }
0xac: {  	[dreg:$0x1] =	wrdreg $0xFFFFFFFF  }
0xad: {  	[dreg:$0x0] =	wrdreg $0x60  }
0xae: {  	[dreg:$0x2] =	wrdreg s24  }
0xaf: {  	[dreg:$0x3] =	wrdreg s2  }
0xb0: {  	[dreg:$0x4] =	wrdreg $0x67200  }
0xb1: {  	[dreg:$0x5] =	wrdreg $0x9  }
0xb2: {  	_ =	task.clear_ibuf [dreg:s7], $0x6FFFF;
	_ =	strace $0x90000049  }
0xb3: {  	s29 =	simm.s32 $0x9;
	_ =	strace $0x8000004B  }
0xb4: {  	_ =	swait.ge [sflag:s29], $0x1  }
0xb5: {  	[sflag:s29] =	ssyncadd.s32 $0xFFFFFFFF  }
0xb6: {  	_ =	strace $0x9000004B  }
0xb7: {  	_ =	sfence  }
0xb8: {  	s30 =	sld [smem:$0x0];
	_ =	sdelay $0x2  }
0xb9: {  	s31 =	sshll.u32 s1, $0xD;
	s1 =	sshrl.u32 s1, $0x2  }
0xba: {  	s3 =	sand.u32 $0x4000, s31;
	s1 =	sadd.s32 s1, s30  }
0xbb: {  	s0 =	sor.u32 s3, s0;
	s1 =	sshll.u32 s1, $0x11  }
0xbc: {  	s0 =	sor.u32 s1, s0  }
0xbd: {  	s0 =	sadd.s32 $0x8F2B, s0  }
0xbe: {  	[sflag:s0] =	ssyncadd.remote.s32 $0x1  }
0xbf: {  	_ =	sfence.sel $0xFFFF  }
0xc0: {  	[dreg:$0x0] =	wrdreg $0xFFFFFFFF;
	(pc) =	sbr.abs _section_cstart, $3  }
0xc1: {  	[dreg:$0x1] =	wrdreg $0xFFFFFFFF  }
0xc2: {  	_ =	task.clear_ibuf [dreg:s7], $0x2FFFF;
	_ =	strace $0x9FFFFFFF  }
0xc3: {  	(tm) =	ssettm $0x7FFFFFFF  }
tec
execute0_lowered:
.L_overlay_start_1:
0x0: {  	(tag) =	ssettag $0x1  }
0x1: {  	s1 =	rddreg [dreg:$0x0]  }
0x2: {  	s2 =	rddreg [dreg:$0x2];
	s3 =	simm.s32 $0x0  }
0x3: {  	s0 =	srdreg.scid;
	s12 =	stileid.u32;
	s28 =	simm.s32 $0x3F20  }
0x4: {  	s29 =	simm.s32 $0x5;
	s30 =	simm.s32 $0x5320;
	s31 =	simm.s32 $0x6  }
0x5: {  	[smem:$0x7FF] =	sst s3;
	s10 =	sand.u32 $0x1, s0;
	s4 =	smul.u32 $0x14000, s12  }
0x6: {  	s15 =	sadd.s32 $0x2A200, s1;
	s16 =	sadd.s32 $0x34000, s1;
	s18 =	smul.u32 $0x2710, s12  }
0x7: {  	s9 =	sadd.s32 $0x65E00, s1;
	s0 =	ssub.s32 $0x2, s10;
	s14 =	smul.u32 $0x140000, s10  }
0x8: {  	_ =	strace $0x8000004A;
	s17 =	smul.u32 $0x27100, s10;
	s5 =	sshrl.u32 s0, $0x1  }
0x9: {  	s6 =	sor.u32 $0x2800, s4;
	s7 =	sor.u32 $0x3C00, s4;
	s8 =	sadd.s32 $0x5000, s4  }
0xa: {  	s10 =	sadd.s32 $0x6400, s4;
	s11 =	sadd.s32 $0x7800, s4;
	s12 =	sadd.s32 $0x8C00, s4  }
0xb: {  	s13 =	sadd.s32 $0xA000, s4;
	s0 =	ssub.s32 s0, s5;
	s19 =	sadd.s32 s4, s14  }
0xc: {  	s5 =	sor.u32 $0x1400, s4;
	s17 =	sadd.s32 s18, s17;
	s19 =	sshrl.u32 s19, $0x3  }
0xd: {  	s20 =	sadd.s32 s14, s5;
	s22 =	sadd.s32 $0x140, s17;
	s5 =	sadd.s32 s5, s2  }
0xe: {  	s0 =	smax.u32 s0, $0x1;
	s26 =	sadd.s32 s9, s19;
	[dreg:$0x1f] =	wrdreg s5  }
0xf: {  	s19 =	sshrl.u32 s20, $0x3;
	s20 =	sshrl.u32 s17, $0x3;
	[smem:$0x7F8] =	sst s0  }
0x10: {  	s24 =	sshrl.u32 s22, $0x3;
	[dreg:$0xe] =	wrdreg s26;
	s18 =	sadd.s32 s9, s19  }
0x11: {  	s0 =	simm.s32 $0x7;
	s21 =	sadd.s32 s20, s16;
	[dreg:$0xf] =	wrdreg s18  }
0x12: {  	s5 =	simm.s32 $0xA;
	s23 =	sadd.s32 s20, s15;
	[dreg:$0x4] =	wrdreg s21  }
0x13: {  	s25 =	sadd.s32 s24, s16;
	s26 =	sadd.s32 $0xF0, s17;
	[dreg:$0x5] =	wrdreg s23  }
0x14: {  	s19 =	sadd.s32 s14, s11;
	[dreg:$0x6] =	wrdreg s25;
	s21 =	sadd.s32 s24, s15  }
0x15: {  	s22 =	sshrl.u32 s26, $0x3;
	s24 =	sadd.s32 $0xA0, s17;
	s17 =	sadd.s32 $0x50, s17  }
0x16: {  	[dreg:$0x7] =	wrdreg s21;
	s23 =	sadd.s32 s22, s16;
	s25 =	sadd.s32 s22, s15  }
0x17: {  	s26 =	sshrl.u32 s24, $0x3;
	s21 =	sadd.s32 s14, s6;
	[dreg:$0x8] =	wrdreg s23  }
0x18: {  	s17 =	sshrl.u32 s17, $0x3;
	s6 =	sadd.s32 s6, s2;
	[dreg:$0x9] =	wrdreg s25  }
0x19: {  	s22 =	sadd.s32 s26, s16;
	s20 =	sshrl.u32 s21, $0x3;
	s23 =	sadd.s32 s14, s7  }
0x1a: {  	s24 =	sadd.s32 s26, s15;
	s25 =	sadd.s32 s14, s8;
	[smem:$0x7EF] =	sst s6  }
0x1b: {  	s16 =	sadd.s32 s17, s16;
	s26 =	sadd.s32 s14, s10;
	[dreg:$0xa] =	wrdreg s22  }
0x1c: {  	s15 =	sadd.s32 s17, s15;
	s21 =	sadd.s32 s14, s12;
	[dreg:$0xb] =	wrdreg s24  }
0x1d: {  	s7 =	sadd.s32 s7, s2;
	s10 =	sadd.s32 s10, s2;
	[dreg:$0xc] =	wrdreg s16  }
0x1e: {  	s20 =	sadd.s32 s9, s20;
	s18 =	sshrl.u32 s23, $0x3;
	[dreg:$0xd] =	wrdreg s15  }
0x1f: {  	s16 =	sshrl.u32 s26, $0x3;
	s17 =	sshrl.u32 s21, $0x3;
	[smem:$0x7F0] =	sst s7  }
0x20: {  	s22 =	sadd.s32 s14, s13;
	[smem:$0x7F2] =	sst s10;
	s15 =	sadd.s32 s12, s2  }
0x21: {  	[dreg:$0x10] =	wrdreg s20;
	s18 =	sadd.s32 s9, s18;
	s16 =	sadd.s32 s9, s16  }
0x22: {  	s20 =	sshrl.u32 s19, $0x3;
	s17 =	sadd.s32 s9, s17;
	[smem:$0x7F4] =	sst s15  }
0x23: {  	s24 =	sshrl.u32 s22, $0x3;
	s19 =	sadd.s32 $0xF000, s4;
	[dreg:$0x11] =	wrdreg s18  }
0x24: {  	s18 =	sshrl.u32 s25, $0x3;
	[dreg:$0x13] =	wrdreg s16;
	s16 =	sadd.s32 s9, s20  }
0x25: {  	[dreg:$0x15] =	wrdreg s17;
	s17 =	sadd.s32 s9, s24;
	s22 =	sadd.s32 s14, s19  }
0x26: {  	s18 =	sadd.s32 s9, s18;
	[dreg:$0x14] =	wrdreg s16;
	s16 =	sadd.s32 $0xB400, s4  }
0x27: {  	[dreg:$0x16] =	wrdreg s17;
	s22 =	sshrl.u32 s22, $0x3;
	s23 =	sadd.s32 s14, s16  }
0x28: {  	[dreg:$0x12] =	wrdreg s18;
	s18 =	sadd.s32 $0xDC00, s4;
	s25 =	sshrl.u32 s23, $0x3  }
0x29: {  	s21 =	sadd.s32 s14, s18;
	s23 =	sadd.s32 s9, s22;
	s22 =	sadd.s32 $0x11800, s4  }
0x2a: {  	s18 =	sadd.s32 s18, s2;
	s26 =	sadd.s32 s9, s25;
	[dreg:$0x1a] =	wrdreg s23  }
0x2b: {  	s25 =	sadd.s32 $0xC800, s4;
	s23 =	sadd.s32 $0x12C00, s4;
	[smem:$0x7F9] =	sst s18  }
0x2c: {  	[dreg:$0x17] =	wrdreg s26;
	s17 =	sadd.s32 s14, s25;
	s15 =	sadd.s32 s23, s2  }
0x2d: {  	s20 =	sshrl.u32 s17, $0x3;
	s17 =	sadd.s32 s13, s2;
	[smem:$0x7FD] =	sst s15  }
0x2e: {  	s7 =	simm.s32 $0xB;
	s13 =	sadd.s32 s22, s2;
	[smem:$0x7F5] =	sst s17  }
0x2f: {  	s21 =	sshrl.u32 s21, $0x3;
	s20 =	sadd.s32 s9, s20;
	[smem:$0x7FC] =	sst s13  }
0x30: {  	s10 =	simm.s32 $0x0;
	[dreg:$0x18] =	wrdreg s20;
	s20 =	sadd.s32 s9, s21  }
0x31: {  	[dreg:$0x19] =	wrdreg s20;
	s20 =	sadd.s32 $0x10400, s4;
	s4 =	sadd.s32 s4, s2  }
0x32: {  	s24 =	sadd.s32 s14, s20;
	[dreg:$0x1e] =	wrdreg s4;
	s12 =	sadd.s32 s20, s2  }
0x33: {  	s4 =	simm.s32 $0x8;
	s21 =	sshrl.u32 s24, $0x3;
	s24 =	sadd.s32 s14, s22  }
0x34: {  	s14 =	sadd.s32 s14, s23;
	s22 =	simm.s32 $0x2;
	s23 =	simm.s32 $0x1720  }
0x35: {  	[smem:$0x7FB] =	sst s12;
	s21 =	sadd.s32 s9, s21;
	s26 =	sshrl.u32 s24, $0x3  }
0x36: {  	s14 =	sshrl.u32 s14, $0x3;
	s24 =	sadd.s32 s16, s2;
	[dreg:$0x1b] =	wrdreg s21  }
0x37: {  	s21 =	sadd.s32 s9, s26;
	s9 =	sadd.s32 s9, s14;
	[smem:$0x7F6] =	sst s24  }
0x38: {  	s14 =	sadd.s32 s11, s2;
	s26 =	sadd.s32 s25, s2;
	[dreg:$0x1c] =	wrdreg s21  }
0x39: {  	s11 =	simm.s32 $0x1;
	s24 =	simm.s32 $0x3;
	[dreg:$0x1d] =	wrdreg s9  }
0x3a: {  	s25 =	simm.s32 $0x2B20;
	s21 =	sadd.s32 $0x3DE00, s1;
	[smem:$0x7F3] =	sst s14  }
0x3b: {  	s9 =	sadd.s32 s8, s2;
	[smem:$0x7F7] =	sst s26;
	s8 =	sadd.s32 s19, s2  }
0x3c: {  	s14 =	simm.s32 $0x50;
	s26 =	simm.s32 $0x4;
	[smem:$0x7F1] =	sst s9  }
0x3d: {  	s1 =	simm.s32 $0x9;
	s9 =	simm.s32 $0x2D0;
	[smem:$0x7FA] =	sst s8  }
.LBB2_1:
0x3e: {  	[smem:$0x7EE] =	sst s10  }
0x3f: {  	s6 =	rddreg [dreg:$0x1];
	s16 =	simm.s32 $0x320  }
0x40: {  	[tilespmem:s16], [sflag:$0x1] =	stream.linear.gather [hbm4b:s6+s3], $0x1400, $0x38;
	[tilespmem:$0x1A720] =	vst v63  }
0x41: {  	_ =	swait.ge [sflag:s11], $0x1400  }
0x42: {  	[sflag:s11] =	ssyncset.done $0x0;
	s20 =	rddreg [dreg:$0x1e]  }
0x43: {  	s10 =	rddreg [dreg:$0x1f];
	[sflag:s11] =	ssyncadd.s32 $0xFFFFEC00  }
0x44: {  	[spmem:s20] =	stream.linear.scatter [tilespmem:s16], [sflag:$0xB], $0x1400, $0x38;
	[tilespmem:$0x1A720] =	vst v63  }
0x45: {  	s17 =	sld [smem:$0x7EF]  }
0x46: {  	[spmem:s10] =	stream.linear.scatter [tilespmem:s16], [sflag:$0xB], $0x1400, $0x38;
	[tilespmem:$0x1A720] =	vst v63  }
0x47: {  	s19 =	sld [smem:$0x7F0]  }
0x48: {  	[spmem:s17] =	stream.linear.scatter [tilespmem:s16], [sflag:$0xB], $0x1400, $0x38;
	[tilespmem:$0x1A720] =	vst v63  }
0x49: {  	s20 =	sld [smem:$0x7F1]  }
0x4a: {  	[spmem:s19] =	stream.linear.scatter [tilespmem:s16], [sflag:$0xB], $0x1400, $0x38;
	[tilespmem:$0x1A720] =	vst v63  }
0x4b: {  	s10 =	sld [smem:$0x7F2]  }
0x4c: {  	[spmem:s20] =	stream.linear.scatter [tilespmem:s16], [sflag:$0xB], $0x1400, $0x38;
	[tilespmem:$0x1A720] =	vst v63  }
0x4d: {  	s17 =	sld [smem:$0x7F3]  }
0x4e: {  	[spmem:s10] =	stream.linear.scatter [tilespmem:s16], [sflag:$0xB], $0x1400, $0x38;
	[tilespmem:$0x1A720] =	vst v63  }
0x4f: {  	s19 =	sld [smem:$0x7F4]  }
0x50: {  	[spmem:s17] =	stream.linear.scatter [tilespmem:s16], [sflag:$0xB], $0x1400, $0x38;
	[tilespmem:$0x1A720] =	vst v63  }
0x51: {  	s20 =	sld [smem:$0x7F5]  }
0x52: {  	[spmem:s19] =	stream.linear.scatter [tilespmem:s16], [sflag:$0xB], $0x1400, $0x38;
	[tilespmem:$0x1A720] =	vst v63  }
0x53: {  	s17 =	sld [smem:$0x7F6]  }
0x54: {  	[spmem:s20] =	stream.linear.scatter [tilespmem:s16], [sflag:$0xB], $0x1400, $0x38;
	[tilespmem:$0x1A720] =	vst v63  }
0x55: {  	s10 =	sld [smem:$0x7F7]  }
0x56: {  	[spmem:s17] =	stream.linear.scatter [tilespmem:s16], [sflag:$0xB], $0x1400, $0x38;
	[tilespmem:$0x1A720] =	vst v63  }
0x57: {  	_ = 	snop  }
0x58: {  	[spmem:s10] =	stream.linear.scatter [tilespmem:s16], [sflag:$0xB], $0x1400, $0x38;
	[tilespmem:$0x1A720] =	vst v63  }
0x59: {  	_ = 	snop  }
0x5a: {  	[spmem:s18] =	stream.linear.scatter [tilespmem:s16], [sflag:$0xB], $0x1400, $0x38;
	[tilespmem:$0x1A720] =	vst v63  }
0x5b: {  	_ = 	snop  }
0x5c: {  	[spmem:s8] =	stream.linear.scatter [tilespmem:s16], [sflag:$0xB], $0x1400, $0x38;
	[tilespmem:$0x1A720] =	vst v63  }
0x5d: {  	_ = 	snop  }
0x5e: {  	[spmem:s12] =	stream.linear.scatter [tilespmem:s16], [sflag:$0xB], $0x1400, $0x38;
	[tilespmem:$0x1A720] =	vst v63  }
0x5f: {  	_ = 	snop  }
0x60: {  	[spmem:s13] =	stream.linear.scatter [tilespmem:s16], [sflag:$0xB], $0x1400, $0x38;
	[tilespmem:$0x1A720] =	vst v63  }
0x61: {  	_ = 	snop  }
0x62: {  	[spmem:s15] =	stream.linear.scatter [tilespmem:s16], [sflag:$0xB], $0x1400, $0x38;
	[tilespmem:$0x1A720] =	vst v63  }
0x63: {  	_ =	swait.ge [sflag:s7], $0x1400  }
0x64: {  	[sflag:s7] =	ssyncset.done $0x0  }
0x65: {  	[sflag:s7] =	ssyncadd.s32 $0xFFFFEC00  }
0x66: {  	_ =	swait.ge [sflag:s7], $0x1400  }
0x67: {  	[sflag:s7] =	ssyncset.done $0x0  }
0x68: {  	[sflag:s7] =	ssyncadd.s32 $0xFFFFEC00  }
0x69: {  	_ =	swait.ge [sflag:s7], $0x1400  }
0x6a: {  	[sflag:s7] =	ssyncset.done $0x0  }
0x6b: {  	[sflag:s7] =	ssyncadd.s32 $0xFFFFEC00  }
0x6c: {  	_ =	swait.ge [sflag:s7], $0x1400  }
0x6d: {  	[sflag:s7] =	ssyncset.done $0x0  }
0x6e: {  	[sflag:s7] =	ssyncadd.s32 $0xFFFFEC00  }
0x6f: {  	_ =	swait.ge [sflag:s7], $0x1400  }
0x70: {  	[sflag:s7] =	ssyncset.done $0x0  }
0x71: {  	[sflag:s7] =	ssyncadd.s32 $0xFFFFEC00  }
0x72: {  	_ =	swait.ge [sflag:s7], $0x1400  }
0x73: {  	[sflag:s7] =	ssyncset.done $0x0  }
0x74: {  	[sflag:s7] =	ssyncadd.s32 $0xFFFFEC00  }
0x75: {  	_ =	swait.ge [sflag:s7], $0x1400  }
0x76: {  	[sflag:s7] =	ssyncset.done $0x0  }
0x77: {  	[sflag:s7] =	ssyncadd.s32 $0xFFFFEC00  }
0x78: {  	_ =	swait.ge [sflag:s7], $0x1400  }
0x79: {  	[sflag:s7] =	ssyncset.done $0x0  }
0x7a: {  	[sflag:s7] =	ssyncadd.s32 $0xFFFFEC00  }
0x7b: {  	_ =	swait.ge [sflag:s7], $0x1400  }
0x7c: {  	[sflag:s7] =	ssyncset.done $0x0  }
0x7d: {  	[sflag:s7] =	ssyncadd.s32 $0xFFFFEC00  }
0x7e: {  	_ =	swait.ge [sflag:s7], $0x1400  }
0x7f: {  	[sflag:s7] =	ssyncset.done $0x0  }
0x80: {  	[sflag:s7] =	ssyncadd.s32 $0xFFFFEC00  }
0x81: {  	_ =	swait.ge [sflag:s7], $0x1400  }
0x82: {  	[sflag:s7] =	ssyncset.done $0x0  }
0x83: {  	[sflag:s7] =	ssyncadd.s32 $0xFFFFEC00  }
0x84: {  	_ =	swait.ge [sflag:s7], $0x1400  }
0x85: {  	[sflag:s7] =	ssyncset.done $0x0  }
0x86: {  	[sflag:s7] =	ssyncadd.s32 $0xFFFFEC00  }
0x87: {  	_ =	swait.ge [sflag:s7], $0x1400  }
0x88: {  	[sflag:s7] =	ssyncset.done $0x0  }
0x89: {  	[sflag:s7] =	ssyncadd.s32 $0xFFFFEC00  }
0x8a: {  	_ =	swait.ge [sflag:s7], $0x1400  }
0x8b: {  	[sflag:s7] =	ssyncset.done $0x0  }
0x8c: {  	[sflag:s7] =	ssyncadd.s32 $0xFFFFEC00  }
0x8d: {  	_ =	swait.ge [sflag:s7], $0x1400  }
0x8e: {  	[sflag:s7] =	ssyncset.done $0x0  }
0x8f: {  	[sflag:s7] =	ssyncadd.s32 $0xFFFFEC00  }
0x90: {  	_ =	swait.ge [sflag:s7], $0x1400  }
0x91: {  	[sflag:s7] =	ssyncset.done $0x0  }
0x92: {  	p0 =	por $0x1, $0x1;
	[sflag:s7] =	ssyncadd.s32 $0xFFFFEC00  }
0x93: {  	s6 =	simm.s32 @!p0 $0xB;
	[bflag:$0x0] =	sbarrier.arrive $0xFFFF  }
0x94: {  	_ =	swait.ge @!p0 [sflag:s6], $0x1400  }
0x95: {  	s13 =	rddreg [dreg:$0x5];
	[sflag:s6] =	ssyncset.done @!p0 $0x0  }
0x96: {  	s15 =	rddreg [dreg:$0x4];
	[sflag:s6] =	ssyncadd.s32 @!p0 $0xFFFFEC00;
	s17 =	sadd.s32 $0x0, s13  }
0x97: {  	[tilespmem:s3], [sflag:$0x1] =	stream.linear.gather [hbm4b:s17+s3], $0x50, $0x38;
	[tilespmem:$0x1A720] =	vst v63  }
0x98: {  	s12 =	simm.s32 $0x190;
	s7 =	simm.s32 @!p0 $0xC;
	s18 =	sadd.s32 $0x0, s15  }
0x99: {  	[tilespmem:s12], [sflag:$0x1] =	stream.linear.gather [hbm4b:s18+s3], $0x50, $0x38;
	[tilespmem:$0x1A720] =	vst v63  }
0x9a: {  	_ =	swait.ge @!p0 [sflag:s7], $0x1400  }
0x9b: {  	s19 =	rddreg [dreg:$0xd];
	[sflag:s7] =	ssyncset.done @!p0 $0x0  }
0x9c: {  	s20 =	rddreg [dreg:$0xc];
	[sflag:s7] =	ssyncadd.s32 @!p0 $0xFFFFEC00;
	s6 =	sadd.s32 $0x0, s19  }
0x9d: {  	[tilespmem:s14], [sflag:$0x2] =	stream.linear.gather [hbm4b:s6+s3], $0x50, $0x38;
	[tilespmem:$0x1A720] =	vst v63  }
0x9e: {  	s13 =	simm.s32 $0x1E0;
	s10 =	sadd.s32 $0x0, s20;
	s7 =	simm.s32 @!p0 $0xD  }
0x9f: {  	[tilespmem:s13], [sflag:$0x2] =	stream.linear.gather [hbm4b:s10+s3], $0x50, $0x38;
	[tilespmem:$0x1A720] =	vst v63  }
0xa0: {  	_ =	swait.ge @!p0 [sflag:s7], $0x1400  }
0xa1: {  	s15 =	rddreg [dreg:$0xb]  }
0xa2: {  	[sflag:s7] =	ssyncset.done @!p0 $0x0;
	s17 =	rddreg [dreg:$0xa]  }
0xa3: {  	[sflag:s7] =	ssyncadd.s32 @!p0 $0xFFFFEC00;
	s6 =	sadd.s32 $0x0, s15;
	s15 =	simm.s32 $0xA0  }
0xa4: {  	[tilespmem:s15], [sflag:$0x3] =	stream.linear.gather [hbm4b:s6+s3], $0x50, $0x38;
	[tilespmem:$0x1A720] =	vst v63  }
0xa5: {  	s10 =	simm.s32 $0x230;
	s18 =	sadd.s32 $0x0, s17;
	s7 =	simm.s32 @!p0 $0xE  }
0xa6: {  	[tilespmem:s10], [sflag:$0x3] =	stream.linear.gather [hbm4b:s18+s3], $0x50, $0x38;
	[tilespmem:$0x1A720] =	vst v63  }
0xa7: {  	_ =	swait.ge @!p0 [sflag:s7], $0x1400  }
0xa8: {  	s17 =	simm.s32 $0xF0;
	s19 =	rddreg [dreg:$0x9];
	[sflag:s7] =	ssyncset.done @!p0 $0x0  }
0xa9: {  	s20 =	rddreg [dreg:$0x8];
	[sflag:s7] =	ssyncadd.s32 @!p0 $0xFFFFEC00;
	s6 =	sadd.s32 $0x0, s19  }
0xaa: {  	[tilespmem:s17], [sflag:$0x4] =	stream.linear.gather [hbm4b:s6+s3], $0x50, $0x38;
	[tilespmem:$0x1A720] =	vst v63  }
0xab: {  	s18 =	simm.s32 $0x280;
	s8 =	sadd.s32 $0x0, s20;
	s7 =	simm.s32 @!p0 $0xF  }
0xac: {  	[tilespmem:s18], [sflag:$0x4] =	stream.linear.gather [hbm4b:s8+s3], $0x50, $0x38;
	[tilespmem:$0x1A720] =	vst v63  }
0xad: {  	_ =	swait.ge @!p0 [sflag:s7], $0x1400  }
0xae: {  	s19 =	rddreg [dreg:$0x7]  }
0xaf: {  	[sflag:s7] =	ssyncset.done @!p0 $0x0;
	s20 =	rddreg [dreg:$0x6]  }
0xb0: {  	[sflag:s7] =	ssyncadd.s32 @!p0 $0xFFFFEC00;
	s6 =	sadd.s32 $0x0, s19;
	s19 =	simm.s32 $0x140  }
0xb1: {  	[tilespmem:s19], [sflag:$0x5] =	stream.linear.gather [hbm4b:s6+s3], $0x50, $0x38;
	[tilespmem:$0x1A720] =	vst v63  }
0xb2: {  	s20 =	sadd.s32 $0x0, s20  }
0xb3: {  	[tilespmem:s9], [sflag:$0x5] =	stream.linear.gather [hbm4b:s20+s3], $0x50, $0x38;
	[tilespmem:$0x1A720] =	vst v63  }
0xb4: {  	_ =	swait.ge [sflag:s11], $0x50  }
0xb5: {  	[sflag:s11] =	ssyncset.done $0x0  }
0xb6: {  	[sflag:s11] =	ssyncadd.s32 $0xFFFFFFB0  }
0xb7: {  	_ =	swait.ge [sflag:s11], $0x50  }
0xb8: {  	[sflag:s11] =	ssyncset.done $0x0  }
0xb9: {  	[sflag:s11] =	ssyncadd.s32 $0xFFFFFFB0  }
0xba: {  	[tilespmem:s16], [sflag:$0x6] =	stream.indirect.gather [hbm4b:s21+s14], $0x40, s3, s14, $0xb8;
	[tilespmem:$0x1A720] =	vst v63  }
0xbb: {  	_ =	swait.ge [sflag:s22], $0x50  }
0xbc: {  	[sflag:s22] =	ssyncset.done $0x0  }
0xbd: {  	[sflag:s22] =	ssyncadd.s32 $0xFFFFFFB0  }
0xbe: {  	_ =	swait.ge [sflag:s22], $0x50  }
0xbf: {  	[sflag:s22] =	ssyncset.done $0x0  }
0xc0: {  	[sflag:s22] =	ssyncadd.s32 $0xFFFFFFB0  }
0xc1: {  	[tilespmem:s23], [sflag:$0x7] =	stream.indirect.gather [hbm4b:s21+s14], $0x40, s14, s14, $0xb8;
	[tilespmem:$0x1A720] =	vst v63  }
0xc2: {  	_ =	swait.ge [sflag:s24], $0x50  }
0xc3: {  	[sflag:s24] =	ssyncset.done $0x0  }
0xc4: {  	[sflag:s24] =	ssyncadd.s32 $0xFFFFFFB0  }
0xc5: {  	_ =	swait.ge [sflag:s24], $0x50  }
0xc6: {  	[sflag:s24] =	ssyncset.done $0x0  }
0xc7: {  	[sflag:s24] =	ssyncadd.s32 $0xFFFFFFB0  }
0xc8: {  	[tilespmem:s25], [sflag:$0x8] =	stream.indirect.gather [hbm4b:s21+s14], $0x40, s15, s14, $0xb8;
	[tilespmem:$0x1A720] =	vst v63  }
0xc9: {  	_ =	swait.ge [sflag:s26], $0x50  }
0xca: {  	[sflag:s26] =	ssyncset.done $0x0  }
0xcb: {  	[sflag:s26] =	ssyncadd.s32 $0xFFFFFFB0  }
0xcc: {  	_ =	swait.ge [sflag:s26], $0x50  }
0xcd: {  	[sflag:s26] =	ssyncset.done $0x0  }
0xce: {  	[sflag:s26] =	ssyncadd.s32 $0xFFFFFFB0  }
0xcf: {  	[tilespmem:s28], [sflag:$0x9] =	stream.indirect.gather [hbm4b:s21+s14], $0x40, s17, s14, $0xb8;
	[tilespmem:$0x1A720] =	vst v63  }
0xd0: {  	_ =	swait.ge [sflag:s29], $0x50  }
0xd1: {  	[sflag:s29] =	ssyncset.done $0x0  }
0xd2: {  	[sflag:s29] =	ssyncadd.s32 $0xFFFFFFB0  }
0xd3: {  	_ =	swait.ge [sflag:s29], $0x50  }
0xd4: {  	[sflag:s29] =	ssyncset.done $0x0  }
0xd5: {  	[sflag:s29] =	ssyncadd.s32 $0xFFFFFFB0  }
0xd6: {  	[tilespmem:s30], [sflag:$0xA] =	stream.indirect.gather [hbm4b:s21+s14], $0x40, s19, s14, $0xb8;
	[tilespmem:$0x1A720] =	vst v63  }
0xd7: {  	_ =	swait.ge [sflag:s31], $0x1400  }
0xd8: {  	[sflag:s31] =	ssyncset.done $0x0  }
0xd9: {  	[sflag:s31] =	ssyncadd.s32 $0xFFFFEC00  }
0xda: {  	[spmem:s2] =	stream.indirect.scatter.add.f32 [tilespmem:s16], [sflag:$0xB], $0x40, s12, s14, $0xb8;
	[tilespmem:$0x1A720] =	vst v63  }
0xdb: {  	_ =	swait.ge [sflag:s0], $0x1400  }
0xdc: {  	[sflag:s0] =	ssyncset.done $0x0  }
0xdd: {  	[sflag:s0] =	ssyncadd.s32 $0xFFFFEC00  }
0xde: {  	[spmem:s2] =	stream.indirect.scatter.add.f32 [tilespmem:s23], [sflag:$0xC], $0x40, s13, s14, $0xb8;
	[tilespmem:$0x1A720] =	vst v63  }
0xdf: {  	_ =	swait.ge [sflag:s4], $0x1400  }
0xe0: {  	[sflag:s4] =	ssyncset.done $0x0  }
0xe1: {  	[sflag:s4] =	ssyncadd.s32 $0xFFFFEC00  }
0xe2: {  	[spmem:s2] =	stream.indirect.scatter.add.f32 [tilespmem:s25], [sflag:$0xD], $0x40, s10, s14, $0xb8;
	[tilespmem:$0x1A720] =	vst v63  }
0xe3: {  	_ =	swait.ge [sflag:s1], $0x1400  }
0xe4: {  	[sflag:s1] =	ssyncset.done $0x0  }
0xe5: {  	[sflag:s1] =	ssyncadd.s32 $0xFFFFEC00  }
0xe6: {  	[spmem:s2] =	stream.indirect.scatter.add.f32 [tilespmem:s28], [sflag:$0xE], $0x40, s18, s14, $0xb8;
	[tilespmem:$0x1A720] =	vst v63  }
0xe7: {  	p1 =	por $0x0, $0x0;
	_ =	swait.ge [sflag:s5], $0x1400  }
0xe8: {  	s8 =	simm.s32 $0x32;
	s6 =	simm.s32 $0x64;
	[sflag:s5] =	ssyncset.done $0x0  }
.LBB2_2:
0xe9: {  	s12 =	simm.s32 @!p1 $0xB;
	[sflag:s5] =	ssyncadd.s32 $0xFFFFEC00  }
0xea: {  	[spmem:s2] =	stream.indirect.scatter.add.f32 [tilespmem:s30], [sflag:$0xF], $0x40, s9, s14, $0xb8;
	[tilespmem:$0x1A720] =	vst v63  }
0xeb: {  	_ =	swait.ge @!p1 [sflag:s12], $0x1400  }
0xec: {  	[sflag:s12] =	ssyncset.done @!p1 $0x0;
	s13 =	rddreg [dreg:$0x5]  }
0xed: {  	s17 =	rddreg [dreg:$0x4];
	[sflag:s12] =	ssyncadd.s32 @!p1 $0xFFFFEC00;
	s13 =	sadd.s32 s8, s13  }
0xee: {  	[tilespmem:s3], [sflag:$0x1] =	stream.linear.gather [hbm4b:s13+s3], $0x50, $0x38;
	[tilespmem:$0x1A720] =	vst v63  }
0xef: {  	s16 =	simm.s32 $0x190;
	s12 =	sadd.s32 s8, s17;
	s13 =	simm.s32 @!p1 $0xC  }
0xf0: {  	[tilespmem:s16], [sflag:$0x1] =	stream.linear.gather [hbm4b:s12+s3], $0x50, $0x38;
	[tilespmem:$0x1A720] =	vst v63  }
0xf1: {  	_ =	swait.ge @!p1 [sflag:s13], $0x1400  }
0xf2: {  	s18 =	rddreg [dreg:$0xd];
	[sflag:s13] =	ssyncset.done @!p1 $0x0  }
0xf3: {  	s15 =	rddreg [dreg:$0xc];
	[sflag:s13] =	ssyncadd.s32 @!p1 $0xFFFFEC00;
	s12 =	sadd.s32 s8, s18  }
0xf4: {  	[tilespmem:s14], [sflag:$0x2] =	stream.linear.gather [hbm4b:s12+s3], $0x50, $0x38;
	[tilespmem:$0x1A720] =	vst v63  }
0xf5: {  	s17 =	simm.s32 $0x1E0;
	s19 =	sadd.s32 s8, s15;
	s13 =	simm.s32 @!p1 $0xD  }
0xf6: {  	[tilespmem:s17], [sflag:$0x2] =	stream.linear.gather [hbm4b:s19+s3], $0x50, $0x38;
	[tilespmem:$0x1A720] =	vst v63  }
0xf7: {  	_ =	swait.ge @!p1 [sflag:s13], $0x1400  }
0xf8: {  	s18 =	simm.s32 $0xA0;
	s20 =	rddreg [dreg:$0xb];
	[sflag:s13] =	ssyncset.done @!p1 $0x0  }
0xf9: {  	s10 =	rddreg [dreg:$0xa];
	[sflag:s13] =	ssyncadd.s32 @!p1 $0xFFFFEC00;
	s12 =	sadd.s32 s8, s20  }
0xfa: {  	[tilespmem:s18], [sflag:$0x3] =	stream.linear.gather [hbm4b:s12+s3], $0x50, $0x38;
	[tilespmem:$0x1A720] =	vst v63  }
0xfb: {  	s15 =	sadd.s32 s8, s10;
	s13 =	simm.s32 @!p1 $0xE;
	s10 =	simm.s32 $0x230  }
0xfc: {  	[tilespmem:s10], [sflag:$0x3] =	stream.linear.gather [hbm4b:s15+s3], $0x50, $0x38;
	[tilespmem:$0x1A720] =	vst v63  }
0xfd: {  	_ =	swait.ge @!p1 [sflag:s13], $0x1400  }
0xfe: {  	s19 =	rddreg [dreg:$0x9]  }
0xff: {  	[sflag:s13] =	ssyncset.done @!p1 $0x0;
	s20 =	rddreg [dreg:$0x8]  }
0x100: {  	[sflag:s13] =	ssyncadd.s32 @!p1 $0xFFFFEC00;
	s12 =	sadd.s32 s8, s19;
	s19 =	simm.s32 $0xF0  }
0x101: {  	[tilespmem:s19], [sflag:$0x4] =	stream.linear.gather [hbm4b:s12+s3], $0x50, $0x38;
	[tilespmem:$0x1A720] =	vst v63  }
0x102: {  	s15 =	sadd.s32 s8, s20;
	s13 =	simm.s32 @!p1 $0xF;
	s20 =	simm.s32 $0x280  }
0x103: {  	[tilespmem:s20], [sflag:$0x4] =	stream.linear.gather [hbm4b:s15+s3], $0x50, $0x38;
	[tilespmem:$0x1A720] =	vst v63  }
0x104: {  	_ =	swait.ge @!p1 [sflag:s13], $0x1400  }
0x105: {  	s12 =	rddreg [dreg:$0x7]  }
0x106: {  	[sflag:s13] =	ssyncset.done @!p1 $0x0;
	s15 =	rddreg [dreg:$0x6]  }
0x107: {  	[sflag:s13] =	ssyncadd.s32 @!p1 $0xFFFFEC00;
	s12 =	sadd.s32 s8, s12;
	s13 =	simm.s32 $0x140  }
0x108: {  	[tilespmem:s13], [sflag:$0x5] =	stream.linear.gather [hbm4b:s12+s3], $0x50, $0x38;
	[tilespmem:$0x1A720] =	vst v63  }
0x109: {  	s15 =	sadd.s32 s8, s15  }
0x10a: {  	[tilespmem:s9], [sflag:$0x5] =	stream.linear.gather [hbm4b:s15+s3], $0x50, $0x38;
	[tilespmem:$0x1A720] =	vst v63  }
0x10b: {  	_ =	swait.ge [sflag:s11], $0x50  }
0x10c: {  	[sflag:s11] =	ssyncset.done $0x0  }
0x10d: {  	[sflag:s11] =	ssyncadd.s32 $0xFFFFFFB0  }
0x10e: {  	_ =	swait.ge [sflag:s11], $0x50  }
0x10f: {  	[sflag:s11] =	ssyncset.done $0x0  }
0x110: {  	s15 =	simm.s32 $0x320;
	[sflag:s11] =	ssyncadd.s32 $0xFFFFFFB0  }
0x111: {  	[tilespmem:s15], [sflag:$0x6] =	stream.indirect.gather [hbm4b:s21+s14], $0x40, s3, s14, $0xb8;
	[tilespmem:$0x1A720] =	vst v63  }
0x112: {  	_ =	swait.ge [sflag:s22], $0x50  }
0x113: {  	[sflag:s22] =	ssyncset.done $0x0  }
0x114: {  	[sflag:s22] =	ssyncadd.s32 $0xFFFFFFB0  }
0x115: {  	_ =	swait.ge [sflag:s22], $0x50  }
0x116: {  	[sflag:s22] =	ssyncset.done $0x0  }
0x117: {  	[sflag:s22] =	ssyncadd.s32 $0xFFFFFFB0  }
0x118: {  	[tilespmem:s23], [sflag:$0x7] =	stream.indirect.gather [hbm4b:s21+s14], $0x40, s14, s14, $0xb8;
	[tilespmem:$0x1A720] =	vst v63  }
0x119: {  	_ =	swait.ge [sflag:s24], $0x50  }
0x11a: {  	[sflag:s24] =	ssyncset.done $0x0  }
0x11b: {  	[sflag:s24] =	ssyncadd.s32 $0xFFFFFFB0  }
0x11c: {  	_ =	swait.ge [sflag:s24], $0x50  }
0x11d: {  	[sflag:s24] =	ssyncset.done $0x0  }
0x11e: {  	[sflag:s24] =	ssyncadd.s32 $0xFFFFFFB0  }
0x11f: {  	[tilespmem:s25], [sflag:$0x8] =	stream.indirect.gather [hbm4b:s21+s14], $0x40, s18, s14, $0xb8;
	[tilespmem:$0x1A720] =	vst v63  }
0x120: {  	_ =	swait.ge [sflag:s26], $0x50  }
0x121: {  	[sflag:s26] =	ssyncset.done $0x0  }
0x122: {  	[sflag:s26] =	ssyncadd.s32 $0xFFFFFFB0  }
0x123: {  	_ =	swait.ge [sflag:s26], $0x50  }
0x124: {  	[sflag:s26] =	ssyncset.done $0x0  }
0x125: {  	[sflag:s26] =	ssyncadd.s32 $0xFFFFFFB0  }
0x126: {  	[tilespmem:s28], [sflag:$0x9] =	stream.indirect.gather [hbm4b:s21+s14], $0x40, s19, s14, $0xb8;
	[tilespmem:$0x1A720] =	vst v63  }
0x127: {  	_ =	swait.ge [sflag:s29], $0x50  }
0x128: {  	[sflag:s29] =	ssyncset.done $0x0  }
0x129: {  	[sflag:s29] =	ssyncadd.s32 $0xFFFFFFB0  }
0x12a: {  	_ =	swait.ge [sflag:s29], $0x50  }
0x12b: {  	[sflag:s29] =	ssyncset.done $0x0  }
0x12c: {  	[sflag:s29] =	ssyncadd.s32 $0xFFFFFFB0  }
0x12d: {  	[tilespmem:s30], [sflag:$0xA] =	stream.indirect.gather [hbm4b:s21+s14], $0x40, s13, s14, $0xb8;
	[tilespmem:$0x1A720] =	vst v63  }
0x12e: {  	_ =	swait.ge [sflag:s31], $0x1400  }
0x12f: {  	[sflag:s31] =	ssyncset.done $0x0  }
0x130: {  	[sflag:s31] =	ssyncadd.s32 $0xFFFFEC00  }
0x131: {  	[spmem:s2] =	stream.indirect.scatter.add.f32 [tilespmem:s15], [sflag:$0xB], $0x40, s16, s14, $0xb8;
	[tilespmem:$0x1A720] =	vst v63  }
0x132: {  	_ =	swait.ge [sflag:s0], $0x1400  }
0x133: {  	[sflag:s0] =	ssyncset.done $0x0  }
0x134: {  	[sflag:s0] =	ssyncadd.s32 $0xFFFFEC00  }
0x135: {  	[spmem:s2] =	stream.indirect.scatter.add.f32 [tilespmem:s23], [sflag:$0xC], $0x40, s17, s14, $0xb8;
	[tilespmem:$0x1A720] =	vst v63  }
0x136: {  	_ =	swait.ge [sflag:s4], $0x1400  }
0x137: {  	[sflag:s4] =	ssyncset.done $0x0  }
0x138: {  	s7 =	smov.u32 s6;
	s6 =	sadd.s32 $0x32, s6;
	[sflag:s4] =	ssyncadd.s32 $0xFFFFEC00  }
0x139: {  	[spmem:s2] =	stream.indirect.scatter.add.f32 [tilespmem:s25], [sflag:$0xD], $0x40, s10, s14, $0xb8;
	[tilespmem:$0x1A720] =	vst v63  }
0x13a: {  	p0 =	sne.s32 s6, $0x4E2;
	_ =	swait.ge [sflag:s1], $0x1400  }
.Ltmp0:
0x13b: {  	[sflag:s1] =	ssyncset.done $0x0;
	(pc) =	sbr.rel @p0 .LBB2_2-.Ltmp0, $4  }
0x13c: {  	[sflag:s1] =	ssyncadd.s32 $0xFFFFEC00  }
0x13d: {  	[spmem:s2] =	stream.indirect.scatter.add.f32 [tilespmem:s28], [sflag:$0xE], $0x40, s20, s14, $0xb8;
	[tilespmem:$0x1A720] =	vst v63  }
0x13e: {  	s8 =	smov.u32 s7;
	_ =	swait.ge [sflag:s5], $0x1400  }
0x13f: {  	p1 =	seq.s32 s8, $0x0;
	[sflag:s5] =	ssyncset.done $0x0  }
0x140: {  	s6 =	simm.s32 @!p1 $0xB;
	[sflag:s5] =	ssyncadd.s32 $0xFFFFEC00  }
0x141: {  	[spmem:s2] =	stream.indirect.scatter.add.f32 [tilespmem:s30], [sflag:$0xF], $0x40, s9, s14, $0xb8;
	[tilespmem:$0x1A720] =	vst v63  }
0x142: {  	_ =	swait.ge @!p1 [sflag:s6], $0x1400  }
0x143: {  	s7 =	rddreg [dreg:$0x5];
	[sflag:s6] =	ssyncset.done @!p1 $0x0  }
0x144: {  	s12 =	rddreg [dreg:$0x4];
	[sflag:s6] =	ssyncadd.s32 @!p1 $0xFFFFEC00;
	s15 =	sadd.s32 s8, s7  }
0x145: {  	[tilespmem:s3], [sflag:$0x1] =	stream.linear.gather [hbm4b:s15+s3], $0x50, $0x38;
	[tilespmem:$0x1A720] =	vst v63  }
0x146: {  	s13 =	simm.s32 $0x190;
	s16 =	sadd.s32 s8, s12;
	s7 =	simm.s32 @!p1 $0xC  }
0x147: {  	[tilespmem:s13], [sflag:$0x1] =	stream.linear.gather [hbm4b:s16+s3], $0x50, $0x38;
	[tilespmem:$0x1A720] =	vst v63  }
0x148: {  	_ =	swait.ge @!p1 [sflag:s7], $0x1400  }
0x149: {  	s17 =	rddreg [dreg:$0xd];
	[sflag:s7] =	ssyncset.done @!p1 $0x0  }
0x14a: {  	s18 =	rddreg [dreg:$0xc];
	[sflag:s7] =	ssyncadd.s32 @!p1 $0xFFFFEC00;
	s6 =	sadd.s32 s8, s17  }
0x14b: {  	[tilespmem:s14], [sflag:$0x2] =	stream.linear.gather [hbm4b:s6+s3], $0x50, $0x38;
	[tilespmem:$0x1A720] =	vst v63  }
0x14c: {  	s15 =	simm.s32 $0x1E0;
	s19 =	sadd.s32 s8, s18;
	s7 =	simm.s32 @!p1 $0xD  }
0x14d: {  	[tilespmem:s15], [sflag:$0x2] =	stream.linear.gather [hbm4b:s19+s3], $0x50, $0x38;
	[tilespmem:$0x1A720] =	vst v63  }
0x14e: {  	_ =	swait.ge @!p1 [sflag:s7], $0x1400  }
0x14f: {  	s16 =	simm.s32 $0xA0;
	s20 =	rddreg [dreg:$0xb];
	[sflag:s7] =	ssyncset.done @!p1 $0x0  }
0x150: {  	s10 =	rddreg [dreg:$0xa];
	[sflag:s7] =	ssyncadd.s32 @!p1 $0xFFFFEC00;
	s6 =	sadd.s32 s8, s20  }
0x151: {  	[tilespmem:s16], [sflag:$0x3] =	stream.linear.gather [hbm4b:s6+s3], $0x50, $0x38;
	[tilespmem:$0x1A720] =	vst v63  }
0x152: {  	s17 =	sadd.s32 s8, s10;
	s7 =	simm.s32 @!p1 $0xE;
	s10 =	simm.s32 $0x230  }
0x153: {  	[tilespmem:s10], [sflag:$0x3] =	stream.linear.gather [hbm4b:s17+s3], $0x50, $0x38;
	[tilespmem:$0x1A720] =	vst v63  }
0x154: {  	_ =	swait.ge @!p1 [sflag:s7], $0x1400  }
0x155: {  	s18 =	rddreg [dreg:$0x9]  }
0x156: {  	[sflag:s7] =	ssyncset.done @!p1 $0x0;
	s19 =	rddreg [dreg:$0x8]  }
0x157: {  	[sflag:s7] =	ssyncadd.s32 @!p1 $0xFFFFEC00;
	s6 =	sadd.s32 s8, s18;
	s18 =	simm.s32 $0xF0  }
0x158: {  	[tilespmem:s18], [sflag:$0x4] =	stream.linear.gather [hbm4b:s6+s3], $0x50, $0x38;
	[tilespmem:$0x1A720] =	vst v63  }
0x159: {  	s20 =	sadd.s32 s8, s19;
	s7 =	simm.s32 @!p1 $0xF;
	s19 =	simm.s32 $0x280  }
0x15a: {  	[tilespmem:s19], [sflag:$0x4] =	stream.linear.gather [hbm4b:s20+s3], $0x50, $0x38;
	[tilespmem:$0x1A720] =	vst v63  }
0x15b: {  	_ =	swait.ge @!p1 [sflag:s7], $0x1400  }
0x15c: {  	s20 =	simm.s32 $0x140;
	s12 =	rddreg [dreg:$0x7];
	[sflag:s7] =	ssyncset.done @!p1 $0x0  }
0x15d: {  	s17 =	rddreg [dreg:$0x6];
	[sflag:s7] =	ssyncadd.s32 @!p1 $0xFFFFEC00;
	s6 =	sadd.s32 s8, s12  }
0x15e: {  	[tilespmem:s20], [sflag:$0x5] =	stream.linear.gather [hbm4b:s6+s3], $0x50, $0x38;
	[tilespmem:$0x1A720] =	vst v63  }
0x15f: {  	s8 =	sadd.s32 s8, s17  }
0x160: {  	[tilespmem:s9], [sflag:$0x5] =	stream.linear.gather [hbm4b:s8+s3], $0x50, $0x38;
	[tilespmem:$0x1A720] =	vst v63  }
0x161: {  	_ =	swait.ge [sflag:s11], $0x50  }
0x162: {  	[sflag:s11] =	ssyncset.done $0x0  }
0x163: {  	[sflag:s11] =	ssyncadd.s32 $0xFFFFFFB0  }
0x164: {  	_ =	swait.ge [sflag:s11], $0x50  }
0x165: {  	[sflag:s11] =	ssyncset.done $0x0  }
0x166: {  	s12 =	simm.s32 $0x320;
	[sflag:s11] =	ssyncadd.s32 $0xFFFFFFB0  }
0x167: {  	[tilespmem:s12], [sflag:$0x6] =	stream.indirect.gather [hbm4b:s21+s14], $0x40, s3, s14, $0xb8;
	[tilespmem:$0x1A720] =	vst v63  }
0x168: {  	_ =	swait.ge [sflag:s22], $0x50  }
0x169: {  	[sflag:s22] =	ssyncset.done $0x0  }
0x16a: {  	[sflag:s22] =	ssyncadd.s32 $0xFFFFFFB0  }
0x16b: {  	_ =	swait.ge [sflag:s22], $0x50  }
0x16c: {  	[sflag:s22] =	ssyncset.done $0x0  }
0x16d: {  	[sflag:s22] =	ssyncadd.s32 $0xFFFFFFB0  }
0x16e: {  	[tilespmem:s23], [sflag:$0x7] =	stream.indirect.gather [hbm4b:s21+s14], $0x40, s14, s14, $0xb8;
	[tilespmem:$0x1A720] =	vst v63  }
0x16f: {  	_ =	swait.ge [sflag:s24], $0x50  }
0x170: {  	[sflag:s24] =	ssyncset.done $0x0  }
0x171: {  	[sflag:s24] =	ssyncadd.s32 $0xFFFFFFB0  }
0x172: {  	_ =	swait.ge [sflag:s24], $0x50  }
0x173: {  	[sflag:s24] =	ssyncset.done $0x0  }
0x174: {  	[sflag:s24] =	ssyncadd.s32 $0xFFFFFFB0  }
0x175: {  	[tilespmem:s25], [sflag:$0x8] =	stream.indirect.gather [hbm4b:s21+s14], $0x40, s16, s14, $0xb8;
	[tilespmem:$0x1A720] =	vst v63  }
0x176: {  	_ =	swait.ge [sflag:s26], $0x50  }
0x177: {  	[sflag:s26] =	ssyncset.done $0x0  }
0x178: {  	[sflag:s26] =	ssyncadd.s32 $0xFFFFFFB0  }
0x179: {  	_ =	swait.ge [sflag:s26], $0x50  }
0x17a: {  	[sflag:s26] =	ssyncset.done $0x0  }
0x17b: {  	[sflag:s26] =	ssyncadd.s32 $0xFFFFFFB0  }
0x17c: {  	[tilespmem:s28], [sflag:$0x9] =	stream.indirect.gather [hbm4b:s21+s14], $0x40, s18, s14, $0xb8;
	[tilespmem:$0x1A720] =	vst v63  }
0x17d: {  	_ =	swait.ge [sflag:s29], $0x50  }
0x17e: {  	[sflag:s29] =	ssyncset.done $0x0  }
0x17f: {  	[sflag:s29] =	ssyncadd.s32 $0xFFFFFFB0  }
0x180: {  	_ =	swait.ge [sflag:s29], $0x50  }
0x181: {  	[sflag:s29] =	ssyncset.done $0x0  }
0x182: {  	[sflag:s29] =	ssyncadd.s32 $0xFFFFFFB0  }
0x183: {  	[tilespmem:s30], [sflag:$0xA] =	stream.indirect.gather [hbm4b:s21+s14], $0x40, s20, s14, $0xb8;
	[tilespmem:$0x1A720] =	vst v63  }
0x184: {  	_ =	swait.ge [sflag:s31], $0x1400  }
0x185: {  	[sflag:s31] =	ssyncset.done $0x0  }
0x186: {  	s8 =	simm.s32 $0x320;
	[sflag:s31] =	ssyncadd.s32 $0xFFFFEC00  }
0x187: {  	[spmem:s2] =	stream.indirect.scatter.add.f32 [tilespmem:s8], [sflag:$0xB], $0x40, s13, s14, $0xb8;
	[tilespmem:$0x1A720] =	vst v63  }
0x188: {  	_ =	swait.ge [sflag:s0], $0x1400  }
0x189: {  	[sflag:s0] =	ssyncset.done $0x0  }
0x18a: {  	[sflag:s0] =	ssyncadd.s32 $0xFFFFEC00  }
0x18b: {  	[spmem:s2] =	stream.indirect.scatter.add.f32 [tilespmem:s23], [sflag:$0xC], $0x40, s15, s14, $0xb8;
	[tilespmem:$0x1A720] =	vst v63  }
0x18c: {  	_ =	swait.ge [sflag:s4], $0x1400  }
0x18d: {  	[sflag:s4] =	ssyncset.done $0x0  }
0x18e: {  	[sflag:s4] =	ssyncadd.s32 $0xFFFFEC00  }
0x18f: {  	[spmem:s2] =	stream.indirect.scatter.add.f32 [tilespmem:s25], [sflag:$0xD], $0x40, s10, s14, $0xb8;
	[tilespmem:$0x1A720] =	vst v63  }
0x190: {  	_ =	swait.ge [sflag:s1], $0x1400  }
0x191: {  	[sflag:s1] =	ssyncset.done $0x0  }
0x192: {  	[sflag:s1] =	ssyncadd.s32 $0xFFFFEC00  }
0x193: {  	[spmem:s2] =	stream.indirect.scatter.add.f32 [tilespmem:s28], [sflag:$0xE], $0x40, s19, s14, $0xb8;
	[tilespmem:$0x1A720] =	vst v63  }
0x194: {  	_ =	swait.ge [sflag:s5], $0x1400  }
0x195: {  	[sflag:s5] =	ssyncset.done $0x0  }
0x196: {  	s7 =	simm.s32 $0xB;
	[sflag:s5] =	ssyncadd.s32 $0xFFFFEC00  }
0x197: {  	[spmem:s2] =	stream.indirect.scatter.add.f32 [tilespmem:s30], [sflag:$0xF], $0x40, s9, s14, $0xb8;
	[tilespmem:$0x1A720] =	vst v63  }
0x198: {  	_ =	swait.ge [sflag:s7], $0x1400  }
0x199: {  	[sflag:s7] =	ssyncset.done $0x0  }
0x19a: {  	s10 =	simm.s32 $0xC;
	[sflag:s7] =	ssyncadd.s32 $0xFFFFEC00  }
0x19b: {  	_ =	swait.ge [sflag:s10], $0x1400  }
0x19c: {  	[sflag:s10] =	ssyncset.done $0x0  }
0x19d: {  	s16 =	simm.s32 $0xD;
	[sflag:s10] =	ssyncadd.s32 $0xFFFFEC00  }
0x19e: {  	_ =	swait.ge [sflag:s16], $0x1400  }
0x19f: {  	[sflag:s16] =	ssyncset.done $0x0  }
0x1a0: {  	s18 =	simm.s32 $0xE;
	[sflag:s16] =	ssyncadd.s32 $0xFFFFEC00  }
0x1a1: {  	_ =	swait.ge [sflag:s18], $0x1400  }
0x1a2: {  	[sflag:s18] =	ssyncset.done $0x0  }
0x1a3: {  	s19 =	simm.s32 $0xF;
	[sflag:s18] =	ssyncadd.s32 $0xFFFFEC00  }
0x1a4: {  	_ =	swait.ge [sflag:s19], $0x1400  }
0x1a5: {  	[sflag:s19] =	ssyncset.done $0x0  }
0x1a6: {  	[sflag:s19] =	ssyncadd.s32 $0xFFFFEC00  }
0x1a7: {  	[bflag:$0x0] =	sbarrier.arrive $0xFFFF  }
0x1a8: {  	s17 =	rddreg [dreg:$0x1e]  }
0x1a9: {  	[tilespmem:s8], [sflag:$0x6] =	stream.linear.gather [spmem:s17], $0x1400, $0x38;
	[tilespmem:$0x1A720] =	vst v63  }
0x1aa: {  	_ =	swait.ge [sflag:s31], $0x1400  }
0x1ab: {  	[sflag:s31] =	ssyncset.done $0x0  }
0x1ac: {  	s20 =	rddreg [dreg:$0xe];
	[sflag:s31] =	ssyncadd.s32 $0xFFFFEC00  }
0x1ad: {  	[hbm4b:s20+s3] =	stream.linear.scatter [tilespmem:s8], [sflag:$0xB], $0x1400, $0x38;
	[tilespmem:$0x1A720] =	vst v63  }
0x1ae: {  	s12 =	rddreg [dreg:$0x1f]  }
0x1af: {  	[tilespmem:s23], [sflag:$0x7] =	stream.linear.gather [spmem:s12], $0x1400, $0x38;
	[tilespmem:$0x1A720] =	vst v63  }
0x1b0: {  	_ =	swait.ge [sflag:s0], $0x1400  }
0x1b1: {  	[sflag:s0] =	ssyncset.done $0x0;
	s13 =	rddreg [dreg:$0xf]  }
0x1b2: {  	s15 =	sld [smem:$0x7EF];
	[sflag:s0] =	ssyncadd.s32 $0xFFFFEC00  }
0x1b3: {  	[hbm4b:s13+s3] =	stream.linear.scatter [tilespmem:s23], [sflag:$0xC], $0x1400, $0x38;
	[tilespmem:$0x1A720] =	vst v63  }
0x1b4: {  	_ = 	snop  }
0x1b5: {  	[tilespmem:s25], [sflag:$0x8] =	stream.linear.gather [spmem:s15], $0x1400, $0x38;
	[tilespmem:$0x1A720] =	vst v63  }
0x1b6: {  	_ =	swait.ge [sflag:s4], $0x1400  }
0x1b7: {  	[sflag:s4] =	ssyncset.done $0x0;
	s17 =	rddreg [dreg:$0x10]  }
0x1b8: {  	s20 =	sld [smem:$0x7F0];
	[sflag:s4] =	ssyncadd.s32 $0xFFFFEC00  }
0x1b9: {  	[hbm4b:s17+s3] =	stream.linear.scatter [tilespmem:s25], [sflag:$0xD], $0x1400, $0x38;
	[tilespmem:$0x1A720] =	vst v63  }
0x1ba: {  	_ = 	snop  }
0x1bb: {  	[tilespmem:s28], [sflag:$0x9] =	stream.linear.gather [spmem:s20], $0x1400, $0x38;
	[tilespmem:$0x1A720] =	vst v63  }
0x1bc: {  	_ =	swait.ge [sflag:s1], $0x1400  }
0x1bd: {  	[sflag:s1] =	ssyncset.done $0x0;
	s12 =	rddreg [dreg:$0x11]  }
0x1be: {  	s13 =	sld [smem:$0x7F1];
	[sflag:s1] =	ssyncadd.s32 $0xFFFFEC00  }
0x1bf: {  	[hbm4b:s12+s3] =	stream.linear.scatter [tilespmem:s28], [sflag:$0xE], $0x1400, $0x38;
	[tilespmem:$0x1A720] =	vst v63  }
0x1c0: {  	_ = 	snop  }
0x1c1: {  	[tilespmem:s30], [sflag:$0xA] =	stream.linear.gather [spmem:s13], $0x1400, $0x38;
	[tilespmem:$0x1A720] =	vst v63  }
0x1c2: {  	_ =	swait.ge [sflag:s5], $0x1400  }
0x1c3: {  	[sflag:s5] =	ssyncset.done $0x0  }
0x1c4: {  	s15 =	rddreg [dreg:$0x12];
	[sflag:s5] =	ssyncadd.s32 $0xFFFFEC00  }
0x1c5: {  	[hbm4b:s15+s3] =	stream.linear.scatter [tilespmem:s30], [sflag:$0xF], $0x1400, $0x38;
	[tilespmem:$0x1A720] =	vst v63  }
0x1c6: {  	_ =	swait.ge [sflag:s7], $0x1400  }
0x1c7: {  	s17 =	sld [smem:$0x7F2]  }
0x1c8: {  	[sflag:s7] =	ssyncset.done $0x0  }
0x1c9: {  	[sflag:s7] =	ssyncadd.s32 $0xFFFFEC00  }
0x1ca: {  	[tilespmem:s8], [sflag:$0x6] =	stream.linear.gather [spmem:s17], $0x1400, $0x38;
	[tilespmem:$0x1A720] =	vst v63  }
0x1cb: {  	_ =	swait.ge [sflag:s31], $0x1400  }
0x1cc: {  	[sflag:s31] =	ssyncset.done $0x0  }
0x1cd: {  	s20 =	rddreg [dreg:$0x13];
	[sflag:s31] =	ssyncadd.s32 $0xFFFFEC00  }
0x1ce: {  	[hbm4b:s20+s3] =	stream.linear.scatter [tilespmem:s8], [sflag:$0xB], $0x1400, $0x38;
	[tilespmem:$0x1A720] =	vst v63  }
0x1cf: {  	_ =	swait.ge [sflag:s10], $0x1400  }
0x1d0: {  	s12 =	sld [smem:$0x7F3]  }
0x1d1: {  	[sflag:s10] =	ssyncset.done $0x0  }
0x1d2: {  	[sflag:s10] =	ssyncadd.s32 $0xFFFFEC00  }
0x1d3: {  	[tilespmem:s23], [sflag:$0x7] =	stream.linear.gather [spmem:s12], $0x1400, $0x38;
	[tilespmem:$0x1A720] =	vst v63  }
0x1d4: {  	_ =	swait.ge [sflag:s0], $0x1400  }
0x1d5: {  	[sflag:s0] =	ssyncset.done $0x0  }
0x1d6: {  	s13 =	rddreg [dreg:$0x14];
	[sflag:s0] =	ssyncadd.s32 $0xFFFFEC00  }
0x1d7: {  	[hbm4b:s13+s3] =	stream.linear.scatter [tilespmem:s23], [sflag:$0xC], $0x1400, $0x38;
	[tilespmem:$0x1A720] =	vst v63  }
0x1d8: {  	_ =	swait.ge [sflag:s16], $0x1400  }
0x1d9: {  	s15 =	sld [smem:$0x7F4]  }
0x1da: {  	[sflag:s16] =	ssyncset.done $0x0  }
0x1db: {  	[sflag:s16] =	ssyncadd.s32 $0xFFFFEC00  }
0x1dc: {  	[tilespmem:s25], [sflag:$0x8] =	stream.linear.gather [spmem:s15], $0x1400, $0x38;
	[tilespmem:$0x1A720] =	vst v63  }
0x1dd: {  	_ =	swait.ge [sflag:s4], $0x1400  }
0x1de: {  	[sflag:s4] =	ssyncset.done $0x0  }
0x1df: {  	s17 =	rddreg [dreg:$0x15];
	[sflag:s4] =	ssyncadd.s32 $0xFFFFEC00  }
0x1e0: {  	[hbm4b:s17+s3] =	stream.linear.scatter [tilespmem:s25], [sflag:$0xD], $0x1400, $0x38;
	[tilespmem:$0x1A720] =	vst v63  }
0x1e1: {  	_ =	swait.ge [sflag:s18], $0x1400  }
0x1e2: {  	s20 =	sld [smem:$0x7F5]  }
0x1e3: {  	[sflag:s18] =	ssyncset.done $0x0  }
0x1e4: {  	[sflag:s18] =	ssyncadd.s32 $0xFFFFEC00  }
0x1e5: {  	[tilespmem:s28], [sflag:$0x9] =	stream.linear.gather [spmem:s20], $0x1400, $0x38;
	[tilespmem:$0x1A720] =	vst v63  }
0x1e6: {  	_ =	swait.ge [sflag:s1], $0x1400  }
0x1e7: {  	[sflag:s1] =	ssyncset.done $0x0  }
0x1e8: {  	s12 =	rddreg [dreg:$0x16];
	[sflag:s1] =	ssyncadd.s32 $0xFFFFEC00  }
0x1e9: {  	[hbm4b:s12+s3] =	stream.linear.scatter [tilespmem:s28], [sflag:$0xE], $0x1400, $0x38;
	[tilespmem:$0x1A720] =	vst v63  }
0x1ea: {  	_ =	swait.ge [sflag:s19], $0x1400  }
0x1eb: {  	s13 =	sld [smem:$0x7F6]  }
0x1ec: {  	[sflag:s19] =	ssyncset.done $0x0  }
0x1ed: {  	[sflag:s19] =	ssyncadd.s32 $0xFFFFEC00  }
0x1ee: {  	[tilespmem:s30], [sflag:$0xA] =	stream.linear.gather [spmem:s13], $0x1400, $0x38;
	[tilespmem:$0x1A720] =	vst v63  }
0x1ef: {  	_ =	swait.ge [sflag:s5], $0x1400  }
0x1f0: {  	[sflag:s5] =	ssyncset.done $0x0  }
0x1f1: {  	s15 =	rddreg [dreg:$0x17];
	[sflag:s5] =	ssyncadd.s32 $0xFFFFEC00  }
0x1f2: {  	[hbm4b:s15+s3] =	stream.linear.scatter [tilespmem:s30], [sflag:$0xF], $0x1400, $0x38;
	[tilespmem:$0x1A720] =	vst v63  }
0x1f3: {  	_ =	swait.ge [sflag:s7], $0x1400  }
0x1f4: {  	s17 =	sld [smem:$0x7F7]  }
0x1f5: {  	[sflag:s7] =	ssyncset.done $0x0  }
0x1f6: {  	s8 =	simm.s32 $0x320;
	[sflag:s7] =	ssyncadd.s32 $0xFFFFEC00  }
0x1f7: {  	[tilespmem:s8], [sflag:$0x6] =	stream.linear.gather [spmem:s17], $0x1400, $0x38;
	[tilespmem:$0x1A720] =	vst v63  }
0x1f8: {  	_ =	swait.ge [sflag:s31], $0x1400  }
0x1f9: {  	[sflag:s31] =	ssyncset.done $0x0  }
0x1fa: {  	s20 =	rddreg [dreg:$0x18];
	[sflag:s31] =	ssyncadd.s32 $0xFFFFEC00  }
0x1fb: {  	[hbm4b:s20+s3] =	stream.linear.scatter [tilespmem:s8], [sflag:$0xB], $0x1400, $0x38;
	[tilespmem:$0x1A720] =	vst v63  }
0x1fc: {  	_ =	swait.ge [sflag:s10], $0x1400  }
0x1fd: {  	s17 =	sld [smem:$0x7F9]  }
0x1fe: {  	[sflag:s10] =	ssyncset.done $0x0  }
0x1ff: {  	[sflag:s10] =	ssyncadd.s32 $0xFFFFEC00  }
0x200: {  	[tilespmem:s23], [sflag:$0x7] =	stream.linear.gather [spmem:s17], $0x1400, $0x38;
	[tilespmem:$0x1A720] =	vst v63  }
0x201: {  	_ =	swait.ge [sflag:s0], $0x1400  }
0x202: {  	[sflag:s0] =	ssyncset.done $0x0  }
0x203: {  	s8 =	rddreg [dreg:$0x19];
	[sflag:s0] =	ssyncadd.s32 $0xFFFFEC00  }
0x204: {  	[hbm4b:s8+s3] =	stream.linear.scatter [tilespmem:s23], [sflag:$0xC], $0x1400, $0x38;
	[tilespmem:$0x1A720] =	vst v63  }
0x205: {  	_ =	swait.ge [sflag:s16], $0x1400  }
0x206: {  	s8 =	sld [smem:$0x7FA]  }
0x207: {  	[sflag:s16] =	ssyncset.done $0x0  }
0x208: {  	[sflag:s16] =	ssyncadd.s32 $0xFFFFEC00  }
0x209: {  	[tilespmem:s25], [sflag:$0x8] =	stream.linear.gather [spmem:s8], $0x1400, $0x38;
	[tilespmem:$0x1A720] =	vst v63  }
0x20a: {  	_ =	swait.ge [sflag:s4], $0x1400  }
0x20b: {  	[sflag:s4] =	ssyncset.done $0x0  }
0x20c: {  	s12 =	rddreg [dreg:$0x1a];
	[sflag:s4] =	ssyncadd.s32 $0xFFFFEC00  }
0x20d: {  	[hbm4b:s12+s3] =	stream.linear.scatter [tilespmem:s25], [sflag:$0xD], $0x1400, $0x38;
	[tilespmem:$0x1A720] =	vst v63  }
0x20e: {  	_ =	swait.ge [sflag:s18], $0x1400  }
0x20f: {  	s12 =	sld [smem:$0x7FB]  }
0x210: {  	[sflag:s18] =	ssyncset.done $0x0  }
0x211: {  	[sflag:s18] =	ssyncadd.s32 $0xFFFFEC00  }
0x212: {  	[tilespmem:s28], [sflag:$0x9] =	stream.linear.gather [spmem:s12], $0x1400, $0x38;
	[tilespmem:$0x1A720] =	vst v63  }
0x213: {  	_ =	swait.ge [sflag:s1], $0x1400  }
0x214: {  	[sflag:s1] =	ssyncset.done $0x0  }
0x215: {  	s13 =	rddreg [dreg:$0x1b];
	[sflag:s1] =	ssyncadd.s32 $0xFFFFEC00  }
0x216: {  	[hbm4b:s13+s3] =	stream.linear.scatter [tilespmem:s28], [sflag:$0xE], $0x1400, $0x38;
	[tilespmem:$0x1A720] =	vst v63  }
0x217: {  	_ =	swait.ge [sflag:s19], $0x1400  }
0x218: {  	s13 =	sld [smem:$0x7FC]  }
0x219: {  	[sflag:s19] =	ssyncset.done $0x0  }
0x21a: {  	[sflag:s19] =	ssyncadd.s32 $0xFFFFEC00  }
0x21b: {  	[tilespmem:s30], [sflag:$0xA] =	stream.linear.gather [spmem:s13], $0x1400, $0x38;
	[tilespmem:$0x1A720] =	vst v63  }
0x21c: {  	_ =	swait.ge [sflag:s5], $0x1400  }
0x21d: {  	[sflag:s5] =	ssyncset.done $0x0  }
0x21e: {  	s15 =	rddreg [dreg:$0x1c];
	[sflag:s5] =	ssyncadd.s32 $0xFFFFEC00  }
0x21f: {  	[hbm4b:s15+s3] =	stream.linear.scatter [tilespmem:s30], [sflag:$0xF], $0x1400, $0x38;
	[tilespmem:$0x1A720] =	vst v63  }
0x220: {  	_ =	swait.ge [sflag:s7], $0x1400  }
0x221: {  	s15 =	sld [smem:$0x7FD]  }
0x222: {  	[sflag:s7] =	ssyncset.done $0x0  }
0x223: {  	s20 =	simm.s32 $0x320;
	[sflag:s7] =	ssyncadd.s32 $0xFFFFEC00  }
0x224: {  	[tilespmem:s20], [sflag:$0x6] =	stream.linear.gather [spmem:s15], $0x1400, $0x38;
	[tilespmem:$0x1A720] =	vst v63  }
0x225: {  	_ =	swait.ge [sflag:s31], $0x1400  }
0x226: {  	[sflag:s31] =	ssyncset.done $0x0  }
0x227: {  	s6 =	rddreg [dreg:$0x1d];
	[sflag:s31] =	ssyncadd.s32 $0xFFFFEC00  }
0x228: {  	[hbm4b:s6+s3] =	stream.linear.scatter [tilespmem:s20], [sflag:$0xB], $0x1400, $0x38;
	[tilespmem:$0x1A720] =	vst v63  }
0x229: {  	_ =	swait.ge [sflag:s7], $0x1400  }
0x22a: {  	[sflag:s7] =	ssyncset.done $0x0  }
0x22b: {  	[sflag:s7] =	ssyncadd.s32 $0xFFFFEC00  }
0x22c: {  	_ =	swait.ge [sflag:s10], $0x1400  }
0x22d: {  	[sflag:s10] =	ssyncset.done $0x0  }
0x22e: {  	[sflag:s10] =	ssyncadd.s32 $0xFFFFEC00  }
0x22f: {  	_ =	swait.ge [sflag:s16], $0x1400  }
0x230: {  	[sflag:s16] =	ssyncset.done $0x0  }
0x231: {  	[sflag:s16] =	ssyncadd.s32 $0xFFFFEC00  }
0x232: {  	_ =	swait.ge [sflag:s18], $0x1400  }
0x233: {  	[sflag:s18] =	ssyncset.done $0x0  }
0x234: {  	[sflag:s18] =	ssyncadd.s32 $0xFFFFEC00  }
0x235: {  	_ =	swait.ge [sflag:s19], $0x1400  }
0x236: {  	s18 =	smov.u32 s17;
	s17 =	sld [smem:$0x7EE]  }
0x237: {  	s20 =	sld [smem:$0x7F8];
	_ =	sdelay $0x1  }
0x238: {  	s10 =	sadd.s32 $0x1, s17  }
0x239: {  	p0 =	sne.s32 s10, s20  }
.Ltmp1:
0x23a: {  	_ = 	snop;
	(pc) =	sbr.rel @p0 .LBB2_1-.Ltmp1, $3  }
0x23b: {  	_ =	sdelay $0x1  }
0x23c: {  	[sflag:s19] =	ssyncset.done $0x0  }
0x23d: {  	[sflag:s19] =	ssyncadd.s32 $0xFFFFEC00  }
0x23e: {  	_ =	sfence.sel $0x180000  }
0x23f: {  	[bflag:$0x0] =	sbarrier.arrive $0xFFFF  }
0x240: {  	_ =	strace $0x9000004A  }
0x241: {  	s0 =	stileid.u32;
	[bflag:$0x2] =	sbarrier.arrive $0xFFFF  }
0x242: {  	p0 =	sne.s32 s0, $0x0;
	s0 =	rddreg [dreg:$0x3]  }
0x243: {  	s0 =	sadd.s32 @!p0 $0x100000, s0  }
0x244: {  	[sflag:s0] =	ssyncadd.tile.s32 @!p0 $0x1;
	_ =	shalt  }
.Lfunc_end2:
_tile_overlayer_lowered:
.L_overlay_start_2:
0x245: {  	(tag) =	ssettag $0x2  }
0x246: {  	s0 =	rddreg [dreg:$0x0];
	s2 =	stileid.u32  }
0x247: {  	s1 =	rddreg [dreg:$0x1];
	p0 =	sne.s32 s2, $0x0  }
0x248: {  	s3 =	rddreg [dreg:$0x2];
	[bflag:$0x3] =	sbarrier.arrive $0xFFFF;
	s2 =	simm.s32 @!p0 $0x1C10  }
0x249: {  	[timem:s3], [sflag:s2] =	dma.local @!p0 [hbm:s0], s1  }
0x24a: {  	s0 =	simm.s32 @!p0 $0x10  }
0x24b: {  	_ =	swait.ge @!p0 [sflag:s0], s1  }
0x24c: {  	s1 =	ssub.s32 @!p0 $0x0, s1;
	[sflag:s0] =	ssyncset.done @!p0 $0x0  }
0x24d: {  	[sflag:s0] =	ssyncadd.s32 @!p0 s1  }
0x24e: {  	[bflag:$0x3] =	sbarrier.arrive $0xFFFF  }
0x24f: {  	_ =	shalt  }

// kernel: kernel.15.cloned.1.call-start
scs
__scs_entry_jumppad:
0x0: {  	(pc) =	sbr.rel $0x88, $3  }
0x1: {  	(tag) =	ssettag $0x0;
	lr =	simm.s32 $0x1  }
0x2: {  	[smem:$0x3F98] =	sst lr;
	_ =	strace $0xD0000000  }
0x3: {  	_ = 	snop  }
0x4: {  	_ = 	snop  }
0x5: {  	_ = 	snop  }
0x6: {  	_ = 	snop  }
0x7: {  	_ = 	snop  }
__scs_overlays_trampoline_lowered:
0x8: {  	[smem:$0x3FA7] =	sst s0  }
0x9: {  	[smem:$0x3FA8] =	sst s1  }
0xa: {  	[smem:$0x3FA9] =	sst s2  }
0xb: {  	[smem:$0x3FAA] =	sst s3  }
0xc: {  	[smem:$0x3FAB] =	sst s4  }
0xd: {  	[smem:$0x3FAC] =	sst s5  }
0xe: {  	[smem:$0x3FAD] =	sst s6  }
0xf: {  	[smem:$0x3FAE] =	sst s7  }
0x10: {  	[smem:$0x3FAF] =	sst s8  }
0x11: {  	[smem:$0x3FB0] =	sst s9;
	s0 =	simm.s32 @!p0 $0x0  }
0x12: {  	s1 =	sld [smem:$0x3F96];
	s0 =	simm.s32 @p0 $0x1  }
0x13: {  	[smem:$0x3FB1] =	sst s0;
	s0 =	simm.s32 @!p1 $0x0  }
0x14: {  	s2 =	sld [smem:$0x3F95];
	s0 =	simm.s32 @p1 $0x1  }
0x15: {  	[smem:$0x3FB2] =	sst s0;
	s0 =	simm.s32 @!p2 $0x0  }
0x16: {  	s3 =	sld [smem:$0x3FDB];
	s0 =	simm.s32 @p2 $0x1  }
0x17: {  	s4 =	simm.s32 $0x1BF5;
	[smem:$0x3FB4] =	sst s0  }
0x18: {  	s0 =	sld [smem:$0x3F97];
	_ =	swait.ge [sflag:s4], $0x0  }
0x19: {  	s7 =	sld [smem:$0x3F98]  }
0x1a: {  	s8 =	sadd.s32 $0xFFFFE003, lr  }
0x1b: {  	s9 =	sadd.s32 $0xFFFFFEF7, lr;
	s5 =	simm.s32 $0xFFFFFFFF;
	p2 =	slt.u32 s8, $0xFFFFF086  }
0x1c: {  	p1 =	slt.u32 s9, $0xF7A;
	s5 =	simm.s32 @!p2 $0x0  }
0x1d: {  	s5 =	simm.s32 @p1 $0x1;
	p0 =	seq.s32 s7, s2  }
0x1e: {  	s7 =	smul.u32 @!p0 $0xF7A, s2;
	p2 =	seq.s32 @!p0 s5, $0x0  }
0x1f: {  	s9 =	smul.u32 $0xF7A, s1;
	s8 =	simm.s32 @!p0 $0x1BF5;
	p2 =	por !p2, p0  }
0x20: {  	[sflag:s8] =	ssyncset.s32 @!p0 $0xFFFFF086;
	s6 =	sadd.s32 @!p0 s3, s7;
	s7 =	simm.s32 @!p0 $0x108  }
0x21: {  	s3 =	sadd.s32 s3, s9;
	s6 =	sadd.s32 @!p0 $0x88, s6;
	s7 =	simm.s32 @p2 $0x1082  }
0x22: {  	[simem:s7], [sflag:s8] =	dma.local @!p0 [hbm:s6], $0xF7A  }
0x23: {  	s9 =	sor.u32 $0xD0000000, s2;
	s6 =	simm.s32 $0x108;
	_ =	swait.ge @!p0 [sflag:s8], $0x0  }
0x24: {  	s3 =	sadd.s32 $0x88, s3;
	s6 =	simm.s32 @!p1 $0x1082;
	[sflag:s4] =	ssyncset.s32 $0xFFFFF086  }
0x25: {  	[simem:s6], [sflag:s4] =	dma.local [hbm:s3], $0xF7A  }
0x26: {  	[smem:$0x3F98] =	sst s1;
	(tag) =	ssettag s2;
	_ =	strace s9  }
0x27: {  	s1 =	sld [smem:$0x3FA8]  }
0x28: {  	s2 =	sld [smem:$0x3FA9]  }
0x29: {  	s4 =	sld [smem:$0x3FAB]  }
0x2a: {  	p0 =	seq.s32 s5, $0x0;
	s5 =	sld [smem:$0x3FAC]  }
0x2b: {  	s6 =	sld [smem:$0x3FAD]  }
0x2c: {  	s7 =	sld [smem:$0x3FAE]  }
0x2d: {  	s3 =	simm.s32 $0x108;
	s8 =	sld [smem:$0x3FAF]  }
0x2e: {  	s3 =	simm.s32 @!p0 $0x1082;
	s9 =	sld [smem:$0x3FB0]  }
0x2f: {  	lr =	sadd.s32 s0, s3;
	s0 =	sld [smem:$0x3FA7]  }
0x30: {  	s3 =	sld [smem:$0x3FAA]  }
0x31: {  	[smem:$0x3FB3] =	sst s10  }
0x32: {  	s10 =	sld [smem:$0x3FB1];
	_ =	sdelay $0x3  }
0x33: {  	p0 =	seq.s32 s10, $0x1;
	s10 =	sld [smem:$0x3FB3];
	_ =	sdelay $0x3  }
0x34: {  	[smem:$0x3FB3] =	sst s10  }
0x35: {  	s10 =	sld [smem:$0x3FB2];
	_ =	sdelay $0x3  }
0x36: {  	p1 =	seq.s32 s10, $0x1;
	s10 =	sld [smem:$0x3FB3];
	_ =	sdelay $0x3  }
0x37: {  	[smem:$0x3FB3] =	sst s10  }
0x38: {  	s10 =	sld [smem:$0x3FB4]  }
0x39: {  	_ = 	snop;
	(pc) =	sbr.ind lr, $3  }
0x3a: {  	_ = 	snop  }
0x3b: {  	_ = 	snop  }
0x3c: {  	p2 =	seq.s32 s10, $0x1;
	s10 =	sld [smem:$0x3FB3]  }
0x3d: {  	_ =	shalt  }
0x3e: {  	_ =	shalt  }
0x3f: {  	_ =	shalt  }
0x40: {  	_ =	shalt  }
0x41: {  	_ =	shalt  }
0x42: {  	_ =	shalt  }
0x43: {  	_ =	shalt  }
0x44: {  	_ =	shalt  }
0x45: {  	_ =	shalt  }
0x46: {  	_ =	shalt  }
0x47: {  	_ =	shalt  }
0x48: {  	_ =	shalt  }
0x49: {  	_ =	shalt  }
0x4a: {  	_ =	shalt  }
0x4b: {  	_ =	shalt  }
0x4c: {  	_ =	shalt  }
0x4d: {  	_ =	shalt  }
0x4e: {  	_ =	shalt  }
0x4f: {  	_ =	shalt  }
0x50: {  	_ =	shalt  }
0x51: {  	_ =	shalt  }
0x52: {  	_ =	shalt  }
0x53: {  	_ =	shalt  }
0x54: {  	_ =	shalt  }
0x55: {  	_ =	shalt  }
0x56: {  	_ =	shalt  }
0x57: {  	_ =	shalt  }
0x58: {  	_ =	shalt  }
0x59: {  	_ =	shalt  }
0x5a: {  	_ =	shalt  }
0x5b: {  	_ =	shalt  }
0x5c: {  	_ =	shalt  }
0x5d: {  	_ =	shalt  }
0x5e: {  	_ =	shalt  }
0x5f: {  	_ =	shalt  }
0x60: {  	_ =	shalt  }
0x61: {  	_ =	shalt  }
0x62: {  	_ =	shalt  }
0x63: {  	_ =	shalt  }
0x64: {  	_ =	shalt  }
0x65: {  	_ =	shalt  }
0x66: {  	_ =	shalt  }
0x67: {  	_ =	shalt  }
0x68: {  	_ =	shalt  }
0x69: {  	_ =	shalt  }
0x6a: {  	_ =	shalt  }
0x6b: {  	_ =	shalt  }
0x6c: {  	_ =	shalt  }
0x6d: {  	_ =	shalt  }
0x6e: {  	_ =	shalt  }
0x6f: {  	_ =	shalt  }
0x70: {  	_ =	shalt  }
0x71: {  	_ =	shalt  }
0x72: {  	_ =	shalt  }
0x73: {  	_ =	shalt  }
0x74: {  	_ =	shalt  }
0x75: {  	_ =	shalt  }
0x76: {  	_ =	shalt  }
0x77: {  	_ =	shalt  }
0x78: {  	_ =	shalt  }
0x79: {  	_ =	shalt  }
0x7a: {  	_ =	shalt  }
0x7b: {  	_ =	shalt  }
0x7c: {  	_ =	shalt  }
0x7d: {  	_ =	shalt  }
0x7e: {  	_ =	shalt  }
0x7f: {  	_ =	shalt  }
0x80: {  	_ =	shalt  }
0x81: {  	_ =	shalt  }
0x82: {  	_ =	shalt  }
0x83: {  	_ =	shalt  }
0x84: {  	_ =	shalt  }
0x85: {  	_ =	shalt  }
0x86: {  	_ =	shalt  }
0x87: {  	_ =	shalt  }
.Lfunc_end0:
.L_simem_size_0:
called_computation.2_lowered:
.L_overlay_start_0:
0x88: {  	s2 =	sld [smem:$0x3FD9]  }
0x89: {  	s3 =	sld [smem:$0x3FFE];
	_ =	sdelay $0x1  }
0x8a: {  	s1 =	srdreg.scid  }
0x8b: {  	s0 =	sand.u32 $0x1, s1  }
0x8c: {  	s17 =	sshll.u32 s0, $0xA;
	s2 =	sadd.s32 s3, s2  }
0x8d: {  	s2 =	sadd.s32 s2, s17  }
0x8e: {  	[smem:$0x3FBF] =	sst s2  }
0x8f: {  	_ = 	snop  }
0x90: {  	s2 =	sld [smem:$0x3FD0];
	(tm) =	ssettm $0x1  }
0x91: {  	s18 =	sld [smem:$0x3FFB];
	_ =	sdelay $0x3  }
0x92: {  	_ =	strace s18  }
0x93: {  	s3 =	sld [smem:$0x3FFC];
	_ =	sdelay $0x3  }
0x94: {  	_ =	strace s3  }
0x95: {  	s3 =	sld [smem:$0x3FFD];
	_ =	sdelay $0x3  }
0x96: {  	_ =	strace s3  }
0x97: {  	_ =	strace $0x8FFFFFFF  }
0x98: {  	s19 =	sld [smem:$0x3FDB];
	_ =	sdelay $0x1  }
0x99: {  	s4 =	simm.s32 $_scs_section_size  }
0x9a: {  	s5 =	simm.s32 $_size__tile_overlayer_lowered;
	s6 =	simm.s32 $_tile_overlayer_lowered  }
0x9b: {  	s22 =	simm.s32 $0x1BFF;
	s21 =	sshll.u32 s6, $0x1;
	s3 =	sadd.s32 s4, s19  }
0x9c: {  	s7 =	simm.s32 $0x0;
	s20 =	sshll.u32 s5, $0x1;
	s5 =	sadd.s32 s21, s3  }
0x9d: {  	[timem:s7], [sflag:s22] =	dma.local [hbm:s5], s20  }
0x9e: {  	_ =	swait.ge [sflag:s22], s20  }
0x9f: {  	s4 =	ssub.s32 $0x0, s20;
	[sflag:s22] =	ssyncset.done $0x0  }
0xa0: {  	[sflag:s22] =	ssyncadd.s32 s4;
	_ =	sdelay $0x1  }
0xa1: {  	s23 =	simm.s32 $0x1B8B  }
0xa2: {  	_ =	swait.ge [sflag:s23], $0x1  }
0xa3: {  	[sflag:s23] =	ssyncset.done $0x0  }
0xa4: {  	s25 =	simm.s32 $0x1B8E;
	s24 =	sld [smem:$0x3FFE];
	[sflag:s23] =	ssyncadd.s32 $0xFFFFFFFF  }
0xa5: {  	s26 =	simm.s32 $execute0_lowered;
	[smem:$0x3FD2] =	sst s25  }
0xa6: {  	s5 =	sshll.u32 s26, $0x1;
	_ =	strace $0x8000004C;
	[dreg:$0x1] =	wrdreg $0xFFFFFFFF  }
0xa7: {  	s28 =	simm.s32 $_size_execute0_lowered;
	s3 =	sadd.s32 s3, s5;
	[dreg:$0x0] =	wrdreg $0x0  }
0xa8: {  	s5 =	sshll.u32 s28, $0x1;
	[dreg:$0x2] =	wrdreg s3  }
0xa9: {  	[dreg:$0x3] =	wrdreg s5  }
0xaa: {  	[dreg:$0x4] =	wrdreg $0xC0  }
0xab: {  	_ =	task [dreg:s7], $0x5FFFF  }
0xac: {  	[dreg:$0x1] =	wrdreg $0xFFFFFFFF  }
0xad: {  	[dreg:$0x0] =	wrdreg $0x60  }
0xae: {  	[dreg:$0x2] =	wrdreg s24  }
0xaf: {  	[dreg:$0x3] =	wrdreg s2  }
0xb0: {  	[dreg:$0x4] =	wrdreg $0x1C200  }
0xb1: {  	[dreg:$0x5] =	wrdreg $0x9  }
0xb2: {  	_ =	task.clear_ibuf [dreg:s7], $0x6FFFF;
	_ =	strace $0x9000004C  }
0xb3: {  	s29 =	simm.s32 $0x9;
	_ =	strace $0x8000004E  }
0xb4: {  	_ =	swait.ge [sflag:s29], $0x1  }
0xb5: {  	[sflag:s29] =	ssyncadd.s32 $0xFFFFFFFF  }
0xb6: {  	_ =	strace $0x9000004E  }
0xb7: {  	_ =	sfence  }
0xb8: {  	s30 =	sld [smem:$0x0];
	_ =	sdelay $0x2  }
0xb9: {  	s31 =	sshll.u32 s1, $0xD;
	s1 =	sshrl.u32 s1, $0x2  }
0xba: {  	s3 =	sand.u32 $0x4000, s31;
	s1 =	sadd.s32 s1, s30  }
0xbb: {  	s0 =	sor.u32 s3, s0;
	s1 =	sshll.u32 s1, $0x11  }
0xbc: {  	s0 =	sor.u32 s1, s0  }
0xbd: {  	s0 =	sadd.s32 $0x8F2B, s0  }
0xbe: {  	[sflag:s0] =	ssyncadd.remote.s32 $0x1  }
0xbf: {  	_ =	sfence.sel $0xFFFF  }
0xc0: {  	[dreg:$0x0] =	wrdreg $0xFFFFFFFF;
	(pc) =	sbr.abs _section_cstart, $3  }
0xc1: {  	[dreg:$0x1] =	wrdreg $0xFFFFFFFF  }
0xc2: {  	_ =	task.clear_ibuf [dreg:s7], $0x2FFFF;
	_ =	strace $0x9FFFFFFF  }
0xc3: {  	(tm) =	ssettm $0x7FFFFFFF  }
tec
execute0_lowered:
.L_overlay_start_1:
0x0: {  	(tag) =	ssettag $0x1  }
0x1: {  	s1 =	rddreg [dreg:$0x0]  }
0x2: {  	s2 =	rddreg [dreg:$0x2];
	s3 =	simm.s32 $0x0  }
0x3: {  	s0 =	srdreg.scid;
	s12 =	stileid.u32;
	s28 =	simm.s32 $0x1220  }
0x4: {  	s29 =	simm.s32 $0x5;
	s30 =	simm.s32 $0x1720;
	s31 =	simm.s32 $0x6  }
0x5: {  	[smem:$0x7FF] =	sst s3;
	s10 =	sand.u32 $0x1, s0;
	s4 =	smul.u32 $0x5000, s12  }
0x6: {  	s15 =	sadd.s32 $0x2A200, s1;
	s16 =	sadd.s32 $0x34000, s1;
	s18 =	smul.u32 $0x2710, s12  }
0x7: {  	s9 =	sadd.s32 $0xC800, s1;
	s0 =	ssub.s32 $0x2, s10;
	s14 =	smul.u32 $0x50000, s10  }
0x8: {  	_ =	strace $0x8000004D;
	s17 =	smul.u32 $0x27100, s10;
	s5 =	sshrl.u32 s0, $0x1  }
0x9: {  	s6 =	sor.u32 $0xA00, s4;
	s7 =	sor.u32 $0xF00, s4;
	s8 =	sadd.s32 $0x1400, s4  }
0xa: {  	s10 =	sadd.s32 $0x1900, s4;
	s11 =	sadd.s32 $0x1E00, s4;
	s12 =	sadd.s32 $0x2300, s4  }
0xb: {  	s13 =	sadd.s32 $0x2800, s4;
	s0 =	ssub.s32 s0, s5;
	s19 =	sadd.s32 s4, s14  }
0xc: {  	s5 =	sor.u32 $0x500, s4;
	s17 =	sadd.s32 s18, s17;
	s19 =	sshrl.u32 s19, $0x3  }
0xd: {  	s20 =	sadd.s32 s14, s5;
	s22 =	sadd.s32 $0x140, s17;
	s5 =	sadd.s32 s5, s2  }
0xe: {  	s0 =	smax.u32 s0, $0x1;
	s26 =	sadd.s32 s9, s19;
	[dreg:$0x1f] =	wrdreg s5  }
0xf: {  	s19 =	sshrl.u32 s20, $0x3;
	s20 =	sshrl.u32 s17, $0x3;
	[smem:$0x7F8] =	sst s0  }
0x10: {  	s24 =	sshrl.u32 s22, $0x3;
	[dreg:$0xe] =	wrdreg s26;
	s18 =	sadd.s32 s9, s19  }
0x11: {  	s0 =	simm.s32 $0x7;
	s21 =	sadd.s32 s20, s16;
	[dreg:$0xf] =	wrdreg s18  }
0x12: {  	s5 =	simm.s32 $0xA;
	s23 =	sadd.s32 s20, s15;
	[dreg:$0x4] =	wrdreg s21  }
0x13: {  	s25 =	sadd.s32 s24, s16;
	s26 =	sadd.s32 $0xF0, s17;
	[dreg:$0x5] =	wrdreg s23  }
0x14: {  	s19 =	sadd.s32 s14, s11;
	[dreg:$0x6] =	wrdreg s25;
	s21 =	sadd.s32 s24, s15  }
0x15: {  	s22 =	sshrl.u32 s26, $0x3;
	s24 =	sadd.s32 $0xA0, s17;
	s17 =	sadd.s32 $0x50, s17  }
0x16: {  	[dreg:$0x7] =	wrdreg s21;
	s23 =	sadd.s32 s22, s16;
	s25 =	sadd.s32 s22, s15  }
0x17: {  	s26 =	sshrl.u32 s24, $0x3;
	s21 =	sadd.s32 s14, s6;
	[dreg:$0x8] =	wrdreg s23  }
0x18: {  	s17 =	sshrl.u32 s17, $0x3;
	s6 =	sadd.s32 s6, s2;
	[dreg:$0x9] =	wrdreg s25  }
0x19: {  	s22 =	sadd.s32 s26, s16;
	s20 =	sshrl.u32 s21, $0x3;
	s23 =	sadd.s32 s14, s7  }
0x1a: {  	s24 =	sadd.s32 s26, s15;
	s25 =	sadd.s32 s14, s8;
	[smem:$0x7EF] =	sst s6  }
0x1b: {  	s16 =	sadd.s32 s17, s16;
	s26 =	sadd.s32 s14, s10;
	[dreg:$0xa] =	wrdreg s22  }
0x1c: {  	s15 =	sadd.s32 s17, s15;
	s21 =	sadd.s32 s14, s12;
	[dreg:$0xb] =	wrdreg s24  }
0x1d: {  	s7 =	sadd.s32 s7, s2;
	s10 =	sadd.s32 s10, s2;
	[dreg:$0xc] =	wrdreg s16  }
0x1e: {  	s20 =	sadd.s32 s9, s20;
	s18 =	sshrl.u32 s23, $0x3;
	[dreg:$0xd] =	wrdreg s15  }
0x1f: {  	s16 =	sshrl.u32 s26, $0x3;
	s17 =	sshrl.u32 s21, $0x3;
	[smem:$0x7F0] =	sst s7  }
0x20: {  	s22 =	sadd.s32 s14, s13;
	[smem:$0x7F2] =	sst s10;
	s15 =	sadd.s32 s12, s2  }
0x21: {  	[dreg:$0x10] =	wrdreg s20;
	s18 =	sadd.s32 s9, s18;
	s16 =	sadd.s32 s9, s16  }
0x22: {  	s20 =	sshrl.u32 s19, $0x3;
	s17 =	sadd.s32 s9, s17;
	[smem:$0x7F4] =	sst s15  }
0x23: {  	s24 =	sshrl.u32 s22, $0x3;
	s19 =	sadd.s32 $0x3C00, s4;
	[dreg:$0x11] =	wrdreg s18  }
0x24: {  	s18 =	sshrl.u32 s25, $0x3;
	[dreg:$0x13] =	wrdreg s16;
	s16 =	sadd.s32 s9, s20  }
0x25: {  	[dreg:$0x15] =	wrdreg s17;
	s17 =	sadd.s32 s9, s24;
	s22 =	sadd.s32 s14, s19  }
0x26: {  	s18 =	sadd.s32 s9, s18;
	[dreg:$0x14] =	wrdreg s16;
	s16 =	sadd.s32 $0x2D00, s4  }
0x27: {  	[dreg:$0x16] =	wrdreg s17;
	s22 =	sshrl.u32 s22, $0x3;
	s23 =	sadd.s32 s14, s16  }
0x28: {  	[dreg:$0x12] =	wrdreg s18;
	s18 =	sadd.s32 $0x3700, s4;
	s25 =	sshrl.u32 s23, $0x3  }
0x29: {  	s21 =	sadd.s32 s14, s18;
	s23 =	sadd.s32 s9, s22;
	s22 =	sadd.s32 $0x4600, s4  }
0x2a: {  	s18 =	sadd.s32 s18, s2;
	s26 =	sadd.s32 s9, s25;
	[dreg:$0x1a] =	wrdreg s23  }
0x2b: {  	s25 =	sadd.s32 $0x3200, s4;
	s23 =	sadd.s32 $0x4B00, s4;
	[smem:$0x7F9] =	sst s18  }
0x2c: {  	[dreg:$0x17] =	wrdreg s26;
	s17 =	sadd.s32 s14, s25;
	s15 =	sadd.s32 s23, s2  }
0x2d: {  	s20 =	sshrl.u32 s17, $0x3;
	s17 =	sadd.s32 s13, s2;
	[smem:$0x7FD] =	sst s15  }
0x2e: {  	s7 =	simm.s32 $0xB;
	s13 =	sadd.s32 s22, s2;
	[smem:$0x7F5] =	sst s17  }
0x2f: {  	s21 =	sshrl.u32 s21, $0x3;
	s20 =	sadd.s32 s9, s20;
	[smem:$0x7FC] =	sst s13  }
0x30: {  	s10 =	simm.s32 $0x0;
	[dreg:$0x18] =	wrdreg s20;
	s20 =	sadd.s32 s9, s21  }
0x31: {  	[dreg:$0x19] =	wrdreg s20;
	s20 =	sadd.s32 $0x4100, s4;
	s4 =	sadd.s32 s4, s2  }
0x32: {  	s24 =	sadd.s32 s14, s20;
	[dreg:$0x1e] =	wrdreg s4;
	s12 =	sadd.s32 s20, s2  }
0x33: {  	s4 =	simm.s32 $0x8;
	s21 =	sshrl.u32 s24, $0x3;
	s24 =	sadd.s32 s14, s22  }
0x34: {  	s14 =	sadd.s32 s14, s23;
	s22 =	simm.s32 $0x2;
	s23 =	simm.s32 $0x820  }
0x35: {  	[smem:$0x7FB] =	sst s12;
	s21 =	sadd.s32 s9, s21;
	s26 =	sshrl.u32 s24, $0x3  }
0x36: {  	s14 =	sshrl.u32 s14, $0x3;
	s24 =	sadd.s32 s16, s2;
	[dreg:$0x1b] =	wrdreg s21  }
0x37: {  	s21 =	sadd.s32 s9, s26;
	s9 =	sadd.s32 s9, s14;
	[smem:$0x7F6] =	sst s24  }
0x38: {  	s14 =	sadd.s32 s11, s2;
	s26 =	sadd.s32 s25, s2;
	[dreg:$0x1c] =	wrdreg s21  }
0x39: {  	s11 =	simm.s32 $0x1;
	s24 =	simm.s32 $0x3;
	[dreg:$0x1d] =	wrdreg s9  }
0x3a: {  	s25 =	simm.s32 $0xD20;
	s21 =	sadd.s32 $0x2800, s1;
	[smem:$0x7F3] =	sst s14  }
0x3b: {  	s9 =	sadd.s32 s8, s2;
	[smem:$0x7F7] =	sst s26;
	s8 =	sadd.s32 s19, s2  }
0x3c: {  	s14 =	simm.s32 $0x50;
	s26 =	simm.s32 $0x4;
	[smem:$0x7F1] =	sst s9  }
0x3d: {  	s1 =	simm.s32 $0x9;
	s9 =	simm.s32 $0x2D0;
	[smem:$0x7FA] =	sst s8  }
.LBB2_1:
0x3e: {  	[smem:$0x7EE] =	sst s10  }
0x3f: {  	s6 =	rddreg [dreg:$0x1];
	s16 =	simm.s32 $0x320  }
0x40: {  	[tilespmem:s16], [sflag:$0x1] =	stream.linear.gather [hbm4b:s6+s3], $0x500, $0x38;
	[tilespmem:$0x6C20] =	vst v63  }
0x41: {  	_ =	swait.ge [sflag:s11], $0x500  }
0x42: {  	[sflag:s11] =	ssyncset.done $0x0;
	s20 =	rddreg [dreg:$0x1e]  }
0x43: {  	s10 =	rddreg [dreg:$0x1f];
	[sflag:s11] =	ssyncadd.s32 $0xFFFFFB00  }
0x44: {  	[spmem:s20] =	stream.linear.scatter [tilespmem:s16], [sflag:$0xB], $0x500, $0x38;
	[tilespmem:$0x6C20] =	vst v63  }
0x45: {  	s17 =	sld [smem:$0x7EF]  }
0x46: {  	[spmem:s10] =	stream.linear.scatter [tilespmem:s16], [sflag:$0xB], $0x500, $0x38;
	[tilespmem:$0x6C20] =	vst v63  }
0x47: {  	s19 =	sld [smem:$0x7F0]  }
0x48: {  	[spmem:s17] =	stream.linear.scatter [tilespmem:s16], [sflag:$0xB], $0x500, $0x38;
	[tilespmem:$0x6C20] =	vst v63  }
0x49: {  	s20 =	sld [smem:$0x7F1]  }
0x4a: {  	[spmem:s19] =	stream.linear.scatter [tilespmem:s16], [sflag:$0xB], $0x500, $0x38;
	[tilespmem:$0x6C20] =	vst v63  }
0x4b: {  	s10 =	sld [smem:$0x7F2]  }
0x4c: {  	[spmem:s20] =	stream.linear.scatter [tilespmem:s16], [sflag:$0xB], $0x500, $0x38;
	[tilespmem:$0x6C20] =	vst v63  }
0x4d: {  	s17 =	sld [smem:$0x7F3]  }
0x4e: {  	[spmem:s10] =	stream.linear.scatter [tilespmem:s16], [sflag:$0xB], $0x500, $0x38;
	[tilespmem:$0x6C20] =	vst v63  }
0x4f: {  	s19 =	sld [smem:$0x7F4]  }
0x50: {  	[spmem:s17] =	stream.linear.scatter [tilespmem:s16], [sflag:$0xB], $0x500, $0x38;
	[tilespmem:$0x6C20] =	vst v63  }
0x51: {  	s20 =	sld [smem:$0x7F5]  }
0x52: {  	[spmem:s19] =	stream.linear.scatter [tilespmem:s16], [sflag:$0xB], $0x500, $0x38;
	[tilespmem:$0x6C20] =	vst v63  }
0x53: {  	s17 =	sld [smem:$0x7F6]  }
0x54: {  	[spmem:s20] =	stream.linear.scatter [tilespmem:s16], [sflag:$0xB], $0x500, $0x38;
	[tilespmem:$0x6C20] =	vst v63  }
0x55: {  	s10 =	sld [smem:$0x7F7]  }
0x56: {  	[spmem:s17] =	stream.linear.scatter [tilespmem:s16], [sflag:$0xB], $0x500, $0x38;
	[tilespmem:$0x6C20] =	vst v63  }
0x57: {  	_ = 	snop  }
0x58: {  	[spmem:s10] =	stream.linear.scatter [tilespmem:s16], [sflag:$0xB], $0x500, $0x38;
	[tilespmem:$0x6C20] =	vst v63  }
0x59: {  	_ = 	snop  }
0x5a: {  	[spmem:s18] =	stream.linear.scatter [tilespmem:s16], [sflag:$0xB], $0x500, $0x38;
	[tilespmem:$0x6C20] =	vst v63  }
0x5b: {  	_ = 	snop  }
0x5c: {  	[spmem:s8] =	stream.linear.scatter [tilespmem:s16], [sflag:$0xB], $0x500, $0x38;
	[tilespmem:$0x6C20] =	vst v63  }
0x5d: {  	_ = 	snop  }
0x5e: {  	[spmem:s12] =	stream.linear.scatter [tilespmem:s16], [sflag:$0xB], $0x500, $0x38;
	[tilespmem:$0x6C20] =	vst v63  }
0x5f: {  	_ = 	snop  }
0x60: {  	[spmem:s13] =	stream.linear.scatter [tilespmem:s16], [sflag:$0xB], $0x500, $0x38;
	[tilespmem:$0x6C20] =	vst v63  }
0x61: {  	_ = 	snop  }
0x62: {  	[spmem:s15] =	stream.linear.scatter [tilespmem:s16], [sflag:$0xB], $0x500, $0x38;
	[tilespmem:$0x6C20] =	vst v63  }
0x63: {  	_ =	swait.ge [sflag:s7], $0x500  }
0x64: {  	[sflag:s7] =	ssyncset.done $0x0  }
0x65: {  	[sflag:s7] =	ssyncadd.s32 $0xFFFFFB00  }
0x66: {  	_ =	swait.ge [sflag:s7], $0x500  }
0x67: {  	[sflag:s7] =	ssyncset.done $0x0  }
0x68: {  	[sflag:s7] =	ssyncadd.s32 $0xFFFFFB00  }
0x69: {  	_ =	swait.ge [sflag:s7], $0x500  }
0x6a: {  	[sflag:s7] =	ssyncset.done $0x0  }
0x6b: {  	[sflag:s7] =	ssyncadd.s32 $0xFFFFFB00  }
0x6c: {  	_ =	swait.ge [sflag:s7], $0x500  }
0x6d: {  	[sflag:s7] =	ssyncset.done $0x0  }
0x6e: {  	[sflag:s7] =	ssyncadd.s32 $0xFFFFFB00  }
0x6f: {  	_ =	swait.ge [sflag:s7], $0x500  }
0x70: {  	[sflag:s7] =	ssyncset.done $0x0  }
0x71: {  	[sflag:s7] =	ssyncadd.s32 $0xFFFFFB00  }
0x72: {  	_ =	swait.ge [sflag:s7], $0x500  }
0x73: {  	[sflag:s7] =	ssyncset.done $0x0  }
0x74: {  	[sflag:s7] =	ssyncadd.s32 $0xFFFFFB00  }
0x75: {  	_ =	swait.ge [sflag:s7], $0x500  }
0x76: {  	[sflag:s7] =	ssyncset.done $0x0  }
0x77: {  	[sflag:s7] =	ssyncadd.s32 $0xFFFFFB00  }
0x78: {  	_ =	swait.ge [sflag:s7], $0x500  }
0x79: {  	[sflag:s7] =	ssyncset.done $0x0  }
0x7a: {  	[sflag:s7] =	ssyncadd.s32 $0xFFFFFB00  }
0x7b: {  	_ =	swait.ge [sflag:s7], $0x500  }
0x7c: {  	[sflag:s7] =	ssyncset.done $0x0  }
0x7d: {  	[sflag:s7] =	ssyncadd.s32 $0xFFFFFB00  }
0x7e: {  	_ =	swait.ge [sflag:s7], $0x500  }
0x7f: {  	[sflag:s7] =	ssyncset.done $0x0  }
0x80: {  	[sflag:s7] =	ssyncadd.s32 $0xFFFFFB00  }
0x81: {  	_ =	swait.ge [sflag:s7], $0x500  }
0x82: {  	[sflag:s7] =	ssyncset.done $0x0  }
0x83: {  	[sflag:s7] =	ssyncadd.s32 $0xFFFFFB00  }
0x84: {  	_ =	swait.ge [sflag:s7], $0x500  }
0x85: {  	[sflag:s7] =	ssyncset.done $0x0  }
0x86: {  	[sflag:s7] =	ssyncadd.s32 $0xFFFFFB00  }
0x87: {  	_ =	swait.ge [sflag:s7], $0x500  }
0x88: {  	[sflag:s7] =	ssyncset.done $0x0  }
0x89: {  	[sflag:s7] =	ssyncadd.s32 $0xFFFFFB00  }
0x8a: {  	_ =	swait.ge [sflag:s7], $0x500  }
0x8b: {  	[sflag:s7] =	ssyncset.done $0x0  }
0x8c: {  	[sflag:s7] =	ssyncadd.s32 $0xFFFFFB00  }
0x8d: {  	_ =	swait.ge [sflag:s7], $0x500  }
0x8e: {  	[sflag:s7] =	ssyncset.done $0x0  }
0x8f: {  	[sflag:s7] =	ssyncadd.s32 $0xFFFFFB00  }
0x90: {  	_ =	swait.ge [sflag:s7], $0x500  }
0x91: {  	[sflag:s7] =	ssyncset.done $0x0  }
0x92: {  	p0 =	por $0x1, $0x1;
	[sflag:s7] =	ssyncadd.s32 $0xFFFFFB00  }
0x93: {  	s6 =	simm.s32 @!p0 $0xB;
	[bflag:$0x0] =	sbarrier.arrive $0xFFFF  }
0x94: {  	_ =	swait.ge @!p0 [sflag:s6], $0x500  }
0x95: {  	s13 =	rddreg [dreg:$0x5];
	[sflag:s6] =	ssyncset.done @!p0 $0x0  }
0x96: {  	s15 =	rddreg [dreg:$0x4];
	[sflag:s6] =	ssyncadd.s32 @!p0 $0xFFFFFB00;
	s17 =	sadd.s32 $0x0, s13  }
0x97: {  	[tilespmem:s3], [sflag:$0x1] =	stream.linear.gather [hbm4b:s17+s3], $0x50, $0x38;
	[tilespmem:$0x6C20] =	vst v63  }
0x98: {  	s12 =	simm.s32 $0x190;
	s7 =	simm.s32 @!p0 $0xC;
	s18 =	sadd.s32 $0x0, s15  }
0x99: {  	[tilespmem:s12], [sflag:$0x1] =	stream.linear.gather [hbm4b:s18+s3], $0x50, $0x38;
	[tilespmem:$0x6C20] =	vst v63  }
0x9a: {  	_ =	swait.ge @!p0 [sflag:s7], $0x500  }
0x9b: {  	s19 =	rddreg [dreg:$0xd];
	[sflag:s7] =	ssyncset.done @!p0 $0x0  }
0x9c: {  	s20 =	rddreg [dreg:$0xc];
	[sflag:s7] =	ssyncadd.s32 @!p0 $0xFFFFFB00;
	s6 =	sadd.s32 $0x0, s19  }
0x9d: {  	[tilespmem:s14], [sflag:$0x2] =	stream.linear.gather [hbm4b:s6+s3], $0x50, $0x38;
	[tilespmem:$0x6C20] =	vst v63  }
0x9e: {  	s13 =	simm.s32 $0x1E0;
	s10 =	sadd.s32 $0x0, s20;
	s7 =	simm.s32 @!p0 $0xD  }
0x9f: {  	[tilespmem:s13], [sflag:$0x2] =	stream.linear.gather [hbm4b:s10+s3], $0x50, $0x38;
	[tilespmem:$0x6C20] =	vst v63  }
0xa0: {  	_ =	swait.ge @!p0 [sflag:s7], $0x500  }
0xa1: {  	s15 =	rddreg [dreg:$0xb]  }
0xa2: {  	[sflag:s7] =	ssyncset.done @!p0 $0x0;
	s17 =	rddreg [dreg:$0xa]  }
0xa3: {  	[sflag:s7] =	ssyncadd.s32 @!p0 $0xFFFFFB00;
	s6 =	sadd.s32 $0x0, s15;
	s15 =	simm.s32 $0xA0  }
0xa4: {  	[tilespmem:s15], [sflag:$0x3] =	stream.linear.gather [hbm4b:s6+s3], $0x50, $0x38;
	[tilespmem:$0x6C20] =	vst v63  }
0xa5: {  	s10 =	simm.s32 $0x230;
	s18 =	sadd.s32 $0x0, s17;
	s7 =	simm.s32 @!p0 $0xE  }
0xa6: {  	[tilespmem:s10], [sflag:$0x3] =	stream.linear.gather [hbm4b:s18+s3], $0x50, $0x38;
	[tilespmem:$0x6C20] =	vst v63  }
0xa7: {  	_ =	swait.ge @!p0 [sflag:s7], $0x500  }
0xa8: {  	s17 =	simm.s32 $0xF0;
	s19 =	rddreg [dreg:$0x9];
	[sflag:s7] =	ssyncset.done @!p0 $0x0  }
0xa9: {  	s20 =	rddreg [dreg:$0x8];
	[sflag:s7] =	ssyncadd.s32 @!p0 $0xFFFFFB00;
	s6 =	sadd.s32 $0x0, s19  }
0xaa: {  	[tilespmem:s17], [sflag:$0x4] =	stream.linear.gather [hbm4b:s6+s3], $0x50, $0x38;
	[tilespmem:$0x6C20] =	vst v63  }
0xab: {  	s18 =	simm.s32 $0x280;
	s8 =	sadd.s32 $0x0, s20;
	s7 =	simm.s32 @!p0 $0xF  }
0xac: {  	[tilespmem:s18], [sflag:$0x4] =	stream.linear.gather [hbm4b:s8+s3], $0x50, $0x38;
	[tilespmem:$0x6C20] =	vst v63  }
0xad: {  	_ =	swait.ge @!p0 [sflag:s7], $0x500  }
0xae: {  	s19 =	rddreg [dreg:$0x7]  }
0xaf: {  	[sflag:s7] =	ssyncset.done @!p0 $0x0;
	s20 =	rddreg [dreg:$0x6]  }
0xb0: {  	[sflag:s7] =	ssyncadd.s32 @!p0 $0xFFFFFB00;
	s6 =	sadd.s32 $0x0, s19;
	s19 =	simm.s32 $0x140  }
0xb1: {  	[tilespmem:s19], [sflag:$0x5] =	stream.linear.gather [hbm4b:s6+s3], $0x50, $0x38;
	[tilespmem:$0x6C20] =	vst v63  }
0xb2: {  	s20 =	sadd.s32 $0x0, s20  }
0xb3: {  	[tilespmem:s9], [sflag:$0x5] =	stream.linear.gather [hbm4b:s20+s3], $0x50, $0x38;
	[tilespmem:$0x6C20] =	vst v63  }
0xb4: {  	_ =	swait.ge [sflag:s11], $0x50  }
0xb5: {  	[sflag:s11] =	ssyncset.done $0x0  }
0xb6: {  	[sflag:s11] =	ssyncadd.s32 $0xFFFFFFB0  }
0xb7: {  	_ =	swait.ge [sflag:s11], $0x50  }
0xb8: {  	[sflag:s11] =	ssyncset.done $0x0  }
0xb9: {  	[sflag:s11] =	ssyncadd.s32 $0xFFFFFFB0  }
0xba: {  	[tilespmem:s16], [sflag:$0x6] =	stream.indirect.gather [hbm4b:s21+s14], $0x10, s3, s14, $0xb8;
	[tilespmem:$0x6C20] =	vst v63  }
0xbb: {  	_ =	swait.ge [sflag:s22], $0x50  }
0xbc: {  	[sflag:s22] =	ssyncset.done $0x0  }
0xbd: {  	[sflag:s22] =	ssyncadd.s32 $0xFFFFFFB0  }
0xbe: {  	_ =	swait.ge [sflag:s22], $0x50  }
0xbf: {  	[sflag:s22] =	ssyncset.done $0x0  }
0xc0: {  	[sflag:s22] =	ssyncadd.s32 $0xFFFFFFB0  }
0xc1: {  	[tilespmem:s23], [sflag:$0x7] =	stream.indirect.gather [hbm4b:s21+s14], $0x10, s14, s14, $0xb8;
	[tilespmem:$0x6C20] =	vst v63  }
0xc2: {  	_ =	swait.ge [sflag:s24], $0x50  }
0xc3: {  	[sflag:s24] =	ssyncset.done $0x0  }
0xc4: {  	[sflag:s24] =	ssyncadd.s32 $0xFFFFFFB0  }
0xc5: {  	_ =	swait.ge [sflag:s24], $0x50  }
0xc6: {  	[sflag:s24] =	ssyncset.done $0x0  }
0xc7: {  	[sflag:s24] =	ssyncadd.s32 $0xFFFFFFB0  }
0xc8: {  	[tilespmem:s25], [sflag:$0x8] =	stream.indirect.gather [hbm4b:s21+s14], $0x10, s15, s14, $0xb8;
	[tilespmem:$0x6C20] =	vst v63  }
0xc9: {  	_ =	swait.ge [sflag:s26], $0x50  }
0xca: {  	[sflag:s26] =	ssyncset.done $0x0  }
0xcb: {  	[sflag:s26] =	ssyncadd.s32 $0xFFFFFFB0  }
0xcc: {  	_ =	swait.ge [sflag:s26], $0x50  }
0xcd: {  	[sflag:s26] =	ssyncset.done $0x0  }
0xce: {  	[sflag:s26] =	ssyncadd.s32 $0xFFFFFFB0  }
0xcf: {  	[tilespmem:s28], [sflag:$0x9] =	stream.indirect.gather [hbm4b:s21+s14], $0x10, s17, s14, $0xb8;
	[tilespmem:$0x6C20] =	vst v63  }
0xd0: {  	_ =	swait.ge [sflag:s29], $0x50  }
0xd1: {  	[sflag:s29] =	ssyncset.done $0x0  }
0xd2: {  	[sflag:s29] =	ssyncadd.s32 $0xFFFFFFB0  }
0xd3: {  	_ =	swait.ge [sflag:s29], $0x50  }
0xd4: {  	[sflag:s29] =	ssyncset.done $0x0  }
0xd5: {  	[sflag:s29] =	ssyncadd.s32 $0xFFFFFFB0  }
0xd6: {  	[tilespmem:s30], [sflag:$0xA] =	stream.indirect.gather [hbm4b:s21+s14], $0x10, s19, s14, $0xb8;
	[tilespmem:$0x6C20] =	vst v63  }
0xd7: {  	_ =	swait.ge [sflag:s31], $0x500  }
0xd8: {  	[sflag:s31] =	ssyncset.done $0x0  }
0xd9: {  	[sflag:s31] =	ssyncadd.s32 $0xFFFFFB00  }
0xda: {  	[spmem:s2] =	stream.indirect.scatter.add.f32 [tilespmem:s16], [sflag:$0xB], $0x10, s12, s14, $0xb8;
	[tilespmem:$0x6C20] =	vst v63  }
0xdb: {  	_ =	swait.ge [sflag:s0], $0x500  }
0xdc: {  	[sflag:s0] =	ssyncset.done $0x0  }
0xdd: {  	[sflag:s0] =	ssyncadd.s32 $0xFFFFFB00  }
0xde: {  	[spmem:s2] =	stream.indirect.scatter.add.f32 [tilespmem:s23], [sflag:$0xC], $0x10, s13, s14, $0xb8;
	[tilespmem:$0x6C20] =	vst v63  }
0xdf: {  	_ =	swait.ge [sflag:s4], $0x500  }
0xe0: {  	[sflag:s4] =	ssyncset.done $0x0  }
0xe1: {  	[sflag:s4] =	ssyncadd.s32 $0xFFFFFB00  }
0xe2: {  	[spmem:s2] =	stream.indirect.scatter.add.f32 [tilespmem:s25], [sflag:$0xD], $0x10, s10, s14, $0xb8;
	[tilespmem:$0x6C20] =	vst v63  }
0xe3: {  	_ =	swait.ge [sflag:s1], $0x500  }
0xe4: {  	[sflag:s1] =	ssyncset.done $0x0  }
0xe5: {  	[sflag:s1] =	ssyncadd.s32 $0xFFFFFB00  }
0xe6: {  	[spmem:s2] =	stream.indirect.scatter.add.f32 [tilespmem:s28], [sflag:$0xE], $0x10, s18, s14, $0xb8;
	[tilespmem:$0x6C20] =	vst v63  }
0xe7: {  	p1 =	por $0x0, $0x0;
	_ =	swait.ge [sflag:s5], $0x500  }
0xe8: {  	s8 =	simm.s32 $0x32;
	s6 =	simm.s32 $0x64;
	[sflag:s5] =	ssyncset.done $0x0  }
.LBB2_2:
0xe9: {  	s12 =	simm.s32 @!p1 $0xB;
	[sflag:s5] =	ssyncadd.s32 $0xFFFFFB00  }
0xea: {  	[spmem:s2] =	stream.indirect.scatter.add.f32 [tilespmem:s30], [sflag:$0xF], $0x10, s9, s14, $0xb8;
	[tilespmem:$0x6C20] =	vst v63  }
0xeb: {  	_ =	swait.ge @!p1 [sflag:s12], $0x500  }
0xec: {  	[sflag:s12] =	ssyncset.done @!p1 $0x0;
	s13 =	rddreg [dreg:$0x5]  }
0xed: {  	s17 =	rddreg [dreg:$0x4];
	[sflag:s12] =	ssyncadd.s32 @!p1 $0xFFFFFB00;
	s13 =	sadd.s32 s8, s13  }
0xee: {  	[tilespmem:s3], [sflag:$0x1] =	stream.linear.gather [hbm4b:s13+s3], $0x50, $0x38;
	[tilespmem:$0x6C20] =	vst v63  }
0xef: {  	s16 =	simm.s32 $0x190;
	s12 =	sadd.s32 s8, s17;
	s13 =	simm.s32 @!p1 $0xC  }
0xf0: {  	[tilespmem:s16], [sflag:$0x1] =	stream.linear.gather [hbm4b:s12+s3], $0x50, $0x38;
	[tilespmem:$0x6C20] =	vst v63  }
0xf1: {  	_ =	swait.ge @!p1 [sflag:s13], $0x500  }
0xf2: {  	s18 =	rddreg [dreg:$0xd];
	[sflag:s13] =	ssyncset.done @!p1 $0x0  }
0xf3: {  	s15 =	rddreg [dreg:$0xc];
	[sflag:s13] =	ssyncadd.s32 @!p1 $0xFFFFFB00;
	s12 =	sadd.s32 s8, s18  }
0xf4: {  	[tilespmem:s14], [sflag:$0x2] =	stream.linear.gather [hbm4b:s12+s3], $0x50, $0x38;
	[tilespmem:$0x6C20] =	vst v63  }
0xf5: {  	s17 =	simm.s32 $0x1E0;
	s19 =	sadd.s32 s8, s15;
	s13 =	simm.s32 @!p1 $0xD  }
0xf6: {  	[tilespmem:s17], [sflag:$0x2] =	stream.linear.gather [hbm4b:s19+s3], $0x50, $0x38;
	[tilespmem:$0x6C20] =	vst v63  }
0xf7: {  	_ =	swait.ge @!p1 [sflag:s13], $0x500  }
0xf8: {  	s18 =	simm.s32 $0xA0;
	s20 =	rddreg [dreg:$0xb];
	[sflag:s13] =	ssyncset.done @!p1 $0x0  }
0xf9: {  	s10 =	rddreg [dreg:$0xa];
	[sflag:s13] =	ssyncadd.s32 @!p1 $0xFFFFFB00;
	s12 =	sadd.s32 s8, s20  }
0xfa: {  	[tilespmem:s18], [sflag:$0x3] =	stream.linear.gather [hbm4b:s12+s3], $0x50, $0x38;
	[tilespmem:$0x6C20] =	vst v63  }
0xfb: {  	s15 =	sadd.s32 s8, s10;
	s13 =	simm.s32 @!p1 $0xE;
	s10 =	simm.s32 $0x230  }
0xfc: {  	[tilespmem:s10], [sflag:$0x3] =	stream.linear.gather [hbm4b:s15+s3], $0x50, $0x38;
	[tilespmem:$0x6C20] =	vst v63  }
0xfd: {  	_ =	swait.ge @!p1 [sflag:s13], $0x500  }
0xfe: {  	s19 =	rddreg [dreg:$0x9]  }
0xff: {  	[sflag:s13] =	ssyncset.done @!p1 $0x0;
	s20 =	rddreg [dreg:$0x8]  }
0x100: {  	[sflag:s13] =	ssyncadd.s32 @!p1 $0xFFFFFB00;
	s12 =	sadd.s32 s8, s19;
	s19 =	simm.s32 $0xF0  }
0x101: {  	[tilespmem:s19], [sflag:$0x4] =	stream.linear.gather [hbm4b:s12+s3], $0x50, $0x38;
	[tilespmem:$0x6C20] =	vst v63  }
0x102: {  	s15 =	sadd.s32 s8, s20;
	s13 =	simm.s32 @!p1 $0xF;
	s20 =	simm.s32 $0x280  }
0x103: {  	[tilespmem:s20], [sflag:$0x4] =	stream.linear.gather [hbm4b:s15+s3], $0x50, $0x38;
	[tilespmem:$0x6C20] =	vst v63  }
0x104: {  	_ =	swait.ge @!p1 [sflag:s13], $0x500  }
0x105: {  	s12 =	rddreg [dreg:$0x7]  }
0x106: {  	[sflag:s13] =	ssyncset.done @!p1 $0x0;
	s15 =	rddreg [dreg:$0x6]  }
0x107: {  	[sflag:s13] =	ssyncadd.s32 @!p1 $0xFFFFFB00;
	s12 =	sadd.s32 s8, s12;
	s13 =	simm.s32 $0x140  }
0x108: {  	[tilespmem:s13], [sflag:$0x5] =	stream.linear.gather [hbm4b:s12+s3], $0x50, $0x38;
	[tilespmem:$0x6C20] =	vst v63  }
0x109: {  	s15 =	sadd.s32 s8, s15  }
0x10a: {  	[tilespmem:s9], [sflag:$0x5] =	stream.linear.gather [hbm4b:s15+s3], $0x50, $0x38;
	[tilespmem:$0x6C20] =	vst v63  }
0x10b: {  	_ =	swait.ge [sflag:s11], $0x50  }
0x10c: {  	[sflag:s11] =	ssyncset.done $0x0  }
0x10d: {  	[sflag:s11] =	ssyncadd.s32 $0xFFFFFFB0  }
0x10e: {  	_ =	swait.ge [sflag:s11], $0x50  }
0x10f: {  	[sflag:s11] =	ssyncset.done $0x0  }
0x110: {  	s15 =	simm.s32 $0x320;
	[sflag:s11] =	ssyncadd.s32 $0xFFFFFFB0  }
0x111: {  	[tilespmem:s15], [sflag:$0x6] =	stream.indirect.gather [hbm4b:s21+s14], $0x10, s3, s14, $0xb8;
	[tilespmem:$0x6C20] =	vst v63  }
0x112: {  	_ =	swait.ge [sflag:s22], $0x50  }
0x113: {  	[sflag:s22] =	ssyncset.done $0x0  }
0x114: {  	[sflag:s22] =	ssyncadd.s32 $0xFFFFFFB0  }
0x115: {  	_ =	swait.ge [sflag:s22], $0x50  }
0x116: {  	[sflag:s22] =	ssyncset.done $0x0  }
0x117: {  	[sflag:s22] =	ssyncadd.s32 $0xFFFFFFB0  }
0x118: {  	[tilespmem:s23], [sflag:$0x7] =	stream.indirect.gather [hbm4b:s21+s14], $0x10, s14, s14, $0xb8;
	[tilespmem:$0x6C20] =	vst v63  }
0x119: {  	_ =	swait.ge [sflag:s24], $0x50  }
0x11a: {  	[sflag:s24] =	ssyncset.done $0x0  }
0x11b: {  	[sflag:s24] =	ssyncadd.s32 $0xFFFFFFB0  }
0x11c: {  	_ =	swait.ge [sflag:s24], $0x50  }
0x11d: {  	[sflag:s24] =	ssyncset.done $0x0  }
0x11e: {  	[sflag:s24] =	ssyncadd.s32 $0xFFFFFFB0  }
0x11f: {  	[tilespmem:s25], [sflag:$0x8] =	stream.indirect.gather [hbm4b:s21+s14], $0x10, s18, s14, $0xb8;
	[tilespmem:$0x6C20] =	vst v63  }
0x120: {  	_ =	swait.ge [sflag:s26], $0x50  }
0x121: {  	[sflag:s26] =	ssyncset.done $0x0  }
0x122: {  	[sflag:s26] =	ssyncadd.s32 $0xFFFFFFB0  }
0x123: {  	_ =	swait.ge [sflag:s26], $0x50  }
0x124: {  	[sflag:s26] =	ssyncset.done $0x0  }
0x125: {  	[sflag:s26] =	ssyncadd.s32 $0xFFFFFFB0  }
0x126: {  	[tilespmem:s28], [sflag:$0x9] =	stream.indirect.gather [hbm4b:s21+s14], $0x10, s19, s14, $0xb8;
	[tilespmem:$0x6C20] =	vst v63  }
0x127: {  	_ =	swait.ge [sflag:s29], $0x50  }
0x128: {  	[sflag:s29] =	ssyncset.done $0x0  }
0x129: {  	[sflag:s29] =	ssyncadd.s32 $0xFFFFFFB0  }
0x12a: {  	_ =	swait.ge [sflag:s29], $0x50  }
0x12b: {  	[sflag:s29] =	ssyncset.done $0x0  }
0x12c: {  	[sflag:s29] =	ssyncadd.s32 $0xFFFFFFB0  }
0x12d: {  	[tilespmem:s30], [sflag:$0xA] =	stream.indirect.gather [hbm4b:s21+s14], $0x10, s13, s14, $0xb8;
	[tilespmem:$0x6C20] =	vst v63  }
0x12e: {  	_ =	swait.ge [sflag:s31], $0x500  }
0x12f: {  	[sflag:s31] =	ssyncset.done $0x0  }
0x130: {  	[sflag:s31] =	ssyncadd.s32 $0xFFFFFB00  }
0x131: {  	[spmem:s2] =	stream.indirect.scatter.add.f32 [tilespmem:s15], [sflag:$0xB], $0x10, s16, s14, $0xb8;
	[tilespmem:$0x6C20] =	vst v63  }
0x132: {  	_ =	swait.ge [sflag:s0], $0x500  }
0x133: {  	[sflag:s0] =	ssyncset.done $0x0  }
0x134: {  	[sflag:s0] =	ssyncadd.s32 $0xFFFFFB00  }
0x135: {  	[spmem:s2] =	stream.indirect.scatter.add.f32 [tilespmem:s23], [sflag:$0xC], $0x10, s17, s14, $0xb8;
	[tilespmem:$0x6C20] =	vst v63  }
0x136: {  	_ =	swait.ge [sflag:s4], $0x500  }
0x137: {  	[sflag:s4] =	ssyncset.done $0x0  }
0x138: {  	s7 =	smov.u32 s6;
	s6 =	sadd.s32 $0x32, s6;
	[sflag:s4] =	ssyncadd.s32 $0xFFFFFB00  }
0x139: {  	[spmem:s2] =	stream.indirect.scatter.add.f32 [tilespmem:s25], [sflag:$0xD], $0x10, s10, s14, $0xb8;
	[tilespmem:$0x6C20] =	vst v63  }
0x13a: {  	p0 =	sne.s32 s6, $0x4E2;
	_ =	swait.ge [sflag:s1], $0x500  }
.Ltmp0:
0x13b: {  	[sflag:s1] =	ssyncset.done $0x0;
	(pc) =	sbr.rel @p0 .LBB2_2-.Ltmp0, $4  }
0x13c: {  	[sflag:s1] =	ssyncadd.s32 $0xFFFFFB00  }
0x13d: {  	[spmem:s2] =	stream.indirect.scatter.add.f32 [tilespmem:s28], [sflag:$0xE], $0x10, s20, s14, $0xb8;
	[tilespmem:$0x6C20] =	vst v63  }
0x13e: {  	s8 =	smov.u32 s7;
	_ =	swait.ge [sflag:s5], $0x500  }
0x13f: {  	p1 =	seq.s32 s8, $0x0;
	[sflag:s5] =	ssyncset.done $0x0  }
0x140: {  	s6 =	simm.s32 @!p1 $0xB;
	[sflag:s5] =	ssyncadd.s32 $0xFFFFFB00  }
0x141: {  	[spmem:s2] =	stream.indirect.scatter.add.f32 [tilespmem:s30], [sflag:$0xF], $0x10, s9, s14, $0xb8;
	[tilespmem:$0x6C20] =	vst v63  }
0x142: {  	_ =	swait.ge @!p1 [sflag:s6], $0x500  }
0x143: {  	s7 =	rddreg [dreg:$0x5];
	[sflag:s6] =	ssyncset.done @!p1 $0x0  }
0x144: {  	s12 =	rddreg [dreg:$0x4];
	[sflag:s6] =	ssyncadd.s32 @!p1 $0xFFFFFB00;
	s15 =	sadd.s32 s8, s7  }
0x145: {  	[tilespmem:s3], [sflag:$0x1] =	stream.linear.gather [hbm4b:s15+s3], $0x50, $0x38;
	[tilespmem:$0x6C20] =	vst v63  }
0x146: {  	s13 =	simm.s32 $0x190;
	s16 =	sadd.s32 s8, s12;
	s7 =	simm.s32 @!p1 $0xC  }
0x147: {  	[tilespmem:s13], [sflag:$0x1] =	stream.linear.gather [hbm4b:s16+s3], $0x50, $0x38;
	[tilespmem:$0x6C20] =	vst v63  }
0x148: {  	_ =	swait.ge @!p1 [sflag:s7], $0x500  }
0x149: {  	s17 =	rddreg [dreg:$0xd];
	[sflag:s7] =	ssyncset.done @!p1 $0x0  }
0x14a: {  	s18 =	rddreg [dreg:$0xc];
	[sflag:s7] =	ssyncadd.s32 @!p1 $0xFFFFFB00;
	s6 =	sadd.s32 s8, s17  }
0x14b: {  	[tilespmem:s14], [sflag:$0x2] =	stream.linear.gather [hbm4b:s6+s3], $0x50, $0x38;
	[tilespmem:$0x6C20] =	vst v63  }
0x14c: {  	s15 =	simm.s32 $0x1E0;
	s19 =	sadd.s32 s8, s18;
	s7 =	simm.s32 @!p1 $0xD  }
0x14d: {  	[tilespmem:s15], [sflag:$0x2] =	stream.linear.gather [hbm4b:s19+s3], $0x50, $0x38;
	[tilespmem:$0x6C20] =	vst v63  }
0x14e: {  	_ =	swait.ge @!p1 [sflag:s7], $0x500  }
0x14f: {  	s16 =	simm.s32 $0xA0;
	s20 =	rddreg [dreg:$0xb];
	[sflag:s7] =	ssyncset.done @!p1 $0x0  }
0x150: {  	s10 =	rddreg [dreg:$0xa];
	[sflag:s7] =	ssyncadd.s32 @!p1 $0xFFFFFB00;
	s6 =	sadd.s32 s8, s20  }
0x151: {  	[tilespmem:s16], [sflag:$0x3] =	stream.linear.gather [hbm4b:s6+s3], $0x50, $0x38;
	[tilespmem:$0x6C20] =	vst v63  }
0x152: {  	s17 =	sadd.s32 s8, s10;
	s7 =	simm.s32 @!p1 $0xE;
	s10 =	simm.s32 $0x230  }
0x153: {  	[tilespmem:s10], [sflag:$0x3] =	stream.linear.gather [hbm4b:s17+s3], $0x50, $0x38;
	[tilespmem:$0x6C20] =	vst v63  }
0x154: {  	_ =	swait.ge @!p1 [sflag:s7], $0x500  }
0x155: {  	s18 =	rddreg [dreg:$0x9]  }
0x156: {  	[sflag:s7] =	ssyncset.done @!p1 $0x0;
	s19 =	rddreg [dreg:$0x8]  }
0x157: {  	[sflag:s7] =	ssyncadd.s32 @!p1 $0xFFFFFB00;
	s6 =	sadd.s32 s8, s18;
	s18 =	simm.s32 $0xF0  }
0x158: {  	[tilespmem:s18], [sflag:$0x4] =	stream.linear.gather [hbm4b:s6+s3], $0x50, $0x38;
	[tilespmem:$0x6C20] =	vst v63  }
0x159: {  	s20 =	sadd.s32 s8, s19;
	s7 =	simm.s32 @!p1 $0xF;
	s19 =	simm.s32 $0x280  }
0x15a: {  	[tilespmem:s19], [sflag:$0x4] =	stream.linear.gather [hbm4b:s20+s3], $0x50, $0x38;
	[tilespmem:$0x6C20] =	vst v63  }
0x15b: {  	_ =	swait.ge @!p1 [sflag:s7], $0x500  }
0x15c: {  	s20 =	simm.s32 $0x140;
	s12 =	rddreg [dreg:$0x7];
	[sflag:s7] =	ssyncset.done @!p1 $0x0  }
0x15d: {  	s17 =	rddreg [dreg:$0x6];
	[sflag:s7] =	ssyncadd.s32 @!p1 $0xFFFFFB00;
	s6 =	sadd.s32 s8, s12  }
0x15e: {  	[tilespmem:s20], [sflag:$0x5] =	stream.linear.gather [hbm4b:s6+s3], $0x50, $0x38;
	[tilespmem:$0x6C20] =	vst v63  }
0x15f: {  	s8 =	sadd.s32 s8, s17  }
0x160: {  	[tilespmem:s9], [sflag:$0x5] =	stream.linear.gather [hbm4b:s8+s3], $0x50, $0x38;
	[tilespmem:$0x6C20] =	vst v63  }
0x161: {  	_ =	swait.ge [sflag:s11], $0x50  }
0x162: {  	[sflag:s11] =	ssyncset.done $0x0  }
0x163: {  	[sflag:s11] =	ssyncadd.s32 $0xFFFFFFB0  }
0x164: {  	_ =	swait.ge [sflag:s11], $0x50  }
0x165: {  	[sflag:s11] =	ssyncset.done $0x0  }
0x166: {  	s12 =	simm.s32 $0x320;
	[sflag:s11] =	ssyncadd.s32 $0xFFFFFFB0  }
0x167: {  	[tilespmem:s12], [sflag:$0x6] =	stream.indirect.gather [hbm4b:s21+s14], $0x10, s3, s14, $0xb8;
	[tilespmem:$0x6C20] =	vst v63  }
0x168: {  	_ =	swait.ge [sflag:s22], $0x50  }
0x169: {  	[sflag:s22] =	ssyncset.done $0x0  }
0x16a: {  	[sflag:s22] =	ssyncadd.s32 $0xFFFFFFB0  }
0x16b: {  	_ =	swait.ge [sflag:s22], $0x50  }
0x16c: {  	[sflag:s22] =	ssyncset.done $0x0  }
0x16d: {  	[sflag:s22] =	ssyncadd.s32 $0xFFFFFFB0  }
0x16e: {  	[tilespmem:s23], [sflag:$0x7] =	stream.indirect.gather [hbm4b:s21+s14], $0x10, s14, s14, $0xb8;
	[tilespmem:$0x6C20] =	vst v63  }
0x16f: {  	_ =	swait.ge [sflag:s24], $0x50  }
0x170: {  	[sflag:s24] =	ssyncset.done $0x0  }
0x171: {  	[sflag:s24] =	ssyncadd.s32 $0xFFFFFFB0  }
0x172: {  	_ =	swait.ge [sflag:s24], $0x50  }
0x173: {  	[sflag:s24] =	ssyncset.done $0x0  }
0x174: {  	[sflag:s24] =	ssyncadd.s32 $0xFFFFFFB0  }
0x175: {  	[tilespmem:s25], [sflag:$0x8] =	stream.indirect.gather [hbm4b:s21+s14], $0x10, s16, s14, $0xb8;
	[tilespmem:$0x6C20] =	vst v63  }
0x176: {  	_ =	swait.ge [sflag:s26], $0x50  }
0x177: {  	[sflag:s26] =	ssyncset.done $0x0  }
0x178: {  	[sflag:s26] =	ssyncadd.s32 $0xFFFFFFB0  }
0x179: {  	_ =	swait.ge [sflag:s26], $0x50  }
0x17a: {  	[sflag:s26] =	ssyncset.done $0x0  }
0x17b: {  	[sflag:s26] =	ssyncadd.s32 $0xFFFFFFB0  }
0x17c: {  	[tilespmem:s28], [sflag:$0x9] =	stream.indirect.gather [hbm4b:s21+s14], $0x10, s18, s14, $0xb8;
	[tilespmem:$0x6C20] =	vst v63  }
0x17d: {  	_ =	swait.ge [sflag:s29], $0x50  }
0x17e: {  	[sflag:s29] =	ssyncset.done $0x0  }
0x17f: {  	[sflag:s29] =	ssyncadd.s32 $0xFFFFFFB0  }
0x180: {  	_ =	swait.ge [sflag:s29], $0x50  }
0x181: {  	[sflag:s29] =	ssyncset.done $0x0  }
0x182: {  	[sflag:s29] =	ssyncadd.s32 $0xFFFFFFB0  }
0x183: {  	[tilespmem:s30], [sflag:$0xA] =	stream.indirect.gather [hbm4b:s21+s14], $0x10, s20, s14, $0xb8;
	[tilespmem:$0x6C20] =	vst v63  }
0x184: {  	_ =	swait.ge [sflag:s31], $0x500  }
0x185: {  	[sflag:s31] =	ssyncset.done $0x0  }
0x186: {  	s8 =	simm.s32 $0x320;
	[sflag:s31] =	ssyncadd.s32 $0xFFFFFB00  }
0x187: {  	[spmem:s2] =	stream.indirect.scatter.add.f32 [tilespmem:s8], [sflag:$0xB], $0x10, s13, s14, $0xb8;
	[tilespmem:$0x6C20] =	vst v63  }
0x188: {  	_ =	swait.ge [sflag:s0], $0x500  }
0x189: {  	[sflag:s0] =	ssyncset.done $0x0  }
0x18a: {  	[sflag:s0] =	ssyncadd.s32 $0xFFFFFB00  }
0x18b: {  	[spmem:s2] =	stream.indirect.scatter.add.f32 [tilespmem:s23], [sflag:$0xC], $0x10, s15, s14, $0xb8;
	[tilespmem:$0x6C20] =	vst v63  }
0x18c: {  	_ =	swait.ge [sflag:s4], $0x500  }
0x18d: {  	[sflag:s4] =	ssyncset.done $0x0  }
0x18e: {  	[sflag:s4] =	ssyncadd.s32 $0xFFFFFB00  }
0x18f: {  	[spmem:s2] =	stream.indirect.scatter.add.f32 [tilespmem:s25], [sflag:$0xD], $0x10, s10, s14, $0xb8;
	[tilespmem:$0x6C20] =	vst v63  }
0x190: {  	_ =	swait.ge [sflag:s1], $0x500  }
0x191: {  	[sflag:s1] =	ssyncset.done $0x0  }
0x192: {  	[sflag:s1] =	ssyncadd.s32 $0xFFFFFB00  }
0x193: {  	[spmem:s2] =	stream.indirect.scatter.add.f32 [tilespmem:s28], [sflag:$0xE], $0x10, s19, s14, $0xb8;
	[tilespmem:$0x6C20] =	vst v63  }
0x194: {  	_ =	swait.ge [sflag:s5], $0x500  }
0x195: {  	[sflag:s5] =	ssyncset.done $0x0  }
0x196: {  	s7 =	simm.s32 $0xB;
	[sflag:s5] =	ssyncadd.s32 $0xFFFFFB00  }
0x197: {  	[spmem:s2] =	stream.indirect.scatter.add.f32 [tilespmem:s30], [sflag:$0xF], $0x10, s9, s14, $0xb8;
	[tilespmem:$0x6C20] =	vst v63  }
0x198: {  	_ =	swait.ge [sflag:s7], $0x500  }
0x199: {  	[sflag:s7] =	ssyncset.done $0x0  }
0x19a: {  	s10 =	simm.s32 $0xC;
	[sflag:s7] =	ssyncadd.s32 $0xFFFFFB00  }
0x19b: {  	_ =	swait.ge [sflag:s10], $0x500  }
0x19c: {  	[sflag:s10] =	ssyncset.done $0x0  }
0x19d: {  	s16 =	simm.s32 $0xD;
	[sflag:s10] =	ssyncadd.s32 $0xFFFFFB00  }
0x19e: {  	_ =	swait.ge [sflag:s16], $0x500  }
0x19f: {  	[sflag:s16] =	ssyncset.done $0x0  }
0x1a0: {  	s18 =	simm.s32 $0xE;
	[sflag:s16] =	ssyncadd.s32 $0xFFFFFB00  }
0x1a1: {  	_ =	swait.ge [sflag:s18], $0x500  }
0x1a2: {  	[sflag:s18] =	ssyncset.done $0x0  }
0x1a3: {  	s19 =	simm.s32 $0xF;
	[sflag:s18] =	ssyncadd.s32 $0xFFFFFB00  }
0x1a4: {  	_ =	swait.ge [sflag:s19], $0x500  }
0x1a5: {  	[sflag:s19] =	ssyncset.done $0x0  }
0x1a6: {  	[sflag:s19] =	ssyncadd.s32 $0xFFFFFB00  }
0x1a7: {  	[bflag:$0x0] =	sbarrier.arrive $0xFFFF  }
0x1a8: {  	s17 =	rddreg [dreg:$0x1e]  }
0x1a9: {  	[tilespmem:s8], [sflag:$0x6] =	stream.linear.gather [spmem:s17], $0x500, $0x38;
	[tilespmem:$0x6C20] =	vst v63  }
0x1aa: {  	_ =	swait.ge [sflag:s31], $0x500  }
0x1ab: {  	[sflag:s31] =	ssyncset.done $0x0  }
0x1ac: {  	s20 =	rddreg [dreg:$0xe];
	[sflag:s31] =	ssyncadd.s32 $0xFFFFFB00  }
0x1ad: {  	[hbm4b:s20+s3] =	stream.linear.scatter [tilespmem:s8], [sflag:$0xB], $0x500, $0x38;
	[tilespmem:$0x6C20] =	vst v63  }
0x1ae: {  	s12 =	rddreg [dreg:$0x1f]  }
0x1af: {  	[tilespmem:s23], [sflag:$0x7] =	stream.linear.gather [spmem:s12], $0x500, $0x38;
	[tilespmem:$0x6C20] =	vst v63  }
0x1b0: {  	_ =	swait.ge [sflag:s0], $0x500  }
0x1b1: {  	[sflag:s0] =	ssyncset.done $0x0;
	s13 =	rddreg [dreg:$0xf]  }
0x1b2: {  	s15 =	sld [smem:$0x7EF];
	[sflag:s0] =	ssyncadd.s32 $0xFFFFFB00  }
0x1b3: {  	[hbm4b:s13+s3] =	stream.linear.scatter [tilespmem:s23], [sflag:$0xC], $0x500, $0x38;
	[tilespmem:$0x6C20] =	vst v63  }
0x1b4: {  	_ = 	snop  }
0x1b5: {  	[tilespmem:s25], [sflag:$0x8] =	stream.linear.gather [spmem:s15], $0x500, $0x38;
	[tilespmem:$0x6C20] =	vst v63  }
0x1b6: {  	_ =	swait.ge [sflag:s4], $0x500  }
0x1b7: {  	[sflag:s4] =	ssyncset.done $0x0;
	s17 =	rddreg [dreg:$0x10]  }
0x1b8: {  	s20 =	sld [smem:$0x7F0];
	[sflag:s4] =	ssyncadd.s32 $0xFFFFFB00  }
0x1b9: {  	[hbm4b:s17+s3] =	stream.linear.scatter [tilespmem:s25], [sflag:$0xD], $0x500, $0x38;
	[tilespmem:$0x6C20] =	vst v63  }
0x1ba: {  	_ = 	snop  }
0x1bb: {  	[tilespmem:s28], [sflag:$0x9] =	stream.linear.gather [spmem:s20], $0x500, $0x38;
	[tilespmem:$0x6C20] =	vst v63  }
0x1bc: {  	_ =	swait.ge [sflag:s1], $0x500  }
0x1bd: {  	[sflag:s1] =	ssyncset.done $0x0;
	s12 =	rddreg [dreg:$0x11]  }
0x1be: {  	s13 =	sld [smem:$0x7F1];
	[sflag:s1] =	ssyncadd.s32 $0xFFFFFB00  }
0x1bf: {  	[hbm4b:s12+s3] =	stream.linear.scatter [tilespmem:s28], [sflag:$0xE], $0x500, $0x38;
	[tilespmem:$0x6C20] =	vst v63  }
0x1c0: {  	_ = 	snop  }
0x1c1: {  	[tilespmem:s30], [sflag:$0xA] =	stream.linear.gather [spmem:s13], $0x500, $0x38;
	[tilespmem:$0x6C20] =	vst v63  }
0x1c2: {  	_ =	swait.ge [sflag:s5], $0x500  }
0x1c3: {  	[sflag:s5] =	ssyncset.done $0x0  }
0x1c4: {  	s15 =	rddreg [dreg:$0x12];
	[sflag:s5] =	ssyncadd.s32 $0xFFFFFB00  }
0x1c5: {  	[hbm4b:s15+s3] =	stream.linear.scatter [tilespmem:s30], [sflag:$0xF], $0x500, $0x38;
	[tilespmem:$0x6C20] =	vst v63  }
0x1c6: {  	_ =	swait.ge [sflag:s7], $0x500  }
0x1c7: {  	s17 =	sld [smem:$0x7F2]  }
0x1c8: {  	[sflag:s7] =	ssyncset.done $0x0  }
0x1c9: {  	[sflag:s7] =	ssyncadd.s32 $0xFFFFFB00  }
0x1ca: {  	[tilespmem:s8], [sflag:$0x6] =	stream.linear.gather [spmem:s17], $0x500, $0x38;
	[tilespmem:$0x6C20] =	vst v63  }
0x1cb: {  	_ =	swait.ge [sflag:s31], $0x500  }
0x1cc: {  	[sflag:s31] =	ssyncset.done $0x0  }
0x1cd: {  	s20 =	rddreg [dreg:$0x13];
	[sflag:s31] =	ssyncadd.s32 $0xFFFFFB00  }
0x1ce: {  	[hbm4b:s20+s3] =	stream.linear.scatter [tilespmem:s8], [sflag:$0xB], $0x500, $0x38;
	[tilespmem:$0x6C20] =	vst v63  }
0x1cf: {  	_ =	swait.ge [sflag:s10], $0x500  }
0x1d0: {  	s12 =	sld [smem:$0x7F3]  }
0x1d1: {  	[sflag:s10] =	ssyncset.done $0x0  }
0x1d2: {  	[sflag:s10] =	ssyncadd.s32 $0xFFFFFB00  }
0x1d3: {  	[tilespmem:s23], [sflag:$0x7] =	stream.linear.gather [spmem:s12], $0x500, $0x38;
	[tilespmem:$0x6C20] =	vst v63  }
0x1d4: {  	_ =	swait.ge [sflag:s0], $0x500  }
0x1d5: {  	[sflag:s0] =	ssyncset.done $0x0  }
0x1d6: {  	s13 =	rddreg [dreg:$0x14];
	[sflag:s0] =	ssyncadd.s32 $0xFFFFFB00  }
0x1d7: {  	[hbm4b:s13+s3] =	stream.linear.scatter [tilespmem:s23], [sflag:$0xC], $0x500, $0x38;
	[tilespmem:$0x6C20] =	vst v63  }
0x1d8: {  	_ =	swait.ge [sflag:s16], $0x500  }
0x1d9: {  	s15 =	sld [smem:$0x7F4]  }
0x1da: {  	[sflag:s16] =	ssyncset.done $0x0  }
0x1db: {  	[sflag:s16] =	ssyncadd.s32 $0xFFFFFB00  }
0x1dc: {  	[tilespmem:s25], [sflag:$0x8] =	stream.linear.gather [spmem:s15], $0x500, $0x38;
	[tilespmem:$0x6C20] =	vst v63  }
0x1dd: {  	_ =	swait.ge [sflag:s4], $0x500  }
0x1de: {  	[sflag:s4] =	ssyncset.done $0x0  }
0x1df: {  	s17 =	rddreg [dreg:$0x15];
	[sflag:s4] =	ssyncadd.s32 $0xFFFFFB00  }
0x1e0: {  	[hbm4b:s17+s3] =	stream.linear.scatter [tilespmem:s25], [sflag:$0xD], $0x500, $0x38;
	[tilespmem:$0x6C20] =	vst v63  }
0x1e1: {  	_ =	swait.ge [sflag:s18], $0x500  }
0x1e2: {  	s20 =	sld [smem:$0x7F5]  }
0x1e3: {  	[sflag:s18] =	ssyncset.done $0x0  }
0x1e4: {  	[sflag:s18] =	ssyncadd.s32 $0xFFFFFB00  }
0x1e5: {  	[tilespmem:s28], [sflag:$0x9] =	stream.linear.gather [spmem:s20], $0x500, $0x38;
	[tilespmem:$0x6C20] =	vst v63  }
0x1e6: {  	_ =	swait.ge [sflag:s1], $0x500  }
0x1e7: {  	[sflag:s1] =	ssyncset.done $0x0  }
0x1e8: {  	s12 =	rddreg [dreg:$0x16];
	[sflag:s1] =	ssyncadd.s32 $0xFFFFFB00  }
0x1e9: {  	[hbm4b:s12+s3] =	stream.linear.scatter [tilespmem:s28], [sflag:$0xE], $0x500, $0x38;
	[tilespmem:$0x6C20] =	vst v63  }
0x1ea: {  	_ =	swait.ge [sflag:s19], $0x500  }
0x1eb: {  	s13 =	sld [smem:$0x7F6]  }
0x1ec: {  	[sflag:s19] =	ssyncset.done $0x0  }
0x1ed: {  	[sflag:s19] =	ssyncadd.s32 $0xFFFFFB00  }
0x1ee: {  	[tilespmem:s30], [sflag:$0xA] =	stream.linear.gather [spmem:s13], $0x500, $0x38;
	[tilespmem:$0x6C20] =	vst v63  }
0x1ef: {  	_ =	swait.ge [sflag:s5], $0x500  }
0x1f0: {  	[sflag:s5] =	ssyncset.done $0x0  }
0x1f1: {  	s15 =	rddreg [dreg:$0x17];
	[sflag:s5] =	ssyncadd.s32 $0xFFFFFB00  }
0x1f2: {  	[hbm4b:s15+s3] =	stream.linear.scatter [tilespmem:s30], [sflag:$0xF], $0x500, $0x38;
	[tilespmem:$0x6C20] =	vst v63  }
0x1f3: {  	_ =	swait.ge [sflag:s7], $0x500  }
0x1f4: {  	s17 =	sld [smem:$0x7F7]  }
0x1f5: {  	[sflag:s7] =	ssyncset.done $0x0  }
0x1f6: {  	s8 =	simm.s32 $0x320;
	[sflag:s7] =	ssyncadd.s32 $0xFFFFFB00  }
0x1f7: {  	[tilespmem:s8], [sflag:$0x6] =	stream.linear.gather [spmem:s17], $0x500, $0x38;
	[tilespmem:$0x6C20] =	vst v63  }
0x1f8: {  	_ =	swait.ge [sflag:s31], $0x500  }
0x1f9: {  	[sflag:s31] =	ssyncset.done $0x0  }
0x1fa: {  	s20 =	rddreg [dreg:$0x18];
	[sflag:s31] =	ssyncadd.s32 $0xFFFFFB00  }
0x1fb: {  	[hbm4b:s20+s3] =	stream.linear.scatter [tilespmem:s8], [sflag:$0xB], $0x500, $0x38;
	[tilespmem:$0x6C20] =	vst v63  }
0x1fc: {  	_ =	swait.ge [sflag:s10], $0x500  }
0x1fd: {  	s17 =	sld [smem:$0x7F9]  }
0x1fe: {  	[sflag:s10] =	ssyncset.done $0x0  }
0x1ff: {  	[sflag:s10] =	ssyncadd.s32 $0xFFFFFB00  }
0x200: {  	[tilespmem:s23], [sflag:$0x7] =	stream.linear.gather [spmem:s17], $0x500, $0x38;
	[tilespmem:$0x6C20] =	vst v63  }
0x201: {  	_ =	swait.ge [sflag:s0], $0x500  }
0x202: {  	[sflag:s0] =	ssyncset.done $0x0  }
0x203: {  	s8 =	rddreg [dreg:$0x19];
	[sflag:s0] =	ssyncadd.s32 $0xFFFFFB00  }
0x204: {  	[hbm4b:s8+s3] =	stream.linear.scatter [tilespmem:s23], [sflag:$0xC], $0x500, $0x38;
	[tilespmem:$0x6C20] =	vst v63  }
0x205: {  	_ =	swait.ge [sflag:s16], $0x500  }
0x206: {  	s8 =	sld [smem:$0x7FA]  }
0x207: {  	[sflag:s16] =	ssyncset.done $0x0  }
0x208: {  	[sflag:s16] =	ssyncadd.s32 $0xFFFFFB00  }
0x209: {  	[tilespmem:s25], [sflag:$0x8] =	stream.linear.gather [spmem:s8], $0x500, $0x38;
	[tilespmem:$0x6C20] =	vst v63  }
0x20a: {  	_ =	swait.ge [sflag:s4], $0x500  }
0x20b: {  	[sflag:s4] =	ssyncset.done $0x0  }
0x20c: {  	s12 =	rddreg [dreg:$0x1a];
	[sflag:s4] =	ssyncadd.s32 $0xFFFFFB00  }
0x20d: {  	[hbm4b:s12+s3] =	stream.linear.scatter [tilespmem:s25], [sflag:$0xD], $0x500, $0x38;
	[tilespmem:$0x6C20] =	vst v63  }
0x20e: {  	_ =	swait.ge [sflag:s18], $0x500  }
0x20f: {  	s12 =	sld [smem:$0x7FB]  }
0x210: {  	[sflag:s18] =	ssyncset.done $0x0  }
0x211: {  	[sflag:s18] =	ssyncadd.s32 $0xFFFFFB00  }
0x212: {  	[tilespmem:s28], [sflag:$0x9] =	stream.linear.gather [spmem:s12], $0x500, $0x38;
	[tilespmem:$0x6C20] =	vst v63  }
0x213: {  	_ =	swait.ge [sflag:s1], $0x500  }
0x214: {  	[sflag:s1] =	ssyncset.done $0x0  }
0x215: {  	s13 =	rddreg [dreg:$0x1b];
	[sflag:s1] =	ssyncadd.s32 $0xFFFFFB00  }
0x216: {  	[hbm4b:s13+s3] =	stream.linear.scatter [tilespmem:s28], [sflag:$0xE], $0x500, $0x38;
	[tilespmem:$0x6C20] =	vst v63  }
0x217: {  	_ =	swait.ge [sflag:s19], $0x500  }
0x218: {  	s13 =	sld [smem:$0x7FC]  }
0x219: {  	[sflag:s19] =	ssyncset.done $0x0  }
0x21a: {  	[sflag:s19] =	ssyncadd.s32 $0xFFFFFB00  }
0x21b: {  	[tilespmem:s30], [sflag:$0xA] =	stream.linear.gather [spmem:s13], $0x500, $0x38;
	[tilespmem:$0x6C20] =	vst v63  }
0x21c: {  	_ =	swait.ge [sflag:s5], $0x500  }
0x21d: {  	[sflag:s5] =	ssyncset.done $0x0  }
0x21e: {  	s15 =	rddreg [dreg:$0x1c];
	[sflag:s5] =	ssyncadd.s32 $0xFFFFFB00  }
0x21f: {  	[hbm4b:s15+s3] =	stream.linear.scatter [tilespmem:s30], [sflag:$0xF], $0x500, $0x38;
	[tilespmem:$0x6C20] =	vst v63  }
0x220: {  	_ =	swait.ge [sflag:s7], $0x500  }
0x221: {  	s15 =	sld [smem:$0x7FD]  }
0x222: {  	[sflag:s7] =	ssyncset.done $0x0  }
0x223: {  	s20 =	simm.s32 $0x320;
	[sflag:s7] =	ssyncadd.s32 $0xFFFFFB00  }
0x224: {  	[tilespmem:s20], [sflag:$0x6] =	stream.linear.gather [spmem:s15], $0x500, $0x38;
	[tilespmem:$0x6C20] =	vst v63  }
0x225: {  	_ =	swait.ge [sflag:s31], $0x500  }
0x226: {  	[sflag:s31] =	ssyncset.done $0x0  }
0x227: {  	s6 =	rddreg [dreg:$0x1d];
	[sflag:s31] =	ssyncadd.s32 $0xFFFFFB00  }
0x228: {  	[hbm4b:s6+s3] =	stream.linear.scatter [tilespmem:s20], [sflag:$0xB], $0x500, $0x38;
	[tilespmem:$0x6C20] =	vst v63  }
0x229: {  	_ =	swait.ge [sflag:s7], $0x500  }
0x22a: {  	[sflag:s7] =	ssyncset.done $0x0  }
0x22b: {  	[sflag:s7] =	ssyncadd.s32 $0xFFFFFB00  }
0x22c: {  	_ =	swait.ge [sflag:s10], $0x500  }
0x22d: {  	[sflag:s10] =	ssyncset.done $0x0  }
0x22e: {  	[sflag:s10] =	ssyncadd.s32 $0xFFFFFB00  }
0x22f: {  	_ =	swait.ge [sflag:s16], $0x500  }
0x230: {  	[sflag:s16] =	ssyncset.done $0x0  }
0x231: {  	[sflag:s16] =	ssyncadd.s32 $0xFFFFFB00  }
0x232: {  	_ =	swait.ge [sflag:s18], $0x500  }
0x233: {  	[sflag:s18] =	ssyncset.done $0x0  }
0x234: {  	[sflag:s18] =	ssyncadd.s32 $0xFFFFFB00  }
0x235: {  	_ =	swait.ge [sflag:s19], $0x500  }
0x236: {  	s18 =	smov.u32 s17;
	s17 =	sld [smem:$0x7EE]  }
0x237: {  	s20 =	sld [smem:$0x7F8];
	_ =	sdelay $0x1  }
0x238: {  	s10 =	sadd.s32 $0x1, s17  }
0x239: {  	p0 =	sne.s32 s10, s20  }
.Ltmp1:
0x23a: {  	_ = 	snop;
	(pc) =	sbr.rel @p0 .LBB2_1-.Ltmp1, $3  }
0x23b: {  	_ =	sdelay $0x1  }
0x23c: {  	[sflag:s19] =	ssyncset.done $0x0  }
0x23d: {  	[sflag:s19] =	ssyncadd.s32 $0xFFFFFB00  }
0x23e: {  	_ =	sfence.sel $0x180000  }
0x23f: {  	[bflag:$0x0] =	sbarrier.arrive $0xFFFF  }
0x240: {  	_ =	strace $0x9000004D  }
0x241: {  	s0 =	stileid.u32;
	[bflag:$0x2] =	sbarrier.arrive $0xFFFF  }
0x242: {  	p0 =	sne.s32 s0, $0x0;
	s0 =	rddreg [dreg:$0x3]  }
0x243: {  	s0 =	sadd.s32 @!p0 $0x100000, s0  }
0x244: {  	[sflag:s0] =	ssyncadd.tile.s32 @!p0 $0x1;
	_ =	shalt  }
.Lfunc_end2:
_tile_overlayer_lowered:
.L_overlay_start_2:
0x245: {  	(tag) =	ssettag $0x2  }
0x246: {  	s0 =	rddreg [dreg:$0x0];
	s2 =	stileid.u32  }
0x247: {  	s1 =	rddreg [dreg:$0x1];
	p0 =	sne.s32 s2, $0x0  }
0x248: {  	s3 =	rddreg [dreg:$0x2];
	[bflag:$0x3] =	sbarrier.arrive $0xFFFF;
	s2 =	simm.s32 @!p0 $0x1C10  }
0x249: {  	[timem:s3], [sflag:s2] =	dma.local @!p0 [hbm:s0], s1  }
0x24a: {  	s0 =	simm.s32 @!p0 $0x10  }
0x24b: {  	_ =	swait.ge @!p0 [sflag:s0], s1  }
0x24c: {  	s1 =	ssub.s32 @!p0 $0x0, s1;
	[sflag:s0] =	ssyncset.done @!p0 $0x0  }
0x24d: {  	[sflag:s0] =	ssyncadd.s32 @!p0 s1  }
0x24e: {  	[bflag:$0x3] =	sbarrier.arrive $0xFFFF  }
0x24f: {  	_ =	shalt  }

// kernel: kernel.9.cloned.1.call-start
scs
__scs_entry_jumppad:
0x0: {  	(pc) =	sbr.rel $0x88, $3  }
0x1: {  	(tag) =	ssettag $0x0;
	lr =	simm.s32 $0x1  }
0x2: {  	[smem:$0x3F98] =	sst lr;
	_ =	strace $0xD0000000  }
0x3: {  	_ = 	snop  }
0x4: {  	_ = 	snop  }
0x5: {  	_ = 	snop  }
0x6: {  	_ = 	snop  }
0x7: {  	_ = 	snop  }
__scs_overlays_trampoline_lowered:
0x8: {  	[smem:$0x3FA7] =	sst s0  }
0x9: {  	[smem:$0x3FA8] =	sst s1  }
0xa: {  	[smem:$0x3FA9] =	sst s2  }
0xb: {  	[smem:$0x3FAA] =	sst s3  }
0xc: {  	[smem:$0x3FAB] =	sst s4  }
0xd: {  	[smem:$0x3FAC] =	sst s5  }
0xe: {  	[smem:$0x3FAD] =	sst s6  }
0xf: {  	[smem:$0x3FAE] =	sst s7  }
0x10: {  	[smem:$0x3FAF] =	sst s8  }
0x11: {  	[smem:$0x3FB0] =	sst s9;
	s0 =	simm.s32 @!p0 $0x0  }
0x12: {  	s1 =	sld [smem:$0x3F96];
	s0 =	simm.s32 @p0 $0x1  }
0x13: {  	[smem:$0x3FB1] =	sst s0;
	s0 =	simm.s32 @!p1 $0x0  }
0x14: {  	s2 =	sld [smem:$0x3F95];
	s0 =	simm.s32 @p1 $0x1  }
0x15: {  	[smem:$0x3FB2] =	sst s0;
	s0 =	simm.s32 @!p2 $0x0  }
0x16: {  	s3 =	sld [smem:$0x3FDB];
	s0 =	simm.s32 @p2 $0x1  }
0x17: {  	s4 =	simm.s32 $0x1BF5;
	[smem:$0x3FB4] =	sst s0  }
0x18: {  	s0 =	sld [smem:$0x3F97];
	_ =	swait.ge [sflag:s4], $0x0  }
0x19: {  	s7 =	sld [smem:$0x3F98]  }
0x1a: {  	s8 =	sadd.s32 $0xFFFFE003, lr  }
0x1b: {  	s9 =	sadd.s32 $0xFFFFFEF7, lr;
	s5 =	simm.s32 $0xFFFFFFFF;
	p2 =	slt.u32 s8, $0xFFFFF086  }
0x1c: {  	p1 =	slt.u32 s9, $0xF7A;
	s5 =	simm.s32 @!p2 $0x0  }
0x1d: {  	s5 =	simm.s32 @p1 $0x1;
	p0 =	seq.s32 s7, s2  }
0x1e: {  	s7 =	smul.u32 @!p0 $0xF7A, s2;
	p2 =	seq.s32 @!p0 s5, $0x0  }
0x1f: {  	s9 =	smul.u32 $0xF7A, s1;
	s8 =	simm.s32 @!p0 $0x1BF5;
	p2 =	por !p2, p0  }
0x20: {  	[sflag:s8] =	ssyncset.s32 @!p0 $0xFFFFF086;
	s6 =	sadd.s32 @!p0 s3, s7;
	s7 =	simm.s32 @!p0 $0x108  }
0x21: {  	s3 =	sadd.s32 s3, s9;
	s6 =	sadd.s32 @!p0 $0x88, s6;
	s7 =	simm.s32 @p2 $0x1082  }
0x22: {  	[simem:s7], [sflag:s8] =	dma.local @!p0 [hbm:s6], $0xF7A  }
0x23: {  	s9 =	sor.u32 $0xD0000000, s2;
	s6 =	simm.s32 $0x108;
	_ =	swait.ge @!p0 [sflag:s8], $0x0  }
0x24: {  	s3 =	sadd.s32 $0x88, s3;
	s6 =	simm.s32 @!p1 $0x1082;
	[sflag:s4] =	ssyncset.s32 $0xFFFFF086  }
0x25: {  	[simem:s6], [sflag:s4] =	dma.local [hbm:s3], $0xF7A  }
0x26: {  	[smem:$0x3F98] =	sst s1;
	(tag) =	ssettag s2;
	_ =	strace s9  }
0x27: {  	s1 =	sld [smem:$0x3FA8]  }
0x28: {  	s2 =	sld [smem:$0x3FA9]  }
0x29: {  	s4 =	sld [smem:$0x3FAB]  }
0x2a: {  	p0 =	seq.s32 s5, $0x0;
	s5 =	sld [smem:$0x3FAC]  }
0x2b: {  	s6 =	sld [smem:$0x3FAD]  }
0x2c: {  	s7 =	sld [smem:$0x3FAE]  }
0x2d: {  	s3 =	simm.s32 $0x108;
	s8 =	sld [smem:$0x3FAF]  }
0x2e: {  	s3 =	simm.s32 @!p0 $0x1082;
	s9 =	sld [smem:$0x3FB0]  }
0x2f: {  	lr =	sadd.s32 s0, s3;
	s0 =	sld [smem:$0x3FA7]  }
0x30: {  	s3 =	sld [smem:$0x3FAA]  }
0x31: {  	[smem:$0x3FB3] =	sst s10  }
0x32: {  	s10 =	sld [smem:$0x3FB1];
	_ =	sdelay $0x3  }
0x33: {  	p0 =	seq.s32 s10, $0x1;
	s10 =	sld [smem:$0x3FB3];
	_ =	sdelay $0x3  }
0x34: {  	[smem:$0x3FB3] =	sst s10  }
0x35: {  	s10 =	sld [smem:$0x3FB2];
	_ =	sdelay $0x3  }
0x36: {  	p1 =	seq.s32 s10, $0x1;
	s10 =	sld [smem:$0x3FB3];
	_ =	sdelay $0x3  }
0x37: {  	[smem:$0x3FB3] =	sst s10  }
0x38: {  	s10 =	sld [smem:$0x3FB4]  }
0x39: {  	_ = 	snop;
	(pc) =	sbr.ind lr, $3  }
0x3a: {  	_ = 	snop  }
0x3b: {  	_ = 	snop  }
0x3c: {  	p2 =	seq.s32 s10, $0x1;
	s10 =	sld [smem:$0x3FB3]  }
0x3d: {  	_ =	shalt  }
0x3e: {  	_ =	shalt  }
0x3f: {  	_ =	shalt  }
0x40: {  	_ =	shalt  }
0x41: {  	_ =	shalt  }
0x42: {  	_ =	shalt  }
0x43: {  	_ =	shalt  }
0x44: {  	_ =	shalt  }
0x45: {  	_ =	shalt  }
0x46: {  	_ =	shalt  }
0x47: {  	_ =	shalt  }
0x48: {  	_ =	shalt  }
0x49: {  	_ =	shalt  }
0x4a: {  	_ =	shalt  }
0x4b: {  	_ =	shalt  }
0x4c: {  	_ =	shalt  }
0x4d: {  	_ =	shalt  }
0x4e: {  	_ =	shalt  }
0x4f: {  	_ =	shalt  }
0x50: {  	_ =	shalt  }
0x51: {  	_ =	shalt  }
0x52: {  	_ =	shalt  }
0x53: {  	_ =	shalt  }
0x54: {  	_ =	shalt  }
0x55: {  	_ =	shalt  }
0x56: {  	_ =	shalt  }
0x57: {  	_ =	shalt  }
0x58: {  	_ =	shalt  }
0x59: {  	_ =	shalt  }
0x5a: {  	_ =	shalt  }
0x5b: {  	_ =	shalt  }
0x5c: {  	_ =	shalt  }
0x5d: {  	_ =	shalt  }
0x5e: {  	_ =	shalt  }
0x5f: {  	_ =	shalt  }
0x60: {  	_ =	shalt  }
0x61: {  	_ =	shalt  }
0x62: {  	_ =	shalt  }
0x63: {  	_ =	shalt  }
0x64: {  	_ =	shalt  }
0x65: {  	_ =	shalt  }
0x66: {  	_ =	shalt  }
0x67: {  	_ =	shalt  }
0x68: {  	_ =	shalt  }
0x69: {  	_ =	shalt  }
0x6a: {  	_ =	shalt  }
0x6b: {  	_ =	shalt  }
0x6c: {  	_ =	shalt  }
0x6d: {  	_ =	shalt  }
0x6e: {  	_ =	shalt  }
0x6f: {  	_ =	shalt  }
0x70: {  	_ =	shalt  }
0x71: {  	_ =	shalt  }
0x72: {  	_ =	shalt  }
0x73: {  	_ =	shalt  }
0x74: {  	_ =	shalt  }
0x75: {  	_ =	shalt  }
0x76: {  	_ =	shalt  }
0x77: {  	_ =	shalt  }
0x78: {  	_ =	shalt  }
0x79: {  	_ =	shalt  }
0x7a: {  	_ =	shalt  }
0x7b: {  	_ =	shalt  }
0x7c: {  	_ =	shalt  }
0x7d: {  	_ =	shalt  }
0x7e: {  	_ =	shalt  }
0x7f: {  	_ =	shalt  }
0x80: {  	_ =	shalt  }
0x81: {  	_ =	shalt  }
0x82: {  	_ =	shalt  }
0x83: {  	_ =	shalt  }
0x84: {  	_ =	shalt  }
0x85: {  	_ =	shalt  }
0x86: {  	_ =	shalt  }
0x87: {  	_ =	shalt  }
.Lfunc_end0:
.L_simem_size_0:
called_computation_lowered:
.L_overlay_start_0:
0x88: {  	s2 =	sld [smem:$0x3FD9]  }
0x89: {  	s3 =	sld [smem:$0x3FFE];
	_ =	sdelay $0x1  }
0x8a: {  	s1 =	srdreg.scid  }
0x8b: {  	s0 =	sand.u32 $0x1, s1  }
0x8c: {  	s17 =	sshll.u32 s0, $0xA;
	s2 =	sadd.s32 s3, s2  }
0x8d: {  	s2 =	sadd.s32 s2, s17  }
0x8e: {  	[smem:$0x3FBF] =	sst s2  }
0x8f: {  	_ = 	snop  }
0x90: {  	s2 =	sld [smem:$0x3FC7]  }
0x91: {  	s18 =	sld [smem:$0x3FD0];
	(tm) =	ssettm $0x1  }
0x92: {  	s4 =	sld [smem:$0x3FFB];
	_ =	sdelay $0x3  }
0x93: {  	_ =	strace s4  }
0x94: {  	s4 =	sld [smem:$0x3FFC];
	_ =	sdelay $0x3  }
0x95: {  	_ =	strace s4  }
0x96: {  	s4 =	sld [smem:$0x3FFD];
	_ =	sdelay $0x3  }
0x97: {  	_ =	strace s4  }
0x98: {  	_ =	strace $0x8FFFFFFF  }
0x99: {  	s19 =	sld [smem:$0x3FDB];
	_ =	sdelay $0x1  }
0x9a: {  	s5 =	simm.s32 $_scs_section_size  }
0x9b: {  	s6 =	simm.s32 $_size__tile_overlayer_lowered;
	s7 =	simm.s32 $_tile_overlayer_lowered  }
0x9c: {  	s22 =	simm.s32 $0x1BFF;
	s21 =	sshll.u32 s7, $0x1;
	s4 =	sadd.s32 s5, s19  }
0x9d: {  	s8 =	simm.s32 $0x0;
	s20 =	sshll.u32 s6, $0x1;
	s6 =	sadd.s32 s21, s4  }
0x9e: {  	[timem:s8], [sflag:s22] =	dma.local [hbm:s6], s20  }
0x9f: {  	_ =	swait.ge [sflag:s22], s20  }
0xa0: {  	s5 =	ssub.s32 $0x0, s20;
	[sflag:s22] =	ssyncset.done $0x0  }
0xa1: {  	[sflag:s22] =	ssyncadd.s32 s5;
	_ =	sdelay $0x1  }
0xa2: {  	s23 =	simm.s32 $0x1B8B  }
0xa3: {  	_ =	swait.ge [sflag:s23], $0x1  }
0xa4: {  	[sflag:s23] =	ssyncset.done $0x0  }
0xa5: {  	s25 =	simm.s32 $0x1B8E;
	s24 =	sld [smem:$0x3FFE];
	[sflag:s23] =	ssyncadd.s32 $0xFFFFFFFF  }
0xa6: {  	s26 =	simm.s32 $execute0_lowered;
	[smem:$0x3FD2] =	sst s25  }
0xa7: {  	s6 =	sshll.u32 s26, $0x1;
	_ =	strace $0x80000046;
	[dreg:$0x1] =	wrdreg $0xFFFFFFFF  }
0xa8: {  	s28 =	simm.s32 $_size_execute0_lowered;
	s4 =	sadd.s32 s4, s6;
	[dreg:$0x0] =	wrdreg $0x0  }
0xa9: {  	s6 =	sshll.u32 s28, $0x1;
	[dreg:$0x2] =	wrdreg s4  }
0xaa: {  	[dreg:$0x3] =	wrdreg s6  }
0xab: {  	[dreg:$0x4] =	wrdreg $0xC0  }
0xac: {  	_ =	task [dreg:s8], $0x5FFFF  }
0xad: {  	[dreg:$0x1] =	wrdreg $0xFFFFFFFF  }
0xae: {  	[dreg:$0x0] =	wrdreg $0x60  }
0xaf: {  	[dreg:$0x2] =	wrdreg s24  }
0xb0: {  	[dreg:$0x3] =	wrdreg s2  }
0xb1: {  	[dreg:$0x4] =	wrdreg s18  }
0xb2: {  	[dreg:$0x5] =	wrdreg $0x9  }
0xb3: {  	_ =	task.clear_ibuf [dreg:s8], $0x6FFFF;
	_ =	strace $0x90000046  }
0xb4: {  	s29 =	simm.s32 $0x9;
	_ =	strace $0x80000048  }
0xb5: {  	_ =	swait.ge [sflag:s29], $0x1  }
0xb6: {  	[sflag:s29] =	ssyncadd.s32 $0xFFFFFFFF  }
0xb7: {  	_ =	strace $0x90000048  }
0xb8: {  	_ =	sfence  }
0xb9: {  	s30 =	sld [smem:$0x0];
	_ =	sdelay $0x2  }
0xba: {  	s31 =	sshll.u32 s1, $0xD;
	s1 =	sshrl.u32 s1, $0x2  }
0xbb: {  	s3 =	sand.u32 $0x4000, s31;
	s1 =	sadd.s32 s1, s30  }
0xbc: {  	s0 =	sor.u32 s3, s0;
	s1 =	sshll.u32 s1, $0x11  }
0xbd: {  	s0 =	sor.u32 s1, s0  }
0xbe: {  	s0 =	sadd.s32 $0x8F2B, s0  }
0xbf: {  	[sflag:s0] =	ssyncadd.remote.s32 $0x1  }
0xc0: {  	_ =	sfence.sel $0xFFFF  }
0xc1: {  	[dreg:$0x0] =	wrdreg $0xFFFFFFFF;
	(pc) =	sbr.abs _section_cstart, $3  }
0xc2: {  	[dreg:$0x1] =	wrdreg $0xFFFFFFFF  }
0xc3: {  	_ =	task.clear_ibuf [dreg:s8], $0x2FFFF;
	_ =	strace $0x9FFFFFFF  }
0xc4: {  	(tm) =	ssettm $0x7FFFFFFF  }
0xc5: {  	_ =	shalt  }
tec
execute0_lowered:
.L_overlay_start_1:
0x0: {  	(tag) =	ssettag $0x1  }
0x1: {  	s0 =	srdreg.scid;
	s5 =	rddreg [dreg:$0x0]  }
0x2: {  	s6 =	rddreg [dreg:$0x1];
	s4 =	sand.u32 $0x1, s0  }
0x3: {  	s0 =	stileid.u32;
	s7 =	smul.u32 $0x27100, s4  }
0x4: {  	s2 =	rddreg [dreg:$0x2];
	s8 =	smul.u32 $0x2710, s0  }
0x5: {  	s1 =	rddreg [dreg:$0x3];
	s3 =	simm.s32 $0x0  }
0x6: {  	[smem:$0x7FF] =	sst s3;
	s10 =	sadd.s32 $0x34000, s5;
	s8 =	sadd.s32 s8, s7  }
0x7: {  	_ =	strace $0x80000047;
	s7 =	sadd.s32 $0x2800, s5;
	s9 =	sadd.s32 $0x4E340, s8  }
0x8: {  	s11 =	sadd.s32 $0x4E2F0, s8;
	s19 =	sadd.s32 $0x4E2A0, s8;
	s23 =	sshrl.u32 s8, $0x3  }
0x9: {  	s12 =	sadd.s32 $0x4E250, s8;
	s9 =	sshrl.u32 s9, $0x3;
	s24 =	sadd.s32 s23, s10  }
0xa: {  	s18 =	sshrl.u32 s11, $0x3;
	s26 =	sadd.s32 s23, s6;
	[dreg:$0x8] =	wrdreg s24  }
0xb: {  	s11 =	sshrl.u32 s19, $0x3;
	s9 =	sadd.s32 s9, s7;
	[dreg:$0xa] =	wrdreg s26  }
0xc: {  	s21 =	sshrl.u32 s12, $0x3;
	s20 =	sadd.s32 s11, s7;
	[dreg:$0x4] =	wrdreg s9  }
0xd: {  	s12 =	sadd.s32 $0x2A200, s5;
	s22 =	sadd.s32 s21, s7;
	[dreg:$0x6] =	wrdreg s20  }
0xe: {  	s13 =	sadd.s32 $0x140, s8;
	s25 =	sadd.s32 s23, s12;
	[dreg:$0x7] =	wrdreg s22  }
0xf: {  	s29 =	sshrl.u32 s13, $0x3;
	s11 =	sadd.s32 s23, s7;
	[dreg:$0x9] =	wrdreg s25  }
0x10: {  	s30 =	sadd.s32 s29, s10;
	[dreg:$0xb] =	wrdreg s11  }
0x11: {  	s31 =	sadd.s32 s29, s12;
	[dreg:$0xd] =	wrdreg s30  }
0x12: {  	s14 =	sadd.s32 $0xF0, s8;
	s13 =	sadd.s32 s29, s6;
	[dreg:$0xe] =	wrdreg s31  }
0x13: {  	s16 =	sshrl.u32 s14, $0x3;
	s15 =	sadd.s32 s29, s7;
	[dreg:$0xf] =	wrdreg s13  }
0x14: {  	s17 =	sadd.s32 s16, s10;
	[dreg:$0x10] =	wrdreg s15  }
0x15: {  	s19 =	sadd.s32 s16, s6;
	[dreg:$0x11] =	wrdreg s17  }
0x16: {  	s21 =	sadd.s32 s16, s7;
	[dreg:$0x13] =	wrdreg s19  }
0x17: {  	s9 =	sadd.s32 s18, s7;
	[dreg:$0x14] =	wrdreg s21  }
0x18: {  	s18 =	sadd.s32 s16, s12;
	[dreg:$0x5] =	wrdreg s9  }
0x19: {  	s31 =	simm.s32 $0x190;
	[dreg:$0x12] =	wrdreg s18  }
0x1a: {  	s11 =	simm.s32 $0xA0;
	[dreg:$0x1d] =	wrdreg s31  }
0x1b: {  	s13 =	simm.s32 $0x3C0;
	[smem:$0x7EC] =	sst s11  }
0x1c: {  	s15 =	simm.s32 $0xF0;
	[smem:$0x7EE] =	sst s13  }
0x1d: {  	s16 =	simm.s32 $0x280;
	[smem:$0x7EF] =	sst s15  }
0x1e: {  	s17 =	simm.s32 $0x410;
	[smem:$0x7F0] =	sst s16  }
0x1f: {  	s28 =	sadd.s32 $0x4E200, s8;
	s19 =	simm.s32 $0x2D0;
	[smem:$0x7F1] =	sst s17  }
0x20: {  	s20 =	sadd.s32 $0xA0, s8;
	s18 =	simm.s32 $0x140;
	[smem:$0x7F3] =	sst s19  }
0x21: {  	s22 =	sshrl.u32 s20, $0x3;
	s20 =	simm.s32 $0x460;
	[smem:$0x7F2] =	sst s18  }
0x22: {  	s9 =	sshrl.u32 s28, $0x3;
	s31 =	simm.s32 $0x5F0;
	[smem:$0x7F4] =	sst s20  }
0x23: {  	s9 =	sadd.s32 s9, s7;
	[smem:$0x7FD] =	sst s31  }
0x24: {  	s23 =	sadd.s32 s22, s10;
	[dreg:$0xc] =	wrdreg s9  }
0x25: {  	s24 =	sadd.s32 s22, s12;
	[dreg:$0x15] =	wrdreg s23  }
0x26: {  	s8 =	sadd.s32 $0x50, s8;
	s25 =	sadd.s32 s22, s6;
	[dreg:$0x16] =	wrdreg s24  }
0x27: {  	s8 =	sshrl.u32 s8, $0x3;
	s26 =	sadd.s32 s22, s7;
	[dreg:$0x17] =	wrdreg s25  }
0x28: {  	s28 =	sadd.s32 s8, s10;
	[dreg:$0x18] =	wrdreg s26  }
0x29: {  	s29 =	sadd.s32 s8, s12;
	[dreg:$0x19] =	wrdreg s28  }
0x2a: {  	s6 =	sadd.s32 s8, s6;
	[dreg:$0x1a] =	wrdreg s29  }
0x2b: {  	s14 =	sshll.u32 s4, $0x4;
	s30 =	sadd.s32 s8, s7;
	[dreg:$0x1b] =	wrdreg s6  }
0x2c: {  	s4 =	ssub.s32 $0x2, s4;
	s7 =	simm.s32 $0x320;
	[dreg:$0x1c] =	wrdreg s30  }
0x2d: {  	s21 =	sshrl.u32 s4, $0x1;
	s8 =	simm.s32 $0x50;
	[dreg:$0x1e] =	wrdreg s7  }
0x2e: {  	s11 =	simm.s32 $0x5;
	s10 =	simm.s32 $0x370;
	[dreg:$0x1f] =	wrdreg s8  }
0x2f: {  	s13 =	simm.s32 $0x6;
	s12 =	simm.s32 $0x230;
	[smem:$0x7EB] =	sst s10  }
0x30: {  	s15 =	simm.s32 $0x0;
	s22 =	simm.s32 $0x4B0;
	[smem:$0x7ED] =	sst s12  }
0x31: {  	s9 =	simm.s32 $0x1E0;
	s7 =	sor.u32 s0, s14;
	[smem:$0x7F5] =	sst s22  }
0x32: {  	s23 =	simm.s32 $0x640;
	s24 =	simm.s32 $0x500;
	[smem:$0x7EA] =	sst s9  }
0x33: {  	s25 =	simm.s32 $0x690;
	s6 =	simm.s32 $0x7D0;
	[smem:$0x7F6] =	sst s23  }
0x34: {  	s26 =	simm.s32 $0x550;
	s28 =	simm.s32 $0x6E0;
	[smem:$0x7F7] =	sst s24  }
0x35: {  	s8 =	simm.s32 $0x2;
	s29 =	simm.s32 $0x5A0;
	[smem:$0x7F8] =	sst s25  }
0x36: {  	s30 =	simm.s32 $0x730;
	s10 =	simm.s32 $0x4;
	[smem:$0x7F9] =	sst s26  }
0x37: {  	s12 =	simm.s32 $0x780;
	s7 =	smul.u32 $0xA00, s7;
	[smem:$0x7FA] =	sst s28  }
0x38: {  	s14 =	simm.s32 $0x7;
	s9 =	simm.s32 $0x3;
	[smem:$0x7FB] =	sst s29  }
0x39: {  	[smem:$0x7FC] =	sst s30;
	s5 =	sadd.s32 s7, s5;
	s7 =	ssub.s32 s4, s21  }
0x3a: {  	v0 =	vimm.f32 $1.000000000e+00;
	s4 =	sadd.s32 $0x16200, s5;
	s5 =	smax.u32 s7, $0x1;
	s7 =	simm.s32 $0x1  }
.LBB2_1:
0x3b: {  	[tilespmem:s6], [sflag:$0x1] =	stream.linear.gather [hbm4b:s2+s3], $0x5000, $0x38;
	[tilespmem:$0x57D0] =	vst v63  }
0x3c: {  	_ =	swait.ge [sflag:s7], $0x5000  }
0x3d: {  	[sflag:s7] =	ssyncset.done $0x0  }
0x3e: {  	s16 =	simm.s32 $0x0;
	[sflag:s7] =	ssyncadd.s32 $0xFFFFB000  }
.LBB2_2:
0x3f: {  	s17 =	rddreg [dreg:$0xb]  }
0x40: {  	s20 =	rddreg [dreg:$0xc]  }
0x41: {  	s18 =	rddreg [dreg:$0x1d]  }
0x42: {  	s19 =	rddreg [dreg:$0xa]  }
0x43: {  	s22 =	rddreg [dreg:$0x1c]  }
0x44: {  	s23 =	rddreg [dreg:$0x1f]  }
0x45: {  	s24 =	rddreg [dreg:$0x7]  }
0x46: {  	s25 =	sld [smem:$0x7EA]  }
0x47: {  	s28 =	rddreg [dreg:$0x1b]  }
0x48: {  	s29 =	sld [smem:$0x7EB]  }
0x49: {  	s30 =	rddreg [dreg:$0x18]  }
0x4a: {  	s31 =	sld [smem:$0x7EC]  }
0x4b: {  	s17 =	sadd.s32 s16, s17;
	s26 =	sadd.s32 s16, s24;
	s24 =	sld [smem:$0x7EE]  }
0x4c: {  	s21 =	sadd.s32 s16, s19;
	s19 =	sadd.s32 s16, s30;
	s30 =	sld [smem:$0x7F0]  }
0x4d: {  	[tilespmem:s3], [sflag:$0x1] =	stream.linear.gather [hbm4b:s17+s3], $0x50, $0x38;
	[tilespmem:$0x57D0] =	vst v63  }
0x4e: {  	s17 =	sadd.s32 s16, s20;
	s20 =	rddreg [dreg:$0x1e]  }
0x4f: {  	[tilespmem:s18], [sflag:$0x1] =	stream.linear.gather [hbm4b:s17+s3], $0x50, $0x38;
	[tilespmem:$0x57D0] =	vst v63  }
0x50: {  	s17 =	sadd.s32 s16, s22;
	s22 =	sld [smem:$0x7ED]  }
0x51: {  	s18 =	rddreg [dreg:$0x13]  }
0x52: {  	[tilespmem:s20], [sflag:$0x1] =	stream.linear.gather [hbm4b:s21+s3], $0x50, $0x38;
	[tilespmem:$0x57D0] =	vst v63  }
0x53: {  	s21 =	rddreg [dreg:$0x6]  }
0x54: {  	s20 =	rddreg [dreg:$0x10]  }
0x55: {  	[tilespmem:s23], [sflag:$0x2] =	stream.linear.gather [hbm4b:s17+s3], $0x50, $0x38;
	[tilespmem:$0x57D0] =	vst v63  }
0x56: {  	s23 =	rddreg [dreg:$0x17]  }
0x57: {  	[tilespmem:s25], [sflag:$0x2] =	stream.linear.gather [hbm4b:s26+s3], $0x50, $0x38;
	[tilespmem:$0x57D0] =	vst v63  }
0x58: {  	s17 =	sadd.s32 s16, s28;
	s28 =	sld [smem:$0x7EF]  }
0x59: {  	[tilespmem:s29], [sflag:$0x2] =	stream.linear.gather [hbm4b:s17+s3], $0x50, $0x38;
	[tilespmem:$0x57D0] =	vst v63  }
0x5a: {  	s26 =	rddreg [dreg:$0x14]  }
0x5b: {  	[tilespmem:s31], [sflag:$0x3] =	stream.linear.gather [hbm4b:s19+s3], $0x50, $0x38;
	[tilespmem:$0x57D0] =	vst v63  }
0x5c: {  	s25 =	sadd.s32 s16, s23;
	s23 =	rddreg [dreg:$0x4];
	s17 =	sadd.s32 s16, s21  }
0x5d: {  	[tilespmem:s22], [sflag:$0x3] =	stream.linear.gather [hbm4b:s17+s3], $0x50, $0x38;
	[tilespmem:$0x57D0] =	vst v63  }
0x5e: {  	s29 =	rddreg [dreg:$0x5]  }
0x5f: {  	[tilespmem:s24], [sflag:$0x3] =	stream.linear.gather [hbm4b:s25+s3], $0x50, $0x38;
	[tilespmem:$0x57D0] =	vst v63  }
0x60: {  	s21 =	sld [smem:$0x7F2];
	s17 =	sadd.s32 s16, s26  }
0x61: {  	[tilespmem:s28], [sflag:$0x4] =	stream.linear.gather [hbm4b:s17+s3], $0x50, $0x38;
	[tilespmem:$0x57D0] =	vst v63  }
0x62: {  	s31 =	sadd.s32 s16, s29;
	s19 =	sld [smem:$0x7F1]  }
0x63: {  	[tilespmem:s30], [sflag:$0x4] =	stream.linear.gather [hbm4b:s31+s3], $0x50, $0x38;
	[tilespmem:$0x57D0] =	vst v63  }
0x64: {  	s26 =	sld [smem:$0x7F4];
	s17 =	sadd.s32 s16, s18  }
0x65: {  	[tilespmem:s19], [sflag:$0x4] =	stream.linear.gather [hbm4b:s17+s3], $0x50, $0x38;
	[tilespmem:$0x57D0] =	vst v63  }
0x66: {  	s22 =	sadd.s32 s16, s20;
	s24 =	sld [smem:$0x7F3]  }
0x67: {  	[tilespmem:s21], [sflag:$0x5] =	stream.linear.gather [hbm4b:s22+s3], $0x50, $0x38;
	[tilespmem:$0x57D0] =	vst v63  }
0x68: {  	s25 =	rddreg [dreg:$0xf];
	s17 =	sadd.s32 s16, s23  }
0x69: {  	[tilespmem:s24], [sflag:$0x5] =	stream.linear.gather [hbm4b:s17+s3], $0x50, $0x38;
	[tilespmem:$0x57D0] =	vst v63  }
0x6a: {  	s28 =	sadd.s32 s16, s25  }
0x6b: {  	[tilespmem:s26], [sflag:$0x5] =	stream.linear.gather [hbm4b:s28+s3], $0x50, $0x38;
	[tilespmem:$0x57D0] =	vst v63  }
0x6c: {  	_ =	swait.ge [sflag:s7], $0x50  }
0x6d: {  	[sflag:s7] =	ssyncset.done $0x0  }
0x6e: {  	[sflag:s7] =	ssyncadd.s32 $0xFFFFFFB0  }
0x6f: {  	_ =	swait.ge [sflag:s7], $0x50  }
0x70: {  	[sflag:s7] =	ssyncset.done $0x0  }
0x71: {  	[sflag:s7] =	ssyncadd.s32 $0xFFFFFFB0  }
0x72: {  	_ =	swait.ge [sflag:s7], $0x50  }
0x73: {  	p0 =	seq.s32 s16, $0x0;
	[sflag:s7] =	ssyncset.done $0x0  }
0x74: {  	s17 =	simm.s32 @!p0 $0x6;
	[sflag:s7] =	ssyncadd.s32 $0xFFFFFFB0  }
0x75: {  	_ =	swait.ge @!p0 [sflag:s17], $0x50  }
0x76: {  	[sflag:s17] =	ssyncset.done @!p0 $0x0  }
0x77: {  	[sflag:s17] =	ssyncadd.s32 @!p0 $0xFFFFFFB0  }
0x78: {  	_ =	swait.ge @!p0 [sflag:s17], $0x50  }
0x79: {  	[sflag:s17] =	ssyncset.done @!p0 $0x0  }
0x7a: {  	[sflag:s17] =	ssyncadd.s32 @!p0 $0xFFFFFFB0  }
0x7b: {  	v1 =	vld [tilespmem:$0x320];
	_ =	sdelay $0x1  }
0x7c: {  	v2 =	vld [tilespmem:$0x190];
	_ =	sdelay $0x1  }
0x7d: {  	v3 =	vld [tilespmem:$0x0]  }
0x7e: {  	v1 =	vmul.u32 $0x2800, v1;
	_ =	sdelay $0x1  }
0x7f: {  	v2 =	vadd.s32 v2, v1;
	_ =	sdelay $0x1  }
0x80: {  	v1 =	vadd.s32 v3, v1  }
0x81: {  	[tilespmem:$0x4B0] =	vst v1  }
0x82: {  	[tilespmem:$0x640] =	vst v2  }
0x83: {  	[tilespmem:v2+s6+$0x0] =	vst.idx.add.f32.msk $0xffff, v0  }
0x84: {  	v1 =	vld [tilespmem:$0x330];
	_ =	sdelay $0x1  }
0x85: {  	v2 =	vld [tilespmem:$0x1A0];
	_ =	sdelay $0x1  }
0x86: {  	v3 =	vld [tilespmem:$0x10]  }
0x87: {  	v1 =	vmul.u32 $0x2800, v1;
	_ =	sdelay $0x1  }
0x88: {  	v2 =	vadd.s32 v2, v1;
	_ =	sdelay $0x1  }
0x89: {  	v1 =	vadd.s32 v3, v1  }
0x8a: {  	[tilespmem:$0x4C0] =	vst v1  }
0x8b: {  	[tilespmem:$0x650] =	vst v2  }
0x8c: {  	[tilespmem:v2+s6+$0x0] =	vst.idx.add.f32.msk $0xffff, v0  }
0x8d: {  	v1 =	vld [tilespmem:$0x340];
	_ =	sdelay $0x1  }
0x8e: {  	v2 =	vld [tilespmem:$0x1B0];
	_ =	sdelay $0x1  }
0x8f: {  	v3 =	vld [tilespmem:$0x20]  }
0x90: {  	v1 =	vmul.u32 $0x2800, v1;
	_ =	sdelay $0x1  }
0x91: {  	v2 =	vadd.s32 v2, v1;
	_ =	sdelay $0x1  }
0x92: {  	v1 =	vadd.s32 v3, v1  }
0x93: {  	[tilespmem:$0x4D0] =	vst v1  }
0x94: {  	[tilespmem:$0x660] =	vst v2  }
0x95: {  	[tilespmem:v2+s6+$0x0] =	vst.idx.add.f32.msk $0xffff, v0  }
0x96: {  	v1 =	vld [tilespmem:$0x350];
	_ =	sdelay $0x1  }
0x97: {  	v2 =	vld [tilespmem:$0x1C0];
	_ =	sdelay $0x1  }
0x98: {  	v3 =	vld [tilespmem:$0x30]  }
0x99: {  	v1 =	vmul.u32 $0x2800, v1;
	_ =	sdelay $0x1  }
0x9a: {  	v2 =	vadd.s32 v2, v1;
	_ =	sdelay $0x1  }
0x9b: {  	v1 =	vadd.s32 v3, v1  }
0x9c: {  	[tilespmem:$0x4E0] =	vst v1  }
0x9d: {  	[tilespmem:$0x670] =	vst v2  }
0x9e: {  	[tilespmem:v2+s6+$0x0] =	vst.idx.add.f32.msk $0xffff, v0  }
0x9f: {  	v1 =	vld [tilespmem:$0x360];
	_ =	sdelay $0x1  }
0xa0: {  	v2 =	vld [tilespmem:$0x1D0];
	_ =	sdelay $0x1  }
0xa1: {  	v3 =	vld [tilespmem:$0x40]  }
0xa2: {  	v1 =	vmul.u32 $0x2800, v1;
	_ =	sdelay $0x1  }
0xa3: {  	v2 =	vadd.s32 v2, v1;
	_ =	sdelay $0x1  }
0xa4: {  	s29 =	rddreg [dreg:$0x9];
	v1 =	vadd.s32 v3, v1  }
0xa5: {  	s30 =	sld [smem:$0x7F5];
	[tilespmem:$0x4F0] =	vst v1  }
0xa6: {  	s31 =	rddreg [dreg:$0x8];
	[tilespmem:$0x680] =	vst v2  }
0xa7: {  	s21 =	sld [smem:$0x7F6];
	s18 =	sadd.s32 s16, s29;
	[tilespmem:v2+s6+$0x0] =	vst.idx.add.f32.msk $0xffff, v0  }
0xa8: {  	[hbm4b:s18+s3] =	stream.linear.scatter [tilespmem:s30], [sflag:$0x6], $0x50, $0x38;
	[tilespmem:$0x57D0] =	vst v63  }
0xa9: {  	s20 =	sadd.s32 s16, s31  }
0xaa: {  	[hbm4b:s20+s3] =	stream.linear.scatter [tilespmem:s21], [sflag:$0x6], $0x50, $0x38;
	[tilespmem:$0x57D0] =	vst v63  }
0xab: {  	_ =	swait.ge [sflag:s8], $0x50  }
0xac: {  	[sflag:s8] =	ssyncset.done $0x0  }
0xad: {  	[sflag:s8] =	ssyncadd.s32 $0xFFFFFFB0  }
0xae: {  	_ =	swait.ge [sflag:s8], $0x50  }
0xaf: {  	[sflag:s8] =	ssyncset.done $0x0  }
0xb0: {  	[sflag:s8] =	ssyncadd.s32 $0xFFFFFFB0  }
0xb1: {  	_ =	swait.ge [sflag:s8], $0x50  }
0xb2: {  	[sflag:s8] =	ssyncset.done $0x0  }
0xb3: {  	[sflag:s8] =	ssyncadd.s32 $0xFFFFFFB0  }
0xb4: {  	_ =	swait.ge @!p0 [sflag:s17], $0x50  }
0xb5: {  	[sflag:s17] =	ssyncset.done @!p0 $0x0  }
0xb6: {  	[sflag:s17] =	ssyncadd.s32 @!p0 $0xFFFFFFB0  }
0xb7: {  	_ =	swait.ge @!p0 [sflag:s17], $0x50  }
0xb8: {  	[sflag:s17] =	ssyncset.done @!p0 $0x0  }
0xb9: {  	[sflag:s17] =	ssyncadd.s32 @!p0 $0xFFFFFFB0  }
0xba: {  	v1 =	vld [tilespmem:$0x370];
	_ =	sdelay $0x1  }
0xbb: {  	v2 =	vld [tilespmem:$0x1E0];
	_ =	sdelay $0x1  }
0xbc: {  	v3 =	vld [tilespmem:$0x50]  }
0xbd: {  	v1 =	vmul.u32 $0x2800, v1;
	_ =	sdelay $0x1  }
0xbe: {  	v2 =	vadd.s32 v2, v1;
	_ =	sdelay $0x1  }
0xbf: {  	v1 =	vadd.s32 v3, v1  }
0xc0: {  	[tilespmem:$0x500] =	vst v1  }
0xc1: {  	[tilespmem:$0x690] =	vst v2  }
0xc2: {  	[tilespmem:v2+s6+$0x0] =	vst.idx.add.f32.msk $0xffff, v0  }
0xc3: {  	v1 =	vld [tilespmem:$0x380];
	_ =	sdelay $0x1  }
0xc4: {  	v2 =	vld [tilespmem:$0x1F0];
	_ =	sdelay $0x1  }
0xc5: {  	v3 =	vld [tilespmem:$0x60]  }
0xc6: {  	v1 =	vmul.u32 $0x2800, v1;
	_ =	sdelay $0x1  }
0xc7: {  	v2 =	vadd.s32 v2, v1;
	_ =	sdelay $0x1  }
0xc8: {  	v1 =	vadd.s32 v3, v1  }
0xc9: {  	[tilespmem:$0x510] =	vst v1  }
0xca: {  	[tilespmem:$0x6A0] =	vst v2  }
0xcb: {  	[tilespmem:v2+s6+$0x0] =	vst.idx.add.f32.msk $0xffff, v0  }
0xcc: {  	v1 =	vld [tilespmem:$0x390];
	_ =	sdelay $0x1  }
0xcd: {  	v2 =	vld [tilespmem:$0x200];
	_ =	sdelay $0x1  }
0xce: {  	v3 =	vld [tilespmem:$0x70]  }
0xcf: {  	v1 =	vmul.u32 $0x2800, v1;
	_ =	sdelay $0x1  }
0xd0: {  	v2 =	vadd.s32 v2, v1;
	_ =	sdelay $0x1  }
0xd1: {  	v1 =	vadd.s32 v3, v1  }
0xd2: {  	[tilespmem:$0x520] =	vst v1  }
0xd3: {  	[tilespmem:$0x6B0] =	vst v2  }
0xd4: {  	[tilespmem:v2+s6+$0x0] =	vst.idx.add.f32.msk $0xffff, v0  }
0xd5: {  	v1 =	vld [tilespmem:$0x3A0];
	_ =	sdelay $0x1  }
0xd6: {  	v2 =	vld [tilespmem:$0x210];
	_ =	sdelay $0x1  }
0xd7: {  	v3 =	vld [tilespmem:$0x80]  }
0xd8: {  	v1 =	vmul.u32 $0x2800, v1;
	_ =	sdelay $0x1  }
0xd9: {  	v2 =	vadd.s32 v2, v1;
	_ =	sdelay $0x1  }
0xda: {  	v1 =	vadd.s32 v3, v1  }
0xdb: {  	[tilespmem:$0x530] =	vst v1  }
0xdc: {  	[tilespmem:$0x6C0] =	vst v2  }
0xdd: {  	[tilespmem:v2+s6+$0x0] =	vst.idx.add.f32.msk $0xffff, v0  }
0xde: {  	v1 =	vld [tilespmem:$0x3B0];
	_ =	sdelay $0x1  }
0xdf: {  	v2 =	vld [tilespmem:$0x220];
	_ =	sdelay $0x1  }
0xe0: {  	v3 =	vld [tilespmem:$0x90]  }
0xe1: {  	v1 =	vmul.u32 $0x2800, v1;
	_ =	sdelay $0x1  }
0xe2: {  	v2 =	vadd.s32 v2, v1;
	_ =	sdelay $0x1  }
0xe3: {  	s22 =	rddreg [dreg:$0x1a];
	v1 =	vadd.s32 v3, v1  }
0xe4: {  	s23 =	sld [smem:$0x7F7];
	[tilespmem:$0x540] =	vst v1  }
0xe5: {  	s24 =	rddreg [dreg:$0x19];
	[tilespmem:$0x6D0] =	vst v2  }
0xe6: {  	s25 =	sld [smem:$0x7F8];
	s18 =	sadd.s32 s16, s22;
	[tilespmem:v2+s6+$0x0] =	vst.idx.add.f32.msk $0xffff, v0  }
0xe7: {  	[hbm4b:s18+s3] =	stream.linear.scatter [tilespmem:s23], [sflag:$0x6], $0x50, $0x38;
	[tilespmem:$0x57D0] =	vst v63  }
0xe8: {  	s26 =	sadd.s32 s16, s24  }
0xe9: {  	[hbm4b:s26+s3] =	stream.linear.scatter [tilespmem:s25], [sflag:$0x6], $0x50, $0x38;
	[tilespmem:$0x57D0] =	vst v63  }
0xea: {  	_ =	swait.ge [sflag:s9], $0x50  }
0xeb: {  	[sflag:s9] =	ssyncset.done $0x0  }
0xec: {  	[sflag:s9] =	ssyncadd.s32 $0xFFFFFFB0  }
0xed: {  	_ =	swait.ge [sflag:s9], $0x50  }
0xee: {  	[sflag:s9] =	ssyncset.done $0x0  }
0xef: {  	[sflag:s9] =	ssyncadd.s32 $0xFFFFFFB0  }
0xf0: {  	_ =	swait.ge [sflag:s9], $0x50  }
0xf1: {  	[sflag:s9] =	ssyncset.done $0x0  }
0xf2: {  	[sflag:s9] =	ssyncadd.s32 $0xFFFFFFB0  }
0xf3: {  	_ =	swait.ge @!p0 [sflag:s17], $0x50  }
0xf4: {  	[sflag:s17] =	ssyncset.done @!p0 $0x0  }
0xf5: {  	[sflag:s17] =	ssyncadd.s32 @!p0 $0xFFFFFFB0  }
0xf6: {  	_ =	swait.ge @!p0 [sflag:s17], $0x50  }
0xf7: {  	[sflag:s17] =	ssyncset.done @!p0 $0x0  }
0xf8: {  	[sflag:s17] =	ssyncadd.s32 @!p0 $0xFFFFFFB0  }
0xf9: {  	v1 =	vld [tilespmem:$0x3C0];
	_ =	sdelay $0x1  }
0xfa: {  	v2 =	vld [tilespmem:$0x230];
	_ =	sdelay $0x1  }
0xfb: {  	v3 =	vld [tilespmem:$0xA0]  }
0xfc: {  	v1 =	vmul.u32 $0x2800, v1;
	_ =	sdelay $0x1  }
0xfd: {  	v2 =	vadd.s32 v2, v1;
	_ =	sdelay $0x1  }
0xfe: {  	v1 =	vadd.s32 v3, v1  }
0xff: {  	[tilespmem:$0x550] =	vst v1  }
0x100: {  	[tilespmem:$0x6E0] =	vst v2  }
0x101: {  	[tilespmem:v2+s6+$0x0] =	vst.idx.add.f32.msk $0xffff, v0  }
0x102: {  	v1 =	vld [tilespmem:$0x3D0];
	_ =	sdelay $0x1  }
0x103: {  	v2 =	vld [tilespmem:$0x240];
	_ =	sdelay $0x1  }
0x104: {  	v3 =	vld [tilespmem:$0xB0]  }
0x105: {  	v1 =	vmul.u32 $0x2800, v1;
	_ =	sdelay $0x1  }
0x106: {  	v2 =	vadd.s32 v2, v1;
	_ =	sdelay $0x1  }
0x107: {  	v1 =	vadd.s32 v3, v1  }
0x108: {  	[tilespmem:$0x560] =	vst v1  }
0x109: {  	[tilespmem:$0x6F0] =	vst v2  }
0x10a: {  	[tilespmem:v2+s6+$0x0] =	vst.idx.add.f32.msk $0xffff, v0  }
0x10b: {  	v1 =	vld [tilespmem:$0x3E0];
	_ =	sdelay $0x1  }
0x10c: {  	v2 =	vld [tilespmem:$0x250];
	_ =	sdelay $0x1  }
0x10d: {  	v3 =	vld [tilespmem:$0xC0]  }
0x10e: {  	v1 =	vmul.u32 $0x2800, v1;
	_ =	sdelay $0x1  }
0x10f: {  	v2 =	vadd.s32 v2, v1;
	_ =	sdelay $0x1  }
0x110: {  	v1 =	vadd.s32 v3, v1  }
0x111: {  	[tilespmem:$0x570] =	vst v1  }
0x112: {  	[tilespmem:$0x700] =	vst v2  }
0x113: {  	[tilespmem:v2+s6+$0x0] =	vst.idx.add.f32.msk $0xffff, v0  }
0x114: {  	v1 =	vld [tilespmem:$0x3F0];
	_ =	sdelay $0x1  }
0x115: {  	v2 =	vld [tilespmem:$0x260];
	_ =	sdelay $0x1  }
0x116: {  	v3 =	vld [tilespmem:$0xD0]  }
0x117: {  	v1 =	vmul.u32 $0x2800, v1;
	_ =	sdelay $0x1  }
0x118: {  	v2 =	vadd.s32 v2, v1;
	_ =	sdelay $0x1  }
0x119: {  	v1 =	vadd.s32 v3, v1  }
0x11a: {  	[tilespmem:$0x580] =	vst v1  }
0x11b: {  	[tilespmem:$0x710] =	vst v2  }
0x11c: {  	[tilespmem:v2+s6+$0x0] =	vst.idx.add.f32.msk $0xffff, v0  }
0x11d: {  	v1 =	vld [tilespmem:$0x400];
	_ =	sdelay $0x1  }
0x11e: {  	v2 =	vld [tilespmem:$0x270];
	_ =	sdelay $0x1  }
0x11f: {  	v3 =	vld [tilespmem:$0xE0]  }
0x120: {  	v1 =	vmul.u32 $0x2800, v1;
	_ =	sdelay $0x1  }
0x121: {  	v2 =	vadd.s32 v2, v1;
	_ =	sdelay $0x1  }
0x122: {  	s28 =	rddreg [dreg:$0x16];
	v1 =	vadd.s32 v3, v1  }
0x123: {  	s29 =	sld [smem:$0x7F9];
	[tilespmem:$0x590] =	vst v1  }
0x124: {  	s30 =	rddreg [dreg:$0x15];
	[tilespmem:$0x720] =	vst v2  }
0x125: {  	s31 =	sld [smem:$0x7FA];
	s18 =	sadd.s32 s16, s28;
	[tilespmem:v2+s6+$0x0] =	vst.idx.add.f32.msk $0xffff, v0  }
0x126: {  	[hbm4b:s18+s3] =	stream.linear.scatter [tilespmem:s29], [sflag:$0x6], $0x50, $0x38;
	[tilespmem:$0x57D0] =	vst v63  }
0x127: {  	s20 =	sadd.s32 s16, s30  }
0x128: {  	[hbm4b:s20+s3] =	stream.linear.scatter [tilespmem:s31], [sflag:$0x6], $0x50, $0x38;
	[tilespmem:$0x57D0] =	vst v63  }
0x129: {  	_ =	swait.ge [sflag:s10], $0x50  }
0x12a: {  	[sflag:s10] =	ssyncset.done $0x0  }
0x12b: {  	[sflag:s10] =	ssyncadd.s32 $0xFFFFFFB0  }
0x12c: {  	_ =	swait.ge [sflag:s10], $0x50  }
0x12d: {  	[sflag:s10] =	ssyncset.done $0x0  }
0x12e: {  	[sflag:s10] =	ssyncadd.s32 $0xFFFFFFB0  }
0x12f: {  	_ =	swait.ge [sflag:s10], $0x50  }
0x130: {  	[sflag:s10] =	ssyncset.done $0x0  }
0x131: {  	[sflag:s10] =	ssyncadd.s32 $0xFFFFFFB0  }
0x132: {  	_ =	swait.ge @!p0 [sflag:s17], $0x50  }
0x133: {  	[sflag:s17] =	ssyncset.done @!p0 $0x0  }
0x134: {  	[sflag:s17] =	ssyncadd.s32 @!p0 $0xFFFFFFB0  }
0x135: {  	_ =	swait.ge @!p0 [sflag:s17], $0x50  }
0x136: {  	[sflag:s17] =	ssyncset.done @!p0 $0x0  }
0x137: {  	[sflag:s17] =	ssyncadd.s32 @!p0 $0xFFFFFFB0  }
0x138: {  	v1 =	vld [tilespmem:$0x410];
	_ =	sdelay $0x1  }
0x139: {  	v2 =	vld [tilespmem:$0x280];
	_ =	sdelay $0x1  }
0x13a: {  	v3 =	vld [tilespmem:$0xF0]  }
0x13b: {  	v1 =	vmul.u32 $0x2800, v1;
	_ =	sdelay $0x1  }
0x13c: {  	v2 =	vadd.s32 v2, v1;
	_ =	sdelay $0x1  }
0x13d: {  	v1 =	vadd.s32 v3, v1  }
0x13e: {  	[tilespmem:$0x5A0] =	vst v1  }
0x13f: {  	[tilespmem:$0x730] =	vst v2  }
0x140: {  	[tilespmem:v2+s6+$0x0] =	vst.idx.add.f32.msk $0xffff, v0  }
0x141: {  	v1 =	vld [tilespmem:$0x420];
	_ =	sdelay $0x1  }
0x142: {  	v2 =	vld [tilespmem:$0x290];
	_ =	sdelay $0x1  }
0x143: {  	v3 =	vld [tilespmem:$0x100]  }
0x144: {  	v1 =	vmul.u32 $0x2800, v1;
	_ =	sdelay $0x1  }
0x145: {  	v2 =	vadd.s32 v2, v1;
	_ =	sdelay $0x1  }
0x146: {  	v1 =	vadd.s32 v3, v1  }
0x147: {  	[tilespmem:$0x5B0] =	vst v1  }
0x148: {  	[tilespmem:$0x740] =	vst v2  }
0x149: {  	[tilespmem:v2+s6+$0x0] =	vst.idx.add.f32.msk $0xffff, v0  }
0x14a: {  	v1 =	vld [tilespmem:$0x430];
	_ =	sdelay $0x1  }
0x14b: {  	v2 =	vld [tilespmem:$0x2A0];
	_ =	sdelay $0x1  }
0x14c: {  	v3 =	vld [tilespmem:$0x110]  }
0x14d: {  	v1 =	vmul.u32 $0x2800, v1;
	_ =	sdelay $0x1  }
0x14e: {  	v2 =	vadd.s32 v2, v1;
	_ =	sdelay $0x1  }
0x14f: {  	v1 =	vadd.s32 v3, v1  }
0x150: {  	[tilespmem:$0x5C0] =	vst v1  }
0x151: {  	[tilespmem:$0x750] =	vst v2  }
0x152: {  	[tilespmem:v2+s6+$0x0] =	vst.idx.add.f32.msk $0xffff, v0  }
0x153: {  	v1 =	vld [tilespmem:$0x440];
	_ =	sdelay $0x1  }
0x154: {  	v2 =	vld [tilespmem:$0x2B0];
	_ =	sdelay $0x1  }
0x155: {  	v3 =	vld [tilespmem:$0x120]  }
0x156: {  	v1 =	vmul.u32 $0x2800, v1;
	_ =	sdelay $0x1  }
0x157: {  	v2 =	vadd.s32 v2, v1;
	_ =	sdelay $0x1  }
0x158: {  	v1 =	vadd.s32 v3, v1  }
0x159: {  	[tilespmem:$0x5D0] =	vst v1  }
0x15a: {  	[tilespmem:$0x760] =	vst v2  }
0x15b: {  	[tilespmem:v2+s6+$0x0] =	vst.idx.add.f32.msk $0xffff, v0  }
0x15c: {  	v1 =	vld [tilespmem:$0x450];
	_ =	sdelay $0x1  }
0x15d: {  	v2 =	vld [tilespmem:$0x2C0];
	_ =	sdelay $0x1  }
0x15e: {  	v3 =	vld [tilespmem:$0x130]  }
0x15f: {  	v1 =	vmul.u32 $0x2800, v1;
	_ =	sdelay $0x1  }
0x160: {  	v2 =	vadd.s32 v2, v1;
	_ =	sdelay $0x1  }
0x161: {  	s22 =	rddreg [dreg:$0x12];
	v1 =	vadd.s32 v3, v1  }
0x162: {  	s23 =	sld [smem:$0x7FB];
	[tilespmem:$0x5E0] =	vst v1  }
0x163: {  	s24 =	rddreg [dreg:$0x11];
	[tilespmem:$0x770] =	vst v2  }
0x164: {  	s25 =	sld [smem:$0x7FC];
	s18 =	sadd.s32 s16, s22;
	[tilespmem:v2+s6+$0x0] =	vst.idx.add.f32.msk $0xffff, v0  }
0x165: {  	[hbm4b:s18+s3] =	stream.linear.scatter [tilespmem:s23], [sflag:$0x6], $0x50, $0x38;
	[tilespmem:$0x57D0] =	vst v63  }
0x166: {  	s26 =	sadd.s32 s16, s24  }
0x167: {  	[hbm4b:s26+s3] =	stream.linear.scatter [tilespmem:s25], [sflag:$0x6], $0x50, $0x38;
	[tilespmem:$0x57D0] =	vst v63  }
0x168: {  	_ =	swait.ge [sflag:s11], $0x50  }
0x169: {  	[sflag:s11] =	ssyncset.done $0x0  }
0x16a: {  	[sflag:s11] =	ssyncadd.s32 $0xFFFFFFB0  }
0x16b: {  	_ =	swait.ge [sflag:s11], $0x50  }
0x16c: {  	[sflag:s11] =	ssyncset.done $0x0  }
0x16d: {  	[sflag:s11] =	ssyncadd.s32 $0xFFFFFFB0  }
0x16e: {  	_ =	swait.ge [sflag:s11], $0x50  }
0x16f: {  	[sflag:s11] =	ssyncset.done $0x0  }
0x170: {  	[sflag:s11] =	ssyncadd.s32 $0xFFFFFFB0  }
0x171: {  	_ =	swait.ge @!p0 [sflag:s17], $0x50  }
0x172: {  	[sflag:s17] =	ssyncset.done @!p0 $0x0  }
0x173: {  	[sflag:s17] =	ssyncadd.s32 @!p0 $0xFFFFFFB0  }
0x174: {  	_ =	swait.ge @!p0 [sflag:s17], $0x50  }
0x175: {  	[sflag:s17] =	ssyncset.done @!p0 $0x0  }
0x176: {  	[sflag:s17] =	ssyncadd.s32 @!p0 $0xFFFFFFB0  }
0x177: {  	v1 =	vld [tilespmem:$0x460];
	_ =	sdelay $0x1  }
0x178: {  	v2 =	vld [tilespmem:$0x2D0];
	_ =	sdelay $0x1  }
0x179: {  	v3 =	vld [tilespmem:$0x140]  }
0x17a: {  	v1 =	vmul.u32 $0x2800, v1;
	_ =	sdelay $0x1  }
0x17b: {  	v2 =	vadd.s32 v2, v1;
	_ =	sdelay $0x1  }
0x17c: {  	v1 =	vadd.s32 v3, v1  }
0x17d: {  	[tilespmem:$0x5F0] =	vst v1  }
0x17e: {  	[tilespmem:$0x780] =	vst v2  }
0x17f: {  	[tilespmem:v2+s6+$0x0] =	vst.idx.add.f32.msk $0xffff, v0  }
0x180: {  	v1 =	vld [tilespmem:$0x470];
	_ =	sdelay $0x1  }
0x181: {  	v2 =	vld [tilespmem:$0x2E0];
	_ =	sdelay $0x1  }
0x182: {  	v3 =	vld [tilespmem:$0x150]  }
0x183: {  	v1 =	vmul.u32 $0x2800, v1;
	_ =	sdelay $0x1  }
0x184: {  	v2 =	vadd.s32 v2, v1;
	_ =	sdelay $0x1  }
0x185: {  	v1 =	vadd.s32 v3, v1  }
0x186: {  	[tilespmem:$0x600] =	vst v1  }
0x187: {  	[tilespmem:$0x790] =	vst v2  }
0x188: {  	[tilespmem:v2+s6+$0x0] =	vst.idx.add.f32.msk $0xffff, v0  }
0x189: {  	v1 =	vld [tilespmem:$0x480];
	_ =	sdelay $0x1  }
0x18a: {  	v2 =	vld [tilespmem:$0x2F0];
	_ =	sdelay $0x1  }
0x18b: {  	v3 =	vld [tilespmem:$0x160]  }
0x18c: {  	v1 =	vmul.u32 $0x2800, v1;
	_ =	sdelay $0x1  }
0x18d: {  	v2 =	vadd.s32 v2, v1;
	_ =	sdelay $0x1  }
0x18e: {  	v1 =	vadd.s32 v3, v1  }
0x18f: {  	[tilespmem:$0x610] =	vst v1  }
0x190: {  	[tilespmem:$0x7A0] =	vst v2  }
0x191: {  	[tilespmem:v2+s6+$0x0] =	vst.idx.add.f32.msk $0xffff, v0  }
0x192: {  	v1 =	vld [tilespmem:$0x490];
	_ =	sdelay $0x1  }
0x193: {  	v2 =	vld [tilespmem:$0x300];
	_ =	sdelay $0x1  }
0x194: {  	v3 =	vld [tilespmem:$0x170]  }
0x195: {  	v1 =	vmul.u32 $0x2800, v1;
	_ =	sdelay $0x1  }
0x196: {  	v2 =	vadd.s32 v2, v1;
	_ =	sdelay $0x1  }
0x197: {  	v1 =	vadd.s32 v3, v1  }
0x198: {  	[tilespmem:$0x620] =	vst v1  }
0x199: {  	[tilespmem:$0x7B0] =	vst v2  }
0x19a: {  	[tilespmem:v2+s6+$0x0] =	vst.idx.add.f32.msk $0xffff, v0  }
0x19b: {  	v1 =	vld [tilespmem:$0x4A0];
	_ =	sdelay $0x1  }
0x19c: {  	v2 =	vld [tilespmem:$0x310];
	_ =	sdelay $0x1  }
0x19d: {  	v3 =	vld [tilespmem:$0x180]  }
0x19e: {  	v1 =	vmul.u32 $0x2800, v1;
	_ =	sdelay $0x1  }
0x19f: {  	s28 =	rddreg [dreg:$0xe];
	v2 =	vadd.s32 v2, v1  }
0x1a0: {  	s30 =	rddreg [dreg:$0xd]  }
0x1a1: {  	s17 =	sadd.s32 s16, s28;
	s31 =	sadd.s32 s16, s30;
	s16 =	sadd.s32 $0x32, s16;
	v1 =	vadd.s32 v3, v1  }
0x1a2: {  	s29 =	sld [smem:$0x7FD];
	p0 =	sne.s32 s16, $0x4E2;
	[tilespmem:$0x630] =	vst v1  }
.Ltmp0:
0x1a3: {  	[tilespmem:$0x7C0] =	vst v2;
	(pc) =	sbr.rel @p0 .LBB2_2-.Ltmp0, $4  }
0x1a4: {  	[tilespmem:v2+s6+$0x0] =	vst.idx.add.f32.msk $0xffff, v0  }
0x1a5: {  	[hbm4b:s17+s3] =	stream.linear.scatter [tilespmem:s29], [sflag:$0x6], $0x50, $0x38;
	[tilespmem:$0x57D0] =	vst v63  }
0x1a6: {  	_ = 	snop  }
0x1a7: {  	[hbm4b:s31+s3] =	stream.linear.scatter [tilespmem:s12], [sflag:$0x6], $0x50, $0x38;
	[tilespmem:$0x57D0] =	vst v63  }
0x1a8: {  	_ =	swait.ge [sflag:s13], $0x50  }
0x1a9: {  	[sflag:s13] =	ssyncset.done $0x0  }
0x1aa: {  	[sflag:s13] =	ssyncadd.s32 $0xFFFFFFB0  }
0x1ab: {  	_ =	swait.ge [sflag:s13], $0x50  }
0x1ac: {  	[sflag:s13] =	ssyncset.done $0x0  }
0x1ad: {  	[sflag:s13] =	ssyncadd.s32 $0xFFFFFFB0  }
0x1ae: {  	_ =	swait.ge [sflag:s13], $0x50  }
0x1af: {  	[sflag:s13] =	ssyncset.done $0x0  }
0x1b0: {  	[sflag:s13] =	ssyncadd.s32 $0xFFFFFFB0  }
0x1b1: {  	_ =	swait.ge [sflag:s13], $0x50  }
0x1b2: {  	[sflag:s13] =	ssyncset.done $0x0  }
0x1b3: {  	[sflag:s13] =	ssyncadd.s32 $0xFFFFFFB0  }
0x1b4: {  	_ =	swait.ge [sflag:s13], $0x50  }
0x1b5: {  	[sflag:s13] =	ssyncset.done $0x0  }
0x1b6: {  	[sflag:s13] =	ssyncadd.s32 $0xFFFFFFB0  }
0x1b7: {  	_ =	swait.ge [sflag:s13], $0x50  }
0x1b8: {  	[sflag:s13] =	ssyncset.done $0x0  }
0x1b9: {  	[sflag:s13] =	ssyncadd.s32 $0xFFFFFFB0  }
0x1ba: {  	_ =	swait.ge [sflag:s13], $0x50  }
0x1bb: {  	[sflag:s13] =	ssyncset.done $0x0  }
0x1bc: {  	[sflag:s13] =	ssyncadd.s32 $0xFFFFFFB0  }
0x1bd: {  	_ =	swait.ge [sflag:s13], $0x50  }
0x1be: {  	[sflag:s13] =	ssyncset.done $0x0  }
0x1bf: {  	[sflag:s13] =	ssyncadd.s32 $0xFFFFFFB0  }
0x1c0: {  	_ =	swait.ge [sflag:s13], $0x50  }
0x1c1: {  	[sflag:s13] =	ssyncset.done $0x0  }
0x1c2: {  	[sflag:s13] =	ssyncadd.s32 $0xFFFFFFB0  }
0x1c3: {  	s15 =	sadd.s32 $0x1, s15;
	_ =	swait.ge [sflag:s13], $0x50  }
0x1c4: {  	p0 =	sne.s32 s15, s5;
	[sflag:s13] =	ssyncset.done $0x0  }
.Ltmp1:
0x1c5: {  	[sflag:s13] =	ssyncadd.s32 $0xFFFFFFB0;
	(pc) =	sbr.rel @p0 .LBB2_1-.Ltmp1, $4  }
0x1c6: {  	[hbm4b:s4+s3] =	stream.linear.scatter [tilespmem:s6], [sflag:$0x7], $0x5000, $0x38;
	[tilespmem:$0x57D0] =	vst v63  }
0x1c7: {  	_ =	swait.ge [sflag:s14], $0x5000  }
0x1c8: {  	[sflag:s14] =	ssyncset.done $0x0  }
0x1c9: {  	[sflag:s14] =	ssyncadd.s32 $0xFFFFB000  }
0x1ca: {  	_ =	sfence.sel $0x180000  }
0x1cb: {  	[bflag:$0x0] =	sbarrier.arrive $0xFFFF  }
0x1cc: {  	p0 =	sne.s32 s0, $0x0;
	_ =	strace $0x90000047  }
0x1cd: {  	s0 =	sadd.s32 @!p0 $0x100000, s1;
	[bflag:$0x2] =	sbarrier.arrive $0xFFFF  }
0x1ce: {  	[sflag:s0] =	ssyncadd.tile.s32 @!p0 $0x1;
	_ =	shalt  }
.Lfunc_end2:
_tile_overlayer_lowered:
.L_overlay_start_2:
0x1cf: {  	(tag) =	ssettag $0x2  }
0x1d0: {  	s0 =	rddreg [dreg:$0x0];
	s2 =	stileid.u32  }
0x1d1: {  	s1 =	rddreg [dreg:$0x1];
	p0 =	sne.s32 s2, $0x0  }
0x1d2: {  	s3 =	rddreg [dreg:$0x2];
	[bflag:$0x3] =	sbarrier.arrive $0xFFFF;
	s2 =	simm.s32 @!p0 $0x1C07  }
0x1d3: {  	[timem:s3], [sflag:s2] =	dma.local @!p0 [hbm:s0], s1  }
0x1d4: {  	s0 =	simm.s32 @!p0 $0x7  }
0x1d5: {  	_ =	swait.ge @!p0 [sflag:s0], s1  }
0x1d6: {  	s1 =	ssub.s32 @!p0 $0x0, s1;
	[sflag:s0] =	ssyncset.done @!p0 $0x0  }
0x1d7: {  	[sflag:s0] =	ssyncadd.s32 @!p0 s1  }
0x1d8: {  	[bflag:$0x3] =	sbarrier.arrive $0xFFFF  }
0x1d9: {  	_ =	shalt  }

</sc_bundles>
